<compile_context>
chip_gen: v7x
topology: tpu7x:2x2x1
jax: 0.10.2.dev20260603
libtpu: 0.0.44.dev20260713+nightly
codegen_flags: <defaults>
</compile_context>

<pallas_src>
import functools

import jax
import jax.numpy as jnp
from jax import lax
from jax.experimental import pallas as pl
from jax.experimental.pallas import tpu as pltpu
from jax.experimental.pallas import tpu_sc as plsc

N_NODES = 10000
E_EDGES = 160000
EMB = 16
NC = 2
NS = 16
NW = NC * NS
CH = 128
NCHUNK = E_EDGES // CH
NPAD = 10240
STRIPE = NPAD // NS
F32 = jnp.float32


def _prep_body(ei, eu, wuj, buj, wij, bij, wui, bui, wii, bii,
               item_lin, user_lin, self_u, self_i):
    item = ei[...]
    user = eu[...]
    item_lin[...] = jnp.dot(item, wuj[...], preferred_element_type=F32) + buj[...]
    user_lin[...] = jnp.dot(user, wij[...], preferred_element_type=F32) + bij[...]
    self_u[...] = jnp.dot(user, wui[...], preferred_element_type=F32) + bui[...]
    self_i[...] = jnp.dot(item, wii[...], preferred_element_type=F32) + bii[...]


def _prep(ei, eu, wuj, buj, wij, bij, wui, bui, wii, bii):
    n = ei.shape[0]
    return pl.pallas_call(
        _prep_body,
        out_shape=[
            jax.ShapeDtypeStruct((n, 5 * EMB), F32),
            jax.ShapeDtypeStruct((n, 5 * EMB), F32),
            jax.ShapeDtypeStruct((n, EMB), F32),
            jax.ShapeDtypeStruct((n, EMB), F32),
        ],
    )(ei, eu, wuj, buj, wij, bij, wui, bui, wii, bii)


def _edge_mlp_body(ea, wu1, bu1, wu2, bu2, wi1, bi1, wi2, bi2, me):
    a = ea[...]
    blk = a.shape[0]
    hu = jnp.maximum(jnp.dot(a, wu1[...], preferred_element_type=F32) + bu1[...], 0.0)
    meu = jnp.maximum(jnp.dot(hu, wu2[...], preferred_element_type=F32) + bu2[...], 0.0)
    hi = jnp.maximum(jnp.dot(a, wi1[...], preferred_element_type=F32) + bi1[...], 0.0)
    mei = jnp.maximum(jnp.dot(hi, wi2[...], preferred_element_type=F32) + bi2[...], 0.0)
    pad = jnp.ones((blk, 128 - 2 * EMB), F32)
    me[...] = jnp.concatenate([meu, mei, pad], axis=1)


def _edge_mlp(ea, wu1, bu1, wu2, bu2, wi1, bi1, wi2, bi2, row_off, rows):
    d = ea.shape[1]
    blk = 1600
    grid = rows // blk
    off_blocks = row_off // blk
    wspec = lambda shp: pl.BlockSpec(shp, lambda i: (0, 0))
    return pl.pallas_call(
        _edge_mlp_body,
        grid=(grid,),
        in_specs=[
            pl.BlockSpec((blk, d), lambda i: (i + off_blocks, 0)),
            wspec(wu1.shape), wspec(bu1.shape), wspec(wu2.shape), wspec(bu2.shape),
            wspec(wi1.shape), wspec(bi1.shape), wspec(wi2.shape), wspec(bi2.shape),
        ],
        out_specs=pl.BlockSpec((blk, 128), lambda i: (i, 0)),
        out_shape=jax.ShapeDtypeStruct((rows, 128), F32),
    )(ea, wu1, bu1, wu2, bu2, wi1, bi1, wi2, bi2)


ME_W = 48


def _make_seg_body(nchunk):
    def _seg_body(e0_h, e1_h, et_h, me_h, itab_h, utab_h,
                  sum_u_h, sum_i_h, node_u_h, node_i_h,
                  zbuf, e0v, e1v, etv, rowu, rowi,
                  mev, rowsu, rowsi,
                  acc_u, acc_i, acc_nu, acc_ni, sem, sem_g, sem_s):
        c = lax.axis_index("c")
        s = lax.axis_index("s")
        w = s * NC + c

        def fill_z(i, _):
            for k in range(ME_W // 16):
                zbuf[i, pl.ds(16 * k, 16)] = jnp.zeros((16,), F32)
            return 0
        lax.fori_loop(0, STRIPE, fill_z, 0)

        base = s * STRIPE
        pltpu.sync_copy(zbuf, acc_u.at[pl.ds(base, STRIPE)])
        pltpu.sync_copy(zbuf, acc_i.at[pl.ds(base, STRIPE)])
        pltpu.sync_copy(zbuf.at[:, pl.ds(0, EMB)], acc_nu.at[pl.ds(base, STRIPE)])
        pltpu.sync_copy(zbuf.at[:, pl.ds(0, EMB)], acc_ni.at[pl.ds(base, STRIPE)])
        plsc.subcore_barrier()

        nch = (nchunk - w + NW - 1) // NW

        def wait_scatters():
            pltpu.make_async_copy(mev, acc_u.at[e0v], sem_s).wait()
            pltpu.make_async_copy(mev, acc_i.at[e1v], sem_s).wait()
            pltpu.make_async_copy(rowsu, acc_nu.at[e0v], sem_s).wait()
            pltpu.make_async_copy(rowsi, acc_ni.at[e1v], sem_s).wait()

        def chunk(i, _):
            off = (w + i * NW) * CH

            @pl.when(i > 0)
            def _():
                wait_scatters()

            l1 = pltpu.async_copy(e0_h.at[pl.ds(off, CH)], e0v, sem)
            l2 = pltpu.async_copy(e1_h.at[pl.ds(off, CH)], e1v, sem)
            l3 = pltpu.async_copy(et_h.at[pl.ds(off, CH)], etv, sem)
            l4 = pltpu.async_copy(me_h.at[pl.ds(off, CH), pl.ds(0, ME_W)], mev, sem)
            l1.wait(); l2.wait(); l3.wait(); l4.wait()

            def rows(j, _):
                sl = pl.ds(j * 16, 16)
                et16 = etv[sl]
                sel = jnp.where(et16 == 0, 4, et16 - 1)
                rowu[sl] = e1v[sl] * 5 + sel
                rowi[sl] = e0v[sl] * 5 + sel
                return 0
            lax.fori_loop(0, CH // 16, rows, 0)

            g1 = pltpu.async_copy(itab_h.at[rowu], rowsu, sem_g)
            g2 = pltpu.async_copy(utab_h.at[rowi], rowsi, sem_g)
            g1.wait(); g2.wait()

            pltpu.async_copy(mev, acc_u.at[e0v], sem_s, add=True)
            pltpu.async_copy(mev, acc_i.at[e1v], sem_s, add=True)
            pltpu.async_copy(rowsu, acc_nu.at[e0v], sem_s, add=True)
            pltpu.async_copy(rowsi, acc_ni.at[e1v], sem_s, add=True)
            return 0

        lax.fori_loop(0, nch, chunk, 0)
        wait_scatters()
        plsc.subcore_barrier()

        ob = c * NPAD + s * STRIPE
        for acc, out in ((acc_u, sum_u_h), (acc_i, sum_i_h)):
            pltpu.sync_copy(acc.at[pl.ds(base, STRIPE)], zbuf)
            pltpu.sync_copy(zbuf, out.at[pl.ds(ob, STRIPE)])
        for acc, out in ((acc_nu, node_u_h), (acc_ni, node_i_h)):
            pltpu.sync_copy(acc.at[pl.ds(base, STRIPE)], zbuf.at[:, pl.ds(0, EMB)])
            pltpu.sync_copy(zbuf.at[:, pl.ds(0, EMB)], out.at[pl.ds(ob, STRIPE)])

    return _seg_body


def _segment_mean_sums(e0, e1, et, me, itab, utab):
    mesh = plsc.VectorSubcoreMesh(core_axis_name="c", subcore_axis_name="s")
    part48 = jax.ShapeDtypeStruct((NC * NPAD, ME_W), F32)
    part16 = jax.ShapeDtypeStruct((NC * NPAD, EMB), F32)
    kern = pl.kernel(
        _make_seg_body(e0.shape[0] // CH),
        out_type=[part48, part48, part16, part16],
        mesh=mesh,
        compiler_params=pltpu.CompilerParams(use_tc_tiling_on_sc=False),
        scratch_types=[
            pltpu.VMEM((STRIPE, ME_W), F32),
            pltpu.VMEM((CH,), jnp.int32),
            pltpu.VMEM((CH,), jnp.int32),
            pltpu.VMEM((CH,), jnp.int32),
            pltpu.VMEM((CH,), jnp.int32),
            pltpu.VMEM((CH,), jnp.int32),
            pltpu.VMEM((CH, ME_W), F32),
            pltpu.VMEM((CH, EMB), F32),
            pltpu.VMEM((CH, EMB), F32),
            pltpu.VMEM_SHARED((NPAD, ME_W), F32),
            pltpu.VMEM_SHARED((NPAD, ME_W), F32),
            pltpu.VMEM_SHARED((NPAD, EMB), F32),
            pltpu.VMEM_SHARED((NPAD, EMB), F32),
            pltpu.SemaphoreType.DMA,
            pltpu.SemaphoreType.DMA,
            pltpu.SemaphoreType.DMA,
        ],
    )
    return kern(e0, e1, et, me, itab, utab)


def _combine_body(sua0, sua1, sub0, sub1, sia0, sia1, sib0, sib1,
                  nua0, nua1, nub0, nub1, nia0, nia1, nib0, nib1,
                  self_u, self_i, r1a, r1b, a_out, b_out):
    msum_u = (sua0[:, 0:EMB] + sua1[:, 0:EMB] + sub0[:, 0:EMB] + sub1[:, 0:EMB]
              + nua0[...] + nua1[...] + nub0[...] + nub1[...])
    cnt_u = sua0[:, 32:48] + sua1[:, 32:48] + sub0[:, 32:48] + sub1[:, 32:48]
    msum_i = (sia0[:, EMB:2 * EMB] + sia1[:, EMB:2 * EMB]
              + sib0[:, EMB:2 * EMB] + sib1[:, EMB:2 * EMB]
              + nia0[...] + nia1[...] + nib0[...] + nib1[...])
    cnt_i = sia0[:, 32:48] + sia1[:, 32:48] + sib0[:, 32:48] + sib1[:, 32:48]
    agg_u = msum_u / jnp.maximum(cnt_u, 1.0)
    agg_i = msum_i / jnp.maximum(cnt_i, 1.0)
    xs = jnp.maximum(self_u[...] + agg_u, 0.0)
    xt = jnp.maximum(self_i[...] + agg_i, 0.0)
    a_out[...] = jnp.dot(xs, r1a[...], preferred_element_type=F32)
    b_out[...] = jnp.dot(xt, r1b[...], preferred_element_type=F32)


def _combine(sum_u_a, sum_u_b, sum_i_a, sum_i_b,
             node_u_a, node_u_b, node_i_a, node_i_b,
             self_u, self_i, r1a, r1b):
    blk = 80
    grid = N_NODES // blk
    part1_off = NPAD // blk
    w48a = pl.BlockSpec((blk, ME_W), lambda i: (i, 0))
    w48b = pl.BlockSpec((blk, ME_W), lambda i: (i + part1_off, 0))
    w16a = pl.BlockSpec((blk, EMB), lambda i: (i, 0))
    w16b = pl.BlockSpec((blk, EMB), lambda i: (i + part1_off, 0))
    wspec = lambda shp: pl.BlockSpec(shp, lambda i: (0, 0))
    return pl.pallas_call(
        _combine_body,
        grid=(grid,),
        in_specs=[
            w48a, w48b, w48a, w48b, w48a, w48b, w48a, w48b,
            w16a, w16b, w16a, w16b, w16a, w16b, w16a, w16b,
            w16a, w16a, wspec(r1a.shape), wspec(r1b.shape),
        ],
        out_specs=[
            pl.BlockSpec((blk, EMB), lambda i: (i, 0)),
            pl.BlockSpec((blk, EMB), lambda i: (i, 0)),
        ],
        out_shape=[
            jax.ShapeDtypeStruct((N_NODES, EMB), F32),
            jax.ShapeDtypeStruct((N_NODES, EMB), F32),
        ],
    )(sum_u_a, sum_u_a, sum_u_b, sum_u_b, sum_i_a, sum_i_a, sum_i_b, sum_i_b,
      node_u_a, node_u_a, node_u_b, node_u_b, node_i_a, node_i_a,
      node_i_b, node_i_b, self_u, self_i, r1a, r1b)


def _make_gath_body(nchunk):
    def _gath_body(a_h, b_h, e0_h, e1_h, ga_h, gb_h,
                   e0v, e1v, rowsa, rowsb, sem, sem_g, sem_s):
        c = lax.axis_index("c")
        s = lax.axis_index("s")
        w = s * NC + c
        nch = (nchunk - w + NW - 1) // NW

        def wait_stores(off):
            pltpu.make_async_copy(rowsa, ga_h.at[pl.ds(off, CH)], sem_s).wait()
            pltpu.make_async_copy(rowsb, gb_h.at[pl.ds(off, CH)], sem_s).wait()

        def chunk(i, _):
            off = (w + i * NW) * CH

            @pl.when(i > 0)
            def _():
                wait_stores(off)

            l1 = pltpu.async_copy(e0_h.at[pl.ds(off, CH)], e0v, sem)
            l2 = pltpu.async_copy(e1_h.at[pl.ds(off, CH)], e1v, sem)
            l1.wait(); l2.wait()
            g1 = pltpu.async_copy(a_h.at[e0v], rowsa, sem_g)
            g2 = pltpu.async_copy(b_h.at[e1v], rowsb, sem_g)
            g1.wait(); g2.wait()
            pltpu.async_copy(rowsa, ga_h.at[pl.ds(off, CH)], sem_s)
            pltpu.async_copy(rowsb, gb_h.at[pl.ds(off, CH)], sem_s)
            return 0

        lax.fori_loop(0, nch, chunk, 0)
        wait_stores(w * CH)

    return _gath_body


def _final_gather(a, b, e0, e1):
    mesh = plsc.VectorSubcoreMesh(core_axis_name="c", subcore_axis_name="s")
    edges = e0.shape[0]
    out = jax.ShapeDtypeStruct((edges, EMB), F32)
    kern = pl.kernel(
        _make_gath_body(edges // CH),
        out_type=[out, out],
        mesh=mesh,
        compiler_params=pltpu.CompilerParams(use_tc_tiling_on_sc=False),
        scratch_types=[
            pltpu.VMEM((CH,), jnp.int32),
            pltpu.VMEM((CH,), jnp.int32),
            pltpu.VMEM((CH, EMB), F32),
            pltpu.VMEM((CH, EMB), F32),
            pltpu.SemaphoreType.DMA,
            pltpu.SemaphoreType.DMA,
            pltpu.SemaphoreType.DMA,
        ],
    )
    return kern(a, b, e0, e1)


def _score_body(ga, gb, b1, r2, b2, r3, b3, out):
    h = jnp.maximum(ga[...] + gb[...] + b1[...], 0.0)
    h2 = jnp.maximum(jnp.dot(h, r2[...], preferred_element_type=F32) + b2[...], 0.0)
    o = jnp.dot(h2, r3[...], preferred_element_type=F32) + b3[...]
    out[...] = jax.nn.sigmoid(o) * 4.0 + 1.0


def _score(ga, gb, b1, r2, b2, r3, b3):
    rows = ga.shape[0]
    blk = 2000
    grid = rows // blk
    wspec = lambda shp: pl.BlockSpec(shp, lambda i: (0, 0))
    return pl.pallas_call(
        _score_body,
        grid=(grid,),
        in_specs=[
            pl.BlockSpec((blk, 128), lambda i: (i, 0)),
            pl.BlockSpec((blk, 128), lambda i: (i, 0)),
            wspec(b1.shape), wspec(r2.shape), wspec(b2.shape),
            wspec(r3.shape), wspec(b3.shape),
        ],
        out_specs=pl.BlockSpec((blk, 8), lambda i: (i, 0)),
        out_shape=jax.ShapeDtypeStruct((rows, 8), F32),
    )(ga, gb, b1, r2, b2, r3, b3)


def kernel(x_s, x_t, edge_index, edge_type, edge_attr, embed_user, embed_item,
           u_fc_i_w, u_fc_i_b, u_fc_j_w, u_fc_j_b, u_fce1_w, u_fce1_b,
           u_fce2_w, u_fce2_b, i_fc_i_w, i_fc_i_b, i_fc_j_w, i_fc_j_b,
           i_fce1_w, i_fce1_b, i_fce2_w, i_fce2_b,
           r1_w, r1_b, r2_w, r2_b, r3_w, r3_b):
    e0 = edge_index[0]
    e1 = edge_index[1]

    item_lin, user_lin, self_u, self_i = _prep(
        embed_item, embed_user,
        u_fc_j_w, u_fc_j_b.reshape(1, -1), i_fc_j_w, i_fc_j_b.reshape(1, -1),
        u_fc_i_w, u_fc_i_b.reshape(1, -1), i_fc_i_w, i_fc_i_b.reshape(1, -1))
    itab = item_lin.reshape(5 * N_NODES, EMB)
    utab = user_lin.reshape(5 * N_NODES, EMB)

    half = 99200
    mlp_w = (u_fce1_w, u_fce1_b.reshape(1, -1), u_fce2_w, u_fce2_b.reshape(1, -1),
             i_fce1_w, i_fce1_b.reshape(1, -1), i_fce2_w, i_fce2_b.reshape(1, -1))
    me_a = _edge_mlp(edge_attr, *mlp_w, 0, half)
    sum_u_a, sum_i_a, node_u_a, node_i_a = _segment_mean_sums(
        e0[:half], e1[:half], edge_type[:half], me_a, itab, utab)
    me_b = _edge_mlp(edge_attr, *mlp_w, half, E_EDGES - half)
    sum_u_b, sum_i_b, node_u_b, node_i_b = _segment_mean_sums(
        e0[half:], e1[half:], edge_type[half:], me_b, itab, utab)

    a, b = _combine(sum_u_a, sum_u_b, sum_i_a, sum_i_b,
                    node_u_a, node_u_b, node_i_a, node_i_b,
                    self_u, self_i, r1_w[:EMB], r1_w[EMB:])

    b1t = jnp.tile(r1_b, 8).reshape(1, 128)
    r2blk = jnp.kron(jnp.eye(8, dtype=F32), r2_w)
    b2t = jnp.tile(r2_b, 8).reshape(1, 128)
    r3blk = jnp.kron(jnp.eye(8, dtype=F32), r3_w)
    b3t = jnp.tile(r3_b, 8).reshape(1, 8)

    ga, gb = _final_gather(a, b, e0, e1)
    y = _score(ga.reshape(E_EDGES // 8, 128), gb.reshape(E_EDGES // 8, 128),
               b1t, r2blk, b2t, r3blk, b3t)
    return y.reshape(E_EDGES, 1)

# --- scband reference (transcript-rebuilt; emitter-appended) ---
"""Pipeline reference for scband-gnn-55679956025643 (READ-ONLY COPY).

The authoritative reference and input builder live on the scoring server;
editing this copy changes nothing except your own understanding.
"""

import jax, jax.numpy as jnp
import numpy as np

NUM_USERS = 10000
NUM_ITEMS = 10000
EMBED = 16
E = 160000
D_EDGE = 768


def _linear_params(key, fan_in, fan_out):
    k1, k2 = jax.random.split(key)
    w = jax.random.normal(k1, (fan_in, fan_out), dtype=jnp.float32) * 0.02
    b = jax.random.normal(k2, (fan_out,), dtype=jnp.float32) * 0.02
    return w, b


def setup_inputs(seed: int = 0):
    key = jax.random.key(seed)
    ks = jax.random.split(key, 16)
    inp = {}
    inp['x_s'] = jnp.arange(NUM_USERS, dtype=jnp.int32)
    inp['x_t'] = jnp.arange(NUM_ITEMS, dtype=jnp.int32)
    inp['edge_index'] = jax.random.randint(ks[0], (2, E), 0, NUM_USERS, dtype=jnp.int32)
    inp['edge_type'] = jax.random.randint(ks[1], (E,), 0, 5, dtype=jnp.int32)
    inp['edge_attr'] = jax.random.normal(ks[2], (E, D_EDGE), dtype=jnp.float32)
    inp['embed_user'] = jax.random.normal(ks[3], (NUM_USERS, EMBED), dtype=jnp.float32) * 0.02
    inp['embed_item'] = jax.random.normal(ks[4], (NUM_ITEMS, EMBED), dtype=jnp.float32) * 0.02
    for pfx, base in (('u', 5), ('i', 9)):
        inp[pfx + '_fc_i_w'], inp[pfx + '_fc_i_b'] = _linear_params(ks[base], EMBED, EMBED)
        inp[pfx + '_fc_j_w'], inp[pfx + '_fc_j_b'] = _linear_params(ks[base + 1], EMBED, 5 * EMBED)
        inp[pfx + '_fce1_w'], inp[pfx + '_fce1_b'] = _linear_params(ks[base + 2], D_EDGE, 5 * EMBED)
        inp[pfx + '_fce2_w'], inp[pfx + '_fce2_b'] = _linear_params(ks[base + 3], 5 * EMBED, EMBED)
    inp['r1_w'], inp['r1_b'] = _linear_params(ks[13], 2 * EMBED, EMBED)
    inp['r2_w'], inp['r2_b'] = _linear_params(ks[14], EMBED, EMBED)
    inp['r3_w'], inp['r3_b'] = _linear_params(ks[15], EMBED, 1)
    return inp


def _conv(reverse, xs, xt, edge_index, edge_type, edge_attr, fci_w, fci_b, fcj_w, fcj_b, fe1_w, fe1_b, fe2_w, fe2_b):
    # MessagePassing(aggr='mean'); dropout layers are identity (eval mode)
    if reverse:
        src, dst = edge_index[1], edge_index[0]
        xj_lin = xt @ fcj_w + fcj_b
        x_dst = xs
    else:
        src, dst = edge_index[0], edge_index[1]
        xj_lin = xs @ fcj_w + fcj_b
        x_dst = xt
    n_dst = x_dst.shape[0]
    xj = jnp.take(xj_lin, src, axis=0)  # gather source features per edge
    idx = jnp.mod(edge_type - 1, 5)  # matches torch negative-index wrap for edge_type==0
    xj_r = xj.reshape(xj.shape[0], 5, -1)
    msg_node = jnp.take_along_axis(xj_r, idx[:, None, None], axis=1)[:, 0, :]
    h = jax.nn.relu(edge_attr @ fe1_w + fe1_b)
    msg_edge = jax.nn.relu(h @ fe2_w + fe2_b)
    msg = msg_node + msg_edge
    summed = jax.ops.segment_sum(msg, dst, num_segments=n_dst)
    cnt = jax.ops.segment_sum(jnp.ones((msg.shape[0],), msg.dtype), dst, num_segments=n_dst)
    agg = summed / jnp.maximum(cnt, 1.0)[:, None]
    return (x_dst @ fci_w + fci_b) + agg


def reference(x_s, x_t, edge_index, edge_type, edge_attr, embed_user, embed_item,
              u_fc_i_w, u_fc_i_b, u_fc_j_w, u_fc_j_b, u_fce1_w, u_fce1_b, u_fce2_w, u_fce2_b,
              i_fc_i_w, i_fc_i_b, i_fc_j_w, i_fc_j_b, i_fce1_w, i_fce1_b, i_fce2_w, i_fce2_b,
              r1_w, r1_b, r2_w, r2_b, r3_w, r3_b):
    xs = jnp.take(embed_user, x_s, axis=0)
    xt = jnp.take(embed_item, x_t, axis=0)
    x_s_conved = jax.nn.relu(_conv(True, xs, xt, edge_index, edge_type, edge_attr,
                                   u_fc_i_w, u_fc_i_b, u_fc_j_w, u_fc_j_b, u_fce1_w, u_fce1_b, u_fce2_w, u_fce2_b))
    x_t_conved = jax.nn.relu(_conv(False, xs, xt, edge_index, edge_type, edge_attr,
                                   i_fc_i_w, i_fc_i_b, i_fc_j_w, i_fc_j_b, i_fce1_w, i_fce1_b, i_fce2_w, i_fce2_b))
    xi = jnp.take(x_s_conved, edge_index[0], axis=0)
    xj = jnp.take(x_t_conved, edge_index[1], axis=0)
    x = jnp.concatenate([xi, xj], axis=1)
    h = jax.nn.relu(x @ r1_w + r1_b)
    h = jax.nn.relu(h @ r2_w + r2_b)
    return jax.nn.sigmoid(h @ r3_w + r3_b) * 4.0 + 1.0

if __name__ == "__main__":
    import jax
    _d = setup_inputs()
    print(jax.jit(kernel)(*tuple(_d.values())))

</pallas_src>

<mosaic_0001>
#map = affine_map<(d0, d1) -> (0, 0)>
#map1 = affine_map<(d0, d1) -> (0)>
module attributes {stable_mosaic.version = 14 : i64} {
  func.func @_gath_body(%arg0: i32, %arg1: i32, %arg2: memref<10000x16xf32, #tpu.memory_space<hbm>>, %arg3: memref<10000x16xf32, #tpu.memory_space<hbm>>, %arg4: memref<160000xi32, #tpu.memory_space<hbm>>, %arg5: memref<160000xi32, #tpu.memory_space<hbm>>, %arg6: memref<160000x16xf32, #tpu.memory_space<hbm>>, %arg7: memref<160000x16xf32, #tpu.memory_space<hbm>>, %arg8: memref<128xi32, #tpu.memory_space<vmem>>, %arg9: memref<128xi32, #tpu.memory_space<vmem>>, %arg10: memref<128x16xf32, #tpu.memory_space<vmem>>, %arg11: memref<128x16xf32, #tpu.memory_space<vmem>>, %arg12: memref<!tpu.dma_semaphore, #tpu.memory_space<semaphore_mem>>, %arg13: memref<!tpu.dma_semaphore, #tpu.memory_space<semaphore_mem>>, %arg14: memref<!tpu.dma_semaphore, #tpu.memory_space<semaphore_mem>>) attributes {dimension_semantics = [#tpu.dimension_semantics<core_parallel>, #tpu.dimension_semantics<subcore_parallel>], iteration_bounds = array<i64: 2, 16>, scalar_prefetch = 0 : i64, scratch_operands = 7 : i64, tpu.core_type = #tpu.core_type<sc_vector_subcore>, window_params = [{transform_indices = #map}, {transform_indices = #map}, {transform_indices = #map1}, {transform_indices = #map1}, {transform_indices = #map}, {transform_indices = #map}]} {
    %mul3A = arith.constant 2 : i32
    %mul3A_0 = arith.muli %arg1, %mul3A : i32
    %add3A = arith.addi %mul3A_0, %arg0 : i32
    %sub3A = arith.constant 1250 : i32
    %sub3A_1 = arith.subi %sub3A, %add3A : i32
    %add3A_2 = arith.constant 32 : i32
    %add3A_3 = arith.addi %sub3A_1, %add3A_2 : i32
    %sub3A_4 = arith.constant 1 : i32
    %sub3A_5 = arith.subi %add3A_3, %sub3A_4 : i32
    %jit3A = arith.constant 32 : i32
    %div3A = arith.divsi %sub3A_5, %jit3A : i32
    %sign3A = arith.constant 0 : i32
    %sign3A_6 = arith.cmpi sgt, %sub3A_5, %sign3A : i32
    %sign3A_7 = arith.extui %sign3A_6 : i1 to i32
    %sign3A_8 = arith.constant 0 : i32
    %sign3A_9 = arith.cmpi slt, %sub3A_5, %sign3A_8 : i32
    %sign3A_10 = arith.extui %sign3A_9 : i1 to i32
    %sign3A_11 = arith.subi %sign3A_7, %sign3A_10 : i32
    %sign3A_12 = arith.constant 0 : i32
    %sign3A_13 = arith.cmpi sgt, %jit3A, %sign3A_12 : i32
    %sign3A_14 = arith.extui %sign3A_13 : i1 to i32
    %sign3A_15 = arith.constant 0 : i32
    %sign3A_16 = arith.cmpi slt, %jit3A, %sign3A_15 : i32
    %sign3A_17 = arith.extui %sign3A_16 : i1 to i32
    %sign3A_18 = arith.subi %sign3A_14, %sign3A_17 : i32
    %ne3A = arith.cmpi ne, %sign3A_11, %sign3A_18 : i32
    %rem3A = arith.remsi %sub3A_5, %jit3A : i32
    %ne3A_19 = arith.constant 0 : i32
    %ne3A_20 = arith.cmpi ne, %rem3A, %ne3A_19 : i32
    %and3A = arith.andi %ne3A, %ne3A_20 : i1
    %sub3A_21 = arith.constant 1 : i32
    %sub3A_22 = arith.subi %div3A, %sub3A_21 : i32
    %select_n3A = arith.select %and3A, %sub3A_22, %div3A : i32
    %while3A = arith.constant 0 : i32
    %while3A_23 = arith.constant 0 : i32
    %while3A_24 = arith.subi %select_n3A, %while3A : i32
    %while3A_25 = arith.addi %while3A, %while3A_24 : i32
    %while3A_26 = arith.constant 1 : i32
    %while3A_27 = arith.divsi %while3A_24, %while3A_26 : i32
    %while3A_28 = arith.muli %while3A_27, %while3A_26 : i32
    %while3A_29 = arith.addi %while3A, %while3A_28 : i32
    %while3A_30 = arith.constant 1 : i32
    %while3A_31 = scf.for %while3A_43 = %while3A to %while3A_29 step %while3A_30 iter_args(%while3A_44 = %while3A_23) -> (i32)  : i32 {
      %mul3A_45 = arith.constant 32 : i32
      %mul3A_46 = arith.muli %while3A_43, %mul3A_45 : i32
      %add3A_47 = arith.addi %add3A, %mul3A_46 : i32
      %mul3A_48 = arith.constant 128 : i32
      %mul3A_49 = arith.muli %add3A_47, %mul3A_48 : i32
      %gt3A = arith.constant 0 : i32
      %gt3A_50 = arith.cmpi sgt, %while3A_43, %gt3A : i32
      %convert_element_type3A = arith.extui %gt3A_50 : i1 to i32
      %cond3A = arith.constant 0 : i32
      %cond3A_51 = arith.cmpi ne, %convert_element_type3A, %cond3A : i32
      scf.if %cond3A_51 {
        %dma_wait3A_80 = arith.constant 0 : i32
        %dma_wait3A_81 = tpu.memref_slice %arg6[%mul3A_49, %dma_wait3A_80] : memref<160000x16xf32, #tpu.memory_space<hbm>> -> memref<128x16xf32, #tpu.memory_space<hbm>>
        %dma_wait3A_82 = arith.constant 0 : i32
        %dma_wait3A_83 = tpu.memref_slice %arg6[%mul3A_49, %dma_wait3A_82] : memref<160000x16xf32, #tpu.memory_space<hbm>> -> memref<128x16xf32, #tpu.memory_space<hbm>>
        tpu.wait_dma2 semaphore(%arg14 : memref<!tpu.dma_semaphore, #tpu.memory_space<semaphore_mem>>) src(%arg10 : memref<128x16xf32, #tpu.memory_space<vmem>>) dst(%dma_wait3A_83 : memref<128x16xf32, #tpu.memory_space<hbm>>)
        %dma_wait3A_84 = arith.constant 0 : i32
        %dma_wait3A_85 = tpu.memref_slice %arg7[%mul3A_49, %dma_wait3A_84] : memref<160000x16xf32, #tpu.memory_space<hbm>> -> memref<128x16xf32, #tpu.memory_space<hbm>>
        %dma_wait3A_86 = arith.constant 0 : i32
        %dma_wait3A_87 = tpu.memref_slice %arg7[%mul3A_49, %dma_wait3A_86] : memref<160000x16xf32, #tpu.memory_space<hbm>> -> memref<128x16xf32, #tpu.memory_space<hbm>>
        tpu.wait_dma2 semaphore(%arg14 : memref<!tpu.dma_semaphore, #tpu.memory_space<semaphore_mem>>) src(%arg11 : memref<128x16xf32, #tpu.memory_space<vmem>>) dst(%dma_wait3A_87 : memref<128x16xf32, #tpu.memory_space<hbm>>)
      } else {
      }
      %dma_start3A = tpu.memref_slice %arg4[%mul3A_49] : memref<160000xi32, #tpu.memory_space<hbm>> -> memref<128xi32, #tpu.memory_space<hbm>>
      %dma_start3A_52 = tpu.memref_slice %arg4[%mul3A_49] : memref<160000xi32, #tpu.memory_space<hbm>> -> memref<128xi32, #tpu.memory_space<hbm>>
      tpu.enqueue_dma source(%dma_start3A_52 : memref<128xi32, #tpu.memory_space<hbm>>) target(%arg8 : memref<128xi32, #tpu.memory_space<vmem>>) target_semaphore(%arg12 : memref<!tpu.dma_semaphore, #tpu.memory_space<semaphore_mem>>)
      %dma_start3A_53 = tpu.memref_slice %arg5[%mul3A_49] : memref<160000xi32, #tpu.memory_space<hbm>> -> memref<128xi32, #tpu.memory_space<hbm>>
      %dma_start3A_54 = tpu.memref_slice %arg5[%mul3A_49] : memref<160000xi32, #tpu.memory_space<hbm>> -> memref<128xi32, #tpu.memory_space<hbm>>
      tpu.enqueue_dma source(%dma_start3A_54 : memref<128xi32, #tpu.memory_space<hbm>>) target(%arg9 : memref<128xi32, #tpu.memory_space<vmem>>) target_semaphore(%arg12 : memref<!tpu.dma_semaphore, #tpu.memory_space<semaphore_mem>>)
      %dma_wait3A_55 = tpu.memref_slice %arg4[%mul3A_49] : memref<160000xi32, #tpu.memory_space<hbm>> -> memref<128xi32, #tpu.memory_space<hbm>>
      %dma_wait3A_56 = tpu.memref_slice %arg4[%mul3A_49] : memref<160000xi32, #tpu.memory_space<hbm>> -> memref<128xi32, #tpu.memory_space<hbm>>
      tpu.wait_dma2 semaphore(%arg12 : memref<!tpu.dma_semaphore, #tpu.memory_space<semaphore_mem>>) src(%dma_wait3A_56 : memref<128xi32, #tpu.memory_space<hbm>>) dst(%arg8 : memref<128xi32, #tpu.memory_space<vmem>>)
      %dma_wait3A_57 = tpu.memref_slice %arg5[%mul3A_49] : memref<160000xi32, #tpu.memory_space<hbm>> -> memref<128xi32, #tpu.memory_space<hbm>>
      %dma_wait3A_58 = tpu.memref_slice %arg5[%mul3A_49] : memref<160000xi32, #tpu.memory_space<hbm>> -> memref<128xi32, #tpu.memory_space<hbm>>
      tpu.wait_dma2 semaphore(%arg12 : memref<!tpu.dma_semaphore, #tpu.memory_space<semaphore_mem>>) src(%dma_wait3A_58 : memref<128xi32, #tpu.memory_space<hbm>>) dst(%arg9 : memref<128xi32, #tpu.memory_space<vmem>>)
      %dma_start3A_59 = arith.constant 0 : i32
      %dma_start3A_60 = arith.constant 0 : i32
      %dma_start3A_61 = tpu.memref_slice %arg2[%dma_start3A_59, %dma_start3A_60] : memref<10000x16xf32, #tpu.memory_space<hbm>> -> memref<10000x16xf32, #tpu.memory_space<hbm>>
      tpu.enqueue_indirect_dma source(%dma_start3A_61 : memref<10000x16xf32, #tpu.memory_space<hbm>>) target(%arg10 : memref<128x16xf32, #tpu.memory_space<vmem>>) offsets(%arg8 : memref<128xi32, #tpu.memory_space<vmem>>) semaphore(%arg13 : memref<!tpu.dma_semaphore, #tpu.memory_space<semaphore_mem>>)
      %dma_start3A_62 = arith.constant 0 : i32
      %dma_start3A_63 = arith.constant 0 : i32
      %dma_start3A_64 = tpu.memref_slice %arg3[%dma_start3A_62, %dma_start3A_63] : memref<10000x16xf32, #tpu.memory_space<hbm>> -> memref<10000x16xf32, #tpu.memory_space<hbm>>
      tpu.enqueue_indirect_dma source(%dma_start3A_64 : memref<10000x16xf32, #tpu.memory_space<hbm>>) target(%arg11 : memref<128x16xf32, #tpu.memory_space<vmem>>) offsets(%arg9 : memref<128xi32, #tpu.memory_space<vmem>>) semaphore(%arg13 : memref<!tpu.dma_semaphore, #tpu.memory_space<semaphore_mem>>)
      %dma_wait3A_65 = arith.constant 0 : i32
      %dma_wait3A_66 = arith.constant 0 : i32
      %dma_wait3A_67 = tpu.memref_slice %arg2[%dma_wait3A_65, %dma_wait3A_66] : memref<10000x16xf32, #tpu.memory_space<hbm>> -> memref<10000x16xf32, #tpu.memory_space<hbm>>
      tpu.wait_indirect_dma semaphore(%arg13 : memref<!tpu.dma_semaphore, #tpu.memory_space<semaphore_mem>>) src(%dma_wait3A_67 : memref<10000x16xf32, #tpu.memory_space<hbm>>) dst(%arg10 : memref<128x16xf32, #tpu.memory_space<vmem>>)
      %dma_wait3A_68 = arith.constant 0 : i32
      %dma_wait3A_69 = arith.constant 0 : i32
      %dma_wait3A_70 = tpu.memref_slice %arg3[%dma_wait3A_68, %dma_wait3A_69] : memref<10000x16xf32, #tpu.memory_space<hbm>> -> memref<10000x16xf32, #tpu.memory_space<hbm>>
      tpu.wait_indirect_dma semaphore(%arg13 : memref<!tpu.dma_semaphore, #tpu.memory_space<semaphore_mem>>) src(%dma_wait3A_70 : memref<10000x16xf32, #tpu.memory_space<hbm>>) dst(%arg11 : memref<128x16xf32, #tpu.memory_space<vmem>>)
      %dma_start3A_71 = arith.constant 0 : i32
      %dma_start3A_72 = tpu.memref_slice %arg6[%mul3A_49, %dma_start3A_71] : memref<160000x16xf32, #tpu.memory_space<hbm>> -> memref<128x16xf32, #tpu.memory_space<hbm>>
      %dma_start3A_73 = arith.constant 0 : i32
      %dma_start3A_74 = tpu.memref_slice %arg6[%mul3A_49, %dma_start3A_73] : memref<160000x16xf32, #tpu.memory_space<hbm>> -> memref<128x16xf32, #tpu.memory_space<hbm>>
      tpu.enqueue_dma source(%arg10 : memref<128x16xf32, #tpu.memory_space<vmem>>) target(%dma_start3A_74 : memref<128x16xf32, #tpu.memory_space<hbm>>) target_semaphore(%arg14 : memref<!tpu.dma_semaphore, #tpu.memory_space<semaphore_mem>>)
      %dma_start3A_75 = arith.constant 0 : i32
      %dma_start3A_76 = tpu.memref_slice %arg7[%mul3A_49, %dma_start3A_75] : memref<160000x16xf32, #tpu.memory_space<hbm>> -> memref<128x16xf32, #tpu.memory_space<hbm>>
      %dma_start3A_77 = arith.constant 0 : i32
      %dma_start3A_78 = tpu.memref_slice %arg7[%mul3A_49, %dma_start3A_77] : memref<160000x16xf32, #tpu.memory_space<hbm>> -> memref<128x16xf32, #tpu.memory_space<hbm>>
      tpu.enqueue_dma source(%arg11 : memref<128x16xf32, #tpu.memory_space<vmem>>) target(%dma_start3A_78 : memref<128x16xf32, #tpu.memory_space<hbm>>) target_semaphore(%arg14 : memref<!tpu.dma_semaphore, #tpu.memory_space<semaphore_mem>>)
      %while3A_79 = arith.constant 0 : i32
      scf.yield %while3A_79 : i32
    }
    %while3A_32 = arith.constant 1 : i32
    %while3A_33 = scf.for %while3A_43 = %while3A_29 to %while3A_25 step %while3A_32 iter_args(%while3A_44 = %while3A_31) -> (i32)  : i32 {
      %mul3A_45 = arith.constant 32 : i32
      %mul3A_46 = arith.muli %while3A_43, %mul3A_45 : i32
      %add3A_47 = arith.addi %add3A, %mul3A_46 : i32
      %mul3A_48 = arith.constant 128 : i32
      %mul3A_49 = arith.muli %add3A_47, %mul3A_48 : i32
      %gt3A = arith.constant 0 : i32
      %gt3A_50 = arith.cmpi sgt, %while3A_43, %gt3A : i32
      %convert_element_type3A = arith.extui %gt3A_50 : i1 to i32
      %cond3A = arith.constant 0 : i32
      %cond3A_51 = arith.cmpi ne, %convert_element_type3A, %cond3A : i32
      scf.if %cond3A_51 {
        %dma_wait3A_80 = arith.constant 0 : i32
        %dma_wait3A_81 = tpu.memref_slice %arg6[%mul3A_49, %dma_wait3A_80] : memref<160000x16xf32, #tpu.memory_space<hbm>> -> memref<128x16xf32, #tpu.memory_space<hbm>>
        %dma_wait3A_82 = arith.constant 0 : i32
        %dma_wait3A_83 = tpu.memref_slice %arg6[%mul3A_49, %dma_wait3A_82] : memref<160000x16xf32, #tpu.memory_space<hbm>> -> memref<128x16xf32, #tpu.memory_space<hbm>>
        tpu.wait_dma2 semaphore(%arg14 : memref<!tpu.dma_semaphore, #tpu.memory_space<semaphore_mem>>) src(%arg10 : memref<128x16xf32, #tpu.memory_space<vmem>>) dst(%dma_wait3A_83 : memref<128x16xf32, #tpu.memory_space<hbm>>)
        %dma_wait3A_84 = arith.constant 0 : i32
        %dma_wait3A_85 = tpu.memref_slice %arg7[%mul3A_49, %dma_wait3A_84] : memref<160000x16xf32, #tpu.memory_space<hbm>> -> memref<128x16xf32, #tpu.memory_space<hbm>>
        %dma_wait3A_86 = arith.constant 0 : i32
        %dma_wait3A_87 = tpu.memref_slice %arg7[%mul3A_49, %dma_wait3A_86] : memref<160000x16xf32, #tpu.memory_space<hbm>> -> memref<128x16xf32, #tpu.memory_space<hbm>>
        tpu.wait_dma2 semaphore(%arg14 : memref<!tpu.dma_semaphore, #tpu.memory_space<semaphore_mem>>) src(%arg11 : memref<128x16xf32, #tpu.memory_space<vmem>>) dst(%dma_wait3A_87 : memref<128x16xf32, #tpu.memory_space<hbm>>)
      } else {
      }
      %dma_start3A = tpu.memref_slice %arg4[%mul3A_49] : memref<160000xi32, #tpu.memory_space<hbm>> -> memref<128xi32, #tpu.memory_space<hbm>>
      %dma_start3A_52 = tpu.memref_slice %arg4[%mul3A_49] : memref<160000xi32, #tpu.memory_space<hbm>> -> memref<128xi32, #tpu.memory_space<hbm>>
      tpu.enqueue_dma source(%dma_start3A_52 : memref<128xi32, #tpu.memory_space<hbm>>) target(%arg8 : memref<128xi32, #tpu.memory_space<vmem>>) target_semaphore(%arg12 : memref<!tpu.dma_semaphore, #tpu.memory_space<semaphore_mem>>)
      %dma_start3A_53 = tpu.memref_slice %arg5[%mul3A_49] : memref<160000xi32, #tpu.memory_space<hbm>> -> memref<128xi32, #tpu.memory_space<hbm>>
      %dma_start3A_54 = tpu.memref_slice %arg5[%mul3A_49] : memref<160000xi32, #tpu.memory_space<hbm>> -> memref<128xi32, #tpu.memory_space<hbm>>
      tpu.enqueue_dma source(%dma_start3A_54 : memref<128xi32, #tpu.memory_space<hbm>>) target(%arg9 : memref<128xi32, #tpu.memory_space<vmem>>) target_semaphore(%arg12 : memref<!tpu.dma_semaphore, #tpu.memory_space<semaphore_mem>>)
      %dma_wait3A_55 = tpu.memref_slice %arg4[%mul3A_49] : memref<160000xi32, #tpu.memory_space<hbm>> -> memref<128xi32, #tpu.memory_space<hbm>>
      %dma_wait3A_56 = tpu.memref_slice %arg4[%mul3A_49] : memref<160000xi32, #tpu.memory_space<hbm>> -> memref<128xi32, #tpu.memory_space<hbm>>
      tpu.wait_dma2 semaphore(%arg12 : memref<!tpu.dma_semaphore, #tpu.memory_space<semaphore_mem>>) src(%dma_wait3A_56 : memref<128xi32, #tpu.memory_space<hbm>>) dst(%arg8 : memref<128xi32, #tpu.memory_space<vmem>>)
      %dma_wait3A_57 = tpu.memref_slice %arg5[%mul3A_49] : memref<160000xi32, #tpu.memory_space<hbm>> -> memref<128xi32, #tpu.memory_space<hbm>>
      %dma_wait3A_58 = tpu.memref_slice %arg5[%mul3A_49] : memref<160000xi32, #tpu.memory_space<hbm>> -> memref<128xi32, #tpu.memory_space<hbm>>
      tpu.wait_dma2 semaphore(%arg12 : memref<!tpu.dma_semaphore, #tpu.memory_space<semaphore_mem>>) src(%dma_wait3A_58 : memref<128xi32, #tpu.memory_space<hbm>>) dst(%arg9 : memref<128xi32, #tpu.memory_space<vmem>>)
      %dma_start3A_59 = arith.constant 0 : i32
      %dma_start3A_60 = arith.constant 0 : i32
      %dma_start3A_61 = tpu.memref_slice %arg2[%dma_start3A_59, %dma_start3A_60] : memref<10000x16xf32, #tpu.memory_space<hbm>> -> memref<10000x16xf32, #tpu.memory_space<hbm>>
      tpu.enqueue_indirect_dma source(%dma_start3A_61 : memref<10000x16xf32, #tpu.memory_space<hbm>>) target(%arg10 : memref<128x16xf32, #tpu.memory_space<vmem>>) offsets(%arg8 : memref<128xi32, #tpu.memory_space<vmem>>) semaphore(%arg13 : memref<!tpu.dma_semaphore, #tpu.memory_space<semaphore_mem>>)
      %dma_start3A_62 = arith.constant 0 : i32
      %dma_start3A_63 = arith.constant 0 : i32
      %dma_start3A_64 = tpu.memref_slice %arg3[%dma_start3A_62, %dma_start3A_63] : memref<10000x16xf32, #tpu.memory_space<hbm>> -> memref<10000x16xf32, #tpu.memory_space<hbm>>
      tpu.enqueue_indirect_dma source(%dma_start3A_64 : memref<10000x16xf32, #tpu.memory_space<hbm>>) target(%arg11 : memref<128x16xf32, #tpu.memory_space<vmem>>) offsets(%arg9 : memref<128xi32, #tpu.memory_space<vmem>>) semaphore(%arg13 : memref<!tpu.dma_semaphore, #tpu.memory_space<semaphore_mem>>)
      %dma_wait3A_65 = arith.constant 0 : i32
      %dma_wait3A_66 = arith.constant 0 : i32
      %dma_wait3A_67 = tpu.memref_slice %arg2[%dma_wait3A_65, %dma_wait3A_66] : memref<10000x16xf32, #tpu.memory_space<hbm>> -> memref<10000x16xf32, #tpu.memory_space<hbm>>
      tpu.wait_indirect_dma semaphore(%arg13 : memref<!tpu.dma_semaphore, #tpu.memory_space<semaphore_mem>>) src(%dma_wait3A_67 : memref<10000x16xf32, #tpu.memory_space<hbm>>) dst(%arg10 : memref<128x16xf32, #tpu.memory_space<vmem>>)
      %dma_wait3A_68 = arith.constant 0 : i32
      %dma_wait3A_69 = arith.constant 0 : i32
      %dma_wait3A_70 = tpu.memref_slice %arg3[%dma_wait3A_68, %dma_wait3A_69] : memref<10000x16xf32, #tpu.memory_space<hbm>> -> memref<10000x16xf32, #tpu.memory_space<hbm>>
      tpu.wait_indirect_dma semaphore(%arg13 : memref<!tpu.dma_semaphore, #tpu.memory_space<semaphore_mem>>) src(%dma_wait3A_70 : memref<10000x16xf32, #tpu.memory_space<hbm>>) dst(%arg11 : memref<128x16xf32, #tpu.memory_space<vmem>>)
      %dma_start3A_71 = arith.constant 0 : i32
      %dma_start3A_72 = tpu.memref_slice %arg6[%mul3A_49, %dma_start3A_71] : memref<160000x16xf32, #tpu.memory_space<hbm>> -> memref<128x16xf32, #tpu.memory_space<hbm>>
      %dma_start3A_73 = arith.constant 0 : i32
      %dma_start3A_74 = tpu.memref_slice %arg6[%mul3A_49, %dma_start3A_73] : memref<160000x16xf32, #tpu.memory_space<hbm>> -> memref<128x16xf32, #tpu.memory_space<hbm>>
      tpu.enqueue_dma source(%arg10 : memref<128x16xf32, #tpu.memory_space<vmem>>) target(%dma_start3A_74 : memref<128x16xf32, #tpu.memory_space<hbm>>) target_semaphore(%arg14 : memref<!tpu.dma_semaphore, #tpu.memory_space<semaphore_mem>>)
      %dma_start3A_75 = arith.constant 0 : i32
      %dma_start3A_76 = tpu.memref_slice %arg7[%mul3A_49, %dma_start3A_75] : memref<160000x16xf32, #tpu.memory_space<hbm>> -> memref<128x16xf32, #tpu.memory_space<hbm>>
      %dma_start3A_77 = arith.constant 0 : i32
      %dma_start3A_78 = tpu.memref_slice %arg7[%mul3A_49, %dma_start3A_77] : memref<160000x16xf32, #tpu.memory_space<hbm>> -> memref<128x16xf32, #tpu.memory_space<hbm>>
      tpu.enqueue_dma source(%arg11 : memref<128x16xf32, #tpu.memory_space<vmem>>) target(%dma_start3A_78 : memref<128x16xf32, #tpu.memory_space<hbm>>) target_semaphore(%arg14 : memref<!tpu.dma_semaphore, #tpu.memory_space<semaphore_mem>>)
      %while3A_79 = arith.constant 0 : i32
      scf.yield %while3A_79 : i32
    }
    %mul3A_34 = arith.constant 128 : i32
    %mul3A_35 = arith.muli %add3A, %mul3A_34 : i32
    %dma_wait3A = arith.constant 0 : i32
    %dma_wait3A_36 = tpu.memref_slice %arg6[%mul3A_35, %dma_wait3A] : memref<160000x16xf32, #tpu.memory_space<hbm>> -> memref<128x16xf32, #tpu.memory_space<hbm>>
    %dma_wait3A_37 = arith.constant 0 : i32
    %dma_wait3A_38 = tpu.memref_slice %arg6[%mul3A_35, %dma_wait3A_37] : memref<160000x16xf32, #tpu.memory_space<hbm>> -> memref<128x16xf32, #tpu.memory_space<hbm>>
    tpu.wait_dma2 semaphore(%arg14 : memref<!tpu.dma_semaphore, #tpu.memory_space<semaphore_mem>>) src(%arg10 : memref<128x16xf32, #tpu.memory_space<vmem>>) dst(%dma_wait3A_38 : memref<128x16xf32, #tpu.memory_space<hbm>>)
    %dma_wait3A_39 = arith.constant 0 : i32
    %dma_wait3A_40 = tpu.memref_slice %arg7[%mul3A_35, %dma_wait3A_39] : memref<160000x16xf32, #tpu.memory_space<hbm>> -> memref<128x16xf32, #tpu.memory_space<hbm>>
    %dma_wait3A_41 = arith.constant 0 : i32
    %dma_wait3A_42 = tpu.memref_slice %arg7[%mul3A_35, %dma_wait3A_41] : memref<160000x16xf32, #tpu.memory_space<hbm>> -> memref<128x16xf32, #tpu.memory_space<hbm>>
    tpu.wait_dma2 semaphore(%arg14 : memref<!tpu.dma_semaphore, #tpu.memory_space<semaphore_mem>>) src(%arg11 : memref<128x16xf32, #tpu.memory_space<vmem>>) dst(%dma_wait3A_42 : memref<128x16xf32, #tpu.memory_space<hbm>>)
    return
  }
}

#map = affine_map<(d0, d1) -> (0)>
#map1 = affine_map<(d0, d1) -> (0, 0)>
module attributes {stable_mosaic.version = 14 : i64} {
  func.func @_seg_body(%arg0: i32, %arg1: i32, %arg2: memref<60800xi32, #tpu.memory_space<hbm>>, %arg3: memref<60800xi32, #tpu.memory_space<hbm>>, %arg4: memref<60800xi32, #tpu.memory_space<hbm>>, %arg5: memref<60800x128xf32, #tpu.memory_space<hbm>>, %arg6: memref<50000x16xf32, #tpu.memory_space<hbm>>, %arg7: memref<50000x16xf32, #tpu.memory_space<hbm>>, %arg8: memref<20480x48xf32, #tpu.memory_space<hbm>>, %arg9: memref<20480x48xf32, #tpu.memory_space<hbm>>, %arg10: memref<20480x16xf32, #tpu.memory_space<hbm>>, %arg11: memref<20480x16xf32, #tpu.memory_space<hbm>>, %arg12: memref<640x48xf32, #tpu.memory_space<vmem>>, %arg13: memref<128xi32, #tpu.memory_space<vmem>>, %arg14: memref<128xi32, #tpu.memory_space<vmem>>, %arg15: memref<128xi32, #tpu.memory_space<vmem>>, %arg16: memref<128xi32, #tpu.memory_space<vmem>>, %arg17: memref<128xi32, #tpu.memory_space<vmem>>, %arg18: memref<128x48xf32, #tpu.memory_space<vmem>>, %arg19: memref<128x16xf32, #tpu.memory_space<vmem>>, %arg20: memref<128x16xf32, #tpu.memory_space<vmem>>, %arg21: memref<10240x48xf32, #tpu.memory_space<vmem_shared>>, %arg22: memref<10240x48xf32, #tpu.memory_space<vmem_shared>>, %arg23: memref<10240x16xf32, #tpu.memory_space<vmem_shared>>, %arg24: memref<10240x16xf32, #tpu.memory_space<vmem_shared>>, %arg25: memref<!tpu.dma_semaphore, #tpu.memory_space<semaphore_mem>>, %arg26: memref<!tpu.dma_semaphore, #tpu.memory_space<semaphore_mem>>, %arg27: memref<!tpu.dma_semaphore, #tpu.memory_space<semaphore_mem>>) attributes {dimension_semantics = [#tpu.dimension_semantics<core_parallel>, #tpu.dimension_semantics<subcore_parallel>], iteration_bounds = array<i64: 2, 16>, scalar_prefetch = 0 : i64, scratch_operands = 16 : i64, tpu.core_type = #tpu.core_type<sc_vector_subcore>, window_params = [{transform_indices = #map}, {transform_indices = #map}, {transform_indices = #map}, {transform_indices = #map1}, {transform_indices = #map1}, {transform_indices = #map1}, {transform_indices = #map1}, {transform_indices = #map1}, {transform_indices = #map1}, {transform_indices = #map1}]} {
    %mul3A = arith.constant 2 : i32
    %mul3A_0 = arith.muli %arg1, %mul3A : i32
    %add3A = arith.addi %mul3A_0, %arg0 : i32
    %scan3A = arith.constant 0 : i32
    %scan3A_1 = arith.constant 0 : i32
    %scan3A_2 = arith.constant 640 : i32
    %scan3A_3 = arith.addi %scan3A_1, %scan3A_2 : i32
    %scan3A_4 = arith.constant 1 : i32
    %scan3A_5 = scf.for %scan3A_59 = %scan3A_1 to %scan3A_3 step %scan3A_4 iter_args(%scan3A_60 = %scan3A) -> (i32)  : i32 {
      %broadcast_in_dim3A = arith.constant 0.000000e+00 : f32
      %broadcast_in_dim3A_61 = vector.broadcast %broadcast_in_dim3A : f32 to vector<16xf32>
      %swap3A = arith.index_cast %scan3A_59 : i32 to index
      %swap3A_62 = arith.constant 0 : index
      %swap3A_63 = tpu.vector_load %arg12[%swap3A, %swap3A_62] {strides = array<i32>} : memref<640x48xf32, #tpu.memory_space<vmem>>, vector<1x16xf32>,
      %swap3A_64 = vector.shape_cast %swap3A_63 : vector<1x16xf32> to vector<16xf32>
      %swap3A_65 = vector.shape_cast %broadcast_in_dim3A_61 : vector<16xf32> to vector<1x16xf32>
      tpu.vector_store %arg12[%swap3A, %swap3A_62], %swap3A_65 {strides = array<i32>} : memref<640x48xf32, #tpu.memory_space<vmem>>, vector<1x16xf32>,
      %broadcast_in_dim3A_66 = arith.constant 0.000000e+00 : f32
      %broadcast_in_dim3A_67 = vector.broadcast %broadcast_in_dim3A_66 : f32 to vector<16xf32>
      %swap3A_68 = arith.index_cast %scan3A_59 : i32 to index
      %swap3A_69 = arith.constant 16 : index
      %swap3A_70 = tpu.vector_load %arg12[%swap3A_68, %swap3A_69] {strides = array<i32>} : memref<640x48xf32, #tpu.memory_space<vmem>>, vector<1x16xf32>,
      %swap3A_71 = vector.shape_cast %swap3A_70 : vector<1x16xf32> to vector<16xf32>
      %swap3A_72 = vector.shape_cast %broadcast_in_dim3A_67 : vector<16xf32> to vector<1x16xf32>
      tpu.vector_store %arg12[%swap3A_68, %swap3A_69], %swap3A_72 {strides = array<i32>} : memref<640x48xf32, #tpu.memory_space<vmem>>, vector<1x16xf32>,
      %broadcast_in_dim3A_73 = arith.constant 0.000000e+00 : f32
      %broadcast_in_dim3A_74 = vector.broadcast %broadcast_in_dim3A_73 : f32 to vector<16xf32>
      %swap3A_75 = arith.index_cast %scan3A_59 : i32 to index
      %swap3A_76 = arith.constant 32 : index
      %swap3A_77 = tpu.vector_load %arg12[%swap3A_75, %swap3A_76] {strides = array<i32>} : memref<640x48xf32, #tpu.memory_space<vmem>>, vector<1x16xf32>,
      %swap3A_78 = vector.shape_cast %swap3A_77 : vector<1x16xf32> to vector<16xf32>
      %swap3A_79 = vector.shape_cast %broadcast_in_dim3A_74 : vector<16xf32> to vector<1x16xf32>
      tpu.vector_store %arg12[%swap3A_75, %swap3A_76], %swap3A_79 {strides = array<i32>} : memref<640x48xf32, #tpu.memory_space<vmem>>, vector<1x16xf32>,
      %scan3A_80 = arith.constant 0 : i32
      scf.yield %scan3A_80 : i32
    }
    %scan3A_6 = arith.constant 640 : i32
    %mul3A_7 = arith.constant 640 : i32
    %mul3A_8 = arith.muli %arg1, %mul3A_7 : i32
    "tpu.region"() ({
      %run_scoped3A = tpu.sem_alloc : memref<!tpu.dma_semaphore, #tpu.memory_space<semaphore_mem>>
      %dma_start3A = arith.constant 0 : i32
      %dma_start3A_59 = tpu.memref_slice %arg21[%mul3A_8, %dma_start3A] : memref<10240x48xf32, #tpu.memory_space<vmem_shared>> -> memref<640x48xf32, #tpu.memory_space<vmem_shared>>
      %dma_start3A_60 = arith.constant 0 : i32
      %dma_start3A_61 = tpu.memref_slice %arg21[%mul3A_8, %dma_start3A_60] : memref<10240x48xf32, #tpu.memory_space<vmem_shared>> -> memref<640x48xf32, #tpu.memory_space<vmem_shared>>
      tpu.enqueue_dma source(%arg12 : memref<640x48xf32, #tpu.memory_space<vmem>>) target(%dma_start3A_61 : memref<640x48xf32, #tpu.memory_space<vmem_shared>>) target_semaphore(%run_scoped3A : memref<!tpu.dma_semaphore, #tpu.memory_space<semaphore_mem>>)
      %dma_wait3A_62 = arith.constant 0 : i32
      %dma_wait3A_63 = tpu.memref_slice %arg21[%mul3A_8, %dma_wait3A_62] : memref<10240x48xf32, #tpu.memory_space<vmem_shared>> -> memref<640x48xf32, #tpu.memory_space<vmem_shared>>
      %dma_wait3A_64 = arith.constant 0 : i32
      %dma_wait3A_65 = tpu.memref_slice %arg21[%mul3A_8, %dma_wait3A_64] : memref<10240x48xf32, #tpu.memory_space<vmem_shared>> -> memref<640x48xf32, #tpu.memory_space<vmem_shared>>
      tpu.wait_dma2 semaphore(%run_scoped3A : memref<!tpu.dma_semaphore, #tpu.memory_space<semaphore_mem>>) src(%arg12 : memref<640x48xf32, #tpu.memory_space<vmem>>) dst(%dma_wait3A_65 : memref<640x48xf32, #tpu.memory_space<vmem_shared>>)
      tpu.yield
    }) : () -> ()
    "tpu.region"() ({
      %run_scoped3A = tpu.sem_alloc : memref<!tpu.dma_semaphore, #tpu.memory_space<semaphore_mem>>
      %dma_start3A = arith.constant 0 : i32
      %dma_start3A_59 = tpu.memref_slice %arg22[%mul3A_8, %dma_start3A] : memref<10240x48xf32, #tpu.memory_space<vmem_shared>> -> memref<640x48xf32, #tpu.memory_space<vmem_shared>>
      %dma_start3A_60 = arith.constant 0 : i32
      %dma_start3A_61 = tpu.memref_slice %arg22[%mul3A_8, %dma_start3A_60] : memref<10240x48xf32, #tpu.memory_space<vmem_shared>> -> memref<640x48xf32, #tpu.memory_space<vmem_shared>>
      tpu.enqueue_dma source(%arg12 : memref<640x48xf32, #tpu.memory_space<vmem>>) target(%dma_start3A_61 : memref<640x48xf32, #tpu.memory_space<vmem_shared>>) target_semaphore(%run_scoped3A : memref<!tpu.dma_semaphore, #tpu.memory_space<semaphore_mem>>)
      %dma_wait3A_62 = arith.constant 0 : i32
      %dma_wait3A_63 = tpu.memref_slice %arg22[%mul3A_8, %dma_wait3A_62] : memref<10240x48xf32, #tpu.memory_space<vmem_shared>> -> memref<640x48xf32, #tpu.memory_space<vmem_shared>>
      %dma_wait3A_64 = arith.constant 0 : i32
      %dma_wait3A_65 = tpu.memref_slice %arg22[%mul3A_8, %dma_wait3A_64] : memref<10240x48xf32, #tpu.memory_space<vmem_shared>> -> memref<640x48xf32, #tpu.memory_space<vmem_shared>>
      tpu.wait_dma2 semaphore(%run_scoped3A : memref<!tpu.dma_semaphore, #tpu.memory_space<semaphore_mem>>) src(%arg12 : memref<640x48xf32, #tpu.memory_space<vmem>>) dst(%dma_wait3A_65 : memref<640x48xf32, #tpu.memory_space<vmem_shared>>)
      tpu.yield
    }) : () -> ()
    "tpu.region"() ({
      %run_scoped3A = tpu.sem_alloc : memref<!tpu.dma_semaphore, #tpu.memory_space<semaphore_mem>>
      %dma_start3A = arith.constant 0 : i32
      %dma_start3A_59 = arith.constant 0 : i32
      %dma_start3A_60 = tpu.memref_slice %arg12[%dma_start3A, %dma_start3A_59] : memref<640x48xf32, #tpu.memory_space<vmem>> -> memref<640x16xf32, #tpu.memory_space<vmem>>
      %dma_start3A_61 = arith.constant 0 : i32
      %dma_start3A_62 = tpu.memref_slice %arg23[%mul3A_8, %dma_start3A_61] : memref<10240x16xf32, #tpu.memory_space<vmem_shared>> -> memref<640x16xf32, #tpu.memory_space<vmem_shared>>
      %dma_start3A_63 = arith.constant 0 : i32
      %dma_start3A_64 = tpu.memref_slice %arg23[%mul3A_8, %dma_start3A_63] : memref<10240x16xf32, #tpu.memory_space<vmem_shared>> -> memref<640x16xf32, #tpu.memory_space<vmem_shared>>
      %dma_start3A_65 = arith.constant 0 : i32
      %dma_start3A_66 = arith.constant 0 : i32
      %dma_start3A_67 = tpu.memref_slice %arg12[%dma_start3A_65, %dma_start3A_66] : memref<640x48xf32, #tpu.memory_space<vmem>> -> memref<640x16xf32, #tpu.memory_space<vmem>>
      tpu.enqueue_dma source(%dma_start3A_67 : memref<640x16xf32, #tpu.memory_space<vmem>>) target(%dma_start3A_64 : memref<640x16xf32, #tpu.memory_space<vmem_shared>>) target_semaphore(%run_scoped3A : memref<!tpu.dma_semaphore, #tpu.memory_space<semaphore_mem>>)
      %dma_wait3A_68 = arith.constant 0 : i32
      %dma_wait3A_69 = arith.constant 0 : i32
      %dma_wait3A_70 = tpu.memref_slice %arg12[%dma_wait3A_68, %dma_wait3A_69] : memref<640x48xf32, #tpu.memory_space<vmem>> -> memref<640x16xf32, #tpu.memory_space<vmem>>
      %dma_wait3A_71 = arith.constant 0 : i32
      %dma_wait3A_72 = tpu.memref_slice %arg23[%mul3A_8, %dma_wait3A_71] : memref<10240x16xf32, #tpu.memory_space<vmem_shared>> -> memref<640x16xf32, #tpu.memory_space<vmem_shared>>
      %dma_wait3A_73 = arith.constant 0 : i32
      %dma_wait3A_74 = tpu.memref_slice %arg23[%mul3A_8, %dma_wait3A_73] : memref<10240x16xf32, #tpu.memory_space<vmem_shared>> -> memref<640x16xf32, #tpu.memory_space<vmem_shared>>
      %dma_wait3A_75 = arith.constant 0 : i32
      %dma_wait3A_76 = arith.constant 0 : i32
      %dma_wait3A_77 = tpu.memref_slice %arg12[%dma_wait3A_75, %dma_wait3A_76] : memref<640x48xf32, #tpu.memory_space<vmem>> -> memref<640x16xf32, #tpu.memory_space<vmem>>
      tpu.wait_dma2 semaphore(%run_scoped3A : memref<!tpu.dma_semaphore, #tpu.memory_space<semaphore_mem>>) src(%dma_wait3A_77 : memref<640x16xf32, #tpu.memory_space<vmem>>) dst(%dma_wait3A_74 : memref<640x16xf32, #tpu.memory_space<vmem_shared>>)
      tpu.yield
    }) : () -> ()
    "tpu.region"() ({
      %run_scoped3A = tpu.sem_alloc : memref<!tpu.dma_semaphore, #tpu.memory_space<semaphore_mem>>
      %dma_start3A = arith.constant 0 : i32
      %dma_start3A_59 = arith.constant 0 : i32
      %dma_start3A_60 = tpu.memref_slice %arg12[%dma_start3A, %dma_start3A_59] : memref<640x48xf32, #tpu.memory_space<vmem>> -> memref<640x16xf32, #tpu.memory_space<vmem>>
      %dma_start3A_61 = arith.constant 0 : i32
      %dma_start3A_62 = tpu.memref_slice %arg24[%mul3A_8, %dma_start3A_61] : memref<10240x16xf32, #tpu.memory_space<vmem_shared>> -> memref<640x16xf32, #tpu.memory_space<vmem_shared>>
      %dma_start3A_63 = arith.constant 0 : i32
      %dma_start3A_64 = tpu.memref_slice %arg24[%mul3A_8, %dma_start3A_63] : memref<10240x16xf32, #tpu.memory_space<vmem_shared>> -> memref<640x16xf32, #tpu.memory_space<vmem_shared>>
      %dma_start3A_65 = arith.constant 0 : i32
      %dma_start3A_66 = arith.constant 0 : i32
      %dma_start3A_67 = tpu.memref_slice %arg12[%dma_start3A_65, %dma_start3A_66] : memref<640x48xf32, #tpu.memory_space<vmem>> -> memref<640x16xf32, #tpu.memory_space<vmem>>
      tpu.enqueue_dma source(%dma_start3A_67 : memref<640x16xf32, #tpu.memory_space<vmem>>) target(%dma_start3A_64 : memref<640x16xf32, #tpu.memory_space<vmem_shared>>) target_semaphore(%run_scoped3A : memref<!tpu.dma_semaphore, #tpu.memory_space<semaphore_mem>>)
      %dma_wait3A_68 = arith.constant 0 : i32
      %dma_wait3A_69 = arith.constant 0 : i32
      %dma_wait3A_70 = tpu.memref_slice %arg12[%dma_wait3A_68, %dma_wait3A_69] : memref<640x48xf32, #tpu.memory_space<vmem>> -> memref<640x16xf32, #tpu.memory_space<vmem>>
      %dma_wait3A_71 = arith.constant 0 : i32
      %dma_wait3A_72 = tpu.memref_slice %arg24[%mul3A_8, %dma_wait3A_71] : memref<10240x16xf32, #tpu.memory_space<vmem_shared>> -> memref<640x16xf32, #tpu.memory_space<vmem_shared>>
      %dma_wait3A_73 = arith.constant 0 : i32
      %dma_wait3A_74 = tpu.memref_slice %arg24[%mul3A_8, %dma_wait3A_73] : memref<10240x16xf32, #tpu.memory_space<vmem_shared>> -> memref<640x16xf32, #tpu.memory_space<vmem_shared>>
      %dma_wait3A_75 = arith.constant 0 : i32
      %dma_wait3A_76 = arith.constant 0 : i32
      %dma_wait3A_77 = tpu.memref_slice %arg12[%dma_wait3A_75, %dma_wait3A_76] : memref<640x48xf32, #tpu.memory_space<vmem>> -> memref<640x16xf32, #tpu.memory_space<vmem>>
      tpu.wait_dma2 semaphore(%run_scoped3A : memref<!tpu.dma_semaphore, #tpu.memory_space<semaphore_mem>>) src(%dma_wait3A_77 : memref<640x16xf32, #tpu.memory_space<vmem>>) dst(%dma_wait3A_74 : memref<640x16xf32, #tpu.memory_space<vmem_shared>>)
      tpu.yield
    }) : () -> ()
    %barrier3A = arith.constant 0 : index
    tpu.barrier barrier_id(%barrier3A)
    %sub3A = arith.constant 475 : i32
    %sub3A_9 = arith.subi %sub3A, %add3A : i32
    %add3A_10 = arith.constant 32 : i32
    %add3A_11 = arith.addi %sub3A_9, %add3A_10 : i32
    %sub3A_12 = arith.constant 1 : i32
    %sub3A_13 = arith.subi %add3A_11, %sub3A_12 : i32
    %jit3A = arith.constant 32 : i32
    %div3A = arith.divsi %sub3A_13, %jit3A : i32
    %sign3A = arith.constant 0 : i32
    %sign3A_14 = arith.cmpi sgt, %sub3A_13, %sign3A : i32
    %sign3A_15 = arith.extui %sign3A_14 : i1 to i32
    %sign3A_16 = arith.constant 0 : i32
    %sign3A_17 = arith.cmpi slt, %sub3A_13, %sign3A_16 : i32
    %sign3A_18 = arith.extui %sign3A_17 : i1 to i32
    %sign3A_19 = arith.subi %sign3A_15, %sign3A_18 : i32
    %sign3A_20 = arith.constant 0 : i32
    %sign3A_21 = arith.cmpi sgt, %jit3A, %sign3A_20 : i32
    %sign3A_22 = arith.extui %sign3A_21 : i1 to i32
    %sign3A_23 = arith.constant 0 : i32
    %sign3A_24 = arith.cmpi slt, %jit3A, %sign3A_23 : i32
    %sign3A_25 = arith.extui %sign3A_24 : i1 to i32
    %sign3A_26 = arith.subi %sign3A_22, %sign3A_25 : i32
    %ne3A = arith.cmpi ne, %sign3A_19, %sign3A_26 : i32
    %rem3A = arith.remsi %sub3A_13, %jit3A : i32
    %ne3A_27 = arith.constant 0 : i32
    %ne3A_28 = arith.cmpi ne, %rem3A, %ne3A_27 : i32
    %and3A = arith.andi %ne3A, %ne3A_28 : i1
    %sub3A_29 = arith.constant 1 : i32
    %sub3A_30 = arith.subi %div3A, %sub3A_29 : i32
    %select_n3A = arith.select %and3A, %sub3A_30, %div3A : i32
    %while3A = arith.constant 0 : i32
    %while3A_31 = arith.constant 0 : i32
    %while3A_32 = arith.subi %select_n3A, %while3A : i32
    %while3A_33 = arith.addi %while3A, %while3A_32 : i32
    %while3A_34 = arith.constant 1 : i32
    %while3A_35 = arith.divsi %while3A_32, %while3A_34 : i32
    %while3A_36 = arith.muli %while3A_35, %while3A_34 : i32
    %while3A_37 = arith.addi %while3A, %while3A_36 : i32
    %while3A_38 = arith.constant 1 : i32
    %while3A_39 = scf.for %while3A_59 = %while3A to %while3A_37 step %while3A_38 iter_args(%while3A_60 = %while3A_31) -> (i32)  : i32 {
      %mul3A_61 = arith.constant 32 : i32
      %mul3A_62 = arith.muli %while3A_59, %mul3A_61 : i32
      %add3A_63 = arith.addi %add3A, %mul3A_62 : i32
      %mul3A_64 = arith.constant 128 : i32
      %mul3A_65 = arith.muli %add3A_63, %mul3A_64 : i32
      %gt3A = arith.constant 0 : i32
      %gt3A_66 = arith.cmpi sgt, %while3A_59, %gt3A : i32
      %convert_element_type3A = arith.extui %gt3A_66 : i1 to i32
      %cond3A = arith.constant 0 : i32
      %cond3A_67 = arith.cmpi ne, %convert_element_type3A, %cond3A : i32
      scf.if %cond3A_67 {
        %dma_wait3A_119 = arith.constant 0 : i32
        %dma_wait3A_120 = arith.constant 0 : i32
        %dma_wait3A_121 = tpu.memref_slice %arg21[%dma_wait3A_119, %dma_wait3A_120] : memref<10240x48xf32, #tpu.memory_space<vmem_shared>> -> memref<10240x48xf32, #tpu.memory_space<vmem_shared>>
        tpu.wait_indirect_dma semaphore(%arg27 : memref<!tpu.dma_semaphore, #tpu.memory_space<semaphore_mem>>) src(%arg18 : memref<128x48xf32, #tpu.memory_space<vmem>>) dst(%dma_wait3A_121 : memref<10240x48xf32, #tpu.memory_space<vmem_shared>>)
        %dma_wait3A_122 = arith.constant 0 : i32
        %dma_wait3A_123 = arith.constant 0 : i32
        %dma_wait3A_124 = tpu.memref_slice %arg22[%dma_wait3A_122, %dma_wait3A_123] : memref<10240x48xf32, #tpu.memory_space<vmem_shared>> -> memref<10240x48xf32, #tpu.memory_space<vmem_shared>>
        tpu.wait_indirect_dma semaphore(%arg27 : memref<!tpu.dma_semaphore, #tpu.memory_space<semaphore_mem>>) src(%arg18 : memref<128x48xf32, #tpu.memory_space<vmem>>) dst(%dma_wait3A_124 : memref<10240x48xf32, #tpu.memory_space<vmem_shared>>)
        %dma_wait3A_125 = arith.constant 0 : i32
        %dma_wait3A_126 = arith.constant 0 : i32
        %dma_wait3A_127 = tpu.memref_slice %arg23[%dma_wait3A_125, %dma_wait3A_126] : memref<10240x16xf32, #tpu.memory_space<vmem_shared>> -> memref<10240x16xf32, #tpu.memory_space<vmem_shared>>
        tpu.wait_indirect_dma semaphore(%arg27 : memref<!tpu.dma_semaphore, #tpu.memory_space<semaphore_mem>>) src(%arg19 : memref<128x16xf32, #tpu.memory_space<vmem>>) dst(%dma_wait3A_127 : memref<10240x16xf32, #tpu.memory_space<vmem_shared>>)
        %dma_wait3A_128 = arith.constant 0 : i32
        %dma_wait3A_129 = arith.constant 0 : i32
        %dma_wait3A_130 = tpu.memref_slice %arg24[%dma_wait3A_128, %dma_wait3A_129] : memref<10240x16xf32, #tpu.memory_space<vmem_shared>> -> memref<10240x16xf32, #tpu.memory_space<vmem_shared>>
        tpu.wait_indirect_dma semaphore(%arg27 : memref<!tpu.dma_semaphore, #tpu.memory_space<semaphore_mem>>) src(%arg20 : memref<128x16xf32, #tpu.memory_space<vmem>>) dst(%dma_wait3A_130 : memref<10240x16xf32, #tpu.memory_space<vmem_shared>>)
      } else {
      }
      %dma_start3A = tpu.memref_slice %arg2[%mul3A_65] : memref<60800xi32, #tpu.memory_space<hbm>> -> memref<128xi32, #tpu.memory_space<hbm>>
      %dma_start3A_68 = tpu.memref_slice %arg2[%mul3A_65] : memref<60800xi32, #tpu.memory_space<hbm>> -> memref<128xi32, #tpu.memory_space<hbm>>
      tpu.enqueue_dma source(%dma_start3A_68 : memref<128xi32, #tpu.memory_space<hbm>>) target(%arg13 : memref<128xi32, #tpu.memory_space<vmem>>) target_semaphore(%arg25 : memref<!tpu.dma_semaphore, #tpu.memory_space<semaphore_mem>>)
      %dma_start3A_69 = tpu.memref_slice %arg3[%mul3A_65] : memref<60800xi32, #tpu.memory_space<hbm>> -> memref<128xi32, #tpu.memory_space<hbm>>
      %dma_start3A_70 = tpu.memref_slice %arg3[%mul3A_65] : memref<60800xi32, #tpu.memory_space<hbm>> -> memref<128xi32, #tpu.memory_space<hbm>>
      tpu.enqueue_dma source(%dma_start3A_70 : memref<128xi32, #tpu.memory_space<hbm>>) target(%arg14 : memref<128xi32, #tpu.memory_space<vmem>>) target_semaphore(%arg25 : memref<!tpu.dma_semaphore, #tpu.memory_space<semaphore_mem>>)
      %dma_start3A_71 = tpu.memref_slice %arg4[%mul3A_65] : memref<60800xi32, #tpu.memory_space<hbm>> -> memref<128xi32, #tpu.memory_space<hbm>>
      %dma_start3A_72 = tpu.memref_slice %arg4[%mul3A_65] : memref<60800xi32, #tpu.memory_space<hbm>> -> memref<128xi32, #tpu.memory_space<hbm>>
      tpu.enqueue_dma source(%dma_start3A_72 : memref<128xi32, #tpu.memory_space<hbm>>) target(%arg15 : memref<128xi32, #tpu.memory_space<vmem>>) target_semaphore(%arg25 : memref<!tpu.dma_semaphore, #tpu.memory_space<semaphore_mem>>)
      %dma_start3A_73 = arith.constant 0 : i32
      %dma_start3A_74 = tpu.memref_slice %arg5[%mul3A_65, %dma_start3A_73] : memref<60800x128xf32, #tpu.memory_space<hbm>> -> memref<128x48xf32, #tpu.memory_space<hbm>>
      %dma_start3A_75 = arith.constant 0 : i32
      %dma_start3A_76 = tpu.memref_slice %arg5[%mul3A_65, %dma_start3A_75] : memref<60800x128xf32, #tpu.memory_space<hbm>> -> memref<128x48xf32, #tpu.memory_space<hbm>>
      tpu.enqueue_dma source(%dma_start3A_76 : memref<128x48xf32, #tpu.memory_space<hbm>>) target(%arg18 : memref<128x48xf32, #tpu.memory_space<vmem>>) target_semaphore(%arg25 : memref<!tpu.dma_semaphore, #tpu.memory_space<semaphore_mem>>)
      %dma_wait3A_77 = tpu.memref_slice %arg2[%mul3A_65] : memref<60800xi32, #tpu.memory_space<hbm>> -> memref<128xi32, #tpu.memory_space<hbm>>
      %dma_wait3A_78 = tpu.memref_slice %arg2[%mul3A_65] : memref<60800xi32, #tpu.memory_space<hbm>> -> memref<128xi32, #tpu.memory_space<hbm>>
      tpu.wait_dma2 semaphore(%arg25 : memref<!tpu.dma_semaphore, #tpu.memory_space<semaphore_mem>>) src(%dma_wait3A_78 : memref<128xi32, #tpu.memory_space<hbm>>) dst(%arg13 : memref<128xi32, #tpu.memory_space<vmem>>)
      %dma_wait3A_79 = tpu.memref_slice %arg3[%mul3A_65] : memref<60800xi32, #tpu.memory_space<hbm>> -> memref<128xi32, #tpu.memory_space<hbm>>
      %dma_wait3A_80 = tpu.memref_slice %arg3[%mul3A_65] : memref<60800xi32, #tpu.memory_space<hbm>> -> memref<128xi32, #tpu.memory_space<hbm>>
      tpu.wait_dma2 semaphore(%arg25 : memref<!tpu.dma_semaphore, #tpu.memory_space<semaphore_mem>>) src(%dma_wait3A_80 : memref<128xi32, #tpu.memory_space<hbm>>) dst(%arg14 : memref<128xi32, #tpu.memory_space<vmem>>)
      %dma_wait3A_81 = tpu.memref_slice %arg4[%mul3A_65] : memref<60800xi32, #tpu.memory_space<hbm>> -> memref<128xi32, #tpu.memory_space<hbm>>
      %dma_wait3A_82 = tpu.memref_slice %arg4[%mul3A_65] : memref<60800xi32, #tpu.memory_space<hbm>> -> memref<128xi32, #tpu.memory_space<hbm>>
      tpu.wait_dma2 semaphore(%arg25 : memref<!tpu.dma_semaphore, #tpu.memory_space<semaphore_mem>>) src(%dma_wait3A_82 : memref<128xi32, #tpu.memory_space<hbm>>) dst(%arg15 : memref<128xi32, #tpu.memory_space<vmem>>)
      %dma_wait3A_83 = arith.constant 0 : i32
      %dma_wait3A_84 = tpu.memref_slice %arg5[%mul3A_65, %dma_wait3A_83] : memref<60800x128xf32, #tpu.memory_space<hbm>> -> memref<128x48xf32, #tpu.memory_space<hbm>>
      %dma_wait3A_85 = arith.constant 0 : i32
      %dma_wait3A_86 = tpu.memref_slice %arg5[%mul3A_65, %dma_wait3A_85] : memref<60800x128xf32, #tpu.memory_space<hbm>> -> memref<128x48xf32, #tpu.memory_space<hbm>>
      tpu.wait_dma2 semaphore(%arg25 : memref<!tpu.dma_semaphore, #tpu.memory_space<semaphore_mem>>) src(%dma_wait3A_86 : memref<128x48xf32, #tpu.memory_space<hbm>>) dst(%arg18 : memref<128x48xf32, #tpu.memory_space<vmem>>)
      %scan3A_87 = arith.constant 0 : i32
      %scan3A_88 = arith.constant 0 : i32
      %scan3A_89 = arith.constant 8 : i32
      %scan3A_90 = arith.addi %scan3A_88, %scan3A_89 : i32
      %scan3A_91 = arith.constant 1 : i32
      %scan3A_92 = scf.for %scan3A_119 = %scan3A_88 to %scan3A_90 step %scan3A_91 iter_args(%scan3A_120 = %scan3A_87) -> (i32)  : i32 {
        %mul3A_121 = arith.constant 16 : i32
        %mul3A_122 = arith.muli %scan3A_119, %mul3A_121 : i32
        %get3A = arith.index_cast %mul3A_122 : i32 to index
        %get3A_123 = tpu.vector_load %arg15[%get3A] {strides = array<i32>} : memref<128xi32, #tpu.memory_space<vmem>>, vector<16xi32>,
        %get3A_124 = vector.shape_cast %get3A_123 : vector<16xi32> to vector<16xi32>
        %eq3A = arith.constant 0 : i32
        %eq3A_125 = vector.broadcast %eq3A : i32 to vector<16xi32>
        %eq3A_126 = arith.cmpi eq, %get3A_124, %eq3A_125 : vector<16xi32>
        %sub3A_127 = arith.constant 1 : i32
        %sub3A_128 = vector.broadcast %sub3A_127 : i32 to vector<16xi32>
        %sub3A_129 = arith.subi %get3A_124, %sub3A_128 : vector<16xi32>
        %jit3A_130 = arith.constant 4 : i32
        %broadcast_in_dim3A = vector.broadcast %jit3A_130 : i32 to vector<16xi32>
        %select_n3A_131 = arith.select %eq3A_126, %broadcast_in_dim3A, %sub3A_129 : vector<16xi1>, vector<16xi32>
        %get3A_132 = arith.index_cast %mul3A_122 : i32 to index
        %get3A_133 = tpu.vector_load %arg14[%get3A_132] {strides = array<i32>} : memref<128xi32, #tpu.memory_space<vmem>>, vector<16xi32>,
        %get3A_134 = vector.shape_cast %get3A_133 : vector<16xi32> to vector<16xi32>
        %mul3A_135 = arith.constant 5 : i32
        %mul3A_136 = vector.broadcast %mul3A_135 : i32 to vector<16xi32>
        %mul3A_137 = arith.muli %get3A_134, %mul3A_136 : vector<16xi32>
        %add3A_138 = arith.addi %mul3A_137, %select_n3A_131 : vector<16xi32>
        %swap3A = arith.index_cast %mul3A_122 : i32 to index
        %swap3A_139 = tpu.vector_load %arg16[%swap3A] {strides = array<i32>} : memref<128xi32, #tpu.memory_space<vmem>>, vector<16xi32>,
        %swap3A_140 = vector.shape_cast %swap3A_139 : vector<16xi32> to vector<16xi32>
        %swap3A_141 = vector.shape_cast %add3A_138 : vector<16xi32> to vector<16xi32>
        tpu.vector_store %arg16[%swap3A], %swap3A_141 {strides = array<i32>} : memref<128xi32, #tpu.memory_space<vmem>>, vector<16xi32>,
        %get3A_142 = arith.index_cast %mul3A_122 : i32 to index
        %get3A_143 = tpu.vector_load %arg13[%get3A_142] {strides = array<i32>} : memref<128xi32, #tpu.memory_space<vmem>>, vector<16xi32>,
        %get3A_144 = vector.shape_cast %get3A_143 : vector<16xi32> to vector<16xi32>
        %mul3A_145 = arith.constant 5 : i32
        %mul3A_146 = vector.broadcast %mul3A_145 : i32 to vector<16xi32>
        %mul3A_147 = arith.muli %get3A_144, %mul3A_146 : vector<16xi32>
        %add3A_148 = arith.addi %mul3A_147, %select_n3A_131 : vector<16xi32>
        %swap3A_149 = arith.index_cast %mul3A_122 : i32 to index
        %swap3A_150 = tpu.vector_load %arg17[%swap3A_149] {strides = array<i32>} : memref<128xi32, #tpu.memory_space<vmem>>, vector<16xi32>,
        %swap3A_151 = vector.shape_cast %swap3A_150 : vector<16xi32> to vector<16xi32>
        %swap3A_152 = vector.shape_cast %add3A_148 : vector<16xi32> to vector<16xi32>
        tpu.vector_store %arg17[%swap3A_149], %swap3A_152 {strides = array<i32>} : memref<128xi32, #tpu.memory_space<vmem>>, vector<16xi32>,
        %scan3A_153 = arith.constant 0 : i32
        scf.yield %scan3A_153 : i32
      }
      %scan3A_93 = arith.constant 8 : i32
      %dma_start3A_94 = arith.constant 0 : i32
      %dma_start3A_95 = arith.constant 0 : i32
      %dma_start3A_96 = tpu.memref_slice %arg6[%dma_start3A_94, %dma_start3A_95] : memref<50000x16xf32, #tpu.memory_space<hbm>> -> memref<50000x16xf32, #tpu.memory_space<hbm>>
      tpu.enqueue_indirect_dma source(%dma_start3A_96 : memref<50000x16xf32, #tpu.memory_space<hbm>>) target(%arg19 : memref<128x16xf32, #tpu.memory_space<vmem>>) offsets(%arg16 : memref<128xi32, #tpu.memory_space<vmem>>) semaphore(%arg26 : memref<!tpu.dma_semaphore, #tpu.memory_space<semaphore_mem>>)
      %dma_start3A_97 = arith.constant 0 : i32
      %dma_start3A_98 = arith.constant 0 : i32
      %dma_start3A_99 = tpu.memref_slice %arg7[%dma_start3A_97, %dma_start3A_98] : memref<50000x16xf32, #tpu.memory_space<hbm>> -> memref<50000x16xf32, #tpu.memory_space<hbm>>
      tpu.enqueue_indirect_dma source(%dma_start3A_99 : memref<50000x16xf32, #tpu.memory_space<hbm>>) target(%arg20 : memref<128x16xf32, #tpu.memory_space<vmem>>) offsets(%arg17 : memref<128xi32, #tpu.memory_space<vmem>>) semaphore(%arg26 : memref<!tpu.dma_semaphore, #tpu.memory_space<semaphore_mem>>)
      %dma_wait3A_100 = arith.constant 0 : i32
      %dma_wait3A_101 = arith.constant 0 : i32
      %dma_wait3A_102 = tpu.memref_slice %arg6[%dma_wait3A_100, %dma_wait3A_101] : memref<50000x16xf32, #tpu.memory_space<hbm>> -> memref<50000x16xf32, #tpu.memory_space<hbm>>
      tpu.wait_indirect_dma semaphore(%arg26 : memref<!tpu.dma_semaphore, #tpu.memory_space<semaphore_mem>>) src(%dma_wait3A_102 : memref<50000x16xf32, #tpu.memory_space<hbm>>) dst(%arg19 : memref<128x16xf32, #tpu.memory_space<vmem>>)
      %dma_wait3A_103 = arith.constant 0 : i32
      %dma_wait3A_104 = arith.constant 0 : i32
      %dma_wait3A_105 = tpu.memref_slice %arg7[%dma_wait3A_103, %dma_wait3A_104] : memref<50000x16xf32, #tpu.memory_space<hbm>> -> memref<50000x16xf32, #tpu.memory_space<hbm>>
      tpu.wait_indirect_dma semaphore(%arg26 : memref<!tpu.dma_semaphore, #tpu.memory_space<semaphore_mem>>) src(%dma_wait3A_105 : memref<50000x16xf32, #tpu.memory_space<hbm>>) dst(%arg20 : memref<128x16xf32, #tpu.memory_space<vmem>>)
      %dma_start3A_106 = arith.constant 0 : i32
      %dma_start3A_107 = arith.constant 0 : i32
      %dma_start3A_108 = tpu.memref_slice %arg21[%dma_start3A_106, %dma_start3A_107] : memref<10240x48xf32, #tpu.memory_space<vmem_shared>> -> memref<10240x48xf32, #tpu.memory_space<vmem_shared>>
      tpu.enqueue_indirect_dma source(%arg18 : memref<128x48xf32, #tpu.memory_space<vmem>>) target(%dma_start3A_108 : memref<10240x48xf32, #tpu.memory_space<vmem_shared>>) offsets(%arg13 : memref<128xi32, #tpu.memory_space<vmem>>) semaphore(%arg27 : memref<!tpu.dma_semaphore, #tpu.memory_space<semaphore_mem>>) {add = true}
      %dma_start3A_109 = arith.constant 0 : i32
      %dma_start3A_110 = arith.constant 0 : i32
      %dma_start3A_111 = tpu.memref_slice %arg22[%dma_start3A_109, %dma_start3A_110] : memref<10240x48xf32, #tpu.memory_space<vmem_shared>> -> memref<10240x48xf32, #tpu.memory_space<vmem_shared>>
      tpu.enqueue_indirect_dma source(%arg18 : memref<128x48xf32, #tpu.memory_space<vmem>>) target(%dma_start3A_111 : memref<10240x48xf32, #tpu.memory_space<vmem_shared>>) offsets(%arg14 : memref<128xi32, #tpu.memory_space<vmem>>) semaphore(%arg27 : memref<!tpu.dma_semaphore, #tpu.memory_space<semaphore_mem>>) {add = true}
      %dma_start3A_112 = arith.constant 0 : i32
      %dma_start3A_113 = arith.constant 0 : i32
      %dma_start3A_114 = tpu.memref_slice %arg23[%dma_start3A_112, %dma_start3A_113] : memref<10240x16xf32, #tpu.memory_space<vmem_shared>> -> memref<10240x16xf32, #tpu.memory_space<vmem_shared>>
      tpu.enqueue_indirect_dma source(%arg19 : memref<128x16xf32, #tpu.memory_space<vmem>>) target(%dma_start3A_114 : memref<10240x16xf32, #tpu.memory_space<vmem_shared>>) offsets(%arg13 : memref<128xi32, #tpu.memory_space<vmem>>) semaphore(%arg27 : memref<!tpu.dma_semaphore, #tpu.memory_space<semaphore_mem>>) {add = true}
      %dma_start3A_115 = arith.constant 0 : i32
      %dma_start3A_116 = arith.constant 0 : i32
      %dma_start3A_117 = tpu.memref_slice %arg24[%dma_start3A_115, %dma_start3A_116] : memref<10240x16xf32, #tpu.memory_space<vmem_shared>> -> memref<10240x16xf32, #tpu.memory_space<vmem_shared>>
      tpu.enqueue_indirect_dma source(%arg20 : memref<128x16xf32, #tpu.memory_space<vmem>>) target(%dma_start3A_117 : memref<10240x16xf32, #tpu.memory_space<vmem_shared>>) offsets(%arg14 : memref<128xi32, #tpu.memory_space<vmem>>) semaphore(%arg27 : memref<!tpu.dma_semaphore, #tpu.memory_space<semaphore_mem>>) {add = true}
      %while3A_118 = arith.constant 0 : i32
      scf.yield %while3A_118 : i32
    }
    %while3A_40 = arith.constant 1 : i32
    %while3A_41 = scf.for %while3A_59 = %while3A_37 to %while3A_33 step %while3A_40 iter_args(%while3A_60 = %while3A_39) -> (i32)  : i32 {
      %mul3A_61 = arith.constant 32 : i32
      %mul3A_62 = arith.muli %while3A_59, %mul3A_61 : i32
      %add3A_63 = arith.addi %add3A, %mul3A_62 : i32
      %mul3A_64 = arith.constant 128 : i32
      %mul3A_65 = arith.muli %add3A_63, %mul3A_64 : i32
      %gt3A = arith.constant 0 : i32
      %gt3A_66 = arith.cmpi sgt, %while3A_59, %gt3A : i32
      %convert_element_type3A = arith.extui %gt3A_66 : i1 to i32
      %cond3A = arith.constant 0 : i32
      %cond3A_67 = arith.cmpi ne, %convert_element_type3A, %cond3A : i32
      scf.if %cond3A_67 {
        %dma_wait3A_119 = arith.constant 0 : i32
        %dma_wait3A_120 = arith.constant 0 : i32
        %dma_wait3A_121 = tpu.memref_slice %arg21[%dma_wait3A_119, %dma_wait3A_120] : memref<10240x48xf32, #tpu.memory_space<vmem_shared>> -> memref<10240x48xf32, #tpu.memory_space<vmem_shared>>
        tpu.wait_indirect_dma semaphore(%arg27 : memref<!tpu.dma_semaphore, #tpu.memory_space<semaphore_mem>>) src(%arg18 : memref<128x48xf32, #tpu.memory_space<vmem>>) dst(%dma_wait3A_121 : memref<10240x48xf32, #tpu.memory_space<vmem_shared>>)
        %dma_wait3A_122 = arith.constant 0 : i32
        %dma_wait3A_123 = arith.constant 0 : i32
        %dma_wait3A_124 = tpu.memref_slice %arg22[%dma_wait3A_122, %dma_wait3A_123] : memref<10240x48xf32, #tpu.memory_space<vmem_shared>> -> memref<10240x48xf32, #tpu.memory_space<vmem_shared>>
        tpu.wait_indirect_dma semaphore(%arg27 : memref<!tpu.dma_semaphore, #tpu.memory_space<semaphore_mem>>) src(%arg18 : memref<128x48xf32, #tpu.memory_space<vmem>>) dst(%dma_wait3A_124 : memref<10240x48xf32, #tpu.memory_space<vmem_shared>>)
        %dma_wait3A_125 = arith.constant 0 : i32
        %dma_wait3A_126 = arith.constant 0 : i32
        %dma_wait3A_127 = tpu.memref_slice %arg23[%dma_wait3A_125, %dma_wait3A_126] : memref<10240x16xf32, #tpu.memory_space<vmem_shared>> -> memref<10240x16xf32, #tpu.memory_space<vmem_shared>>
        tpu.wait_indirect_dma semaphore(%arg27 : memref<!tpu.dma_semaphore, #tpu.memory_space<semaphore_mem>>) src(%arg19 : memref<128x16xf32, #tpu.memory_space<vmem>>) dst(%dma_wait3A_127 : memref<10240x16xf32, #tpu.memory_space<vmem_shared>>)
        %dma_wait3A_128 = arith.constant 0 : i32
        %dma_wait3A_129 = arith.constant 0 : i32
        %dma_wait3A_130 = tpu.memref_slice %arg24[%dma_wait3A_128, %dma_wait3A_129] : memref<10240x16xf32, #tpu.memory_space<vmem_shared>> -> memref<10240x16xf32, #tpu.memory_space<vmem_shared>>
        tpu.wait_indirect_dma semaphore(%arg27 : memref<!tpu.dma_semaphore, #tpu.memory_space<semaphore_mem>>) src(%arg20 : memref<128x16xf32, #tpu.memory_space<vmem>>) dst(%dma_wait3A_130 : memref<10240x16xf32, #tpu.memory_space<vmem_shared>>)
      } else {
      }
      %dma_start3A = tpu.memref_slice %arg2[%mul3A_65] : memref<60800xi32, #tpu.memory_space<hbm>> -> memref<128xi32, #tpu.memory_space<hbm>>
      %dma_start3A_68 = tpu.memref_slice %arg2[%mul3A_65] : memref<60800xi32, #tpu.memory_space<hbm>> -> memref<128xi32, #tpu.memory_space<hbm>>
      tpu.enqueue_dma source(%dma_start3A_68 : memref<128xi32, #tpu.memory_space<hbm>>) target(%arg13 : memref<128xi32, #tpu.memory_space<vmem>>) target_semaphore(%arg25 : memref<!tpu.dma_semaphore, #tpu.memory_space<semaphore_mem>>)
      %dma_start3A_69 = tpu.memref_slice %arg3[%mul3A_65] : memref<60800xi32, #tpu.memory_space<hbm>> -> memref<128xi32, #tpu.memory_space<hbm>>
      %dma_start3A_70 = tpu.memref_slice %arg3[%mul3A_65] : memref<60800xi32, #tpu.memory_space<hbm>> -> memref<128xi32, #tpu.memory_space<hbm>>
      tpu.enqueue_dma source(%dma_start3A_70 : memref<128xi32, #tpu.memory_space<hbm>>) target(%arg14 : memref<128xi32, #tpu.memory_space<vmem>>) target_semaphore(%arg25 : memref<!tpu.dma_semaphore, #tpu.memory_space<semaphore_mem>>)
      %dma_start3A_71 = tpu.memref_slice %arg4[%mul3A_65] : memref<60800xi32, #tpu.memory_space<hbm>> -> memref<128xi32, #tpu.memory_space<hbm>>
      %dma_start3A_72 = tpu.memref_slice %arg4[%mul3A_65] : memref<60800xi32, #tpu.memory_space<hbm>> -> memref<128xi32, #tpu.memory_space<hbm>>
      tpu.enqueue_dma source(%dma_start3A_72 : memref<128xi32, #tpu.memory_space<hbm>>) target(%arg15 : memref<128xi32, #tpu.memory_space<vmem>>) target_semaphore(%arg25 : memref<!tpu.dma_semaphore, #tpu.memory_space<semaphore_mem>>)
      %dma_start3A_73 = arith.constant 0 : i32
      %dma_start3A_74 = tpu.memref_slice %arg5[%mul3A_65, %dma_start3A_73] : memref<60800x128xf32, #tpu.memory_space<hbm>> -> memref<128x48xf32, #tpu.memory_space<hbm>>
      %dma_start3A_75 = arith.constant 0 : i32
      %dma_start3A_76 = tpu.memref_slice %arg5[%mul3A_65, %dma_start3A_75] : memref<60800x128xf32, #tpu.memory_space<hbm>> -> memref<128x48xf32, #tpu.memory_space<hbm>>
      tpu.enqueue_dma source(%dma_start3A_76 : memref<128x48xf32, #tpu.memory_space<hbm>>) target(%arg18 : memref<128x48xf32, #tpu.memory_space<vmem>>) target_semaphore(%arg25 : memref<!tpu.dma_semaphore, #tpu.memory_space<semaphore_mem>>)
      %dma_wait3A_77 = tpu.memref_slice %arg2[%mul3A_65] : memref<60800xi32, #tpu.memory_space<hbm>> -> memref<128xi32, #tpu.memory_space<hbm>>
      %dma_wait3A_78 = tpu.memref_slice %arg2[%mul3A_65] : memref<60800xi32, #tpu.memory_space<hbm>> -> memref<128xi32, #tpu.memory_space<hbm>>
      tpu.wait_dma2 semaphore(%arg25 : memref<!tpu.dma_semaphore, #tpu.memory_space<semaphore_mem>>) src(%dma_wait3A_78 : memref<128xi32, #tpu.memory_space<hbm>>) dst(%arg13 : memref<128xi32, #tpu.memory_space<vmem>>)
      %dma_wait3A_79 = tpu.memref_slice %arg3[%mul3A_65] : memref<60800xi32, #tpu.memory_space<hbm>> -> memref<128xi32, #tpu.memory_space<hbm>>
      %dma_wait3A_80 = tpu.memref_slice %arg3[%mul3A_65] : memref<60800xi32, #tpu.memory_space<hbm>> -> memref<128xi32, #tpu.memory_space<hbm>>
      tpu.wait_dma2 semaphore(%arg25 : memref<!tpu.dma_semaphore, #tpu.memory_space<semaphore_mem>>) src(%dma_wait3A_80 : memref<128xi32, #tpu.memory_space<hbm>>) dst(%arg14 : memref<128xi32, #tpu.memory_space<vmem>>)
      %dma_wait3A_81 = tpu.memref_slice %arg4[%mul3A_65] : memref<60800xi32, #tpu.memory_space<hbm>> -> memref<128xi32, #tpu.memory_space<hbm>>
      %dma_wait3A_82 = tpu.memref_slice %arg4[%mul3A_65] : memref<60800xi32, #tpu.memory_space<hbm>> -> memref<128xi32, #tpu.memory_space<hbm>>
      tpu.wait_dma2 semaphore(%arg25 : memref<!tpu.dma_semaphore, #tpu.memory_space<semaphore_mem>>) src(%dma_wait3A_82 : memref<128xi32, #tpu.memory_space<hbm>>) dst(%arg15 : memref<128xi32, #tpu.memory_space<vmem>>)
      %dma_wait3A_83 = arith.constant 0 : i32
      %dma_wait3A_84 = tpu.memref_slice %arg5[%mul3A_65, %dma_wait3A_83] : memref<60800x128xf32, #tpu.memory_space<hbm>> -> memref<128x48xf32, #tpu.memory_space<hbm>>
      %dma_wait3A_85 = arith.constant 0 : i32
      %dma_wait3A_86 = tpu.memref_slice %arg5[%mul3A_65, %dma_wait3A_85] : memref<60800x128xf32, #tpu.memory_space<hbm>> -> memref<128x48xf32, #tpu.memory_space<hbm>>
      tpu.wait_dma2 semaphore(%arg25 : memref<!tpu.dma_semaphore, #tpu.memory_space<semaphore_mem>>) src(%dma_wait3A_86 : memref<128x48xf32, #tpu.memory_space<hbm>>) dst(%arg18 : memref<128x48xf32, #tpu.memory_space<vmem>>)
      %scan3A_87 = arith.constant 0 : i32
      %scan3A_88 = arith.constant 0 : i32
      %scan3A_89 = arith.constant 8 : i32
      %scan3A_90 = arith.addi %scan3A_88, %scan3A_89 : i32
      %scan3A_91 = arith.constant 1 : i32
      %scan3A_92 = scf.for %scan3A_119 = %scan3A_88 to %scan3A_90 step %scan3A_91 iter_args(%scan3A_120 = %scan3A_87) -> (i32)  : i32 {
        %mul3A_121 = arith.constant 16 : i32
        %mul3A_122 = arith.muli %scan3A_119, %mul3A_121 : i32
        %get3A = arith.index_cast %mul3A_122 : i32 to index
        %get3A_123 = tpu.vector_load %arg15[%get3A] {strides = array<i32>} : memref<128xi32, #tpu.memory_space<vmem>>, vector<16xi32>,
        %get3A_124 = vector.shape_cast %get3A_123 : vector<16xi32> to vector<16xi32>
        %eq3A = arith.constant 0 : i32
        %eq3A_125 = vector.broadcast %eq3A : i32 to vector<16xi32>
        %eq3A_126 = arith.cmpi eq, %get3A_124, %eq3A_125 : vector<16xi32>
        %sub3A_127 = arith.constant 1 : i32
        %sub3A_128 = vector.broadcast %sub3A_127 : i32 to vector<16xi32>
        %sub3A_129 = arith.subi %get3A_124, %sub3A_128 : vector<16xi32>
        %jit3A_130 = arith.constant 4 : i32
        %broadcast_in_dim3A = vector.broadcast %jit3A_130 : i32 to vector<16xi32>
        %select_n3A_131 = arith.select %eq3A_126, %broadcast_in_dim3A, %sub3A_129 : vector<16xi1>, vector<16xi32>
        %get3A_132 = arith.index_cast %mul3A_122 : i32 to index
        %get3A_133 = tpu.vector_load %arg14[%get3A_132] {strides = array<i32>} : memref<128xi32, #tpu.memory_space<vmem>>, vector<16xi32>,
        %get3A_134 = vector.shape_cast %get3A_133 : vector<16xi32> to vector<16xi32>
        %mul3A_135 = arith.constant 5 : i32
        %mul3A_136 = vector.broadcast %mul3A_135 : i32 to vector<16xi32>
        %mul3A_137 = arith.muli %get3A_134, %mul3A_136 : vector<16xi32>
        %add3A_138 = arith.addi %mul3A_137, %select_n3A_131 : vector<16xi32>
        %swap3A = arith.index_cast %mul3A_122 : i32 to index
        %swap3A_139 = tpu.vector_load %arg16[%swap3A] {strides = array<i32>} : memref<128xi32, #tpu.memory_space<vmem>>, vector<16xi32>,
        %swap3A_140 = vector.shape_cast %swap3A_139 : vector<16xi32> to vector<16xi32>
        %swap3A_141 = vector.shape_cast %add3A_138 : vector<16xi32> to vector<16xi32>
        tpu.vector_store %arg16[%swap3A], %swap3A_141 {strides = array<i32>} : memref<128xi32, #tpu.memory_space<vmem>>, vector<16xi32>,
        %get3A_142 = arith.index_cast %mul3A_122 : i32 to index
        %get3A_143 = tpu.vector_load %arg13[%get3A_142] {strides = array<i32>} : memref<128xi32, #tpu.memory_space<vmem>>, vector<16xi32>,
        %get3A_144 = vector.shape_cast %get3A_143 : vector<16xi32> to vector<16xi32>
        %mul3A_145 = arith.constant 5 : i32
        %mul3A_146 = vector.broadcast %mul3A_145 : i32 to vector<16xi32>
        %mul3A_147 = arith.muli %get3A_144, %mul3A_146 : vector<16xi32>
        %add3A_148 = arith.addi %mul3A_147, %select_n3A_131 : vector<16xi32>
        %swap3A_149 = arith.index_cast %mul3A_122 : i32 to index
        %swap3A_150 = tpu.vector_load %arg17[%swap3A_149] {strides = array<i32>} : memref<128xi32, #tpu.memory_space<vmem>>, vector<16xi32>,
        %swap3A_151 = vector.shape_cast %swap3A_150 : vector<16xi32> to vector<16xi32>
        %swap3A_152 = vector.shape_cast %add3A_148 : vector<16xi32> to vector<16xi32>
        tpu.vector_store %arg17[%swap3A_149], %swap3A_152 {strides = array<i32>} : memref<128xi32, #tpu.memory_space<vmem>>, vector<16xi32>,
        %scan3A_153 = arith.constant 0 : i32
        scf.yield %scan3A_153 : i32
      }
      %scan3A_93 = arith.constant 8 : i32
      %dma_start3A_94 = arith.constant 0 : i32
      %dma_start3A_95 = arith.constant 0 : i32
      %dma_start3A_96 = tpu.memref_slice %arg6[%dma_start3A_94, %dma_start3A_95] : memref<50000x16xf32, #tpu.memory_space<hbm>> -> memref<50000x16xf32, #tpu.memory_space<hbm>>
      tpu.enqueue_indirect_dma source(%dma_start3A_96 : memref<50000x16xf32, #tpu.memory_space<hbm>>) target(%arg19 : memref<128x16xf32, #tpu.memory_space<vmem>>) offsets(%arg16 : memref<128xi32, #tpu.memory_space<vmem>>) semaphore(%arg26 : memref<!tpu.dma_semaphore, #tpu.memory_space<semaphore_mem>>)
      %dma_start3A_97 = arith.constant 0 : i32
      %dma_start3A_98 = arith.constant 0 : i32
      %dma_start3A_99 = tpu.memref_slice %arg7[%dma_start3A_97, %dma_start3A_98] : memref<50000x16xf32, #tpu.memory_space<hbm>> -> memref<50000x16xf32, #tpu.memory_space<hbm>>
      tpu.enqueue_indirect_dma source(%dma_start3A_99 : memref<50000x16xf32, #tpu.memory_space<hbm>>) target(%arg20 : memref<128x16xf32, #tpu.memory_space<vmem>>) offsets(%arg17 : memref<128xi32, #tpu.memory_space<vmem>>) semaphore(%arg26 : memref<!tpu.dma_semaphore, #tpu.memory_space<semaphore_mem>>)
      %dma_wait3A_100 = arith.constant 0 : i32
      %dma_wait3A_101 = arith.constant 0 : i32
      %dma_wait3A_102 = tpu.memref_slice %arg6[%dma_wait3A_100, %dma_wait3A_101] : memref<50000x16xf32, #tpu.memory_space<hbm>> -> memref<50000x16xf32, #tpu.memory_space<hbm>>
      tpu.wait_indirect_dma semaphore(%arg26 : memref<!tpu.dma_semaphore, #tpu.memory_space<semaphore_mem>>) src(%dma_wait3A_102 : memref<50000x16xf32, #tpu.memory_space<hbm>>) dst(%arg19 : memref<128x16xf32, #tpu.memory_space<vmem>>)
      %dma_wait3A_103 = arith.constant 0 : i32
      %dma_wait3A_104 = arith.constant 0 : i32
      %dma_wait3A_105 = tpu.memref_slice %arg7[%dma_wait3A_103, %dma_wait3A_104] : memref<50000x16xf32, #tpu.memory_space<hbm>> -> memref<50000x16xf32, #tpu.memory_space<hbm>>
      tpu.wait_indirect_dma semaphore(%arg26 : memref<!tpu.dma_semaphore, #tpu.memory_space<semaphore_mem>>) src(%dma_wait3A_105 : memref<50000x16xf32, #tpu.memory_space<hbm>>) dst(%arg20 : memref<128x16xf32, #tpu.memory_space<vmem>>)
      %dma_start3A_106 = arith.constant 0 : i32
      %dma_start3A_107 = arith.constant 0 : i32
      %dma_start3A_108 = tpu.memref_slice %arg21[%dma_start3A_106, %dma_start3A_107] : memref<10240x48xf32, #tpu.memory_space<vmem_shared>> -> memref<10240x48xf32, #tpu.memory_space<vmem_shared>>
      tpu.enqueue_indirect_dma source(%arg18 : memref<128x48xf32, #tpu.memory_space<vmem>>) target(%dma_start3A_108 : memref<10240x48xf32, #tpu.memory_space<vmem_shared>>) offsets(%arg13 : memref<128xi32, #tpu.memory_space<vmem>>) semaphore(%arg27 : memref<!tpu.dma_semaphore, #tpu.memory_space<semaphore_mem>>) {add = true}
      %dma_start3A_109 = arith.constant 0 : i32
      %dma_start3A_110 = arith.constant 0 : i32
      %dma_start3A_111 = tpu.memref_slice %arg22[%dma_start3A_109, %dma_start3A_110] : memref<10240x48xf32, #tpu.memory_space<vmem_shared>> -> memref<10240x48xf32, #tpu.memory_space<vmem_shared>>
      tpu.enqueue_indirect_dma source(%arg18 : memref<128x48xf32, #tpu.memory_space<vmem>>) target(%dma_start3A_111 : memref<10240x48xf32, #tpu.memory_space<vmem_shared>>) offsets(%arg14 : memref<128xi32, #tpu.memory_space<vmem>>) semaphore(%arg27 : memref<!tpu.dma_semaphore, #tpu.memory_space<semaphore_mem>>) {add = true}
      %dma_start3A_112 = arith.constant 0 : i32
      %dma_start3A_113 = arith.constant 0 : i32
      %dma_start3A_114 = tpu.memref_slice %arg23[%dma_start3A_112, %dma_start3A_113] : memref<10240x16xf32, #tpu.memory_space<vmem_shared>> -> memref<10240x16xf32, #tpu.memory_space<vmem_shared>>
      tpu.enqueue_indirect_dma source(%arg19 : memref<128x16xf32, #tpu.memory_space<vmem>>) target(%dma_start3A_114 : memref<10240x16xf32, #tpu.memory_space<vmem_shared>>) offsets(%arg13 : memref<128xi32, #tpu.memory_space<vmem>>) semaphore(%arg27 : memref<!tpu.dma_semaphore, #tpu.memory_space<semaphore_mem>>) {add = true}
      %dma_start3A_115 = arith.constant 0 : i32
      %dma_start3A_116 = arith.constant 0 : i32
      %dma_start3A_117 = tpu.memref_slice %arg24[%dma_start3A_115, %dma_start3A_116] : memref<10240x16xf32, #tpu.memory_space<vmem_shared>> -> memref<10240x16xf32, #tpu.memory_space<vmem_shared>>
      tpu.enqueue_indirect_dma source(%arg20 : memref<128x16xf32, #tpu.memory_space<vmem>>) target(%dma_start3A_117 : memref<10240x16xf32, #tpu.memory_space<vmem_shared>>) offsets(%arg14 : memref<128xi32, #tpu.memory_space<vmem>>) semaphore(%arg27 : memref<!tpu.dma_semaphore, #tpu.memory_space<semaphore_mem>>) {add = true}
      %while3A_118 = arith.constant 0 : i32
      scf.yield %while3A_118 : i32
    }
    %dma_wait3A = arith.constant 0 : i32
    %dma_wait3A_42 = arith.constant 0 : i32
    %dma_wait3A_43 = tpu.memref_slice %arg21[%dma_wait3A, %dma_wait3A_42] : memref<10240x48xf32, #tpu.memory_space<vmem_shared>> -> memref<10240x48xf32, #tpu.memory_space<vmem_shared>>
    tpu.wait_indirect_dma semaphore(%arg27 : memref<!tpu.dma_semaphore, #tpu.memory_space<semaphore_mem>>) src(%arg18 : memref<128x48xf32, #tpu.memory_space<vmem>>) dst(%dma_wait3A_43 : memref<10240x48xf32, #tpu.memory_space<vmem_shared>>)
    %dma_wait3A_44 = arith.constant 0 : i32
    %dma_wait3A_45 = arith.constant 0 : i32
    %dma_wait3A_46 = tpu.memref_slice %arg22[%dma_wait3A_44, %dma_wait3A_45] : memref<10240x48xf32, #tpu.memory_space<vmem_shared>> -> memref<10240x48xf32, #tpu.memory_space<vmem_shared>>
    tpu.wait_indirect_dma semaphore(%arg27 : memref<!tpu.dma_semaphore, #tpu.memory_space<semaphore_mem>>) src(%arg18 : memref<128x48xf32, #tpu.memory_space<vmem>>) dst(%dma_wait3A_46 : memref<10240x48xf32, #tpu.memory_space<vmem_shared>>)
    %dma_wait3A_47 = arith.constant 0 : i32
    %dma_wait3A_48 = arith.constant 0 : i32
    %dma_wait3A_49 = tpu.memref_slice %arg23[%dma_wait3A_47, %dma_wait3A_48] : memref<10240x16xf32, #tpu.memory_space<vmem_shared>> -> memref<10240x16xf32, #tpu.memory_space<vmem_shared>>
    tpu.wait_indirect_dma semaphore(%arg27 : memref<!tpu.dma_semaphore, #tpu.memory_space<semaphore_mem>>) src(%arg19 : memref<128x16xf32, #tpu.memory_space<vmem>>) dst(%dma_wait3A_49 : memref<10240x16xf32, #tpu.memory_space<vmem_shared>>)
    %dma_wait3A_50 = arith.constant 0 : i32
    %dma_wait3A_51 = arith.constant 0 : i32
    %dma_wait3A_52 = tpu.memref_slice %arg24[%dma_wait3A_50, %dma_wait3A_51] : memref<10240x16xf32, #tpu.memory_space<vmem_shared>> -> memref<10240x16xf32, #tpu.memory_space<vmem_shared>>
    tpu.wait_indirect_dma semaphore(%arg27 : memref<!tpu.dma_semaphore, #tpu.memory_space<semaphore_mem>>) src(%arg20 : memref<128x16xf32, #tpu.memory_space<vmem>>) dst(%dma_wait3A_52 : memref<10240x16xf32, #tpu.memory_space<vmem_shared>>)
    %barrier3A_53 = arith.constant 0 : index
    tpu.barrier barrier_id(%barrier3A_53)
    %mul3A_54 = arith.constant 10240 : i32
    %mul3A_55 = arith.muli %arg0, %mul3A_54 : i32
    %mul3A_56 = arith.constant 640 : i32
    %mul3A_57 = arith.muli %arg1, %mul3A_56 : i32
    %add3A_58 = arith.addi %mul3A_55, %mul3A_57 : i32
    "tpu.region"() ({
      %run_scoped3A = tpu.sem_alloc : memref<!tpu.dma_semaphore, #tpu.memory_space<semaphore_mem>>
      %dma_start3A = arith.constant 0 : i32
      %dma_start3A_59 = tpu.memref_slice %arg21[%mul3A_8, %dma_start3A] : memref<10240x48xf32, #tpu.memory_space<vmem_shared>> -> memref<640x48xf32, #tpu.memory_space<vmem_shared>>
      %dma_start3A_60 = arith.constant 0 : i32
      %dma_start3A_61 = tpu.memref_slice %arg21[%mul3A_8, %dma_start3A_60] : memref<10240x48xf32, #tpu.memory_space<vmem_shared>> -> memref<640x48xf32, #tpu.memory_space<vmem_shared>>
      tpu.enqueue_dma source(%dma_start3A_61 : memref<640x48xf32, #tpu.memory_space<vmem_shared>>) target(%arg12 : memref<640x48xf32, #tpu.memory_space<vmem>>) target_semaphore(%run_scoped3A : memref<!tpu.dma_semaphore, #tpu.memory_space<semaphore_mem>>)
      %dma_wait3A_62 = arith.constant 0 : i32
      %dma_wait3A_63 = tpu.memref_slice %arg21[%mul3A_8, %dma_wait3A_62] : memref<10240x48xf32, #tpu.memory_space<vmem_shared>> -> memref<640x48xf32, #tpu.memory_space<vmem_shared>>
      %dma_wait3A_64 = arith.constant 0 : i32
      %dma_wait3A_65 = tpu.memref_slice %arg21[%mul3A_8, %dma_wait3A_64] : memref<10240x48xf32, #tpu.memory_space<vmem_shared>> -> memref<640x48xf32, #tpu.memory_space<vmem_shared>>
      tpu.wait_dma2 semaphore(%run_scoped3A : memref<!tpu.dma_semaphore, #tpu.memory_space<semaphore_mem>>) src(%dma_wait3A_65 : memref<640x48xf32, #tpu.memory_space<vmem_shared>>) dst(%arg12 : memref<640x48xf32, #tpu.memory_space<vmem>>)
      tpu.yield
    }) : () -> ()
    "tpu.region"() ({
      %run_scoped3A = tpu.sem_alloc : memref<!tpu.dma_semaphore, #tpu.memory_space<semaphore_mem>>
      %dma_start3A = arith.constant 0 : i32
      %dma_start3A_59 = tpu.memref_slice %arg8[%add3A_58, %dma_start3A] : memref<20480x48xf32, #tpu.memory_space<hbm>> -> memref<640x48xf32, #tpu.memory_space<hbm>>
      %dma_start3A_60 = arith.constant 0 : i32
      %dma_start3A_61 = tpu.memref_slice %arg8[%add3A_58, %dma_start3A_60] : memref<20480x48xf32, #tpu.memory_space<hbm>> -> memref<640x48xf32, #tpu.memory_space<hbm>>
      tpu.enqueue_dma source(%arg12 : memref<640x48xf32, #tpu.memory_space<vmem>>) target(%dma_start3A_61 : memref<640x48xf32, #tpu.memory_space<hbm>>) target_semaphore(%run_scoped3A : memref<!tpu.dma_semaphore, #tpu.memory_space<semaphore_mem>>)
      %dma_wait3A_62 = arith.constant 0 : i32
      %dma_wait3A_63 = tpu.memref_slice %arg8[%add3A_58, %dma_wait3A_62] : memref<20480x48xf32, #tpu.memory_space<hbm>> -> memref<640x48xf32, #tpu.memory_space<hbm>>
      %dma_wait3A_64 = arith.constant 0 : i32
      %dma_wait3A_65 = tpu.memref_slice %arg8[%add3A_58, %dma_wait3A_64] : memref<20480x48xf32, #tpu.memory_space<hbm>> -> memref<640x48xf32, #tpu.memory_space<hbm>>
      tpu.wait_dma2 semaphore(%run_scoped3A : memref<!tpu.dma_semaphore, #tpu.memory_space<semaphore_mem>>) src(%arg12 : memref<640x48xf32, #tpu.memory_space<vmem>>) dst(%dma_wait3A_65 : memref<640x48xf32, #tpu.memory_space<hbm>>)
      tpu.yield
    }) : () -> ()
    "tpu.region"() ({
      %run_scoped3A = tpu.sem_alloc : memref<!tpu.dma_semaphore, #tpu.memory_space<semaphore_mem>>
      %dma_start3A = arith.constant 0 : i32
      %dma_start3A_59 = tpu.memref_slice %arg22[%mul3A_8, %dma_start3A] : memref<10240x48xf32, #tpu.memory_space<vmem_shared>> -> memref<640x48xf32, #tpu.memory_space<vmem_shared>>
      %dma_start3A_60 = arith.constant 0 : i32
      %dma_start3A_61 = tpu.memref_slice %arg22[%mul3A_8, %dma_start3A_60] : memref<10240x48xf32, #tpu.memory_space<vmem_shared>> -> memref<640x48xf32, #tpu.memory_space<vmem_shared>>
      tpu.enqueue_dma source(%dma_start3A_61 : memref<640x48xf32, #tpu.memory_space<vmem_shared>>) target(%arg12 : memref<640x48xf32, #tpu.memory_space<vmem>>) target_semaphore(%run_scoped3A : memref<!tpu.dma_semaphore, #tpu.memory_space<semaphore_mem>>)
      %dma_wait3A_62 = arith.constant 0 : i32
      %dma_wait3A_63 = tpu.memref_slice %arg22[%mul3A_8, %dma_wait3A_62] : memref<10240x48xf32, #tpu.memory_space<vmem_shared>> -> memref<640x48xf32, #tpu.memory_space<vmem_shared>>
      %dma_wait3A_64 = arith.constant 0 : i32
      %dma_wait3A_65 = tpu.memref_slice %arg22[%mul3A_8, %dma_wait3A_64] : memref<10240x48xf32, #tpu.memory_space<vmem_shared>> -> memref<640x48xf32, #tpu.memory_space<vmem_shared>>
      tpu.wait_dma2 semaphore(%run_scoped3A : memref<!tpu.dma_semaphore, #tpu.memory_space<semaphore_mem>>) src(%dma_wait3A_65 : memref<640x48xf32, #tpu.memory_space<vmem_shared>>) dst(%arg12 : memref<640x48xf32, #tpu.memory_space<vmem>>)
      tpu.yield
    }) : () -> ()
    "tpu.region"() ({
      %run_scoped3A = tpu.sem_alloc : memref<!tpu.dma_semaphore, #tpu.memory_space<semaphore_mem>>
      %dma_start3A = arith.constant 0 : i32
      %dma_start3A_59 = tpu.memref_slice %arg9[%add3A_58, %dma_start3A] : memref<20480x48xf32, #tpu.memory_space<hbm>> -> memref<640x48xf32, #tpu.memory_space<hbm>>
      %dma_start3A_60 = arith.constant 0 : i32
      %dma_start3A_61 = tpu.memref_slice %arg9[%add3A_58, %dma_start3A_60] : memref<20480x48xf32, #tpu.memory_space<hbm>> -> memref<640x48xf32, #tpu.memory_space<hbm>>
      tpu.enqueue_dma source(%arg12 : memref<640x48xf32, #tpu.memory_space<vmem>>) target(%dma_start3A_61 : memref<640x48xf32, #tpu.memory_space<hbm>>) target_semaphore(%run_scoped3A : memref<!tpu.dma_semaphore, #tpu.memory_space<semaphore_mem>>)
      %dma_wait3A_62 = arith.constant 0 : i32
      %dma_wait3A_63 = tpu.memref_slice %arg9[%add3A_58, %dma_wait3A_62] : memref<20480x48xf32, #tpu.memory_space<hbm>> -> memref<640x48xf32, #tpu.memory_space<hbm>>
      %dma_wait3A_64 = arith.constant 0 : i32
      %dma_wait3A_65 = tpu.memref_slice %arg9[%add3A_58, %dma_wait3A_64] : memref<20480x48xf32, #tpu.memory_space<hbm>> -> memref<640x48xf32, #tpu.memory_space<hbm>>
      tpu.wait_dma2 semaphore(%run_scoped3A : memref<!tpu.dma_semaphore, #tpu.memory_space<semaphore_mem>>) src(%arg12 : memref<640x48xf32, #tpu.memory_space<vmem>>) dst(%dma_wait3A_65 : memref<640x48xf32, #tpu.memory_space<hbm>>)
      tpu.yield
    }) : () -> ()
    "tpu.region"() ({
      %run_scoped3A = tpu.sem_alloc : memref<!tpu.dma_semaphore, #tpu.memory_space<semaphore_mem>>
      %dma_start3A = arith.constant 0 : i32
      %dma_start3A_59 = arith.constant 0 : i32
      %dma_start3A_60 = tpu.memref_slice %arg12[%dma_start3A, %dma_start3A_59] : memref<640x48xf32, #tpu.memory_space<vmem>> -> memref<640x16xf32, #tpu.memory_space<vmem>>
      %dma_start3A_61 = arith.constant 0 : i32
      %dma_start3A_62 = tpu.memref_slice %arg23[%mul3A_8, %dma_start3A_61] : memref<10240x16xf32, #tpu.memory_space<vmem_shared>> -> memref<640x16xf32, #tpu.memory_space<vmem_shared>>
      %dma_start3A_63 = arith.constant 0 : i32
      %dma_start3A_64 = arith.constant 0 : i32
      %dma_start3A_65 = tpu.memref_slice %arg12[%dma_start3A_63, %dma_start3A_64] : memref<640x48xf32, #tpu.memory_space<vmem>> -> memref<640x16xf32, #tpu.memory_space<vmem>>
      %dma_start3A_66 = arith.constant 0 : i32
      %dma_start3A_67 = tpu.memref_slice %arg23[%mul3A_8, %dma_start3A_66] : memref<10240x16xf32, #tpu.memory_space<vmem_shared>> -> memref<640x16xf32, #tpu.memory_space<vmem_shared>>
      tpu.enqueue_dma source(%dma_start3A_67 : memref<640x16xf32, #tpu.memory_space<vmem_shared>>) target(%dma_start3A_65 : memref<640x16xf32, #tpu.memory_space<vmem>>) target_semaphore(%run_scoped3A : memref<!tpu.dma_semaphore, #tpu.memory_space<semaphore_mem>>)
      %dma_wait3A_68 = arith.constant 0 : i32
      %dma_wait3A_69 = arith.constant 0 : i32
      %dma_wait3A_70 = tpu.memref_slice %arg12[%dma_wait3A_68, %dma_wait3A_69] : memref<640x48xf32, #tpu.memory_space<vmem>> -> memref<640x16xf32, #tpu.memory_space<vmem>>
      %dma_wait3A_71 = arith.constant 0 : i32
      %dma_wait3A_72 = tpu.memref_slice %arg23[%mul3A_8, %dma_wait3A_71] : memref<10240x16xf32, #tpu.memory_space<vmem_shared>> -> memref<640x16xf32, #tpu.memory_space<vmem_shared>>
      %dma_wait3A_73 = arith.constant 0 : i32
      %dma_wait3A_74 = arith.constant 0 : i32
      %dma_wait3A_75 = tpu.memref_slice %arg12[%dma_wait3A_73, %dma_wait3A_74] : memref<640x48xf32, #tpu.memory_space<vmem>> -> memref<640x16xf32, #tpu.memory_space<vmem>>
      %dma_wait3A_76 = arith.constant 0 : i32
      %dma_wait3A_77 = tpu.memref_slice %arg23[%mul3A_8, %dma_wait3A_76] : memref<10240x16xf32, #tpu.memory_space<vmem_shared>> -> memref<640x16xf32, #tpu.memory_space<vmem_shared>>
      tpu.wait_dma2 semaphore(%run_scoped3A : memref<!tpu.dma_semaphore, #tpu.memory_space<semaphore_mem>>) src(%dma_wait3A_77 : memref<640x16xf32, #tpu.memory_space<vmem_shared>>) dst(%dma_wait3A_75 : memref<640x16xf32, #tpu.memory_space<vmem>>)
      tpu.yield
    }) : () -> ()
    "tpu.region"() ({
      %run_scoped3A = tpu.sem_alloc : memref<!tpu.dma_semaphore, #tpu.memory_space<semaphore_mem>>
      %dma_start3A = arith.constant 0 : i32
      %dma_start3A_59 = arith.constant 0 : i32
      %dma_start3A_60 = tpu.memref_slice %arg12[%dma_start3A, %dma_start3A_59] : memref<640x48xf32, #tpu.memory_space<vmem>> -> memref<640x16xf32, #tpu.memory_space<vmem>>
      %dma_start3A_61 = arith.constant 0 : i32
      %dma_start3A_62 = tpu.memref_slice %arg10[%add3A_58, %dma_start3A_61] : memref<20480x16xf32, #tpu.memory_space<hbm>> -> memref<640x16xf32, #tpu.memory_space<hbm>>
      %dma_start3A_63 = arith.constant 0 : i32
      %dma_start3A_64 = tpu.memref_slice %arg10[%add3A_58, %dma_start3A_63] : memref<20480x16xf32, #tpu.memory_space<hbm>> -> memref<640x16xf32, #tpu.memory_space<hbm>>
      %dma_start3A_65 = arith.constant 0 : i32
      %dma_start3A_66 = arith.constant 0 : i32
      %dma_start3A_67 = tpu.memref_slice %arg12[%dma_start3A_65, %dma_start3A_66] : memref<640x48xf32, #tpu.memory_space<vmem>> -> memref<640x16xf32, #tpu.memory_space<vmem>>
      tpu.enqueue_dma source(%dma_start3A_67 : memref<640x16xf32, #tpu.memory_space<vmem>>) target(%dma_start3A_64 : memref<640x16xf32, #tpu.memory_space<hbm>>) target_semaphore(%run_scoped3A : memref<!tpu.dma_semaphore, #tpu.memory_space<semaphore_mem>>)
      %dma_wait3A_68 = arith.constant 0 : i32
      %dma_wait3A_69 = arith.constant 0 : i32
      %dma_wait3A_70 = tpu.memref_slice %arg12[%dma_wait3A_68, %dma_wait3A_69] : memref<640x48xf32, #tpu.memory_space<vmem>> -> memref<640x16xf32, #tpu.memory_space<vmem>>
      %dma_wait3A_71 = arith.constant 0 : i32
      %dma_wait3A_72 = tpu.memref_slice %arg10[%add3A_58, %dma_wait3A_71] : memref<20480x16xf32, #tpu.memory_space<hbm>> -> memref<640x16xf32, #tpu.memory_space<hbm>>
      %dma_wait3A_73 = arith.constant 0 : i32
      %dma_wait3A_74 = tpu.memref_slice %arg10[%add3A_58, %dma_wait3A_73] : memref<20480x16xf32, #tpu.memory_space<hbm>> -> memref<640x16xf32, #tpu.memory_space<hbm>>
      %dma_wait3A_75 = arith.constant 0 : i32
      %dma_wait3A_76 = arith.constant 0 : i32
      %dma_wait3A_77 = tpu.memref_slice %arg12[%dma_wait3A_75, %dma_wait3A_76] : memref<640x48xf32, #tpu.memory_space<vmem>> -> memref<640x16xf32, #tpu.memory_space<vmem>>
      tpu.wait_dma2 semaphore(%run_scoped3A : memref<!tpu.dma_semaphore, #tpu.memory_space<semaphore_mem>>) src(%dma_wait3A_77 : memref<640x16xf32, #tpu.memory_space<vmem>>) dst(%dma_wait3A_74 : memref<640x16xf32, #tpu.memory_space<hbm>>)
      tpu.yield
    }) : () -> ()
    "tpu.region"() ({
      %run_scoped3A = tpu.sem_alloc : memref<!tpu.dma_semaphore, #tpu.memory_space<semaphore_mem>>
      %dma_start3A = arith.constant 0 : i32
      %dma_start3A_59 = arith.constant 0 : i32
      %dma_start3A_60 = tpu.memref_slice %arg12[%dma_start3A, %dma_start3A_59] : memref<640x48xf32, #tpu.memory_space<vmem>> -> memref<640x16xf32, #tpu.memory_space<vmem>>
      %dma_start3A_61 = arith.constant 0 : i32
      %dma_start3A_62 = tpu.memref_slice %arg24[%mul3A_8, %dma_start3A_61] : memref<10240x16xf32, #tpu.memory_space<vmem_shared>> -> memref<640x16xf32, #tpu.memory_space<vmem_shared>>
      %dma_start3A_63 = arith.constant 0 : i32
      %dma_start3A_64 = arith.constant 0 : i32
      %dma_start3A_65 = tpu.memref_slice %arg12[%dma_start3A_63, %dma_start3A_64] : memref<640x48xf32, #tpu.memory_space<vmem>> -> memref<640x16xf32, #tpu.memory_space<vmem>>
      %dma_start3A_66 = arith.constant 0 : i32
      %dma_start3A_67 = tpu.memref_slice %arg24[%mul3A_8, %dma_start3A_66] : memref<10240x16xf32, #tpu.memory_space<vmem_shared>> -> memref<640x16xf32, #tpu.memory_space<vmem_shared>>
      tpu.enqueue_dma source(%dma_start3A_67 : memref<640x16xf32, #tpu.memory_space<vmem_shared>>) target(%dma_start3A_65 : memref<640x16xf32, #tpu.memory_space<vmem>>) target_semaphore(%run_scoped3A : memref<!tpu.dma_semaphore, #tpu.memory_space<semaphore_mem>>)
      %dma_wait3A_68 = arith.constant 0 : i32
      %dma_wait3A_69 = arith.constant 0 : i32
      %dma_wait3A_70 = tpu.memref_slice %arg12[%dma_wait3A_68, %dma_wait3A_69] : memref<640x48xf32, #tpu.memory_space<vmem>> -> memref<640x16xf32, #tpu.memory_space<vmem>>
      %dma_wait3A_71 = arith.constant 0 : i32
      %dma_wait3A_72 = tpu.memref_slice %arg24[%mul3A_8, %dma_wait3A_71] : memref<10240x16xf32, #tpu.memory_space<vmem_shared>> -> memref<640x16xf32, #tpu.memory_space<vmem_shared>>
      %dma_wait3A_73 = arith.constant 0 : i32
      %dma_wait3A_74 = arith.constant 0 : i32
      %dma_wait3A_75 = tpu.memref_slice %arg12[%dma_wait3A_73, %dma_wait3A_74] : memref<640x48xf32, #tpu.memory_space<vmem>> -> memref<640x16xf32, #tpu.memory_space<vmem>>
      %dma_wait3A_76 = arith.constant 0 : i32
      %dma_wait3A_77 = tpu.memref_slice %arg24[%mul3A_8, %dma_wait3A_76] : memref<10240x16xf32, #tpu.memory_space<vmem_shared>> -> memref<640x16xf32, #tpu.memory_space<vmem_shared>>
      tpu.wait_dma2 semaphore(%run_scoped3A : memref<!tpu.dma_semaphore, #tpu.memory_space<semaphore_mem>>) src(%dma_wait3A_77 : memref<640x16xf32, #tpu.memory_space<vmem_shared>>) dst(%dma_wait3A_75 : memref<640x16xf32, #tpu.memory_space<vmem>>)
      tpu.yield
    }) : () -> ()
    "tpu.region"() ({
      %run_scoped3A = tpu.sem_alloc : memref<!tpu.dma_semaphore, #tpu.memory_space<semaphore_mem>>
      %dma_start3A = arith.constant 0 : i32
      %dma_start3A_59 = arith.constant 0 : i32
      %dma_start3A_60 = tpu.memref_slice %arg12[%dma_start3A, %dma_start3A_59] : memref<640x48xf32, #tpu.memory_space<vmem>> -> memref<640x16xf32, #tpu.memory_space<vmem>>
      %dma_start3A_61 = arith.constant 0 : i32
      %dma_start3A_62 = tpu.memref_slice %arg11[%add3A_58, %dma_start3A_61] : memref<20480x16xf32, #tpu.memory_space<hbm>> -> memref<640x16xf32, #tpu.memory_space<hbm>>
      %dma_start3A_63 = arith.constant 0 : i32
      %dma_start3A_64 = tpu.memref_slice %arg11[%add3A_58, %dma_start3A_63] : memref<20480x16xf32, #tpu.memory_space<hbm>> -> memref<640x16xf32, #tpu.memory_space<hbm>>
      %dma_start3A_65 = arith.constant 0 : i32
      %dma_start3A_66 = arith.constant 0 : i32
      %dma_start3A_67 = tpu.memref_slice %arg12[%dma_start3A_65, %dma_start3A_66] : memref<640x48xf32, #tpu.memory_space<vmem>> -> memref<640x16xf32, #tpu.memory_space<vmem>>
      tpu.enqueue_dma source(%dma_start3A_67 : memref<640x16xf32, #tpu.memory_space<vmem>>) target(%dma_start3A_64 : memref<640x16xf32, #tpu.memory_space<hbm>>) target_semaphore(%run_scoped3A : memref<!tpu.dma_semaphore, #tpu.memory_space<semaphore_mem>>)
      %dma_wait3A_68 = arith.constant 0 : i32
      %dma_wait3A_69 = arith.constant 0 : i32
      %dma_wait3A_70 = tpu.memref_slice %arg12[%dma_wait3A_68, %dma_wait3A_69] : memref<640x48xf32, #tpu.memory_space<vmem>> -> memref<640x16xf32, #tpu.memory_space<vmem>>
      %dma_wait3A_71 = arith.constant 0 : i32
      %dma_wait3A_72 = tpu.memref_slice %arg11[%add3A_58, %dma_wait3A_71] : memref<20480x16xf32, #tpu.memory_space<hbm>> -> memref<640x16xf32, #tpu.memory_space<hbm>>
      %dma_wait3A_73 = arith.constant 0 : i32
      %dma_wait3A_74 = tpu.memref_slice %arg11[%add3A_58, %dma_wait3A_73] : memref<20480x16xf32, #tpu.memory_space<hbm>> -> memref<640x16xf32, #tpu.memory_space<hbm>>
      %dma_wait3A_75 = arith.constant 0 : i32
      %dma_wait3A_76 = arith.constant 0 : i32
      %dma_wait3A_77 = tpu.memref_slice %arg12[%dma_wait3A_75, %dma_wait3A_76] : memref<640x48xf32, #tpu.memory_space<vmem>> -> memref<640x16xf32, #tpu.memory_space<vmem>>
      tpu.wait_dma2 semaphore(%run_scoped3A : memref<!tpu.dma_semaphore, #tpu.memory_space<semaphore_mem>>) src(%dma_wait3A_77 : memref<640x16xf32, #tpu.memory_space<vmem>>) dst(%dma_wait3A_74 : memref<640x16xf32, #tpu.memory_space<hbm>>)
      tpu.yield
    }) : () -> ()
    return
  }
}

#map = affine_map<(d0, d1) -> (0)>
#map1 = affine_map<(d0, d1) -> (0, 0)>
module attributes {stable_mosaic.version = 14 : i64} {
  func.func @_seg_body(%arg0: i32, %arg1: i32, %arg2: memref<99200xi32, #tpu.memory_space<hbm>>, %arg3: memref<99200xi32, #tpu.memory_space<hbm>>, %arg4: memref<99200xi32, #tpu.memory_space<hbm>>, %arg5: memref<99200x128xf32, #tpu.memory_space<hbm>>, %arg6: memref<50000x16xf32, #tpu.memory_space<hbm>>, %arg7: memref<50000x16xf32, #tpu.memory_space<hbm>>, %arg8: memref<20480x48xf32, #tpu.memory_space<hbm>>, %arg9: memref<20480x48xf32, #tpu.memory_space<hbm>>, %arg10: memref<20480x16xf32, #tpu.memory_space<hbm>>, %arg11: memref<20480x16xf32, #tpu.memory_space<hbm>>, %arg12: memref<640x48xf32, #tpu.memory_space<vmem>>, %arg13: memref<128xi32, #tpu.memory_space<vmem>>, %arg14: memref<128xi32, #tpu.memory_space<vmem>>, %arg15: memref<128xi32, #tpu.memory_space<vmem>>, %arg16: memref<128xi32, #tpu.memory_space<vmem>>, %arg17: memref<128xi32, #tpu.memory_space<vmem>>, %arg18: memref<128x48xf32, #tpu.memory_space<vmem>>, %arg19: memref<128x16xf32, #tpu.memory_space<vmem>>, %arg20: memref<128x16xf32, #tpu.memory_space<vmem>>, %arg21: memref<10240x48xf32, #tpu.memory_space<vmem_shared>>, %arg22: memref<10240x48xf32, #tpu.memory_space<vmem_shared>>, %arg23: memref<10240x16xf32, #tpu.memory_space<vmem_shared>>, %arg24: memref<10240x16xf32, #tpu.memory_space<vmem_shared>>, %arg25: memref<!tpu.dma_semaphore, #tpu.memory_space<semaphore_mem>>, %arg26: memref<!tpu.dma_semaphore, #tpu.memory_space<semaphore_mem>>, %arg27: memref<!tpu.dma_semaphore, #tpu.memory_space<semaphore_mem>>) attributes {dimension_semantics = [#tpu.dimension_semantics<core_parallel>, #tpu.dimension_semantics<subcore_parallel>], iteration_bounds = array<i64: 2, 16>, scalar_prefetch = 0 : i64, scratch_operands = 16 : i64, tpu.core_type = #tpu.core_type<sc_vector_subcore>, window_params = [{transform_indices = #map}, {transform_indices = #map}, {transform_indices = #map}, {transform_indices = #map1}, {transform_indices = #map1}, {transform_indices = #map1}, {transform_indices = #map1}, {transform_indices = #map1}, {transform_indices = #map1}, {transform_indices = #map1}]} {
    %mul3A = arith.constant 2 : i32
    %mul3A_0 = arith.muli %arg1, %mul3A : i32
    %add3A = arith.addi %mul3A_0, %arg0 : i32
    %scan3A = arith.constant 0 : i32
    %scan3A_1 = arith.constant 0 : i32
    %scan3A_2 = arith.constant 640 : i32
    %scan3A_3 = arith.addi %scan3A_1, %scan3A_2 : i32
    %scan3A_4 = arith.constant 1 : i32
    %scan3A_5 = scf.for %scan3A_59 = %scan3A_1 to %scan3A_3 step %scan3A_4 iter_args(%scan3A_60 = %scan3A) -> (i32)  : i32 {
      %broadcast_in_dim3A = arith.constant 0.000000e+00 : f32
      %broadcast_in_dim3A_61 = vector.broadcast %broadcast_in_dim3A : f32 to vector<16xf32>
      %swap3A = arith.index_cast %scan3A_59 : i32 to index
      %swap3A_62 = arith.constant 0 : index
      %swap3A_63 = tpu.vector_load %arg12[%swap3A, %swap3A_62] {strides = array<i32>} : memref<640x48xf32, #tpu.memory_space<vmem>>, vector<1x16xf32>,
      %swap3A_64 = vector.shape_cast %swap3A_63 : vector<1x16xf32> to vector<16xf32>
      %swap3A_65 = vector.shape_cast %broadcast_in_dim3A_61 : vector<16xf32> to vector<1x16xf32>
      tpu.vector_store %arg12[%swap3A, %swap3A_62], %swap3A_65 {strides = array<i32>} : memref<640x48xf32, #tpu.memory_space<vmem>>, vector<1x16xf32>,
      %broadcast_in_dim3A_66 = arith.constant 0.000000e+00 : f32
      %broadcast_in_dim3A_67 = vector.broadcast %broadcast_in_dim3A_66 : f32 to vector<16xf32>
      %swap3A_68 = arith.index_cast %scan3A_59 : i32 to index
      %swap3A_69 = arith.constant 16 : index
      %swap3A_70 = tpu.vector_load %arg12[%swap3A_68, %swap3A_69] {strides = array<i32>} : memref<640x48xf32, #tpu.memory_space<vmem>>, vector<1x16xf32>,
      %swap3A_71 = vector.shape_cast %swap3A_70 : vector<1x16xf32> to vector<16xf32>
      %swap3A_72 = vector.shape_cast %broadcast_in_dim3A_67 : vector<16xf32> to vector<1x16xf32>
      tpu.vector_store %arg12[%swap3A_68, %swap3A_69], %swap3A_72 {strides = array<i32>} : memref<640x48xf32, #tpu.memory_space<vmem>>, vector<1x16xf32>,
      %broadcast_in_dim3A_73 = arith.constant 0.000000e+00 : f32
      %broadcast_in_dim3A_74 = vector.broadcast %broadcast_in_dim3A_73 : f32 to vector<16xf32>
      %swap3A_75 = arith.index_cast %scan3A_59 : i32 to index
      %swap3A_76 = arith.constant 32 : index
      %swap3A_77 = tpu.vector_load %arg12[%swap3A_75, %swap3A_76] {strides = array<i32>} : memref<640x48xf32, #tpu.memory_space<vmem>>, vector<1x16xf32>,
      %swap3A_78 = vector.shape_cast %swap3A_77 : vector<1x16xf32> to vector<16xf32>
      %swap3A_79 = vector.shape_cast %broadcast_in_dim3A_74 : vector<16xf32> to vector<1x16xf32>
      tpu.vector_store %arg12[%swap3A_75, %swap3A_76], %swap3A_79 {strides = array<i32>} : memref<640x48xf32, #tpu.memory_space<vmem>>, vector<1x16xf32>,
      %scan3A_80 = arith.constant 0 : i32
      scf.yield %scan3A_80 : i32
    }
    %scan3A_6 = arith.constant 640 : i32
    %mul3A_7 = arith.constant 640 : i32
    %mul3A_8 = arith.muli %arg1, %mul3A_7 : i32
    "tpu.region"() ({
      %run_scoped3A = tpu.sem_alloc : memref<!tpu.dma_semaphore, #tpu.memory_space<semaphore_mem>>
      %dma_start3A = arith.constant 0 : i32
      %dma_start3A_59 = tpu.memref_slice %arg21[%mul3A_8, %dma_start3A] : memref<10240x48xf32, #tpu.memory_space<vmem_shared>> -> memref<640x48xf32, #tpu.memory_space<vmem_shared>>
      %dma_start3A_60 = arith.constant 0 : i32
      %dma_start3A_61 = tpu.memref_slice %arg21[%mul3A_8, %dma_start3A_60] : memref<10240x48xf32, #tpu.memory_space<vmem_shared>> -> memref<640x48xf32, #tpu.memory_space<vmem_shared>>
      tpu.enqueue_dma source(%arg12 : memref<640x48xf32, #tpu.memory_space<vmem>>) target(%dma_start3A_61 : memref<640x48xf32, #tpu.memory_space<vmem_shared>>) target_semaphore(%run_scoped3A : memref<!tpu.dma_semaphore, #tpu.memory_space<semaphore_mem>>)
      %dma_wait3A_62 = arith.constant 0 : i32
      %dma_wait3A_63 = tpu.memref_slice %arg21[%mul3A_8, %dma_wait3A_62] : memref<10240x48xf32, #tpu.memory_space<vmem_shared>> -> memref<640x48xf32, #tpu.memory_space<vmem_shared>>
      %dma_wait3A_64 = arith.constant 0 : i32
      %dma_wait3A_65 = tpu.memref_slice %arg21[%mul3A_8, %dma_wait3A_64] : memref<10240x48xf32, #tpu.memory_space<vmem_shared>> -> memref<640x48xf32, #tpu.memory_space<vmem_shared>>
      tpu.wait_dma2 semaphore(%run_scoped3A : memref<!tpu.dma_semaphore, #tpu.memory_space<semaphore_mem>>) src(%arg12 : memref<640x48xf32, #tpu.memory_space<vmem>>) dst(%dma_wait3A_65 : memref<640x48xf32, #tpu.memory_space<vmem_shared>>)
      tpu.yield
    }) : () -> ()
    "tpu.region"() ({
      %run_scoped3A = tpu.sem_alloc : memref<!tpu.dma_semaphore, #tpu.memory_space<semaphore_mem>>
      %dma_start3A = arith.constant 0 : i32
      %dma_start3A_59 = tpu.memref_slice %arg22[%mul3A_8, %dma_start3A] : memref<10240x48xf32, #tpu.memory_space<vmem_shared>> -> memref<640x48xf32, #tpu.memory_space<vmem_shared>>
      %dma_start3A_60 = arith.constant 0 : i32
      %dma_start3A_61 = tpu.memref_slice %arg22[%mul3A_8, %dma_start3A_60] : memref<10240x48xf32, #tpu.memory_space<vmem_shared>> -> memref<640x48xf32, #tpu.memory_space<vmem_shared>>
      tpu.enqueue_dma source(%arg12 : memref<640x48xf32, #tpu.memory_space<vmem>>) target(%dma_start3A_61 : memref<640x48xf32, #tpu.memory_space<vmem_shared>>) target_semaphore(%run_scoped3A : memref<!tpu.dma_semaphore, #tpu.memory_space<semaphore_mem>>)
      %dma_wait3A_62 = arith.constant 0 : i32
      %dma_wait3A_63 = tpu.memref_slice %arg22[%mul3A_8, %dma_wait3A_62] : memref<10240x48xf32, #tpu.memory_space<vmem_shared>> -> memref<640x48xf32, #tpu.memory_space<vmem_shared>>
      %dma_wait3A_64 = arith.constant 0 : i32
      %dma_wait3A_65 = tpu.memref_slice %arg22[%mul3A_8, %dma_wait3A_64] : memref<10240x48xf32, #tpu.memory_space<vmem_shared>> -> memref<640x48xf32, #tpu.memory_space<vmem_shared>>
      tpu.wait_dma2 semaphore(%run_scoped3A : memref<!tpu.dma_semaphore, #tpu.memory_space<semaphore_mem>>) src(%arg12 : memref<640x48xf32, #tpu.memory_space<vmem>>) dst(%dma_wait3A_65 : memref<640x48xf32, #tpu.memory_space<vmem_shared>>)
      tpu.yield
    }) : () -> ()
    "tpu.region"() ({
      %run_scoped3A = tpu.sem_alloc : memref<!tpu.dma_semaphore, #tpu.memory_space<semaphore_mem>>
      %dma_start3A = arith.constant 0 : i32
      %dma_start3A_59 = arith.constant 0 : i32
      %dma_start3A_60 = tpu.memref_slice %arg12[%dma_start3A, %dma_start3A_59] : memref<640x48xf32, #tpu.memory_space<vmem>> -> memref<640x16xf32, #tpu.memory_space<vmem>>
      %dma_start3A_61 = arith.constant 0 : i32
      %dma_start3A_62 = tpu.memref_slice %arg23[%mul3A_8, %dma_start3A_61] : memref<10240x16xf32, #tpu.memory_space<vmem_shared>> -> memref<640x16xf32, #tpu.memory_space<vmem_shared>>
      %dma_start3A_63 = arith.constant 0 : i32
      %dma_start3A_64 = tpu.memref_slice %arg23[%mul3A_8, %dma_start3A_63] : memref<10240x16xf32, #tpu.memory_space<vmem_shared>> -> memref<640x16xf32, #tpu.memory_space<vmem_shared>>
      %dma_start3A_65 = arith.constant 0 : i32
      %dma_start3A_66 = arith.constant 0 : i32
      %dma_start3A_67 = tpu.memref_slice %arg12[%dma_start3A_65, %dma_start3A_66] : memref<640x48xf32, #tpu.memory_space<vmem>> -> memref<640x16xf32, #tpu.memory_space<vmem>>
      tpu.enqueue_dma source(%dma_start3A_67 : memref<640x16xf32, #tpu.memory_space<vmem>>) target(%dma_start3A_64 : memref<640x16xf32, #tpu.memory_space<vmem_shared>>) target_semaphore(%run_scoped3A : memref<!tpu.dma_semaphore, #tpu.memory_space<semaphore_mem>>)
      %dma_wait3A_68 = arith.constant 0 : i32
      %dma_wait3A_69 = arith.constant 0 : i32
      %dma_wait3A_70 = tpu.memref_slice %arg12[%dma_wait3A_68, %dma_wait3A_69] : memref<640x48xf32, #tpu.memory_space<vmem>> -> memref<640x16xf32, #tpu.memory_space<vmem>>
      %dma_wait3A_71 = arith.constant 0 : i32
      %dma_wait3A_72 = tpu.memref_slice %arg23[%mul3A_8, %dma_wait3A_71] : memref<10240x16xf32, #tpu.memory_space<vmem_shared>> -> memref<640x16xf32, #tpu.memory_space<vmem_shared>>
      %dma_wait3A_73 = arith.constant 0 : i32
      %dma_wait3A_74 = tpu.memref_slice %arg23[%mul3A_8, %dma_wait3A_73] : memref<10240x16xf32, #tpu.memory_space<vmem_shared>> -> memref<640x16xf32, #tpu.memory_space<vmem_shared>>
      %dma_wait3A_75 = arith.constant 0 : i32
      %dma_wait3A_76 = arith.constant 0 : i32
      %dma_wait3A_77 = tpu.memref_slice %arg12[%dma_wait3A_75, %dma_wait3A_76] : memref<640x48xf32, #tpu.memory_space<vmem>> -> memref<640x16xf32, #tpu.memory_space<vmem>>
      tpu.wait_dma2 semaphore(%run_scoped3A : memref<!tpu.dma_semaphore, #tpu.memory_space<semaphore_mem>>) src(%dma_wait3A_77 : memref<640x16xf32, #tpu.memory_space<vmem>>) dst(%dma_wait3A_74 : memref<640x16xf32, #tpu.memory_space<vmem_shared>>)
      tpu.yield
    }) : () -> ()
    "tpu.region"() ({
      %run_scoped3A = tpu.sem_alloc : memref<!tpu.dma_semaphore, #tpu.memory_space<semaphore_mem>>
      %dma_start3A = arith.constant 0 : i32
      %dma_start3A_59 = arith.constant 0 : i32
      %dma_start3A_60 = tpu.memref_slice %arg12[%dma_start3A, %dma_start3A_59] : memref<640x48xf32, #tpu.memory_space<vmem>> -> memref<640x16xf32, #tpu.memory_space<vmem>>
      %dma_start3A_61 = arith.constant 0 : i32
      %dma_start3A_62 = tpu.memref_slice %arg24[%mul3A_8, %dma_start3A_61] : memref<10240x16xf32, #tpu.memory_space<vmem_shared>> -> memref<640x16xf32, #tpu.memory_space<vmem_shared>>
      %dma_start3A_63 = arith.constant 0 : i32
      %dma_start3A_64 = tpu.memref_slice %arg24[%mul3A_8, %dma_start3A_63] : memref<10240x16xf32, #tpu.memory_space<vmem_shared>> -> memref<640x16xf32, #tpu.memory_space<vmem_shared>>
      %dma_start3A_65 = arith.constant 0 : i32
      %dma_start3A_66 = arith.constant 0 : i32
      %dma_start3A_67 = tpu.memref_slice %arg12[%dma_start3A_65, %dma_start3A_66] : memref<640x48xf32, #tpu.memory_space<vmem>> -> memref<640x16xf32, #tpu.memory_space<vmem>>
      tpu.enqueue_dma source(%dma_start3A_67 : memref<640x16xf32, #tpu.memory_space<vmem>>) target(%dma_start3A_64 : memref<640x16xf32, #tpu.memory_space<vmem_shared>>) target_semaphore(%run_scoped3A : memref<!tpu.dma_semaphore, #tpu.memory_space<semaphore_mem>>)
      %dma_wait3A_68 = arith.constant 0 : i32
      %dma_wait3A_69 = arith.constant 0 : i32
      %dma_wait3A_70 = tpu.memref_slice %arg12[%dma_wait3A_68, %dma_wait3A_69] : memref<640x48xf32, #tpu.memory_space<vmem>> -> memref<640x16xf32, #tpu.memory_space<vmem>>
      %dma_wait3A_71 = arith.constant 0 : i32
      %dma_wait3A_72 = tpu.memref_slice %arg24[%mul3A_8, %dma_wait3A_71] : memref<10240x16xf32, #tpu.memory_space<vmem_shared>> -> memref<640x16xf32, #tpu.memory_space<vmem_shared>>
      %dma_wait3A_73 = arith.constant 0 : i32
      %dma_wait3A_74 = tpu.memref_slice %arg24[%mul3A_8, %dma_wait3A_73] : memref<10240x16xf32, #tpu.memory_space<vmem_shared>> -> memref<640x16xf32, #tpu.memory_space<vmem_shared>>
      %dma_wait3A_75 = arith.constant 0 : i32
      %dma_wait3A_76 = arith.constant 0 : i32
      %dma_wait3A_77 = tpu.memref_slice %arg12[%dma_wait3A_75, %dma_wait3A_76] : memref<640x48xf32, #tpu.memory_space<vmem>> -> memref<640x16xf32, #tpu.memory_space<vmem>>
      tpu.wait_dma2 semaphore(%run_scoped3A : memref<!tpu.dma_semaphore, #tpu.memory_space<semaphore_mem>>) src(%dma_wait3A_77 : memref<640x16xf32, #tpu.memory_space<vmem>>) dst(%dma_wait3A_74 : memref<640x16xf32, #tpu.memory_space<vmem_shared>>)
      tpu.yield
    }) : () -> ()
    %barrier3A = arith.constant 0 : index
    tpu.barrier barrier_id(%barrier3A)
    %sub3A = arith.constant 775 : i32
    %sub3A_9 = arith.subi %sub3A, %add3A : i32
    %add3A_10 = arith.constant 32 : i32
    %add3A_11 = arith.addi %sub3A_9, %add3A_10 : i32
    %sub3A_12 = arith.constant 1 : i32
    %sub3A_13 = arith.subi %add3A_11, %sub3A_12 : i32
    %jit3A = arith.constant 32 : i32
    %div3A = arith.divsi %sub3A_13, %jit3A : i32
    %sign3A = arith.constant 0 : i32
    %sign3A_14 = arith.cmpi sgt, %sub3A_13, %sign3A : i32
    %sign3A_15 = arith.extui %sign3A_14 : i1 to i32
    %sign3A_16 = arith.constant 0 : i32
    %sign3A_17 = arith.cmpi slt, %sub3A_13, %sign3A_16 : i32
    %sign3A_18 = arith.extui %sign3A_17 : i1 to i32
    %sign3A_19 = arith.subi %sign3A_15, %sign3A_18 : i32
    %sign3A_20 = arith.constant 0 : i32
    %sign3A_21 = arith.cmpi sgt, %jit3A, %sign3A_20 : i32
    %sign3A_22 = arith.extui %sign3A_21 : i1 to i32
    %sign3A_23 = arith.constant 0 : i32
    %sign3A_24 = arith.cmpi slt, %jit3A, %sign3A_23 : i32
    %sign3A_25 = arith.extui %sign3A_24 : i1 to i32
    %sign3A_26 = arith.subi %sign3A_22, %sign3A_25 : i32
    %ne3A = arith.cmpi ne, %sign3A_19, %sign3A_26 : i32
    %rem3A = arith.remsi %sub3A_13, %jit3A : i32
    %ne3A_27 = arith.constant 0 : i32
    %ne3A_28 = arith.cmpi ne, %rem3A, %ne3A_27 : i32
    %and3A = arith.andi %ne3A, %ne3A_28 : i1
    %sub3A_29 = arith.constant 1 : i32
    %sub3A_30 = arith.subi %div3A, %sub3A_29 : i32
    %select_n3A = arith.select %and3A, %sub3A_30, %div3A : i32
    %while3A = arith.constant 0 : i32
    %while3A_31 = arith.constant 0 : i32
    %while3A_32 = arith.subi %select_n3A, %while3A : i32
    %while3A_33 = arith.addi %while3A, %while3A_32 : i32
    %while3A_34 = arith.constant 1 : i32
    %while3A_35 = arith.divsi %while3A_32, %while3A_34 : i32
    %while3A_36 = arith.muli %while3A_35, %while3A_34 : i32
    %while3A_37 = arith.addi %while3A, %while3A_36 : i32
    %while3A_38 = arith.constant 1 : i32
    %while3A_39 = scf.for %while3A_59 = %while3A to %while3A_37 step %while3A_38 iter_args(%while3A_60 = %while3A_31) -> (i32)  : i32 {
      %mul3A_61 = arith.constant 32 : i32
      %mul3A_62 = arith.muli %while3A_59, %mul3A_61 : i32
      %add3A_63 = arith.addi %add3A, %mul3A_62 : i32
      %mul3A_64 = arith.constant 128 : i32
      %mul3A_65 = arith.muli %add3A_63, %mul3A_64 : i32
      %gt3A = arith.constant 0 : i32
      %gt3A_66 = arith.cmpi sgt, %while3A_59, %gt3A : i32
      %convert_element_type3A = arith.extui %gt3A_66 : i1 to i32
      %cond3A = arith.constant 0 : i32
      %cond3A_67 = arith.cmpi ne, %convert_element_type3A, %cond3A : i32
      scf.if %cond3A_67 {
        %dma_wait3A_119 = arith.constant 0 : i32
        %dma_wait3A_120 = arith.constant 0 : i32
        %dma_wait3A_121 = tpu.memref_slice %arg21[%dma_wait3A_119, %dma_wait3A_120] : memref<10240x48xf32, #tpu.memory_space<vmem_shared>> -> memref<10240x48xf32, #tpu.memory_space<vmem_shared>>
        tpu.wait_indirect_dma semaphore(%arg27 : memref<!tpu.dma_semaphore, #tpu.memory_space<semaphore_mem>>) src(%arg18 : memref<128x48xf32, #tpu.memory_space<vmem>>) dst(%dma_wait3A_121 : memref<10240x48xf32, #tpu.memory_space<vmem_shared>>)
        %dma_wait3A_122 = arith.constant 0 : i32
        %dma_wait3A_123 = arith.constant 0 : i32
        %dma_wait3A_124 = tpu.memref_slice %arg22[%dma_wait3A_122, %dma_wait3A_123] : memref<10240x48xf32, #tpu.memory_space<vmem_shared>> -> memref<10240x48xf32, #tpu.memory_space<vmem_shared>>
        tpu.wait_indirect_dma semaphore(%arg27 : memref<!tpu.dma_semaphore, #tpu.memory_space<semaphore_mem>>) src(%arg18 : memref<128x48xf32, #tpu.memory_space<vmem>>) dst(%dma_wait3A_124 : memref<10240x48xf32, #tpu.memory_space<vmem_shared>>)
        %dma_wait3A_125 = arith.constant 0 : i32
        %dma_wait3A_126 = arith.constant 0 : i32
        %dma_wait3A_127 = tpu.memref_slice %arg23[%dma_wait3A_125, %dma_wait3A_126] : memref<10240x16xf32, #tpu.memory_space<vmem_shared>> -> memref<10240x16xf32, #tpu.memory_space<vmem_shared>>
        tpu.wait_indirect_dma semaphore(%arg27 : memref<!tpu.dma_semaphore, #tpu.memory_space<semaphore_mem>>) src(%arg19 : memref<128x16xf32, #tpu.memory_space<vmem>>) dst(%dma_wait3A_127 : memref<10240x16xf32, #tpu.memory_space<vmem_shared>>)
        %dma_wait3A_128 = arith.constant 0 : i32
        %dma_wait3A_129 = arith.constant 0 : i32
        %dma_wait3A_130 = tpu.memref_slice %arg24[%dma_wait3A_128, %dma_wait3A_129] : memref<10240x16xf32, #tpu.memory_space<vmem_shared>> -> memref<10240x16xf32, #tpu.memory_space<vmem_shared>>
        tpu.wait_indirect_dma semaphore(%arg27 : memref<!tpu.dma_semaphore, #tpu.memory_space<semaphore_mem>>) src(%arg20 : memref<128x16xf32, #tpu.memory_space<vmem>>) dst(%dma_wait3A_130 : memref<10240x16xf32, #tpu.memory_space<vmem_shared>>)
      } else {
      }
      %dma_start3A = tpu.memref_slice %arg2[%mul3A_65] : memref<99200xi32, #tpu.memory_space<hbm>> -> memref<128xi32, #tpu.memory_space<hbm>>
      %dma_start3A_68 = tpu.memref_slice %arg2[%mul3A_65] : memref<99200xi32, #tpu.memory_space<hbm>> -> memref<128xi32, #tpu.memory_space<hbm>>
      tpu.enqueue_dma source(%dma_start3A_68 : memref<128xi32, #tpu.memory_space<hbm>>) target(%arg13 : memref<128xi32, #tpu.memory_space<vmem>>) target_semaphore(%arg25 : memref<!tpu.dma_semaphore, #tpu.memory_space<semaphore_mem>>)
      %dma_start3A_69 = tpu.memref_slice %arg3[%mul3A_65] : memref<99200xi32, #tpu.memory_space<hbm>> -> memref<128xi32, #tpu.memory_space<hbm>>
      %dma_start3A_70 = tpu.memref_slice %arg3[%mul3A_65] : memref<99200xi32, #tpu.memory_space<hbm>> -> memref<128xi32, #tpu.memory_space<hbm>>
      tpu.enqueue_dma source(%dma_start3A_70 : memref<128xi32, #tpu.memory_space<hbm>>) target(%arg14 : memref<128xi32, #tpu.memory_space<vmem>>) target_semaphore(%arg25 : memref<!tpu.dma_semaphore, #tpu.memory_space<semaphore_mem>>)
      %dma_start3A_71 = tpu.memref_slice %arg4[%mul3A_65] : memref<99200xi32, #tpu.memory_space<hbm>> -> memref<128xi32, #tpu.memory_space<hbm>>
      %dma_start3A_72 = tpu.memref_slice %arg4[%mul3A_65] : memref<99200xi32, #tpu.memory_space<hbm>> -> memref<128xi32, #tpu.memory_space<hbm>>
      tpu.enqueue_dma source(%dma_start3A_72 : memref<128xi32, #tpu.memory_space<hbm>>) target(%arg15 : memref<128xi32, #tpu.memory_space<vmem>>) target_semaphore(%arg25 : memref<!tpu.dma_semaphore, #tpu.memory_space<semaphore_mem>>)
      %dma_start3A_73 = arith.constant 0 : i32
      %dma_start3A_74 = tpu.memref_slice %arg5[%mul3A_65, %dma_start3A_73] : memref<99200x128xf32, #tpu.memory_space<hbm>> -> memref<128x48xf32, #tpu.memory_space<hbm>>
      %dma_start3A_75 = arith.constant 0 : i32
      %dma_start3A_76 = tpu.memref_slice %arg5[%mul3A_65, %dma_start3A_75] : memref<99200x128xf32, #tpu.memory_space<hbm>> -> memref<128x48xf32, #tpu.memory_space<hbm>>
      tpu.enqueue_dma source(%dma_start3A_76 : memref<128x48xf32, #tpu.memory_space<hbm>>) target(%arg18 : memref<128x48xf32, #tpu.memory_space<vmem>>) target_semaphore(%arg25 : memref<!tpu.dma_semaphore, #tpu.memory_space<semaphore_mem>>)
      %dma_wait3A_77 = tpu.memref_slice %arg2[%mul3A_65] : memref<99200xi32, #tpu.memory_space<hbm>> -> memref<128xi32, #tpu.memory_space<hbm>>
      %dma_wait3A_78 = tpu.memref_slice %arg2[%mul3A_65] : memref<99200xi32, #tpu.memory_space<hbm>> -> memref<128xi32, #tpu.memory_space<hbm>>
      tpu.wait_dma2 semaphore(%arg25 : memref<!tpu.dma_semaphore, #tpu.memory_space<semaphore_mem>>) src(%dma_wait3A_78 : memref<128xi32, #tpu.memory_space<hbm>>) dst(%arg13 : memref<128xi32, #tpu.memory_space<vmem>>)
      %dma_wait3A_79 = tpu.memref_slice %arg3[%mul3A_65] : memref<99200xi32, #tpu.memory_space<hbm>> -> memref<128xi32, #tpu.memory_space<hbm>>
      %dma_wait3A_80 = tpu.memref_slice %arg3[%mul3A_65] : memref<99200xi32, #tpu.memory_space<hbm>> -> memref<128xi32, #tpu.memory_space<hbm>>
      tpu.wait_dma2 semaphore(%arg25 : memref<!tpu.dma_semaphore, #tpu.memory_space<semaphore_mem>>) src(%dma_wait3A_80 : memref<128xi32, #tpu.memory_space<hbm>>) dst(%arg14 : memref<128xi32, #tpu.memory_space<vmem>>)
      %dma_wait3A_81 = tpu.memref_slice %arg4[%mul3A_65] : memref<99200xi32, #tpu.memory_space<hbm>> -> memref<128xi32, #tpu.memory_space<hbm>>
      %dma_wait3A_82 = tpu.memref_slice %arg4[%mul3A_65] : memref<99200xi32, #tpu.memory_space<hbm>> -> memref<128xi32, #tpu.memory_space<hbm>>
      tpu.wait_dma2 semaphore(%arg25 : memref<!tpu.dma_semaphore, #tpu.memory_space<semaphore_mem>>) src(%dma_wait3A_82 : memref<128xi32, #tpu.memory_space<hbm>>) dst(%arg15 : memref<128xi32, #tpu.memory_space<vmem>>)
      %dma_wait3A_83 = arith.constant 0 : i32
      %dma_wait3A_84 = tpu.memref_slice %arg5[%mul3A_65, %dma_wait3A_83] : memref<99200x128xf32, #tpu.memory_space<hbm>> -> memref<128x48xf32, #tpu.memory_space<hbm>>
      %dma_wait3A_85 = arith.constant 0 : i32
      %dma_wait3A_86 = tpu.memref_slice %arg5[%mul3A_65, %dma_wait3A_85] : memref<99200x128xf32, #tpu.memory_space<hbm>> -> memref<128x48xf32, #tpu.memory_space<hbm>>
      tpu.wait_dma2 semaphore(%arg25 : memref<!tpu.dma_semaphore, #tpu.memory_space<semaphore_mem>>) src(%dma_wait3A_86 : memref<128x48xf32, #tpu.memory_space<hbm>>) dst(%arg18 : memref<128x48xf32, #tpu.memory_space<vmem>>)
      %scan3A_87 = arith.constant 0 : i32
      %scan3A_88 = arith.constant 0 : i32
      %scan3A_89 = arith.constant 8 : i32
      %scan3A_90 = arith.addi %scan3A_88, %scan3A_89 : i32
      %scan3A_91 = arith.constant 1 : i32
      %scan3A_92 = scf.for %scan3A_119 = %scan3A_88 to %scan3A_90 step %scan3A_91 iter_args(%scan3A_120 = %scan3A_87) -> (i32)  : i32 {
        %mul3A_121 = arith.constant 16 : i32
        %mul3A_122 = arith.muli %scan3A_119, %mul3A_121 : i32
        %get3A = arith.index_cast %mul3A_122 : i32 to index
        %get3A_123 = tpu.vector_load %arg15[%get3A] {strides = array<i32>} : memref<128xi32, #tpu.memory_space<vmem>>, vector<16xi32>,
        %get3A_124 = vector.shape_cast %get3A_123 : vector<16xi32> to vector<16xi32>
        %eq3A = arith.constant 0 : i32
        %eq3A_125 = vector.broadcast %eq3A : i32 to vector<16xi32>
        %eq3A_126 = arith.cmpi eq, %get3A_124, %eq3A_125 : vector<16xi32>
        %sub3A_127 = arith.constant 1 : i32
        %sub3A_128 = vector.broadcast %sub3A_127 : i32 to vector<16xi32>
        %sub3A_129 = arith.subi %get3A_124, %sub3A_128 : vector<16xi32>
        %jit3A_130 = arith.constant 4 : i32
        %broadcast_in_dim3A = vector.broadcast %jit3A_130 : i32 to vector<16xi32>
        %select_n3A_131 = arith.select %eq3A_126, %broadcast_in_dim3A, %sub3A_129 : vector<16xi1>, vector<16xi32>
        %get3A_132 = arith.index_cast %mul3A_122 : i32 to index
        %get3A_133 = tpu.vector_load %arg14[%get3A_132] {strides = array<i32>} : memref<128xi32, #tpu.memory_space<vmem>>, vector<16xi32>,
        %get3A_134 = vector.shape_cast %get3A_133 : vector<16xi32> to vector<16xi32>
        %mul3A_135 = arith.constant 5 : i32
        %mul3A_136 = vector.broadcast %mul3A_135 : i32 to vector<16xi32>
        %mul3A_137 = arith.muli %get3A_134, %mul3A_136 : vector<16xi32>
        %add3A_138 = arith.addi %mul3A_137, %select_n3A_131 : vector<16xi32>
        %swap3A = arith.index_cast %mul3A_122 : i32 to index
        %swap3A_139 = tpu.vector_load %arg16[%swap3A] {strides = array<i32>} : memref<128xi32, #tpu.memory_space<vmem>>, vector<16xi32>,
        %swap3A_140 = vector.shape_cast %swap3A_139 : vector<16xi32> to vector<16xi32>
        %swap3A_141 = vector.shape_cast %add3A_138 : vector<16xi32> to vector<16xi32>
        tpu.vector_store %arg16[%swap3A], %swap3A_141 {strides = array<i32>} : memref<128xi32, #tpu.memory_space<vmem>>, vector<16xi32>,
        %get3A_142 = arith.index_cast %mul3A_122 : i32 to index
        %get3A_143 = tpu.vector_load %arg13[%get3A_142] {strides = array<i32>} : memref<128xi32, #tpu.memory_space<vmem>>, vector<16xi32>,
        %get3A_144 = vector.shape_cast %get3A_143 : vector<16xi32> to vector<16xi32>
        %mul3A_145 = arith.constant 5 : i32
        %mul3A_146 = vector.broadcast %mul3A_145 : i32 to vector<16xi32>
        %mul3A_147 = arith.muli %get3A_144, %mul3A_146 : vector<16xi32>
        %add3A_148 = arith.addi %mul3A_147, %select_n3A_131 : vector<16xi32>
        %swap3A_149 = arith.index_cast %mul3A_122 : i32 to index
        %swap3A_150 = tpu.vector_load %arg17[%swap3A_149] {strides = array<i32>} : memref<128xi32, #tpu.memory_space<vmem>>, vector<16xi32>,
        %swap3A_151 = vector.shape_cast %swap3A_150 : vector<16xi32> to vector<16xi32>
        %swap3A_152 = vector.shape_cast %add3A_148 : vector<16xi32> to vector<16xi32>
        tpu.vector_store %arg17[%swap3A_149], %swap3A_152 {strides = array<i32>} : memref<128xi32, #tpu.memory_space<vmem>>, vector<16xi32>,
        %scan3A_153 = arith.constant 0 : i32
        scf.yield %scan3A_153 : i32
      }
      %scan3A_93 = arith.constant 8 : i32
      %dma_start3A_94 = arith.constant 0 : i32
      %dma_start3A_95 = arith.constant 0 : i32
      %dma_start3A_96 = tpu.memref_slice %arg6[%dma_start3A_94, %dma_start3A_95] : memref<50000x16xf32, #tpu.memory_space<hbm>> -> memref<50000x16xf32, #tpu.memory_space<hbm>>
      tpu.enqueue_indirect_dma source(%dma_start3A_96 : memref<50000x16xf32, #tpu.memory_space<hbm>>) target(%arg19 : memref<128x16xf32, #tpu.memory_space<vmem>>) offsets(%arg16 : memref<128xi32, #tpu.memory_space<vmem>>) semaphore(%arg26 : memref<!tpu.dma_semaphore, #tpu.memory_space<semaphore_mem>>)
      %dma_start3A_97 = arith.constant 0 : i32
      %dma_start3A_98 = arith.constant 0 : i32
      %dma_start3A_99 = tpu.memref_slice %arg7[%dma_start3A_97, %dma_start3A_98] : memref<50000x16xf32, #tpu.memory_space<hbm>> -> memref<50000x16xf32, #tpu.memory_space<hbm>>
      tpu.enqueue_indirect_dma source(%dma_start3A_99 : memref<50000x16xf32, #tpu.memory_space<hbm>>) target(%arg20 : memref<128x16xf32, #tpu.memory_space<vmem>>) offsets(%arg17 : memref<128xi32, #tpu.memory_space<vmem>>) semaphore(%arg26 : memref<!tpu.dma_semaphore, #tpu.memory_space<semaphore_mem>>)
      %dma_wait3A_100 = arith.constant 0 : i32
      %dma_wait3A_101 = arith.constant 0 : i32
      %dma_wait3A_102 = tpu.memref_slice %arg6[%dma_wait3A_100, %dma_wait3A_101] : memref<50000x16xf32, #tpu.memory_space<hbm>> -> memref<50000x16xf32, #tpu.memory_space<hbm>>
      tpu.wait_indirect_dma semaphore(%arg26 : memref<!tpu.dma_semaphore, #tpu.memory_space<semaphore_mem>>) src(%dma_wait3A_102 : memref<50000x16xf32, #tpu.memory_space<hbm>>) dst(%arg19 : memref<128x16xf32, #tpu.memory_space<vmem>>)
      %dma_wait3A_103 = arith.constant 0 : i32
      %dma_wait3A_104 = arith.constant 0 : i32
      %dma_wait3A_105 = tpu.memref_slice %arg7[%dma_wait3A_103, %dma_wait3A_104] : memref<50000x16xf32, #tpu.memory_space<hbm>> -> memref<50000x16xf32, #tpu.memory_space<hbm>>
      tpu.wait_indirect_dma semaphore(%arg26 : memref<!tpu.dma_semaphore, #tpu.memory_space<semaphore_mem>>) src(%dma_wait3A_105 : memref<50000x16xf32, #tpu.memory_space<hbm>>) dst(%arg20 : memref<128x16xf32, #tpu.memory_space<vmem>>)
      %dma_start3A_106 = arith.constant 0 : i32
      %dma_start3A_107 = arith.constant 0 : i32
      %dma_start3A_108 = tpu.memref_slice %arg21[%dma_start3A_106, %dma_start3A_107] : memref<10240x48xf32, #tpu.memory_space<vmem_shared>> -> memref<10240x48xf32, #tpu.memory_space<vmem_shared>>
      tpu.enqueue_indirect_dma source(%arg18 : memref<128x48xf32, #tpu.memory_space<vmem>>) target(%dma_start3A_108 : memref<10240x48xf32, #tpu.memory_space<vmem_shared>>) offsets(%arg13 : memref<128xi32, #tpu.memory_space<vmem>>) semaphore(%arg27 : memref<!tpu.dma_semaphore, #tpu.memory_space<semaphore_mem>>) {add = true}
      %dma_start3A_109 = arith.constant 0 : i32
      %dma_start3A_110 = arith.constant 0 : i32
      %dma_start3A_111 = tpu.memref_slice %arg22[%dma_start3A_109, %dma_start3A_110] : memref<10240x48xf32, #tpu.memory_space<vmem_shared>> -> memref<10240x48xf32, #tpu.memory_space<vmem_shared>>
      tpu.enqueue_indirect_dma source(%arg18 : memref<128x48xf32, #tpu.memory_space<vmem>>) target(%dma_start3A_111 : memref<10240x48xf32, #tpu.memory_space<vmem_shared>>) offsets(%arg14 : memref<128xi32, #tpu.memory_space<vmem>>) semaphore(%arg27 : memref<!tpu.dma_semaphore, #tpu.memory_space<semaphore_mem>>) {add = true}
      %dma_start3A_112 = arith.constant 0 : i32
      %dma_start3A_113 = arith.constant 0 : i32
      %dma_start3A_114 = tpu.memref_slice %arg23[%dma_start3A_112, %dma_start3A_113] : memref<10240x16xf32, #tpu.memory_space<vmem_shared>> -> memref<10240x16xf32, #tpu.memory_space<vmem_shared>>
      tpu.enqueue_indirect_dma source(%arg19 : memref<128x16xf32, #tpu.memory_space<vmem>>) target(%dma_start3A_114 : memref<10240x16xf32, #tpu.memory_space<vmem_shared>>) offsets(%arg13 : memref<128xi32, #tpu.memory_space<vmem>>) semaphore(%arg27 : memref<!tpu.dma_semaphore, #tpu.memory_space<semaphore_mem>>) {add = true}
      %dma_start3A_115 = arith.constant 0 : i32
      %dma_start3A_116 = arith.constant 0 : i32
      %dma_start3A_117 = tpu.memref_slice %arg24[%dma_start3A_115, %dma_start3A_116] : memref<10240x16xf32, #tpu.memory_space<vmem_shared>> -> memref<10240x16xf32, #tpu.memory_space<vmem_shared>>
      tpu.enqueue_indirect_dma source(%arg20 : memref<128x16xf32, #tpu.memory_space<vmem>>) target(%dma_start3A_117 : memref<10240x16xf32, #tpu.memory_space<vmem_shared>>) offsets(%arg14 : memref<128xi32, #tpu.memory_space<vmem>>) semaphore(%arg27 : memref<!tpu.dma_semaphore, #tpu.memory_space<semaphore_mem>>) {add = true}
      %while3A_118 = arith.constant 0 : i32
      scf.yield %while3A_118 : i32
    }
    %while3A_40 = arith.constant 1 : i32
    %while3A_41 = scf.for %while3A_59 = %while3A_37 to %while3A_33 step %while3A_40 iter_args(%while3A_60 = %while3A_39) -> (i32)  : i32 {
      %mul3A_61 = arith.constant 32 : i32
      %mul3A_62 = arith.muli %while3A_59, %mul3A_61 : i32
      %add3A_63 = arith.addi %add3A, %mul3A_62 : i32
      %mul3A_64 = arith.constant 128 : i32
      %mul3A_65 = arith.muli %add3A_63, %mul3A_64 : i32
      %gt3A = arith.constant 0 : i32
      %gt3A_66 = arith.cmpi sgt, %while3A_59, %gt3A : i32
      %convert_element_type3A = arith.extui %gt3A_66 : i1 to i32
      %cond3A = arith.constant 0 : i32
      %cond3A_67 = arith.cmpi ne, %convert_element_type3A, %cond3A : i32
      scf.if %cond3A_67 {
        %dma_wait3A_119 = arith.constant 0 : i32
        %dma_wait3A_120 = arith.constant 0 : i32
        %dma_wait3A_121 = tpu.memref_slice %arg21[%dma_wait3A_119, %dma_wait3A_120] : memref<10240x48xf32, #tpu.memory_space<vmem_shared>> -> memref<10240x48xf32, #tpu.memory_space<vmem_shared>>
        tpu.wait_indirect_dma semaphore(%arg27 : memref<!tpu.dma_semaphore, #tpu.memory_space<semaphore_mem>>) src(%arg18 : memref<128x48xf32, #tpu.memory_space<vmem>>) dst(%dma_wait3A_121 : memref<10240x48xf32, #tpu.memory_space<vmem_shared>>)
        %dma_wait3A_122 = arith.constant 0 : i32
        %dma_wait3A_123 = arith.constant 0 : i32
        %dma_wait3A_124 = tpu.memref_slice %arg22[%dma_wait3A_122, %dma_wait3A_123] : memref<10240x48xf32, #tpu.memory_space<vmem_shared>> -> memref<10240x48xf32, #tpu.memory_space<vmem_shared>>
        tpu.wait_indirect_dma semaphore(%arg27 : memref<!tpu.dma_semaphore, #tpu.memory_space<semaphore_mem>>) src(%arg18 : memref<128x48xf32, #tpu.memory_space<vmem>>) dst(%dma_wait3A_124 : memref<10240x48xf32, #tpu.memory_space<vmem_shared>>)
        %dma_wait3A_125 = arith.constant 0 : i32
        %dma_wait3A_126 = arith.constant 0 : i32
        %dma_wait3A_127 = tpu.memref_slice %arg23[%dma_wait3A_125, %dma_wait3A_126] : memref<10240x16xf32, #tpu.memory_space<vmem_shared>> -> memref<10240x16xf32, #tpu.memory_space<vmem_shared>>
        tpu.wait_indirect_dma semaphore(%arg27 : memref<!tpu.dma_semaphore, #tpu.memory_space<semaphore_mem>>) src(%arg19 : memref<128x16xf32, #tpu.memory_space<vmem>>) dst(%dma_wait3A_127 : memref<10240x16xf32, #tpu.memory_space<vmem_shared>>)
        %dma_wait3A_128 = arith.constant 0 : i32
        %dma_wait3A_129 = arith.constant 0 : i32
        %dma_wait3A_130 = tpu.memref_slice %arg24[%dma_wait3A_128, %dma_wait3A_129] : memref<10240x16xf32, #tpu.memory_space<vmem_shared>> -> memref<10240x16xf32, #tpu.memory_space<vmem_shared>>
        tpu.wait_indirect_dma semaphore(%arg27 : memref<!tpu.dma_semaphore, #tpu.memory_space<semaphore_mem>>) src(%arg20 : memref<128x16xf32, #tpu.memory_space<vmem>>) dst(%dma_wait3A_130 : memref<10240x16xf32, #tpu.memory_space<vmem_shared>>)
      } else {
      }
      %dma_start3A = tpu.memref_slice %arg2[%mul3A_65] : memref<99200xi32, #tpu.memory_space<hbm>> -> memref<128xi32, #tpu.memory_space<hbm>>
      %dma_start3A_68 = tpu.memref_slice %arg2[%mul3A_65] : memref<99200xi32, #tpu.memory_space<hbm>> -> memref<128xi32, #tpu.memory_space<hbm>>
      tpu.enqueue_dma source(%dma_start3A_68 : memref<128xi32, #tpu.memory_space<hbm>>) target(%arg13 : memref<128xi32, #tpu.memory_space<vmem>>) target_semaphore(%arg25 : memref<!tpu.dma_semaphore, #tpu.memory_space<semaphore_mem>>)
      %dma_start3A_69 = tpu.memref_slice %arg3[%mul3A_65] : memref<99200xi32, #tpu.memory_space<hbm>> -> memref<128xi32, #tpu.memory_space<hbm>>
      %dma_start3A_70 = tpu.memref_slice %arg3[%mul3A_65] : memref<99200xi32, #tpu.memory_space<hbm>> -> memref<128xi32, #tpu.memory_space<hbm>>
      tpu.enqueue_dma source(%dma_start3A_70 : memref<128xi32, #tpu.memory_space<hbm>>) target(%arg14 : memref<128xi32, #tpu.memory_space<vmem>>) target_semaphore(%arg25 : memref<!tpu.dma_semaphore, #tpu.memory_space<semaphore_mem>>)
      %dma_start3A_71 = tpu.memref_slice %arg4[%mul3A_65] : memref<99200xi32, #tpu.memory_space<hbm>> -> memref<128xi32, #tpu.memory_space<hbm>>
      %dma_start3A_72 = tpu.memref_slice %arg4[%mul3A_65] : memref<99200xi32, #tpu.memory_space<hbm>> -> memref<128xi32, #tpu.memory_space<hbm>>
      tpu.enqueue_dma source(%dma_start3A_72 : memref<128xi32, #tpu.memory_space<hbm>>) target(%arg15 : memref<128xi32, #tpu.memory_space<vmem>>) target_semaphore(%arg25 : memref<!tpu.dma_semaphore, #tpu.memory_space<semaphore_mem>>)
      %dma_start3A_73 = arith.constant 0 : i32
      %dma_start3A_74 = tpu.memref_slice %arg5[%mul3A_65, %dma_start3A_73] : memref<99200x128xf32, #tpu.memory_space<hbm>> -> memref<128x48xf32, #tpu.memory_space<hbm>>
      %dma_start3A_75 = arith.constant 0 : i32
      %dma_start3A_76 = tpu.memref_slice %arg5[%mul3A_65, %dma_start3A_75] : memref<99200x128xf32, #tpu.memory_space<hbm>> -> memref<128x48xf32, #tpu.memory_space<hbm>>
      tpu.enqueue_dma source(%dma_start3A_76 : memref<128x48xf32, #tpu.memory_space<hbm>>) target(%arg18 : memref<128x48xf32, #tpu.memory_space<vmem>>) target_semaphore(%arg25 : memref<!tpu.dma_semaphore, #tpu.memory_space<semaphore_mem>>)
      %dma_wait3A_77 = tpu.memref_slice %arg2[%mul3A_65] : memref<99200xi32, #tpu.memory_space<hbm>> -> memref<128xi32, #tpu.memory_space<hbm>>
      %dma_wait3A_78 = tpu.memref_slice %arg2[%mul3A_65] : memref<99200xi32, #tpu.memory_space<hbm>> -> memref<128xi32, #tpu.memory_space<hbm>>
      tpu.wait_dma2 semaphore(%arg25 : memref<!tpu.dma_semaphore, #tpu.memory_space<semaphore_mem>>) src(%dma_wait3A_78 : memref<128xi32, #tpu.memory_space<hbm>>) dst(%arg13 : memref<128xi32, #tpu.memory_space<vmem>>)
      %dma_wait3A_79 = tpu.memref_slice %arg3[%mul3A_65] : memref<99200xi32, #tpu.memory_space<hbm>> -> memref<128xi32, #tpu.memory_space<hbm>>
      %dma_wait3A_80 = tpu.memref_slice %arg3[%mul3A_65] : memref<99200xi32, #tpu.memory_space<hbm>> -> memref<128xi32, #tpu.memory_space<hbm>>
      tpu.wait_dma2 semaphore(%arg25 : memref<!tpu.dma_semaphore, #tpu.memory_space<semaphore_mem>>) src(%dma_wait3A_80 : memref<128xi32, #tpu.memory_space<hbm>>) dst(%arg14 : memref<128xi32, #tpu.memory_space<vmem>>)
      %dma_wait3A_81 = tpu.memref_slice %arg4[%mul3A_65] : memref<99200xi32, #tpu.memory_space<hbm>> -> memref<128xi32, #tpu.memory_space<hbm>>
      %dma_wait3A_82 = tpu.memref_slice %arg4[%mul3A_65] : memref<99200xi32, #tpu.memory_space<hbm>> -> memref<128xi32, #tpu.memory_space<hbm>>
      tpu.wait_dma2 semaphore(%arg25 : memref<!tpu.dma_semaphore, #tpu.memory_space<semaphore_mem>>) src(%dma_wait3A_82 : memref<128xi32, #tpu.memory_space<hbm>>) dst(%arg15 : memref<128xi32, #tpu.memory_space<vmem>>)
      %dma_wait3A_83 = arith.constant 0 : i32
      %dma_wait3A_84 = tpu.memref_slice %arg5[%mul3A_65, %dma_wait3A_83] : memref<99200x128xf32, #tpu.memory_space<hbm>> -> memref<128x48xf32, #tpu.memory_space<hbm>>
      %dma_wait3A_85 = arith.constant 0 : i32
      %dma_wait3A_86 = tpu.memref_slice %arg5[%mul3A_65, %dma_wait3A_85] : memref<99200x128xf32, #tpu.memory_space<hbm>> -> memref<128x48xf32, #tpu.memory_space<hbm>>
      tpu.wait_dma2 semaphore(%arg25 : memref<!tpu.dma_semaphore, #tpu.memory_space<semaphore_mem>>) src(%dma_wait3A_86 : memref<128x48xf32, #tpu.memory_space<hbm>>) dst(%arg18 : memref<128x48xf32, #tpu.memory_space<vmem>>)
      %scan3A_87 = arith.constant 0 : i32
      %scan3A_88 = arith.constant 0 : i32
      %scan3A_89 = arith.constant 8 : i32
      %scan3A_90 = arith.addi %scan3A_88, %scan3A_89 : i32
      %scan3A_91 = arith.constant 1 : i32
      %scan3A_92 = scf.for %scan3A_119 = %scan3A_88 to %scan3A_90 step %scan3A_91 iter_args(%scan3A_120 = %scan3A_87) -> (i32)  : i32 {
        %mul3A_121 = arith.constant 16 : i32
        %mul3A_122 = arith.muli %scan3A_119, %mul3A_121 : i32
        %get3A = arith.index_cast %mul3A_122 : i32 to index
        %get3A_123 = tpu.vector_load %arg15[%get3A] {strides = array<i32>} : memref<128xi32, #tpu.memory_space<vmem>>, vector<16xi32>,
        %get3A_124 = vector.shape_cast %get3A_123 : vector<16xi32> to vector<16xi32>
        %eq3A = arith.constant 0 : i32
        %eq3A_125 = vector.broadcast %eq3A : i32 to vector<16xi32>
        %eq3A_126 = arith.cmpi eq, %get3A_124, %eq3A_125 : vector<16xi32>
        %sub3A_127 = arith.constant 1 : i32
        %sub3A_128 = vector.broadcast %sub3A_127 : i32 to vector<16xi32>
        %sub3A_129 = arith.subi %get3A_124, %sub3A_128 : vector<16xi32>
        %jit3A_130 = arith.constant 4 : i32
        %broadcast_in_dim3A = vector.broadcast %jit3A_130 : i32 to vector<16xi32>
        %select_n3A_131 = arith.select %eq3A_126, %broadcast_in_dim3A, %sub3A_129 : vector<16xi1>, vector<16xi32>
        %get3A_132 = arith.index_cast %mul3A_122 : i32 to index
        %get3A_133 = tpu.vector_load %arg14[%get3A_132] {strides = array<i32>} : memref<128xi32, #tpu.memory_space<vmem>>, vector<16xi32>,
        %get3A_134 = vector.shape_cast %get3A_133 : vector<16xi32> to vector<16xi32>
        %mul3A_135 = arith.constant 5 : i32
        %mul3A_136 = vector.broadcast %mul3A_135 : i32 to vector<16xi32>
        %mul3A_137 = arith.muli %get3A_134, %mul3A_136 : vector<16xi32>
        %add3A_138 = arith.addi %mul3A_137, %select_n3A_131 : vector<16xi32>
        %swap3A = arith.index_cast %mul3A_122 : i32 to index
        %swap3A_139 = tpu.vector_load %arg16[%swap3A] {strides = array<i32>} : memref<128xi32, #tpu.memory_space<vmem>>, vector<16xi32>,
        %swap3A_140 = vector.shape_cast %swap3A_139 : vector<16xi32> to vector<16xi32>
        %swap3A_141 = vector.shape_cast %add3A_138 : vector<16xi32> to vector<16xi32>
        tpu.vector_store %arg16[%swap3A], %swap3A_141 {strides = array<i32>} : memref<128xi32, #tpu.memory_space<vmem>>, vector<16xi32>,
        %get3A_142 = arith.index_cast %mul3A_122 : i32 to index
        %get3A_143 = tpu.vector_load %arg13[%get3A_142] {strides = array<i32>} : memref<128xi32, #tpu.memory_space<vmem>>, vector<16xi32>,
        %get3A_144 = vector.shape_cast %get3A_143 : vector<16xi32> to vector<16xi32>
        %mul3A_145 = arith.constant 5 : i32
        %mul3A_146 = vector.broadcast %mul3A_145 : i32 to vector<16xi32>
        %mul3A_147 = arith.muli %get3A_144, %mul3A_146 : vector<16xi32>
        %add3A_148 = arith.addi %mul3A_147, %select_n3A_131 : vector<16xi32>
        %swap3A_149 = arith.index_cast %mul3A_122 : i32 to index
        %swap3A_150 = tpu.vector_load %arg17[%swap3A_149] {strides = array<i32>} : memref<128xi32, #tpu.memory_space<vmem>>, vector<16xi32>,
        %swap3A_151 = vector.shape_cast %swap3A_150 : vector<16xi32> to vector<16xi32>
        %swap3A_152 = vector.shape_cast %add3A_148 : vector<16xi32> to vector<16xi32>
        tpu.vector_store %arg17[%swap3A_149], %swap3A_152 {strides = array<i32>} : memref<128xi32, #tpu.memory_space<vmem>>, vector<16xi32>,
        %scan3A_153 = arith.constant 0 : i32
        scf.yield %scan3A_153 : i32
      }
      %scan3A_93 = arith.constant 8 : i32
      %dma_start3A_94 = arith.constant 0 : i32
      %dma_start3A_95 = arith.constant 0 : i32
      %dma_start3A_96 = tpu.memref_slice %arg6[%dma_start3A_94, %dma_start3A_95] : memref<50000x16xf32, #tpu.memory_space<hbm>> -> memref<50000x16xf32, #tpu.memory_space<hbm>>
      tpu.enqueue_indirect_dma source(%dma_start3A_96 : memref<50000x16xf32, #tpu.memory_space<hbm>>) target(%arg19 : memref<128x16xf32, #tpu.memory_space<vmem>>) offsets(%arg16 : memref<128xi32, #tpu.memory_space<vmem>>) semaphore(%arg26 : memref<!tpu.dma_semaphore, #tpu.memory_space<semaphore_mem>>)
      %dma_start3A_97 = arith.constant 0 : i32
      %dma_start3A_98 = arith.constant 0 : i32
      %dma_start3A_99 = tpu.memref_slice %arg7[%dma_start3A_97, %dma_start3A_98] : memref<50000x16xf32, #tpu.memory_space<hbm>> -> memref<50000x16xf32, #tpu.memory_space<hbm>>
      tpu.enqueue_indirect_dma source(%dma_start3A_99 : memref<50000x16xf32, #tpu.memory_space<hbm>>) target(%arg20 : memref<128x16xf32, #tpu.memory_space<vmem>>) offsets(%arg17 : memref<128xi32, #tpu.memory_space<vmem>>) semaphore(%arg26 : memref<!tpu.dma_semaphore, #tpu.memory_space<semaphore_mem>>)
      %dma_wait3A_100 = arith.constant 0 : i32
      %dma_wait3A_101 = arith.constant 0 : i32
      %dma_wait3A_102 = tpu.memref_slice %arg6[%dma_wait3A_100, %dma_wait3A_101] : memref<50000x16xf32, #tpu.memory_space<hbm>> -> memref<50000x16xf32, #tpu.memory_space<hbm>>
      tpu.wait_indirect_dma semaphore(%arg26 : memref<!tpu.dma_semaphore, #tpu.memory_space<semaphore_mem>>) src(%dma_wait3A_102 : memref<50000x16xf32, #tpu.memory_space<hbm>>) dst(%arg19 : memref<128x16xf32, #tpu.memory_space<vmem>>)
      %dma_wait3A_103 = arith.constant 0 : i32
      %dma_wait3A_104 = arith.constant 0 : i32
      %dma_wait3A_105 = tpu.memref_slice %arg7[%dma_wait3A_103, %dma_wait3A_104] : memref<50000x16xf32, #tpu.memory_space<hbm>> -> memref<50000x16xf32, #tpu.memory_space<hbm>>
      tpu.wait_indirect_dma semaphore(%arg26 : memref<!tpu.dma_semaphore, #tpu.memory_space<semaphore_mem>>) src(%dma_wait3A_105 : memref<50000x16xf32, #tpu.memory_space<hbm>>) dst(%arg20 : memref<128x16xf32, #tpu.memory_space<vmem>>)
      %dma_start3A_106 = arith.constant 0 : i32
      %dma_start3A_107 = arith.constant 0 : i32
      %dma_start3A_108 = tpu.memref_slice %arg21[%dma_start3A_106, %dma_start3A_107] : memref<10240x48xf32, #tpu.memory_space<vmem_shared>> -> memref<10240x48xf32, #tpu.memory_space<vmem_shared>>
      tpu.enqueue_indirect_dma source(%arg18 : memref<128x48xf32, #tpu.memory_space<vmem>>) target(%dma_start3A_108 : memref<10240x48xf32, #tpu.memory_space<vmem_shared>>) offsets(%arg13 : memref<128xi32, #tpu.memory_space<vmem>>) semaphore(%arg27 : memref<!tpu.dma_semaphore, #tpu.memory_space<semaphore_mem>>) {add = true}
      %dma_start3A_109 = arith.constant 0 : i32
      %dma_start3A_110 = arith.constant 0 : i32
      %dma_start3A_111 = tpu.memref_slice %arg22[%dma_start3A_109, %dma_start3A_110] : memref<10240x48xf32, #tpu.memory_space<vmem_shared>> -> memref<10240x48xf32, #tpu.memory_space<vmem_shared>>
      tpu.enqueue_indirect_dma source(%arg18 : memref<128x48xf32, #tpu.memory_space<vmem>>) target(%dma_start3A_111 : memref<10240x48xf32, #tpu.memory_space<vmem_shared>>) offsets(%arg14 : memref<128xi32, #tpu.memory_space<vmem>>) semaphore(%arg27 : memref<!tpu.dma_semaphore, #tpu.memory_space<semaphore_mem>>) {add = true}
      %dma_start3A_112 = arith.constant 0 : i32
      %dma_start3A_113 = arith.constant 0 : i32
      %dma_start3A_114 = tpu.memref_slice %arg23[%dma_start3A_112, %dma_start3A_113] : memref<10240x16xf32, #tpu.memory_space<vmem_shared>> -> memref<10240x16xf32, #tpu.memory_space<vmem_shared>>
      tpu.enqueue_indirect_dma source(%arg19 : memref<128x16xf32, #tpu.memory_space<vmem>>) target(%dma_start3A_114 : memref<10240x16xf32, #tpu.memory_space<vmem_shared>>) offsets(%arg13 : memref<128xi32, #tpu.memory_space<vmem>>) semaphore(%arg27 : memref<!tpu.dma_semaphore, #tpu.memory_space<semaphore_mem>>) {add = true}
      %dma_start3A_115 = arith.constant 0 : i32
      %dma_start3A_116 = arith.constant 0 : i32
      %dma_start3A_117 = tpu.memref_slice %arg24[%dma_start3A_115, %dma_start3A_116] : memref<10240x16xf32, #tpu.memory_space<vmem_shared>> -> memref<10240x16xf32, #tpu.memory_space<vmem_shared>>
      tpu.enqueue_indirect_dma source(%arg20 : memref<128x16xf32, #tpu.memory_space<vmem>>) target(%dma_start3A_117 : memref<10240x16xf32, #tpu.memory_space<vmem_shared>>) offsets(%arg14 : memref<128xi32, #tpu.memory_space<vmem>>) semaphore(%arg27 : memref<!tpu.dma_semaphore, #tpu.memory_space<semaphore_mem>>) {add = true}
      %while3A_118 = arith.constant 0 : i32
      scf.yield %while3A_118 : i32
    }
    %dma_wait3A = arith.constant 0 : i32
    %dma_wait3A_42 = arith.constant 0 : i32
    %dma_wait3A_43 = tpu.memref_slice %arg21[%dma_wait3A, %dma_wait3A_42] : memref<10240x48xf32, #tpu.memory_space<vmem_shared>> -> memref<10240x48xf32, #tpu.memory_space<vmem_shared>>
    tpu.wait_indirect_dma semaphore(%arg27 : memref<!tpu.dma_semaphore, #tpu.memory_space<semaphore_mem>>) src(%arg18 : memref<128x48xf32, #tpu.memory_space<vmem>>) dst(%dma_wait3A_43 : memref<10240x48xf32, #tpu.memory_space<vmem_shared>>)
    %dma_wait3A_44 = arith.constant 0 : i32
    %dma_wait3A_45 = arith.constant 0 : i32
    %dma_wait3A_46 = tpu.memref_slice %arg22[%dma_wait3A_44, %dma_wait3A_45] : memref<10240x48xf32, #tpu.memory_space<vmem_shared>> -> memref<10240x48xf32, #tpu.memory_space<vmem_shared>>
    tpu.wait_indirect_dma semaphore(%arg27 : memref<!tpu.dma_semaphore, #tpu.memory_space<semaphore_mem>>) src(%arg18 : memref<128x48xf32, #tpu.memory_space<vmem>>) dst(%dma_wait3A_46 : memref<10240x48xf32, #tpu.memory_space<vmem_shared>>)
    %dma_wait3A_47 = arith.constant 0 : i32
    %dma_wait3A_48 = arith.constant 0 : i32
    %dma_wait3A_49 = tpu.memref_slice %arg23[%dma_wait3A_47, %dma_wait3A_48] : memref<10240x16xf32, #tpu.memory_space<vmem_shared>> -> memref<10240x16xf32, #tpu.memory_space<vmem_shared>>
    tpu.wait_indirect_dma semaphore(%arg27 : memref<!tpu.dma_semaphore, #tpu.memory_space<semaphore_mem>>) src(%arg19 : memref<128x16xf32, #tpu.memory_space<vmem>>) dst(%dma_wait3A_49 : memref<10240x16xf32, #tpu.memory_space<vmem_shared>>)
    %dma_wait3A_50 = arith.constant 0 : i32
    %dma_wait3A_51 = arith.constant 0 : i32
    %dma_wait3A_52 = tpu.memref_slice %arg24[%dma_wait3A_50, %dma_wait3A_51] : memref<10240x16xf32, #tpu.memory_space<vmem_shared>> -> memref<10240x16xf32, #tpu.memory_space<vmem_shared>>
    tpu.wait_indirect_dma semaphore(%arg27 : memref<!tpu.dma_semaphore, #tpu.memory_space<semaphore_mem>>) src(%arg20 : memref<128x16xf32, #tpu.memory_space<vmem>>) dst(%dma_wait3A_52 : memref<10240x16xf32, #tpu.memory_space<vmem_shared>>)
    %barrier3A_53 = arith.constant 0 : index
    tpu.barrier barrier_id(%barrier3A_53)
    %mul3A_54 = arith.constant 10240 : i32
    %mul3A_55 = arith.muli %arg0, %mul3A_54 : i32
    %mul3A_56 = arith.constant 640 : i32
    %mul3A_57 = arith.muli %arg1, %mul3A_56 : i32
    %add3A_58 = arith.addi %mul3A_55, %mul3A_57 : i32
    "tpu.region"() ({
      %run_scoped3A = tpu.sem_alloc : memref<!tpu.dma_semaphore, #tpu.memory_space<semaphore_mem>>
      %dma_start3A = arith.constant 0 : i32
      %dma_start3A_59 = tpu.memref_slice %arg21[%mul3A_8, %dma_start3A] : memref<10240x48xf32, #tpu.memory_space<vmem_shared>> -> memref<640x48xf32, #tpu.memory_space<vmem_shared>>
      %dma_start3A_60 = arith.constant 0 : i32
      %dma_start3A_61 = tpu.memref_slice %arg21[%mul3A_8, %dma_start3A_60] : memref<10240x48xf32, #tpu.memory_space<vmem_shared>> -> memref<640x48xf32, #tpu.memory_space<vmem_shared>>
      tpu.enqueue_dma source(%dma_start3A_61 : memref<640x48xf32, #tpu.memory_space<vmem_shared>>) target(%arg12 : memref<640x48xf32, #tpu.memory_space<vmem>>) target_semaphore(%run_scoped3A : memref<!tpu.dma_semaphore, #tpu.memory_space<semaphore_mem>>)
      %dma_wait3A_62 = arith.constant 0 : i32
      %dma_wait3A_63 = tpu.memref_slice %arg21[%mul3A_8, %dma_wait3A_62] : memref<10240x48xf32, #tpu.memory_space<vmem_shared>> -> memref<640x48xf32, #tpu.memory_space<vmem_shared>>
      %dma_wait3A_64 = arith.constant 0 : i32
      %dma_wait3A_65 = tpu.memref_slice %arg21[%mul3A_8, %dma_wait3A_64] : memref<10240x48xf32, #tpu.memory_space<vmem_shared>> -> memref<640x48xf32, #tpu.memory_space<vmem_shared>>
      tpu.wait_dma2 semaphore(%run_scoped3A : memref<!tpu.dma_semaphore, #tpu.memory_space<semaphore_mem>>) src(%dma_wait3A_65 : memref<640x48xf32, #tpu.memory_space<vmem_shared>>) dst(%arg12 : memref<640x48xf32, #tpu.memory_space<vmem>>)
      tpu.yield
    }) : () -> ()
    "tpu.region"() ({
      %run_scoped3A = tpu.sem_alloc : memref<!tpu.dma_semaphore, #tpu.memory_space<semaphore_mem>>
      %dma_start3A = arith.constant 0 : i32
      %dma_start3A_59 = tpu.memref_slice %arg8[%add3A_58, %dma_start3A] : memref<20480x48xf32, #tpu.memory_space<hbm>> -> memref<640x48xf32, #tpu.memory_space<hbm>>
      %dma_start3A_60 = arith.constant 0 : i32
      %dma_start3A_61 = tpu.memref_slice %arg8[%add3A_58, %dma_start3A_60] : memref<20480x48xf32, #tpu.memory_space<hbm>> -> memref<640x48xf32, #tpu.memory_space<hbm>>
      tpu.enqueue_dma source(%arg12 : memref<640x48xf32, #tpu.memory_space<vmem>>) target(%dma_start3A_61 : memref<640x48xf32, #tpu.memory_space<hbm>>) target_semaphore(%run_scoped3A : memref<!tpu.dma_semaphore, #tpu.memory_space<semaphore_mem>>)
      %dma_wait3A_62 = arith.constant 0 : i32
      %dma_wait3A_63 = tpu.memref_slice %arg8[%add3A_58, %dma_wait3A_62] : memref<20480x48xf32, #tpu.memory_space<hbm>> -> memref<640x48xf32, #tpu.memory_space<hbm>>
      %dma_wait3A_64 = arith.constant 0 : i32
      %dma_wait3A_65 = tpu.memref_slice %arg8[%add3A_58, %dma_wait3A_64] : memref<20480x48xf32, #tpu.memory_space<hbm>> -> memref<640x48xf32, #tpu.memory_space<hbm>>
      tpu.wait_dma2 semaphore(%run_scoped3A : memref<!tpu.dma_semaphore, #tpu.memory_space<semaphore_mem>>) src(%arg12 : memref<640x48xf32, #tpu.memory_space<vmem>>) dst(%dma_wait3A_65 : memref<640x48xf32, #tpu.memory_space<hbm>>)
      tpu.yield
    }) : () -> ()
    "tpu.region"() ({
      %run_scoped3A = tpu.sem_alloc : memref<!tpu.dma_semaphore, #tpu.memory_space<semaphore_mem>>
      %dma_start3A = arith.constant 0 : i32
      %dma_start3A_59 = tpu.memref_slice %arg22[%mul3A_8, %dma_start3A] : memref<10240x48xf32, #tpu.memory_space<vmem_shared>> -> memref<640x48xf32, #tpu.memory_space<vmem_shared>>
      %dma_start3A_60 = arith.constant 0 : i32
      %dma_start3A_61 = tpu.memref_slice %arg22[%mul3A_8, %dma_start3A_60] : memref<10240x48xf32, #tpu.memory_space<vmem_shared>> -> memref<640x48xf32, #tpu.memory_space<vmem_shared>>
      tpu.enqueue_dma source(%dma_start3A_61 : memref<640x48xf32, #tpu.memory_space<vmem_shared>>) target(%arg12 : memref<640x48xf32, #tpu.memory_space<vmem>>) target_semaphore(%run_scoped3A : memref<!tpu.dma_semaphore, #tpu.memory_space<semaphore_mem>>)
      %dma_wait3A_62 = arith.constant 0 : i32
      %dma_wait3A_63 = tpu.memref_slice %arg22[%mul3A_8, %dma_wait3A_62] : memref<10240x48xf32, #tpu.memory_space<vmem_shared>> -> memref<640x48xf32, #tpu.memory_space<vmem_shared>>
      %dma_wait3A_64 = arith.constant 0 : i32
      %dma_wait3A_65 = tpu.memref_slice %arg22[%mul3A_8, %dma_wait3A_64] : memref<10240x48xf32, #tpu.memory_space<vmem_shared>> -> memref<640x48xf32, #tpu.memory_space<vmem_shared>>
      tpu.wait_dma2 semaphore(%run_scoped3A : memref<!tpu.dma_semaphore, #tpu.memory_space<semaphore_mem>>) src(%dma_wait3A_65 : memref<640x48xf32, #tpu.memory_space<vmem_shared>>) dst(%arg12 : memref<640x48xf32, #tpu.memory_space<vmem>>)
      tpu.yield
    }) : () -> ()
    "tpu.region"() ({
      %run_scoped3A = tpu.sem_alloc : memref<!tpu.dma_semaphore, #tpu.memory_space<semaphore_mem>>
      %dma_start3A = arith.constant 0 : i32
      %dma_start3A_59 = tpu.memref_slice %arg9[%add3A_58, %dma_start3A] : memref<20480x48xf32, #tpu.memory_space<hbm>> -> memref<640x48xf32, #tpu.memory_space<hbm>>
      %dma_start3A_60 = arith.constant 0 : i32
      %dma_start3A_61 = tpu.memref_slice %arg9[%add3A_58, %dma_start3A_60] : memref<20480x48xf32, #tpu.memory_space<hbm>> -> memref<640x48xf32, #tpu.memory_space<hbm>>
      tpu.enqueue_dma source(%arg12 : memref<640x48xf32, #tpu.memory_space<vmem>>) target(%dma_start3A_61 : memref<640x48xf32, #tpu.memory_space<hbm>>) target_semaphore(%run_scoped3A : memref<!tpu.dma_semaphore, #tpu.memory_space<semaphore_mem>>)
      %dma_wait3A_62 = arith.constant 0 : i32
      %dma_wait3A_63 = tpu.memref_slice %arg9[%add3A_58, %dma_wait3A_62] : memref<20480x48xf32, #tpu.memory_space<hbm>> -> memref<640x48xf32, #tpu.memory_space<hbm>>
      %dma_wait3A_64 = arith.constant 0 : i32
      %dma_wait3A_65 = tpu.memref_slice %arg9[%add3A_58, %dma_wait3A_64] : memref<20480x48xf32, #tpu.memory_space<hbm>> -> memref<640x48xf32, #tpu.memory_space<hbm>>
      tpu.wait_dma2 semaphore(%run_scoped3A : memref<!tpu.dma_semaphore, #tpu.memory_space<semaphore_mem>>) src(%arg12 : memref<640x48xf32, #tpu.memory_space<vmem>>) dst(%dma_wait3A_65 : memref<640x48xf32, #tpu.memory_space<hbm>>)
      tpu.yield
    }) : () -> ()
    "tpu.region"() ({
      %run_scoped3A = tpu.sem_alloc : memref<!tpu.dma_semaphore, #tpu.memory_space<semaphore_mem>>
      %dma_start3A = arith.constant 0 : i32
      %dma_start3A_59 = arith.constant 0 : i32
      %dma_start3A_60 = tpu.memref_slice %arg12[%dma_start3A, %dma_start3A_59] : memref<640x48xf32, #tpu.memory_space<vmem>> -> memref<640x16xf32, #tpu.memory_space<vmem>>
      %dma_start3A_61 = arith.constant 0 : i32
      %dma_start3A_62 = tpu.memref_slice %arg23[%mul3A_8, %dma_start3A_61] : memref<10240x16xf32, #tpu.memory_space<vmem_shared>> -> memref<640x16xf32, #tpu.memory_space<vmem_shared>>
      %dma_start3A_63 = arith.constant 0 : i32
      %dma_start3A_64 = arith.constant 0 : i32
      %dma_start3A_65 = tpu.memref_slice %arg12[%dma_start3A_63, %dma_start3A_64] : memref<640x48xf32, #tpu.memory_space<vmem>> -> memref<640x16xf32, #tpu.memory_space<vmem>>
      %dma_start3A_66 = arith.constant 0 : i32
      %dma_start3A_67 = tpu.memref_slice %arg23[%mul3A_8, %dma_start3A_66] : memref<10240x16xf32, #tpu.memory_space<vmem_shared>> -> memref<640x16xf32, #tpu.memory_space<vmem_shared>>
      tpu.enqueue_dma source(%dma_start3A_67 : memref<640x16xf32, #tpu.memory_space<vmem_shared>>) target(%dma_start3A_65 : memref<640x16xf32, #tpu.memory_space<vmem>>) target_semaphore(%run_scoped3A : memref<!tpu.dma_semaphore, #tpu.memory_space<semaphore_mem>>)
      %dma_wait3A_68 = arith.constant 0 : i32
      %dma_wait3A_69 = arith.constant 0 : i32
      %dma_wait3A_70 = tpu.memref_slice %arg12[%dma_wait3A_68, %dma_wait3A_69] : memref<640x48xf32, #tpu.memory_space<vmem>> -> memref<640x16xf32, #tpu.memory_space<vmem>>
      %dma_wait3A_71 = arith.constant 0 : i32
      %dma_wait3A_72 = tpu.memref_slice %arg23[%mul3A_8, %dma_wait3A_71] : memref<10240x16xf32, #tpu.memory_space<vmem_shared>> -> memref<640x16xf32, #tpu.memory_space<vmem_shared>>
      %dma_wait3A_73 = arith.constant 0 : i32
      %dma_wait3A_74 = arith.constant 0 : i32
      %dma_wait3A_75 = tpu.memref_slice %arg12[%dma_wait3A_73, %dma_wait3A_74] : memref<640x48xf32, #tpu.memory_space<vmem>> -> memref<640x16xf32, #tpu.memory_space<vmem>>
      %dma_wait3A_76 = arith.constant 0 : i32
      %dma_wait3A_77 = tpu.memref_slice %arg23[%mul3A_8, %dma_wait3A_76] : memref<10240x16xf32, #tpu.memory_space<vmem_shared>> -> memref<640x16xf32, #tpu.memory_space<vmem_shared>>
      tpu.wait_dma2 semaphore(%run_scoped3A : memref<!tpu.dma_semaphore, #tpu.memory_space<semaphore_mem>>) src(%dma_wait3A_77 : memref<640x16xf32, #tpu.memory_space<vmem_shared>>) dst(%dma_wait3A_75 : memref<640x16xf32, #tpu.memory_space<vmem>>)
      tpu.yield
    }) : () -> ()
    "tpu.region"() ({
      %run_scoped3A = tpu.sem_alloc : memref<!tpu.dma_semaphore, #tpu.memory_space<semaphore_mem>>
      %dma_start3A = arith.constant 0 : i32
      %dma_start3A_59 = arith.constant 0 : i32
      %dma_start3A_60 = tpu.memref_slice %arg12[%dma_start3A, %dma_start3A_59] : memref<640x48xf32, #tpu.memory_space<vmem>> -> memref<640x16xf32, #tpu.memory_space<vmem>>
      %dma_start3A_61 = arith.constant 0 : i32
      %dma_start3A_62 = tpu.memref_slice %arg10[%add3A_58, %dma_start3A_61] : memref<20480x16xf32, #tpu.memory_space<hbm>> -> memref<640x16xf32, #tpu.memory_space<hbm>>
      %dma_start3A_63 = arith.constant 0 : i32
      %dma_start3A_64 = tpu.memref_slice %arg10[%add3A_58, %dma_start3A_63] : memref<20480x16xf32, #tpu.memory_space<hbm>> -> memref<640x16xf32, #tpu.memory_space<hbm>>
      %dma_start3A_65 = arith.constant 0 : i32
      %dma_start3A_66 = arith.constant 0 : i32
      %dma_start3A_67 = tpu.memref_slice %arg12[%dma_start3A_65, %dma_start3A_66] : memref<640x48xf32, #tpu.memory_space<vmem>> -> memref<640x16xf32, #tpu.memory_space<vmem>>
      tpu.enqueue_dma source(%dma_start3A_67 : memref<640x16xf32, #tpu.memory_space<vmem>>) target(%dma_start3A_64 : memref<640x16xf32, #tpu.memory_space<hbm>>) target_semaphore(%run_scoped3A : memref<!tpu.dma_semaphore, #tpu.memory_space<semaphore_mem>>)
      %dma_wait3A_68 = arith.constant 0 : i32
      %dma_wait3A_69 = arith.constant 0 : i32
      %dma_wait3A_70 = tpu.memref_slice %arg12[%dma_wait3A_68, %dma_wait3A_69] : memref<640x48xf32, #tpu.memory_space<vmem>> -> memref<640x16xf32, #tpu.memory_space<vmem>>
      %dma_wait3A_71 = arith.constant 0 : i32
      %dma_wait3A_72 = tpu.memref_slice %arg10[%add3A_58, %dma_wait3A_71] : memref<20480x16xf32, #tpu.memory_space<hbm>> -> memref<640x16xf32, #tpu.memory_space<hbm>>
      %dma_wait3A_73 = arith.constant 0 : i32
      %dma_wait3A_74 = tpu.memref_slice %arg10[%add3A_58, %dma_wait3A_73] : memref<20480x16xf32, #tpu.memory_space<hbm>> -> memref<640x16xf32, #tpu.memory_space<hbm>>
      %dma_wait3A_75 = arith.constant 0 : i32
      %dma_wait3A_76 = arith.constant 0 : i32
      %dma_wait3A_77 = tpu.memref_slice %arg12[%dma_wait3A_75, %dma_wait3A_76] : memref<640x48xf32, #tpu.memory_space<vmem>> -> memref<640x16xf32, #tpu.memory_space<vmem>>
      tpu.wait_dma2 semaphore(%run_scoped3A : memref<!tpu.dma_semaphore, #tpu.memory_space<semaphore_mem>>) src(%dma_wait3A_77 : memref<640x16xf32, #tpu.memory_space<vmem>>) dst(%dma_wait3A_74 : memref<640x16xf32, #tpu.memory_space<hbm>>)
      tpu.yield
    }) : () -> ()
    "tpu.region"() ({
      %run_scoped3A = tpu.sem_alloc : memref<!tpu.dma_semaphore, #tpu.memory_space<semaphore_mem>>
      %dma_start3A = arith.constant 0 : i32
      %dma_start3A_59 = arith.constant 0 : i32
      %dma_start3A_60 = tpu.memref_slice %arg12[%dma_start3A, %dma_start3A_59] : memref<640x48xf32, #tpu.memory_space<vmem>> -> memref<640x16xf32, #tpu.memory_space<vmem>>
      %dma_start3A_61 = arith.constant 0 : i32
      %dma_start3A_62 = tpu.memref_slice %arg24[%mul3A_8, %dma_start3A_61] : memref<10240x16xf32, #tpu.memory_space<vmem_shared>> -> memref<640x16xf32, #tpu.memory_space<vmem_shared>>
      %dma_start3A_63 = arith.constant 0 : i32
      %dma_start3A_64 = arith.constant 0 : i32
      %dma_start3A_65 = tpu.memref_slice %arg12[%dma_start3A_63, %dma_start3A_64] : memref<640x48xf32, #tpu.memory_space<vmem>> -> memref<640x16xf32, #tpu.memory_space<vmem>>
      %dma_start3A_66 = arith.constant 0 : i32
      %dma_start3A_67 = tpu.memref_slice %arg24[%mul3A_8, %dma_start3A_66] : memref<10240x16xf32, #tpu.memory_space<vmem_shared>> -> memref<640x16xf32, #tpu.memory_space<vmem_shared>>
      tpu.enqueue_dma source(%dma_start3A_67 : memref<640x16xf32, #tpu.memory_space<vmem_shared>>) target(%dma_start3A_65 : memref<640x16xf32, #tpu.memory_space<vmem>>) target_semaphore(%run_scoped3A : memref<!tpu.dma_semaphore, #tpu.memory_space<semaphore_mem>>)
      %dma_wait3A_68 = arith.constant 0 : i32
      %dma_wait3A_69 = arith.constant 0 : i32
      %dma_wait3A_70 = tpu.memref_slice %arg12[%dma_wait3A_68, %dma_wait3A_69] : memref<640x48xf32, #tpu.memory_space<vmem>> -> memref<640x16xf32, #tpu.memory_space<vmem>>
      %dma_wait3A_71 = arith.constant 0 : i32
      %dma_wait3A_72 = tpu.memref_slice %arg24[%mul3A_8, %dma_wait3A_71] : memref<10240x16xf32, #tpu.memory_space<vmem_shared>> -> memref<640x16xf32, #tpu.memory_space<vmem_shared>>
      %dma_wait3A_73 = arith.constant 0 : i32
      %dma_wait3A_74 = arith.constant 0 : i32
      %dma_wait3A_75 = tpu.memref_slice %arg12[%dma_wait3A_73, %dma_wait3A_74] : memref<640x48xf32, #tpu.memory_space<vmem>> -> memref<640x16xf32, #tpu.memory_space<vmem>>
      %dma_wait3A_76 = arith.constant 0 : i32
      %dma_wait3A_77 = tpu.memref_slice %arg24[%mul3A_8, %dma_wait3A_76] : memref<10240x16xf32, #tpu.memory_space<vmem_shared>> -> memref<640x16xf32, #tpu.memory_space<vmem_shared>>
      tpu.wait_dma2 semaphore(%run_scoped3A : memref<!tpu.dma_semaphore, #tpu.memory_space<semaphore_mem>>) src(%dma_wait3A_77 : memref<640x16xf32, #tpu.memory_space<vmem_shared>>) dst(%dma_wait3A_75 : memref<640x16xf32, #tpu.memory_space<vmem>>)
      tpu.yield
    }) : () -> ()
    "tpu.region"() ({
      %run_scoped3A = tpu.sem_alloc : memref<!tpu.dma_semaphore, #tpu.memory_space<semaphore_mem>>
      %dma_start3A = arith.constant 0 : i32
      %dma_start3A_59 = arith.constant 0 : i32
      %dma_start3A_60 = tpu.memref_slice %arg12[%dma_start3A, %dma_start3A_59] : memref<640x48xf32, #tpu.memory_space<vmem>> -> memref<640x16xf32, #tpu.memory_space<vmem>>
      %dma_start3A_61 = arith.constant 0 : i32
      %dma_start3A_62 = tpu.memref_slice %arg11[%add3A_58, %dma_start3A_61] : memref<20480x16xf32, #tpu.memory_space<hbm>> -> memref<640x16xf32, #tpu.memory_space<hbm>>
      %dma_start3A_63 = arith.constant 0 : i32
      %dma_start3A_64 = tpu.memref_slice %arg11[%add3A_58, %dma_start3A_63] : memref<20480x16xf32, #tpu.memory_space<hbm>> -> memref<640x16xf32, #tpu.memory_space<hbm>>
      %dma_start3A_65 = arith.constant 0 : i32
      %dma_start3A_66 = arith.constant 0 : i32
      %dma_start3A_67 = tpu.memref_slice %arg12[%dma_start3A_65, %dma_start3A_66] : memref<640x48xf32, #tpu.memory_space<vmem>> -> memref<640x16xf32, #tpu.memory_space<vmem>>
      tpu.enqueue_dma source(%dma_start3A_67 : memref<640x16xf32, #tpu.memory_space<vmem>>) target(%dma_start3A_64 : memref<640x16xf32, #tpu.memory_space<hbm>>) target_semaphore(%run_scoped3A : memref<!tpu.dma_semaphore, #tpu.memory_space<semaphore_mem>>)
      %dma_wait3A_68 = arith.constant 0 : i32
      %dma_wait3A_69 = arith.constant 0 : i32
      %dma_wait3A_70 = tpu.memref_slice %arg12[%dma_wait3A_68, %dma_wait3A_69] : memref<640x48xf32, #tpu.memory_space<vmem>> -> memref<640x16xf32, #tpu.memory_space<vmem>>
      %dma_wait3A_71 = arith.constant 0 : i32
      %dma_wait3A_72 = tpu.memref_slice %arg11[%add3A_58, %dma_wait3A_71] : memref<20480x16xf32, #tpu.memory_space<hbm>> -> memref<640x16xf32, #tpu.memory_space<hbm>>
      %dma_wait3A_73 = arith.constant 0 : i32
      %dma_wait3A_74 = tpu.memref_slice %arg11[%add3A_58, %dma_wait3A_73] : memref<20480x16xf32, #tpu.memory_space<hbm>> -> memref<640x16xf32, #tpu.memory_space<hbm>>
      %dma_wait3A_75 = arith.constant 0 : i32
      %dma_wait3A_76 = arith.constant 0 : i32
      %dma_wait3A_77 = tpu.memref_slice %arg12[%dma_wait3A_75, %dma_wait3A_76] : memref<640x48xf32, #tpu.memory_space<vmem>> -> memref<640x16xf32, #tpu.memory_space<vmem>>
      tpu.wait_dma2 semaphore(%run_scoped3A : memref<!tpu.dma_semaphore, #tpu.memory_space<semaphore_mem>>) src(%dma_wait3A_77 : memref<640x16xf32, #tpu.memory_space<vmem>>) dst(%dma_wait3A_74 : memref<640x16xf32, #tpu.memory_space<hbm>>)
      tpu.yield
    }) : () -> ()
    return
  }
}

module attributes {stable_mosaic.version = 14 : i64} {
  func.func @_prep_body(%arg0: memref<10000x16xf32, #tpu.memory_space<vmem>>, %arg1: memref<10000x16xf32, #tpu.memory_space<vmem>>, %arg2: memref<16x80xf32, #tpu.memory_space<vmem>>, %arg3: memref<1x80xf32, #tpu.memory_space<vmem>>, %arg4: memref<16x80xf32, #tpu.memory_space<vmem>>, %arg5: memref<1x80xf32, #tpu.memory_space<vmem>>, %arg6: memref<16x16xf32, #tpu.memory_space<vmem>>, %arg7: memref<1x16xf32, #tpu.memory_space<vmem>>, %arg8: memref<16x16xf32, #tpu.memory_space<vmem>>, %arg9: memref<1x16xf32, #tpu.memory_space<vmem>>, %arg10: memref<10000x80xf32, #tpu.memory_space<vmem>>, %arg11: memref<10000x80xf32, #tpu.memory_space<vmem>>, %arg12: memref<10000x16xf32, #tpu.memory_space<vmem>>, %arg13: memref<10000x16xf32, #tpu.memory_space<vmem>>) attributes {dimension_semantics = [], scalar_prefetch = 0 : i64, scratch_operands = 0 : i64, tpu.core_type = #tpu.core_type<tc>} {
    %get3A = arith.constant 0 : index
    %get3A_0 = arith.constant 0 : index
    %get3A_1 = vector.load %arg0[%get3A, %get3A_0] : memref<10000x16xf32, #tpu.memory_space<vmem>>, vector<10000x16xf32>
    %get3A_2 = arith.constant 0 : index
    %get3A_3 = arith.constant 0 : index
    %get3A_4 = vector.load %arg1[%get3A_2, %get3A_3] : memref<10000x16xf32, #tpu.memory_space<vmem>>, vector<10000x16xf32>
    %get3A_5 = arith.constant 0 : index
    %get3A_6 = arith.constant 0 : index
    %get3A_7 = vector.load %arg2[%get3A_5, %get3A_6] : memref<16x80xf32, #tpu.memory_space<vmem>>, vector<16x80xf32>
    %dot_general3A = arith.constant dense<0.000000e+00> : vector<10000x80xf32>
    %dot_general3A_8 = tpu.matmul %get3A_1, %get3A_7, %dot_general3A {dimension_numbers = #tpu.dot_dimension_numbers<[1], [0], [0], [1], [0, 0, 1, 1], [], []>, transpose_lhs_hint = false} : vector<10000x16xf32>, vector<16x80xf32>, vector<10000x80xf32> -> vector<10000x80xf32>
    %get3A_9 = arith.constant 0 : index
    %get3A_10 = arith.constant 0 : index
    %get3A_11 = vector.load %arg3[%get3A_9, %get3A_10] : memref<1x80xf32, #tpu.memory_space<vmem>>, vector<1x80xf32>
    %add3A = vector.broadcast %get3A_11 : vector<1x80xf32> to vector<10000x80xf32>
    %add3A_12 = arith.addf %dot_general3A_8, %add3A : vector<10000x80xf32>
    %swap3A = arith.constant 0 : index
    %swap3A_13 = arith.constant 0 : index
    %swap3A_14 = vector.load %arg10[%swap3A, %swap3A_13] : memref<10000x80xf32, #tpu.memory_space<vmem>>, vector<10000x80xf32>
    tpu.vector_store %arg10[%swap3A, %swap3A_13], %add3A_12 {strides = array<i32>} : memref<10000x80xf32, #tpu.memory_space<vmem>>, vector<10000x80xf32>,
    %get3A_15 = arith.constant 0 : index
    %get3A_16 = arith.constant 0 : index
    %get3A_17 = vector.load %arg4[%get3A_15, %get3A_16] : memref<16x80xf32, #tpu.memory_space<vmem>>, vector<16x80xf32>
    %dot_general3A_18 = arith.constant dense<0.000000e+00> : vector<10000x80xf32>
    %dot_general3A_19 = tpu.matmul %get3A_4, %get3A_17, %dot_general3A_18 {dimension_numbers = #tpu.dot_dimension_numbers<[1], [0], [0], [1], [0, 0, 1, 1], [], []>, transpose_lhs_hint = false} : vector<10000x16xf32>, vector<16x80xf32>, vector<10000x80xf32> -> vector<10000x80xf32>
    %get3A_20 = arith.constant 0 : index
    %get3A_21 = arith.constant 0 : index
    %get3A_22 = vector.load %arg5[%get3A_20, %get3A_21] : memref<1x80xf32, #tpu.memory_space<vmem>>, vector<1x80xf32>
    %add3A_23 = vector.broadcast %get3A_22 : vector<1x80xf32> to vector<10000x80xf32>
    %add3A_24 = arith.addf %dot_general3A_19, %add3A_23 : vector<10000x80xf32>
    %swap3A_25 = arith.constant 0 : index
    %swap3A_26 = arith.constant 0 : index
    %swap3A_27 = vector.load %arg11[%swap3A_25, %swap3A_26] : memref<10000x80xf32, #tpu.memory_space<vmem>>, vector<10000x80xf32>
    tpu.vector_store %arg11[%swap3A_25, %swap3A_26], %add3A_24 {strides = array<i32>} : memref<10000x80xf32, #tpu.memory_space<vmem>>, vector<10000x80xf32>,
    %get3A_28 = arith.constant 0 : index
    %get3A_29 = arith.constant 0 : index
    %get3A_30 = vector.load %arg6[%get3A_28, %get3A_29] : memref<16x16xf32, #tpu.memory_space<vmem>>, vector<16x16xf32>
    %dot_general3A_31 = arith.constant dense<0.000000e+00> : vector<10000x16xf32>
    %dot_general3A_32 = tpu.matmul %get3A_4, %get3A_30, %dot_general3A_31 {dimension_numbers = #tpu.dot_dimension_numbers<[1], [0], [0], [1], [0, 0, 1, 1], [], []>, transpose_lhs_hint = false} : vector<10000x16xf32>, vector<16x16xf32>, vector<10000x16xf32> -> vector<10000x16xf32>
    %get3A_33 = arith.constant 0 : index
    %get3A_34 = arith.constant 0 : index
    %get3A_35 = vector.load %arg7[%get3A_33, %get3A_34] : memref<1x16xf32, #tpu.memory_space<vmem>>, vector<1x16xf32>
    %add3A_36 = vector.broadcast %get3A_35 : vector<1x16xf32> to vector<10000x16xf32>
    %add3A_37 = arith.addf %dot_general3A_32, %add3A_36 : vector<10000x16xf32>
    %swap3A_38 = arith.constant 0 : index
    %swap3A_39 = arith.constant 0 : index
    %swap3A_40 = vector.load %arg12[%swap3A_38, %swap3A_39] : memref<10000x16xf32, #tpu.memory_space<vmem>>, vector<10000x16xf32>
    tpu.vector_store %arg12[%swap3A_38, %swap3A_39], %add3A_37 {strides = array<i32>} : memref<10000x16xf32, #tpu.memory_space<vmem>>, vector<10000x16xf32>,
    %get3A_41 = arith.constant 0 : index
    %get3A_42 = arith.constant 0 : index
    %get3A_43 = vector.load %arg8[%get3A_41, %get3A_42] : memref<16x16xf32, #tpu.memory_space<vmem>>, vector<16x16xf32>
    %dot_general3A_44 = arith.constant dense<0.000000e+00> : vector<10000x16xf32>
    %dot_general3A_45 = tpu.matmul %get3A_1, %get3A_43, %dot_general3A_44 {dimension_numbers = #tpu.dot_dimension_numbers<[1], [0], [0], [1], [0, 0, 1, 1], [], []>, transpose_lhs_hint = false} : vector<10000x16xf32>, vector<16x16xf32>, vector<10000x16xf32> -> vector<10000x16xf32>
    %get3A_46 = arith.constant 0 : index
    %get3A_47 = arith.constant 0 : index
    %get3A_48 = vector.load %arg9[%get3A_46, %get3A_47] : memref<1x16xf32, #tpu.memory_space<vmem>>, vector<1x16xf32>
    %add3A_49 = vector.broadcast %get3A_48 : vector<1x16xf32> to vector<10000x16xf32>
    %add3A_50 = arith.addf %dot_general3A_45, %add3A_49 : vector<10000x16xf32>
    %swap3A_51 = arith.constant 0 : index
    %swap3A_52 = arith.constant 0 : index
    %swap3A_53 = vector.load %arg13[%swap3A_51, %swap3A_52] : memref<10000x16xf32, #tpu.memory_space<vmem>>, vector<10000x16xf32>
    tpu.vector_store %arg13[%swap3A_51, %swap3A_52], %add3A_50 {strides = array<i32>} : memref<10000x16xf32, #tpu.memory_space<vmem>>, vector<10000x16xf32>,
    return
  }
}

module attributes {stable_mosaic.version = 14 : i64} {
  func.func @_edge_mlp_body(%arg0: i32, %arg1: memref<1600x768xf32, #tpu.memory_space<vmem>>, %arg2: memref<768x80xf32, #tpu.memory_space<vmem>>, %arg3: memref<1x80xf32, #tpu.memory_space<vmem>>, %arg4: memref<80x16xf32, #tpu.memory_space<vmem>>, %arg5: memref<1x16xf32, #tpu.memory_space<vmem>>, %arg6: memref<768x80xf32, #tpu.memory_space<vmem>>, %arg7: memref<1x80xf32, #tpu.memory_space<vmem>>, %arg8: memref<80x16xf32, #tpu.memory_space<vmem>>, %arg9: memref<1x16xf32, #tpu.memory_space<vmem>>, %arg10: memref<1600x128xf32, #tpu.memory_space<vmem>>) attributes {dimension_semantics = [#tpu.dimension_semantics<arbitrary>], iteration_bounds = array<i64: 62>, scalar_prefetch = 0 : i64, scratch_operands = 0 : i64, tpu.core_type = #tpu.core_type<tc>, window_params = [{transform_indices = @transform_0, window_bounds = array<i64: 1600, 768>}, {pipeline_mode = #tpu.pipeline_mode<synchronous>, transform_indices = @transform_1, window_bounds = array<i64: 768, 80>}, {pipeline_mode = #tpu.pipeline_mode<synchronous>, transform_indices = @transform_2, window_bounds = array<i64: 1, 80>}, {pipeline_mode = #tpu.pipeline_mode<synchronous>, transform_indices = @transform_3, window_bounds = array<i64: 80, 16>}, {pipeline_mode = #tpu.pipeline_mode<synchronous>, transform_indices = @transform_4, window_bounds = array<i64: 1, 16>}, {pipeline_mode = #tpu.pipeline_mode<synchronous>, transform_indices = @transform_5, window_bounds = array<i64: 768, 80>}, {pipeline_mode = #tpu.pipeline_mode<synchronous>, transform_indices = @transform_6, window_bounds = array<i64: 1, 80>}, {pipeline_mode = #tpu.pipeline_mode<synchronous>, transform_indices = @transform_7, window_bounds = array<i64: 80, 16>}, {pipeline_mode = #tpu.pipeline_mode<synchronous>, transform_indices = @transform_8, window_bounds = array<i64: 1, 16>}, {transform_indices = @transform_9, window_bounds = array<i64: 1600, 128>}]} {
    %get3A = arith.constant 0 : index
    %get3A_0 = arith.constant 0 : index
    %get3A_1 = vector.load %arg1[%get3A, %get3A_0] : memref<1600x768xf32, #tpu.memory_space<vmem>>, vector<1600x768xf32>
    %get3A_2 = arith.constant 0 : index
    %get3A_3 = arith.constant 0 : index
    %get3A_4 = vector.load %arg2[%get3A_2, %get3A_3] : memref<768x80xf32, #tpu.memory_space<vmem>>, vector<768x80xf32>
    %dot_general3A = arith.constant dense<0.000000e+00> : vector<1600x80xf32>
    %dot_general3A_5 = tpu.matmul %get3A_1, %get3A_4, %dot_general3A {dimension_numbers = #tpu.dot_dimension_numbers<[1], [0], [0], [1], [0, 0, 1, 1], [], []>, transpose_lhs_hint = false} : vector<1600x768xf32>, vector<768x80xf32>, vector<1600x80xf32> -> vector<1600x80xf32>
    %get3A_6 = arith.constant 0 : index
    %get3A_7 = arith.constant 0 : index
    %get3A_8 = vector.load %arg3[%get3A_6, %get3A_7] : memref<1x80xf32, #tpu.memory_space<vmem>>, vector<1x80xf32>
    %add3A = vector.broadcast %get3A_8 : vector<1x80xf32> to vector<1600x80xf32>
    %add3A_9 = arith.addf %dot_general3A_5, %add3A : vector<1600x80xf32>
    %max3A = arith.constant 0.000000e+00 : f32
    %max3A_10 = vector.broadcast %max3A : f32 to vector<1600x80xf32>
    %max3A_11 = arith.maximumf %add3A_9, %max3A_10 : vector<1600x80xf32>
    %get3A_12 = arith.constant 0 : index
    %get3A_13 = arith.constant 0 : index
    %get3A_14 = vector.load %arg4[%get3A_12, %get3A_13] : memref<80x16xf32, #tpu.memory_space<vmem>>, vector<80x16xf32>
    %dot_general3A_15 = arith.constant dense<0.000000e+00> : vector<1600x16xf32>
    %dot_general3A_16 = tpu.matmul %max3A_11, %get3A_14, %dot_general3A_15 {dimension_numbers = #tpu.dot_dimension_numbers<[1], [0], [0], [1], [0, 0, 1, 1], [], []>, transpose_lhs_hint = false} : vector<1600x80xf32>, vector<80x16xf32>, vector<1600x16xf32> -> vector<1600x16xf32>
    %get3A_17 = arith.constant 0 : index
    %get3A_18 = arith.constant 0 : index
    %get3A_19 = vector.load %arg5[%get3A_17, %get3A_18] : memref<1x16xf32, #tpu.memory_space<vmem>>, vector<1x16xf32>
    %add3A_20 = vector.broadcast %get3A_19 : vector<1x16xf32> to vector<1600x16xf32>
    %add3A_21 = arith.addf %dot_general3A_16, %add3A_20 : vector<1600x16xf32>
    %max3A_22 = arith.constant 0.000000e+00 : f32
    %max3A_23 = vector.broadcast %max3A_22 : f32 to vector<1600x16xf32>
    %max3A_24 = arith.maximumf %add3A_21, %max3A_23 : vector<1600x16xf32>
    %get3A_25 = arith.constant 0 : index
    %get3A_26 = arith.constant 0 : index
    %get3A_27 = vector.load %arg6[%get3A_25, %get3A_26] : memref<768x80xf32, #tpu.memory_space<vmem>>, vector<768x80xf32>
    %dot_general3A_28 = arith.constant dense<0.000000e+00> : vector<1600x80xf32>
    %dot_general3A_29 = tpu.matmul %get3A_1, %get3A_27, %dot_general3A_28 {dimension_numbers = #tpu.dot_dimension_numbers<[1], [0], [0], [1], [0, 0, 1, 1], [], []>, transpose_lhs_hint = false} : vector<1600x768xf32>, vector<768x80xf32>, vector<1600x80xf32> -> vector<1600x80xf32>
    %get3A_30 = arith.constant 0 : index
    %get3A_31 = arith.constant 0 : index
    %get3A_32 = vector.load %arg7[%get3A_30, %get3A_31] : memref<1x80xf32, #tpu.memory_space<vmem>>, vector<1x80xf32>
    %add3A_33 = vector.broadcast %get3A_32 : vector<1x80xf32> to vector<1600x80xf32>
    %add3A_34 = arith.addf %dot_general3A_29, %add3A_33 : vector<1600x80xf32>
    %max3A_35 = arith.constant 0.000000e+00 : f32
    %max3A_36 = vector.broadcast %max3A_35 : f32 to vector<1600x80xf32>
    %max3A_37 = arith.maximumf %add3A_34, %max3A_36 : vector<1600x80xf32>
    %get3A_38 = arith.constant 0 : index
    %get3A_39 = arith.constant 0 : index
    %get3A_40 = vector.load %arg8[%get3A_38, %get3A_39] : memref<80x16xf32, #tpu.memory_space<vmem>>, vector<80x16xf32>
    %dot_general3A_41 = arith.constant dense<0.000000e+00> : vector<1600x16xf32>
    %dot_general3A_42 = tpu.matmul %max3A_37, %get3A_40, %dot_general3A_41 {dimension_numbers = #tpu.dot_dimension_numbers<[1], [0], [0], [1], [0, 0, 1, 1], [], []>, transpose_lhs_hint = false} : vector<1600x80xf32>, vector<80x16xf32>, vector<1600x16xf32> -> vector<1600x16xf32>
    %get3A_43 = arith.constant 0 : index
    %get3A_44 = arith.constant 0 : index
    %get3A_45 = vector.load %arg9[%get3A_43, %get3A_44] : memref<1x16xf32, #tpu.memory_space<vmem>>, vector<1x16xf32>
    %add3A_46 = vector.broadcast %get3A_45 : vector<1x16xf32> to vector<1600x16xf32>
    %add3A_47 = arith.addf %dot_general3A_42, %add3A_46 : vector<1600x16xf32>
    %max3A_48 = arith.constant 0.000000e+00 : f32
    %max3A_49 = vector.broadcast %max3A_48 : f32 to vector<1600x16xf32>
    %max3A_50 = arith.maximumf %add3A_47, %max3A_49 : vector<1600x16xf32>
    %broadcast_in_dim3A = arith.constant 1.000000e+00 : f32
    %broadcast_in_dim3A_51 = vector.broadcast %broadcast_in_dim3A : f32 to vector<1600x96xf32>
    %concatenate3A = tpu.concatenate %max3A_24, %max3A_50, %broadcast_in_dim3A_51 in 1 : vector<1600x16xf32>, vector<1600x16xf32>, vector<1600x96xf32> -> vector<1600x128xf32>
    %swap3A = arith.constant 0 : index
    %swap3A_52 = arith.constant 0 : index
    %swap3A_53 = vector.load %arg10[%swap3A, %swap3A_52] : memref<1600x128xf32, #tpu.memory_space<vmem>>, vector<1600x128xf32>
    tpu.vector_store %arg10[%swap3A, %swap3A_52], %concatenate3A {strides = array<i32>} : memref<1600x128xf32, #tpu.memory_space<vmem>>, vector<1600x128xf32>,
    return
  }
  func.func @transform_0(%arg0: i32) -> (i32, i32) {
    %add3A = arith.constant 0 : i32
    %add3A_0 = arith.addi %arg0, %add3A : i32
    %c0_i32 = arith.constant 0 : i32
    %c0_i32_1 = arith.constant 0 : i32
    return %add3A_0, %c0_i32 : i32, i32
  }
  func.func @transform_1(%arg0: i32) -> (i32, i32) {
    %c0_i32 = arith.constant 0 : i32
    %c0_i32_0 = arith.constant 0 : i32
    %c0_i32_1 = arith.constant 0 : i32
    return %c0_i32, %c0_i32_0 : i32, i32
  }
  func.func @transform_2(%arg0: i32) -> (i32, i32) {
    %c0_i32 = arith.constant 0 : i32
    %c0_i32_0 = arith.constant 0 : i32
    %c0_i32_1 = arith.constant 0 : i32
    return %c0_i32, %c0_i32_0 : i32, i32
  }
  func.func @transform_3(%arg0: i32) -> (i32, i32) {
    %c0_i32 = arith.constant 0 : i32
    %c0_i32_0 = arith.constant 0 : i32
    %c0_i32_1 = arith.constant 0 : i32
    return %c0_i32, %c0_i32_0 : i32, i32
  }
  func.func @transform_4(%arg0: i32) -> (i32, i32) {
    %c0_i32 = arith.constant 0 : i32
    %c0_i32_0 = arith.constant 0 : i32
    %c0_i32_1 = arith.constant 0 : i32
    return %c0_i32, %c0_i32_0 : i32, i32
  }
  func.func @transform_5(%arg0: i32) -> (i32, i32) {
    %c0_i32 = arith.constant 0 : i32
    %c0_i32_0 = arith.constant 0 : i32
    %c0_i32_1 = arith.constant 0 : i32
    return %c0_i32, %c0_i32_0 : i32, i32
  }
  func.func @transform_6(%arg0: i32) -> (i32, i32) {
    %c0_i32 = arith.constant 0 : i32
    %c0_i32_0 = arith.constant 0 : i32
    %c0_i32_1 = arith.constant 0 : i32
    return %c0_i32, %c0_i32_0 : i32, i32
  }
  func.func @transform_7(%arg0: i32) -> (i32, i32) {
    %c0_i32 = arith.constant 0 : i32
    %c0_i32_0 = arith.constant 0 : i32
    %c0_i32_1 = arith.constant 0 : i32
    return %c0_i32, %c0_i32_0 : i32, i32
  }
  func.func @transform_8(%arg0: i32) -> (i32, i32) {
    %c0_i32 = arith.constant 0 : i32
    %c0_i32_0 = arith.constant 0 : i32
    %c0_i32_1 = arith.constant 0 : i32
    return %c0_i32, %c0_i32_0 : i32, i32
  }
  func.func @transform_9(%arg0: i32) -> (i32, i32) {
    %c0_i32 = arith.constant 0 : i32
    %c0_i32_0 = arith.constant 0 : i32
    return %arg0, %c0_i32 : i32, i32
  }
}

module attributes {stable_mosaic.version = 14 : i64} {
  func.func @_edge_mlp_body(%arg0: i32, %arg1: memref<1600x768xf32, #tpu.memory_space<vmem>>, %arg2: memref<768x80xf32, #tpu.memory_space<vmem>>, %arg3: memref<1x80xf32, #tpu.memory_space<vmem>>, %arg4: memref<80x16xf32, #tpu.memory_space<vmem>>, %arg5: memref<1x16xf32, #tpu.memory_space<vmem>>, %arg6: memref<768x80xf32, #tpu.memory_space<vmem>>, %arg7: memref<1x80xf32, #tpu.memory_space<vmem>>, %arg8: memref<80x16xf32, #tpu.memory_space<vmem>>, %arg9: memref<1x16xf32, #tpu.memory_space<vmem>>, %arg10: memref<1600x128xf32, #tpu.memory_space<vmem>>) attributes {dimension_semantics = [#tpu.dimension_semantics<arbitrary>], iteration_bounds = array<i64: 38>, scalar_prefetch = 0 : i64, scratch_operands = 0 : i64, tpu.core_type = #tpu.core_type<tc>, window_params = [{transform_indices = @transform_0, window_bounds = array<i64: 1600, 768>}, {pipeline_mode = #tpu.pipeline_mode<synchronous>, transform_indices = @transform_1, window_bounds = array<i64: 768, 80>}, {pipeline_mode = #tpu.pipeline_mode<synchronous>, transform_indices = @transform_2, window_bounds = array<i64: 1, 80>}, {pipeline_mode = #tpu.pipeline_mode<synchronous>, transform_indices = @transform_3, window_bounds = array<i64: 80, 16>}, {pipeline_mode = #tpu.pipeline_mode<synchronous>, transform_indices = @transform_4, window_bounds = array<i64: 1, 16>}, {pipeline_mode = #tpu.pipeline_mode<synchronous>, transform_indices = @transform_5, window_bounds = array<i64: 768, 80>}, {pipeline_mode = #tpu.pipeline_mode<synchronous>, transform_indices = @transform_6, window_bounds = array<i64: 1, 80>}, {pipeline_mode = #tpu.pipeline_mode<synchronous>, transform_indices = @transform_7, window_bounds = array<i64: 80, 16>}, {pipeline_mode = #tpu.pipeline_mode<synchronous>, transform_indices = @transform_8, window_bounds = array<i64: 1, 16>}, {transform_indices = @transform_9, window_bounds = array<i64: 1600, 128>}]} {
    %get3A = arith.constant 0 : index
    %get3A_0 = arith.constant 0 : index
    %get3A_1 = vector.load %arg1[%get3A, %get3A_0] : memref<1600x768xf32, #tpu.memory_space<vmem>>, vector<1600x768xf32>
    %get3A_2 = arith.constant 0 : index
    %get3A_3 = arith.constant 0 : index
    %get3A_4 = vector.load %arg2[%get3A_2, %get3A_3] : memref<768x80xf32, #tpu.memory_space<vmem>>, vector<768x80xf32>
    %dot_general3A = arith.constant dense<0.000000e+00> : vector<1600x80xf32>
    %dot_general3A_5 = tpu.matmul %get3A_1, %get3A_4, %dot_general3A {dimension_numbers = #tpu.dot_dimension_numbers<[1], [0], [0], [1], [0, 0, 1, 1], [], []>, transpose_lhs_hint = false} : vector<1600x768xf32>, vector<768x80xf32>, vector<1600x80xf32> -> vector<1600x80xf32>
    %get3A_6 = arith.constant 0 : index
    %get3A_7 = arith.constant 0 : index
    %get3A_8 = vector.load %arg3[%get3A_6, %get3A_7] : memref<1x80xf32, #tpu.memory_space<vmem>>, vector<1x80xf32>
    %add3A = vector.broadcast %get3A_8 : vector<1x80xf32> to vector<1600x80xf32>
    %add3A_9 = arith.addf %dot_general3A_5, %add3A : vector<1600x80xf32>
    %max3A = arith.constant 0.000000e+00 : f32
    %max3A_10 = vector.broadcast %max3A : f32 to vector<1600x80xf32>
    %max3A_11 = arith.maximumf %add3A_9, %max3A_10 : vector<1600x80xf32>
    %get3A_12 = arith.constant 0 : index
    %get3A_13 = arith.constant 0 : index
    %get3A_14 = vector.load %arg4[%get3A_12, %get3A_13] : memref<80x16xf32, #tpu.memory_space<vmem>>, vector<80x16xf32>
    %dot_general3A_15 = arith.constant dense<0.000000e+00> : vector<1600x16xf32>
    %dot_general3A_16 = tpu.matmul %max3A_11, %get3A_14, %dot_general3A_15 {dimension_numbers = #tpu.dot_dimension_numbers<[1], [0], [0], [1], [0, 0, 1, 1], [], []>, transpose_lhs_hint = false} : vector<1600x80xf32>, vector<80x16xf32>, vector<1600x16xf32> -> vector<1600x16xf32>
    %get3A_17 = arith.constant 0 : index
    %get3A_18 = arith.constant 0 : index
    %get3A_19 = vector.load %arg5[%get3A_17, %get3A_18] : memref<1x16xf32, #tpu.memory_space<vmem>>, vector<1x16xf32>
    %add3A_20 = vector.broadcast %get3A_19 : vector<1x16xf32> to vector<1600x16xf32>
    %add3A_21 = arith.addf %dot_general3A_16, %add3A_20 : vector<1600x16xf32>
    %max3A_22 = arith.constant 0.000000e+00 : f32
    %max3A_23 = vector.broadcast %max3A_22 : f32 to vector<1600x16xf32>
    %max3A_24 = arith.maximumf %add3A_21, %max3A_23 : vector<1600x16xf32>
    %get3A_25 = arith.constant 0 : index
    %get3A_26 = arith.constant 0 : index
    %get3A_27 = vector.load %arg6[%get3A_25, %get3A_26] : memref<768x80xf32, #tpu.memory_space<vmem>>, vector<768x80xf32>
    %dot_general3A_28 = arith.constant dense<0.000000e+00> : vector<1600x80xf32>
    %dot_general3A_29 = tpu.matmul %get3A_1, %get3A_27, %dot_general3A_28 {dimension_numbers = #tpu.dot_dimension_numbers<[1], [0], [0], [1], [0, 0, 1, 1], [], []>, transpose_lhs_hint = false} : vector<1600x768xf32>, vector<768x80xf32>, vector<1600x80xf32> -> vector<1600x80xf32>
    %get3A_30 = arith.constant 0 : index
    %get3A_31 = arith.constant 0 : index
    %get3A_32 = vector.load %arg7[%get3A_30, %get3A_31] : memref<1x80xf32, #tpu.memory_space<vmem>>, vector<1x80xf32>
    %add3A_33 = vector.broadcast %get3A_32 : vector<1x80xf32> to vector<1600x80xf32>
    %add3A_34 = arith.addf %dot_general3A_29, %add3A_33 : vector<1600x80xf32>
    %max3A_35 = arith.constant 0.000000e+00 : f32
    %max3A_36 = vector.broadcast %max3A_35 : f32 to vector<1600x80xf32>
    %max3A_37 = arith.maximumf %add3A_34, %max3A_36 : vector<1600x80xf32>
    %get3A_38 = arith.constant 0 : index
    %get3A_39 = arith.constant 0 : index
    %get3A_40 = vector.load %arg8[%get3A_38, %get3A_39] : memref<80x16xf32, #tpu.memory_space<vmem>>, vector<80x16xf32>
    %dot_general3A_41 = arith.constant dense<0.000000e+00> : vector<1600x16xf32>
    %dot_general3A_42 = tpu.matmul %max3A_37, %get3A_40, %dot_general3A_41 {dimension_numbers = #tpu.dot_dimension_numbers<[1], [0], [0], [1], [0, 0, 1, 1], [], []>, transpose_lhs_hint = false} : vector<1600x80xf32>, vector<80x16xf32>, vector<1600x16xf32> -> vector<1600x16xf32>
    %get3A_43 = arith.constant 0 : index
    %get3A_44 = arith.constant 0 : index
    %get3A_45 = vector.load %arg9[%get3A_43, %get3A_44] : memref<1x16xf32, #tpu.memory_space<vmem>>, vector<1x16xf32>
    %add3A_46 = vector.broadcast %get3A_45 : vector<1x16xf32> to vector<1600x16xf32>
    %add3A_47 = arith.addf %dot_general3A_42, %add3A_46 : vector<1600x16xf32>
    %max3A_48 = arith.constant 0.000000e+00 : f32
    %max3A_49 = vector.broadcast %max3A_48 : f32 to vector<1600x16xf32>
    %max3A_50 = arith.maximumf %add3A_47, %max3A_49 : vector<1600x16xf32>
    %broadcast_in_dim3A = arith.constant 1.000000e+00 : f32
    %broadcast_in_dim3A_51 = vector.broadcast %broadcast_in_dim3A : f32 to vector<1600x96xf32>
    %concatenate3A = tpu.concatenate %max3A_24, %max3A_50, %broadcast_in_dim3A_51 in 1 : vector<1600x16xf32>, vector<1600x16xf32>, vector<1600x96xf32> -> vector<1600x128xf32>
    %swap3A = arith.constant 0 : index
    %swap3A_52 = arith.constant 0 : index
    %swap3A_53 = vector.load %arg10[%swap3A, %swap3A_52] : memref<1600x128xf32, #tpu.memory_space<vmem>>, vector<1600x128xf32>
    tpu.vector_store %arg10[%swap3A, %swap3A_52], %concatenate3A {strides = array<i32>} : memref<1600x128xf32, #tpu.memory_space<vmem>>, vector<1600x128xf32>,
    return
  }
  func.func @transform_0(%arg0: i32) -> (i32, i32) {
    %add3A = arith.constant 62 : i32
    %add3A_0 = arith.addi %arg0, %add3A : i32
    %c0_i32 = arith.constant 0 : i32
    %c0_i32_1 = arith.constant 0 : i32
    return %add3A_0, %c0_i32 : i32, i32
  }
  func.func @transform_1(%arg0: i32) -> (i32, i32) {
    %c0_i32 = arith.constant 0 : i32
    %c0_i32_0 = arith.constant 0 : i32
    %c0_i32_1 = arith.constant 0 : i32
    return %c0_i32, %c0_i32_0 : i32, i32
  }
  func.func @transform_2(%arg0: i32) -> (i32, i32) {
    %c0_i32 = arith.constant 0 : i32
    %c0_i32_0 = arith.constant 0 : i32
    %c0_i32_1 = arith.constant 0 : i32
    return %c0_i32, %c0_i32_0 : i32, i32
  }
  func.func @transform_3(%arg0: i32) -> (i32, i32) {
    %c0_i32 = arith.constant 0 : i32
    %c0_i32_0 = arith.constant 0 : i32
    %c0_i32_1 = arith.constant 0 : i32
    return %c0_i32, %c0_i32_0 : i32, i32
  }
  func.func @transform_4(%arg0: i32) -> (i32, i32) {
    %c0_i32 = arith.constant 0 : i32
    %c0_i32_0 = arith.constant 0 : i32
    %c0_i32_1 = arith.constant 0 : i32
    return %c0_i32, %c0_i32_0 : i32, i32
  }
  func.func @transform_5(%arg0: i32) -> (i32, i32) {
    %c0_i32 = arith.constant 0 : i32
    %c0_i32_0 = arith.constant 0 : i32
    %c0_i32_1 = arith.constant 0 : i32
    return %c0_i32, %c0_i32_0 : i32, i32
  }
  func.func @transform_6(%arg0: i32) -> (i32, i32) {
    %c0_i32 = arith.constant 0 : i32
    %c0_i32_0 = arith.constant 0 : i32
    %c0_i32_1 = arith.constant 0 : i32
    return %c0_i32, %c0_i32_0 : i32, i32
  }
  func.func @transform_7(%arg0: i32) -> (i32, i32) {
    %c0_i32 = arith.constant 0 : i32
    %c0_i32_0 = arith.constant 0 : i32
    %c0_i32_1 = arith.constant 0 : i32
    return %c0_i32, %c0_i32_0 : i32, i32
  }
  func.func @transform_8(%arg0: i32) -> (i32, i32) {
    %c0_i32 = arith.constant 0 : i32
    %c0_i32_0 = arith.constant 0 : i32
    %c0_i32_1 = arith.constant 0 : i32
    return %c0_i32, %c0_i32_0 : i32, i32
  }
  func.func @transform_9(%arg0: i32) -> (i32, i32) {
    %c0_i32 = arith.constant 0 : i32
    %c0_i32_0 = arith.constant 0 : i32
    return %arg0, %c0_i32 : i32, i32
  }
}

module attributes {stable_mosaic.version = 14 : i64} {
  func.func @_combine_body(%arg0: i32, %arg1: memref<80x48xf32, #tpu.memory_space<vmem>>, %arg2: memref<80x48xf32, #tpu.memory_space<vmem>>, %arg3: memref<80x48xf32, #tpu.memory_space<vmem>>, %arg4: memref<80x48xf32, #tpu.memory_space<vmem>>, %arg5: memref<80x48xf32, #tpu.memory_space<vmem>>, %arg6: memref<80x48xf32, #tpu.memory_space<vmem>>, %arg7: memref<80x48xf32, #tpu.memory_space<vmem>>, %arg8: memref<80x48xf32, #tpu.memory_space<vmem>>, %arg9: memref<80x16xf32, #tpu.memory_space<vmem>>, %arg10: memref<80x16xf32, #tpu.memory_space<vmem>>, %arg11: memref<80x16xf32, #tpu.memory_space<vmem>>, %arg12: memref<80x16xf32, #tpu.memory_space<vmem>>, %arg13: memref<80x16xf32, #tpu.memory_space<vmem>>, %arg14: memref<80x16xf32, #tpu.memory_space<vmem>>, %arg15: memref<80x16xf32, #tpu.memory_space<vmem>>, %arg16: memref<80x16xf32, #tpu.memory_space<vmem>>, %arg17: memref<80x16xf32, #tpu.memory_space<vmem>>, %arg18: memref<80x16xf32, #tpu.memory_space<vmem>>, %arg19: memref<16x16xf32, #tpu.memory_space<vmem>>, %arg20: memref<16x16xf32, #tpu.memory_space<vmem>>, %arg21: memref<80x16xf32, #tpu.memory_space<vmem>>, %arg22: memref<80x16xf32, #tpu.memory_space<vmem>>) attributes {dimension_semantics = [#tpu.dimension_semantics<arbitrary>], iteration_bounds = array<i64: 125>, scalar_prefetch = 0 : i64, scratch_operands = 0 : i64, tpu.core_type = #tpu.core_type<tc>, window_params = [{transform_indices = @transform_0, window_bounds = array<i64: 80, 48>}, {transform_indices = @transform_1, window_bounds = array<i64: 80, 48>}, {transform_indices = @transform_2, window_bounds = array<i64: 80, 48>}, {transform_indices = @transform_3, window_bounds = array<i64: 80, 48>}, {transform_indices = @transform_4, window_bounds = array<i64: 80, 48>}, {transform_indices = @transform_5, window_bounds = array<i64: 80, 48>}, {transform_indices = @transform_6, window_bounds = array<i64: 80, 48>}, {transform_indices = @transform_7, window_bounds = array<i64: 80, 48>}, {transform_indices = @transform_8, window_bounds = array<i64: 80, 16>}, {transform_indices = @transform_9, window_bounds = array<i64: 80, 16>}, {transform_indices = @transform_10, window_bounds = array<i64: 80, 16>}, {transform_indices = @transform_11, window_bounds = array<i64: 80, 16>}, {transform_indices = @transform_12, window_bounds = array<i64: 80, 16>}, {transform_indices = @transform_13, window_bounds = array<i64: 80, 16>}, {transform_indices = @transform_14, window_bounds = array<i64: 80, 16>}, {transform_indices = @transform_15, window_bounds = array<i64: 80, 16>}, {transform_indices = @transform_16, window_bounds = array<i64: 80, 16>}, {transform_indices = @transform_17, window_bounds = array<i64: 80, 16>}, {pipeline_mode = #tpu.pipeline_mode<synchronous>, transform_indices = @transform_18, window_bounds = array<i64: 16, 16>}, {pipeline_mode = #tpu.pipeline_mode<synchronous>, transform_indices = @transform_19, window_bounds = array<i64: 16, 16>}, {transform_indices = @transform_20, window_bounds = array<i64: 80, 16>}, {transform_indices = @transform_21, window_bounds = array<i64: 80, 16>}]} {
    %get3A = arith.constant 0 : index
    %get3A_0 = arith.constant 0 : index
    %get3A_1 = vector.load %arg1[%get3A, %get3A_0] : memref<80x48xf32, #tpu.memory_space<vmem>>, vector<80x16xf32>
    %get3A_2 = arith.constant 0 : index
    %get3A_3 = arith.constant 0 : index
    %get3A_4 = vector.load %arg2[%get3A_2, %get3A_3] : memref<80x48xf32, #tpu.memory_space<vmem>>, vector<80x16xf32>
    %add3A = arith.addf %get3A_1, %get3A_4 : vector<80x16xf32>
    %get3A_5 = arith.constant 0 : index
    %get3A_6 = arith.constant 0 : index
    %get3A_7 = vector.load %arg3[%get3A_5, %get3A_6] : memref<80x48xf32, #tpu.memory_space<vmem>>, vector<80x16xf32>
    %add3A_8 = arith.addf %add3A, %get3A_7 : vector<80x16xf32>
    %get3A_9 = arith.constant 0 : index
    %get3A_10 = arith.constant 0 : index
    %get3A_11 = vector.load %arg4[%get3A_9, %get3A_10] : memref<80x48xf32, #tpu.memory_space<vmem>>, vector<80x16xf32>
    %add3A_12 = arith.addf %add3A_8, %get3A_11 : vector<80x16xf32>
    %get3A_13 = arith.constant 0 : index
    %get3A_14 = arith.constant 0 : index
    %get3A_15 = vector.load %arg9[%get3A_13, %get3A_14] : memref<80x16xf32, #tpu.memory_space<vmem>>, vector<80x16xf32>
    %add3A_16 = arith.addf %add3A_12, %get3A_15 : vector<80x16xf32>
    %get3A_17 = arith.constant 0 : index
    %get3A_18 = arith.constant 0 : index
    %get3A_19 = vector.load %arg10[%get3A_17, %get3A_18] : memref<80x16xf32, #tpu.memory_space<vmem>>, vector<80x16xf32>
    %add3A_20 = arith.addf %add3A_16, %get3A_19 : vector<80x16xf32>
    %get3A_21 = arith.constant 0 : index
    %get3A_22 = arith.constant 0 : index
    %get3A_23 = vector.load %arg11[%get3A_21, %get3A_22] : memref<80x16xf32, #tpu.memory_space<vmem>>, vector<80x16xf32>
    %add3A_24 = arith.addf %add3A_20, %get3A_23 : vector<80x16xf32>
    %get3A_25 = arith.constant 0 : index
    %get3A_26 = arith.constant 0 : index
    %get3A_27 = vector.load %arg12[%get3A_25, %get3A_26] : memref<80x16xf32, #tpu.memory_space<vmem>>, vector<80x16xf32>
    %add3A_28 = arith.addf %add3A_24, %get3A_27 : vector<80x16xf32>
    %get3A_29 = arith.constant 0 : index
    %get3A_30 = arith.constant 32 : index
    %get3A_31 = vector.load %arg1[%get3A_29, %get3A_30] : memref<80x48xf32, #tpu.memory_space<vmem>>, vector<80x16xf32>
    %get3A_32 = arith.constant 0 : index
    %get3A_33 = arith.constant 32 : index
    %get3A_34 = vector.load %arg2[%get3A_32, %get3A_33] : memref<80x48xf32, #tpu.memory_space<vmem>>, vector<80x16xf32>
    %add3A_35 = arith.addf %get3A_31, %get3A_34 : vector<80x16xf32>
    %get3A_36 = arith.constant 0 : index
    %get3A_37 = arith.constant 32 : index
    %get3A_38 = vector.load %arg3[%get3A_36, %get3A_37] : memref<80x48xf32, #tpu.memory_space<vmem>>, vector<80x16xf32>
    %add3A_39 = arith.addf %add3A_35, %get3A_38 : vector<80x16xf32>
    %get3A_40 = arith.constant 0 : index
    %get3A_41 = arith.constant 32 : index
    %get3A_42 = vector.load %arg4[%get3A_40, %get3A_41] : memref<80x48xf32, #tpu.memory_space<vmem>>, vector<80x16xf32>
    %add3A_43 = arith.addf %add3A_39, %get3A_42 : vector<80x16xf32>
    %get3A_44 = arith.constant 0 : index
    %get3A_45 = arith.constant 16 : index
    %get3A_46 = vector.load %arg5[%get3A_44, %get3A_45] : memref<80x48xf32, #tpu.memory_space<vmem>>, vector<80x16xf32>
    %get3A_47 = arith.constant 0 : index
    %get3A_48 = arith.constant 16 : index
    %get3A_49 = vector.load %arg6[%get3A_47, %get3A_48] : memref<80x48xf32, #tpu.memory_space<vmem>>, vector<80x16xf32>
    %add3A_50 = arith.addf %get3A_46, %get3A_49 : vector<80x16xf32>
    %get3A_51 = arith.constant 0 : index
    %get3A_52 = arith.constant 16 : index
    %get3A_53 = vector.load %arg7[%get3A_51, %get3A_52] : memref<80x48xf32, #tpu.memory_space<vmem>>, vector<80x16xf32>
    %add3A_54 = arith.addf %add3A_50, %get3A_53 : vector<80x16xf32>
    %get3A_55 = arith.constant 0 : index
    %get3A_56 = arith.constant 16 : index
    %get3A_57 = vector.load %arg8[%get3A_55, %get3A_56] : memref<80x48xf32, #tpu.memory_space<vmem>>, vector<80x16xf32>
    %add3A_58 = arith.addf %add3A_54, %get3A_57 : vector<80x16xf32>
    %get3A_59 = arith.constant 0 : index
    %get3A_60 = arith.constant 0 : index
    %get3A_61 = vector.load %arg13[%get3A_59, %get3A_60] : memref<80x16xf32, #tpu.memory_space<vmem>>, vector<80x16xf32>
    %add3A_62 = arith.addf %add3A_58, %get3A_61 : vector<80x16xf32>
    %get3A_63 = arith.constant 0 : index
    %get3A_64 = arith.constant 0 : index
    %get3A_65 = vector.load %arg14[%get3A_63, %get3A_64] : memref<80x16xf32, #tpu.memory_space<vmem>>, vector<80x16xf32>
    %add3A_66 = arith.addf %add3A_62, %get3A_65 : vector<80x16xf32>
    %get3A_67 = arith.constant 0 : index
    %get3A_68 = arith.constant 0 : index
    %get3A_69 = vector.load %arg15[%get3A_67, %get3A_68] : memref<80x16xf32, #tpu.memory_space<vmem>>, vector<80x16xf32>
    %add3A_70 = arith.addf %add3A_66, %get3A_69 : vector<80x16xf32>
    %get3A_71 = arith.constant 0 : index
    %get3A_72 = arith.constant 0 : index
    %get3A_73 = vector.load %arg16[%get3A_71, %get3A_72] : memref<80x16xf32, #tpu.memory_space<vmem>>, vector<80x16xf32>
    %add3A_74 = arith.addf %add3A_70, %get3A_73 : vector<80x16xf32>
    %get3A_75 = arith.constant 0 : index
    %get3A_76 = arith.constant 32 : index
    %get3A_77 = vector.load %arg5[%get3A_75, %get3A_76] : memref<80x48xf32, #tpu.memory_space<vmem>>, vector<80x16xf32>
    %get3A_78 = arith.constant 0 : index
    %get3A_79 = arith.constant 32 : index
    %get3A_80 = vector.load %arg6[%get3A_78, %get3A_79] : memref<80x48xf32, #tpu.memory_space<vmem>>, vector<80x16xf32>
    %add3A_81 = arith.addf %get3A_77, %get3A_80 : vector<80x16xf32>
    %get3A_82 = arith.constant 0 : index
    %get3A_83 = arith.constant 32 : index
    %get3A_84 = vector.load %arg7[%get3A_82, %get3A_83] : memref<80x48xf32, #tpu.memory_space<vmem>>, vector<80x16xf32>
    %add3A_85 = arith.addf %add3A_81, %get3A_84 : vector<80x16xf32>
    %get3A_86 = arith.constant 0 : index
    %get3A_87 = arith.constant 32 : index
    %get3A_88 = vector.load %arg8[%get3A_86, %get3A_87] : memref<80x48xf32, #tpu.memory_space<vmem>>, vector<80x16xf32>
    %add3A_89 = arith.addf %add3A_85, %get3A_88 : vector<80x16xf32>
    %max3A = arith.constant 1.000000e+00 : f32
    %max3A_90 = vector.broadcast %max3A : f32 to vector<80x16xf32>
    %max3A_91 = arith.maximumf %add3A_43, %max3A_90 : vector<80x16xf32>
    %div3A = arith.divf %add3A_28, %max3A_91 : vector<80x16xf32>
    %max3A_92 = arith.constant 1.000000e+00 : f32
    %max3A_93 = vector.broadcast %max3A_92 : f32 to vector<80x16xf32>
    %max3A_94 = arith.maximumf %add3A_89, %max3A_93 : vector<80x16xf32>
    %div3A_95 = arith.divf %add3A_74, %max3A_94 : vector<80x16xf32>
    %get3A_96 = arith.constant 0 : index
    %get3A_97 = arith.constant 0 : index
    %get3A_98 = vector.load %arg17[%get3A_96, %get3A_97] : memref<80x16xf32, #tpu.memory_space<vmem>>, vector<80x16xf32>
    %add3A_99 = arith.addf %get3A_98, %div3A : vector<80x16xf32>
    %max3A_100 = arith.constant 0.000000e+00 : f32
    %max3A_101 = vector.broadcast %max3A_100 : f32 to vector<80x16xf32>
    %max3A_102 = arith.maximumf %add3A_99, %max3A_101 : vector<80x16xf32>
    %get3A_103 = arith.constant 0 : index
    %get3A_104 = arith.constant 0 : index
    %get3A_105 = vector.load %arg18[%get3A_103, %get3A_104] : memref<80x16xf32, #tpu.memory_space<vmem>>, vector<80x16xf32>
    %add3A_106 = arith.addf %get3A_105, %div3A_95 : vector<80x16xf32>
    %max3A_107 = arith.constant 0.000000e+00 : f32
    %max3A_108 = vector.broadcast %max3A_107 : f32 to vector<80x16xf32>
    %max3A_109 = arith.maximumf %add3A_106, %max3A_108 : vector<80x16xf32>
    %get3A_110 = arith.constant 0 : index
    %get3A_111 = arith.constant 0 : index
    %get3A_112 = vector.load %arg19[%get3A_110, %get3A_111] : memref<16x16xf32, #tpu.memory_space<vmem>>, vector<16x16xf32>
    %dot_general3A = arith.constant dense<0.000000e+00> : vector<80x16xf32>
    %dot_general3A_113 = tpu.matmul %max3A_102, %get3A_112, %dot_general3A {dimension_numbers = #tpu.dot_dimension_numbers<[1], [0], [0], [1], [0, 0, 1, 1], [], []>, transpose_lhs_hint = false} : vector<80x16xf32>, vector<16x16xf32>, vector<80x16xf32> -> vector<80x16xf32>
    %swap3A = arith.constant 0 : index
    %swap3A_114 = arith.constant 0 : index
    %swap3A_115 = vector.load %arg21[%swap3A, %swap3A_114] : memref<80x16xf32, #tpu.memory_space<vmem>>, vector<80x16xf32>
    tpu.vector_store %arg21[%swap3A, %swap3A_114], %dot_general3A_113 {strides = array<i32>} : memref<80x16xf32, #tpu.memory_space<vmem>>, vector<80x16xf32>,
    %get3A_116 = arith.constant 0 : index
    %get3A_117 = arith.constant 0 : index
    %get3A_118 = vector.load %arg20[%get3A_116, %get3A_117] : memref<16x16xf32, #tpu.memory_space<vmem>>, vector<16x16xf32>
    %dot_general3A_119 = arith.constant dense<0.000000e+00> : vector<80x16xf32>
    %dot_general3A_120 = tpu.matmul %max3A_109, %get3A_118, %dot_general3A_119 {dimension_numbers = #tpu.dot_dimension_numbers<[1], [0], [0], [1], [0, 0, 1, 1], [], []>, transpose_lhs_hint = false} : vector<80x16xf32>, vector<16x16xf32>, vector<80x16xf32> -> vector<80x16xf32>
    %swap3A_121 = arith.constant 0 : index
    %swap3A_122 = arith.constant 0 : index
    %swap3A_123 = vector.load %arg22[%swap3A_121, %swap3A_122] : memref<80x16xf32, #tpu.memory_space<vmem>>, vector<80x16xf32>
    tpu.vector_store %arg22[%swap3A_121, %swap3A_122], %dot_general3A_120 {strides = array<i32>} : memref<80x16xf32, #tpu.memory_space<vmem>>, vector<80x16xf32>,
    return
  }
  func.func @transform_0(%arg0: i32) -> (i32, i32) {
    %c0_i32 = arith.constant 0 : i32
    %c0_i32_0 = arith.constant 0 : i32
    return %arg0, %c0_i32 : i32, i32
  }
  func.func @transform_1(%arg0: i32) -> (i32, i32) {
    %add3A = arith.constant 128 : i32
    %add3A_0 = arith.addi %arg0, %add3A : i32
    %c0_i32 = arith.constant 0 : i32
    %c0_i32_1 = arith.constant 0 : i32
    return %add3A_0, %c0_i32 : i32, i32
  }
  func.func @transform_2(%arg0: i32) -> (i32, i32) {
    %c0_i32 = arith.constant 0 : i32
    %c0_i32_0 = arith.constant 0 : i32
    return %arg0, %c0_i32 : i32, i32
  }
  func.func @transform_3(%arg0: i32) -> (i32, i32) {
    %add3A = arith.constant 128 : i32
    %add3A_0 = arith.addi %arg0, %add3A : i32
    %c0_i32 = arith.constant 0 : i32
    %c0_i32_1 = arith.constant 0 : i32
    return %add3A_0, %c0_i32 : i32, i32
  }
  func.func @transform_4(%arg0: i32) -> (i32, i32) {
    %c0_i32 = arith.constant 0 : i32
    %c0_i32_0 = arith.constant 0 : i32
    return %arg0, %c0_i32 : i32, i32
  }
  func.func @transform_5(%arg0: i32) -> (i32, i32) {
    %add3A = arith.constant 128 : i32
    %add3A_0 = arith.addi %arg0, %add3A : i32
    %c0_i32 = arith.constant 0 : i32
    %c0_i32_1 = arith.constant 0 : i32
    return %add3A_0, %c0_i32 : i32, i32
  }
  func.func @transform_6(%arg0: i32) -> (i32, i32) {
    %c0_i32 = arith.constant 0 : i32
    %c0_i32_0 = arith.constant 0 : i32
    return %arg0, %c0_i32 : i32, i32
  }
  func.func @transform_7(%arg0: i32) -> (i32, i32) {
    %add3A = arith.constant 128 : i32
    %add3A_0 = arith.addi %arg0, %add3A : i32
    %c0_i32 = arith.constant 0 : i32
    %c0_i32_1 = arith.constant 0 : i32
    return %add3A_0, %c0_i32 : i32, i32
  }
  func.func @transform_8(%arg0: i32) -> (i32, i32) {
    %c0_i32 = arith.constant 0 : i32
    %c0_i32_0 = arith.constant 0 : i32
    return %arg0, %c0_i32 : i32, i32
  }
  func.func @transform_9(%arg0: i32) -> (i32, i32) {
    %add3A = arith.constant 128 : i32
    %add3A_0 = arith.addi %arg0, %add3A : i32
    %c0_i32 = arith.constant 0 : i32
    %c0_i32_1 = arith.constant 0 : i32
    return %add3A_0, %c0_i32 : i32, i32
  }
  func.func @transform_10(%arg0: i32) -> (i32, i32) {
    %c0_i32 = arith.constant 0 : i32
    %c0_i32_0 = arith.constant 0 : i32
    return %arg0, %c0_i32 : i32, i32
  }
  func.func @transform_11(%arg0: i32) -> (i32, i32) {
    %add3A = arith.constant 128 : i32
    %add3A_0 = arith.addi %arg0, %add3A : i32
    %c0_i32 = arith.constant 0 : i32
    %c0_i32_1 = arith.constant 0 : i32
    return %add3A_0, %c0_i32 : i32, i32
  }
  func.func @transform_12(%arg0: i32) -> (i32, i32) {
    %c0_i32 = arith.constant 0 : i32
    %c0_i32_0 = arith.constant 0 : i32
    return %arg0, %c0_i32 : i32, i32
  }
  func.func @transform_13(%arg0: i32) -> (i32, i32) {
    %add3A = arith.constant 128 : i32
    %add3A_0 = arith.addi %arg0, %add3A : i32
    %c0_i32 = arith.constant 0 : i32
    %c0_i32_1 = arith.constant 0 : i32
    return %add3A_0, %c0_i32 : i32, i32
  }
  func.func @transform_14(%arg0: i32) -> (i32, i32) {
    %c0_i32 = arith.constant 0 : i32
    %c0_i32_0 = arith.constant 0 : i32
    return %arg0, %c0_i32 : i32, i32
  }
  func.func @transform_15(%arg0: i32) -> (i32, i32) {
    %add3A = arith.constant 128 : i32
    %add3A_0 = arith.addi %arg0, %add3A : i32
    %c0_i32 = arith.constant 0 : i32
    %c0_i32_1 = arith.constant 0 : i32
    return %add3A_0, %c0_i32 : i32, i32
  }
  func.func @transform_16(%arg0: i32) -> (i32, i32) {
    %c0_i32 = arith.constant 0 : i32
    %c0_i32_0 = arith.constant 0 : i32
    return %arg0, %c0_i32 : i32, i32
  }
  func.func @transform_17(%arg0: i32) -> (i32, i32) {
    %c0_i32 = arith.constant 0 : i32
    %c0_i32_0 = arith.constant 0 : i32
    return %arg0, %c0_i32 : i32, i32
  }
  func.func @transform_18(%arg0: i32) -> (i32, i32) {
    %c0_i32 = arith.constant 0 : i32
    %c0_i32_0 = arith.constant 0 : i32
    %c0_i32_1 = arith.constant 0 : i32
    return %c0_i32, %c0_i32_0 : i32, i32
  }
  func.func @transform_19(%arg0: i32) -> (i32, i32) {
    %c0_i32 = arith.constant 0 : i32
    %c0_i32_0 = arith.constant 0 : i32
    %c0_i32_1 = arith.constant 0 : i32
    return %c0_i32, %c0_i32_0 : i32, i32
  }
  func.func @transform_20(%arg0: i32) -> (i32, i32) {
    %c0_i32 = arith.constant 0 : i32
    %c0_i32_0 = arith.constant 0 : i32
    return %arg0, %c0_i32 : i32, i32
  }
  func.func @transform_21(%arg0: i32) -> (i32, i32) {
    %c0_i32 = arith.constant 0 : i32
    %c0_i32_0 = arith.constant 0 : i32
    return %arg0, %c0_i32 : i32, i32
  }
}

module attributes {stable_mosaic.version = 14 : i64} {
  func.func @_score_body(%arg0: i32, %arg1: memref<2000x128xf32, #tpu.memory_space<vmem>>, %arg2: memref<2000x128xf32, #tpu.memory_space<vmem>>, %arg3: memref<1x128xf32, #tpu.memory_space<vmem>>, %arg4: memref<128x128xf32, #tpu.memory_space<vmem>>, %arg5: memref<1x128xf32, #tpu.memory_space<vmem>>, %arg6: memref<128x8xf32, #tpu.memory_space<vmem>>, %arg7: memref<1x8xf32, #tpu.memory_space<vmem>>, %arg8: memref<2000x8xf32, #tpu.memory_space<vmem>>) attributes {dimension_semantics = [#tpu.dimension_semantics<arbitrary>], iteration_bounds = array<i64: 10>, scalar_prefetch = 0 : i64, scratch_operands = 0 : i64, tpu.core_type = #tpu.core_type<tc>, window_params = [{transform_indices = @transform_0, window_bounds = array<i64: 2000, 128>}, {transform_indices = @transform_1, window_bounds = array<i64: 2000, 128>}, {pipeline_mode = #tpu.pipeline_mode<synchronous>, transform_indices = @transform_2, window_bounds = array<i64: 1, 128>}, {pipeline_mode = #tpu.pipeline_mode<synchronous>, transform_indices = @transform_3, window_bounds = array<i64: 128, 128>}, {pipeline_mode = #tpu.pipeline_mode<synchronous>, transform_indices = @transform_4, window_bounds = array<i64: 1, 128>}, {pipeline_mode = #tpu.pipeline_mode<synchronous>, transform_indices = @transform_5, window_bounds = array<i64: 128, 8>}, {pipeline_mode = #tpu.pipeline_mode<synchronous>, transform_indices = @transform_6, window_bounds = array<i64: 1, 8>}, {transform_indices = @transform_7, window_bounds = array<i64: 2000, 8>}]} {
    %get3A = arith.constant 0 : index
    %get3A_0 = arith.constant 0 : index
    %get3A_1 = vector.load %arg1[%get3A, %get3A_0] : memref<2000x128xf32, #tpu.memory_space<vmem>>, vector<2000x128xf32>
    %get3A_2 = arith.constant 0 : index
    %get3A_3 = arith.constant 0 : index
    %get3A_4 = vector.load %arg2[%get3A_2, %get3A_3] : memref<2000x128xf32, #tpu.memory_space<vmem>>, vector<2000x128xf32>
    %add3A = arith.addf %get3A_1, %get3A_4 : vector<2000x128xf32>
    %get3A_5 = arith.constant 0 : index
    %get3A_6 = arith.constant 0 : index
    %get3A_7 = vector.load %arg3[%get3A_5, %get3A_6] : memref<1x128xf32, #tpu.memory_space<vmem>>, vector<1x128xf32>
    %add3A_8 = vector.broadcast %get3A_7 : vector<1x128xf32> to vector<2000x128xf32>
    %add3A_9 = arith.addf %add3A, %add3A_8 : vector<2000x128xf32>
    %max3A = arith.constant 0.000000e+00 : f32
    %max3A_10 = vector.broadcast %max3A : f32 to vector<2000x128xf32>
    %max3A_11 = arith.maximumf %add3A_9, %max3A_10 : vector<2000x128xf32>
    %get3A_12 = arith.constant 0 : index
    %get3A_13 = arith.constant 0 : index
    %get3A_14 = vector.load %arg4[%get3A_12, %get3A_13] : memref<128x128xf32, #tpu.memory_space<vmem>>, vector<128x128xf32>
    %dot_general3A = arith.constant dense<0.000000e+00> : vector<2000x128xf32>
    %dot_general3A_15 = tpu.matmul %max3A_11, %get3A_14, %dot_general3A {dimension_numbers = #tpu.dot_dimension_numbers<[1], [0], [0], [1], [0, 0, 1, 1], [], []>, transpose_lhs_hint = false} : vector<2000x128xf32>, vector<128x128xf32>, vector<2000x128xf32> -> vector<2000x128xf32>
    %get3A_16 = arith.constant 0 : index
    %get3A_17 = arith.constant 0 : index
    %get3A_18 = vector.load %arg5[%get3A_16, %get3A_17] : memref<1x128xf32, #tpu.memory_space<vmem>>, vector<1x128xf32>
    %add3A_19 = vector.broadcast %get3A_18 : vector<1x128xf32> to vector<2000x128xf32>
    %add3A_20 = arith.addf %dot_general3A_15, %add3A_19 : vector<2000x128xf32>
    %max3A_21 = arith.constant 0.000000e+00 : f32
    %max3A_22 = vector.broadcast %max3A_21 : f32 to vector<2000x128xf32>
    %max3A_23 = arith.maximumf %add3A_20, %max3A_22 : vector<2000x128xf32>
    %get3A_24 = arith.constant 0 : index
    %get3A_25 = arith.constant 0 : index
    %get3A_26 = vector.load %arg6[%get3A_24, %get3A_25] : memref<128x8xf32, #tpu.memory_space<vmem>>, vector<128x8xf32>
    %dot_general3A_27 = arith.constant dense<0.000000e+00> : vector<2000x8xf32>
    %dot_general3A_28 = tpu.matmul %max3A_23, %get3A_26, %dot_general3A_27 {dimension_numbers = #tpu.dot_dimension_numbers<[1], [0], [0], [1], [0, 0, 1, 1], [], []>, transpose_lhs_hint = false} : vector<2000x128xf32>, vector<128x8xf32>, vector<2000x8xf32> -> vector<2000x8xf32>
    %get3A_29 = arith.constant 0 : index
    %get3A_30 = arith.constant 0 : index
    %get3A_31 = vector.load %arg7[%get3A_29, %get3A_30] : memref<1x8xf32, #tpu.memory_space<vmem>>, vector<1x8xf32>
    %add3A_32 = vector.broadcast %get3A_31 : vector<1x8xf32> to vector<2000x8xf32>
    %add3A_33 = arith.addf %dot_general3A_28, %add3A_32 : vector<2000x8xf32>
    %logistic3A = arith.negf %add3A_33 : vector<2000x8xf32>
    %logistic3A_34 = math.exp %logistic3A : vector<2000x8xf32>
    %logistic3A_35 = arith.constant 1.000000e+00 : f32
    %logistic3A_36 = vector.broadcast %logistic3A_35 : f32 to vector<2000x8xf32>
    %logistic3A_37 = arith.addf %logistic3A_36, %logistic3A_34 : vector<2000x8xf32>
    %logistic3A_38 = arith.divf %logistic3A_36, %logistic3A_37 : vector<2000x8xf32>
    %mul3A = arith.constant 4.000000e+00 : f32
    %mul3A_39 = vector.broadcast %mul3A : f32 to vector<2000x8xf32>
    %mul3A_40 = arith.mulf %logistic3A_38, %mul3A_39 : vector<2000x8xf32>
    %add3A_41 = arith.constant 1.000000e+00 : f32
    %add3A_42 = vector.broadcast %add3A_41 : f32 to vector<2000x8xf32>
    %add3A_43 = arith.addf %mul3A_40, %add3A_42 : vector<2000x8xf32>
    %swap3A = arith.constant 0 : index
    %swap3A_44 = arith.constant 0 : index
    %swap3A_45 = vector.load %arg8[%swap3A, %swap3A_44] : memref<2000x8xf32, #tpu.memory_space<vmem>>, vector<2000x8xf32>
    tpu.vector_store %arg8[%swap3A, %swap3A_44], %add3A_43 {strides = array<i32>} : memref<2000x8xf32, #tpu.memory_space<vmem>>, vector<2000x8xf32>,
    return
  }
  func.func @transform_0(%arg0: i32) -> (i32, i32) {
    %c0_i32 = arith.constant 0 : i32
    %c0_i32_0 = arith.constant 0 : i32
    return %arg0, %c0_i32 : i32, i32
  }
  func.func @transform_1(%arg0: i32) -> (i32, i32) {
    %c0_i32 = arith.constant 0 : i32
    %c0_i32_0 = arith.constant 0 : i32
    return %arg0, %c0_i32 : i32, i32
  }
  func.func @transform_2(%arg0: i32) -> (i32, i32) {
    %c0_i32 = arith.constant 0 : i32
    %c0_i32_0 = arith.constant 0 : i32
    %c0_i32_1 = arith.constant 0 : i32
    return %c0_i32, %c0_i32_0 : i32, i32
  }
  func.func @transform_3(%arg0: i32) -> (i32, i32) {
    %c0_i32 = arith.constant 0 : i32
    %c0_i32_0 = arith.constant 0 : i32
    %c0_i32_1 = arith.constant 0 : i32
    return %c0_i32, %c0_i32_0 : i32, i32
  }
  func.func @transform_4(%arg0: i32) -> (i32, i32) {
    %c0_i32 = arith.constant 0 : i32
    %c0_i32_0 = arith.constant 0 : i32
    %c0_i32_1 = arith.constant 0 : i32
    return %c0_i32, %c0_i32_0 : i32, i32
  }
  func.func @transform_5(%arg0: i32) -> (i32, i32) {
    %c0_i32 = arith.constant 0 : i32
    %c0_i32_0 = arith.constant 0 : i32
    %c0_i32_1 = arith.constant 0 : i32
    return %c0_i32, %c0_i32_0 : i32, i32
  }
  func.func @transform_6(%arg0: i32) -> (i32, i32) {
    %c0_i32 = arith.constant 0 : i32
    %c0_i32_0 = arith.constant 0 : i32
    %c0_i32_1 = arith.constant 0 : i32
    return %c0_i32, %c0_i32_0 : i32, i32
  }
  func.func @transform_7(%arg0: i32) -> (i32, i32) {
    %c0_i32 = arith.constant 0 : i32
    %c0_i32_0 = arith.constant 0 : i32
    return %arg0, %c0_i32 : i32, i32
  }
}

</mosaic_0001>

<sc_bundles>
// kernel: kernel.10.cloned.1.call-start
scs
__scs_entry_jumppad:
0x0: {  	(pc) =	sbr.rel $0x88, $3  }
0x1: {  	(tag) =	ssettag $0x0;
	lr =	simm.s32 $0x1  }
0x2: {  	[smem:$0x3F86] =	sst lr;
	_ =	strace $0xD0000000  }
0x3: {  	_ = 	snop  }
0x4: {  	_ = 	snop  }
0x5: {  	_ = 	snop  }
0x6: {  	_ = 	snop  }
0x7: {  	_ = 	snop  }
__scs_overlays_trampoline_lowered:
0x8: {  	[smem:$0x3F95] =	sst s0  }
0x9: {  	[smem:$0x3F96] =	sst s1  }
0xa: {  	[smem:$0x3F97] =	sst s2  }
0xb: {  	[smem:$0x3F98] =	sst s3  }
0xc: {  	[smem:$0x3F99] =	sst s4  }
0xd: {  	[smem:$0x3F9A] =	sst s5  }
0xe: {  	[smem:$0x3F9B] =	sst s6  }
0xf: {  	[smem:$0x3F9C] =	sst s7  }
0x10: {  	[smem:$0x3F9D] =	sst s8  }
0x11: {  	[smem:$0x3F9E] =	sst s9;
	s0 =	simm.s32 @!p0 $0x0  }
0x12: {  	s1 =	sld [smem:$0x3F84];
	s0 =	simm.s32 @p0 $0x1  }
0x13: {  	[smem:$0x3F9F] =	sst s0;
	s0 =	simm.s32 @!p1 $0x0  }
0x14: {  	s2 =	sld [smem:$0x3F83];
	s0 =	simm.s32 @p1 $0x1  }
0x15: {  	[smem:$0x3FA0] =	sst s0;
	s0 =	simm.s32 @!p2 $0x0  }
0x16: {  	s3 =	sld [smem:$0x3FDB];
	s0 =	simm.s32 @p2 $0x1  }
0x17: {  	s4 =	simm.s32 $0x1BF5;
	[smem:$0x3FA2] =	sst s0  }
0x18: {  	s0 =	sld [smem:$0x3F85];
	_ =	swait.ge [sflag:s4], $0x0  }
0x19: {  	s7 =	sld [smem:$0x3F86]  }
0x1a: {  	s8 =	sadd.s32 $0xFFFFE003, lr  }
0x1b: {  	s9 =	sadd.s32 $0xFFFFFEF7, lr;
	s5 =	simm.s32 $0xFFFFFFFF;
	p2 =	slt.u32 s8, $0xFFFFF086  }
0x1c: {  	p1 =	slt.u32 s9, $0xF7A;
	s5 =	simm.s32 @!p2 $0x0  }
0x1d: {  	s5 =	simm.s32 @p1 $0x1;
	p0 =	seq.s32 s7, s2  }
0x1e: {  	s7 =	smul.u32 @!p0 $0xF7A, s2;
	p2 =	seq.s32 @!p0 s5, $0x0  }
0x1f: {  	s9 =	smul.u32 $0xF7A, s1;
	s8 =	simm.s32 @!p0 $0x1BF5;
	p2 =	por !p2, p0  }
0x20: {  	[sflag:s8] =	ssyncset.s32 @!p0 $0xFFFFF086;
	s6 =	sadd.s32 @!p0 s3, s7;
	s7 =	simm.s32 @!p0 $0x108  }
0x21: {  	s3 =	sadd.s32 s3, s9;
	s6 =	sadd.s32 @!p0 $0x88, s6;
	s7 =	simm.s32 @p2 $0x1082  }
0x22: {  	[simem:s7], [sflag:s8] =	dma.local @!p0 [hbm:s6], $0xF7A  }
0x23: {  	s9 =	sor.u32 $0xD0000000, s2;
	s6 =	simm.s32 $0x108;
	_ =	swait.ge @!p0 [sflag:s8], $0x0  }
0x24: {  	s3 =	sadd.s32 $0x88, s3;
	s6 =	simm.s32 @!p1 $0x1082;
	[sflag:s4] =	ssyncset.s32 $0xFFFFF086  }
0x25: {  	[simem:s6], [sflag:s4] =	dma.local [hbm:s3], $0xF7A  }
0x26: {  	[smem:$0x3F86] =	sst s1;
	(tag) =	ssettag s2;
	_ =	strace s9  }
0x27: {  	s1 =	sld [smem:$0x3F96]  }
0x28: {  	s2 =	sld [smem:$0x3F97]  }
0x29: {  	s4 =	sld [smem:$0x3F99]  }
0x2a: {  	p0 =	seq.s32 s5, $0x0;
	s5 =	sld [smem:$0x3F9A]  }
0x2b: {  	s6 =	sld [smem:$0x3F9B]  }
0x2c: {  	s7 =	sld [smem:$0x3F9C]  }
0x2d: {  	s3 =	simm.s32 $0x108;
	s8 =	sld [smem:$0x3F9D]  }
0x2e: {  	s3 =	simm.s32 @!p0 $0x1082;
	s9 =	sld [smem:$0x3F9E]  }
0x2f: {  	lr =	sadd.s32 s0, s3;
	s0 =	sld [smem:$0x3F95]  }
0x30: {  	s3 =	sld [smem:$0x3F98]  }
0x31: {  	[smem:$0x3FA1] =	sst s10  }
0x32: {  	s10 =	sld [smem:$0x3F9F];
	_ =	sdelay $0x3  }
0x33: {  	p0 =	seq.s32 s10, $0x1;
	s10 =	sld [smem:$0x3FA1];
	_ =	sdelay $0x3  }
0x34: {  	[smem:$0x3FA1] =	sst s10  }
0x35: {  	s10 =	sld [smem:$0x3FA0];
	_ =	sdelay $0x3  }
0x36: {  	p1 =	seq.s32 s10, $0x1;
	s10 =	sld [smem:$0x3FA1];
	_ =	sdelay $0x3  }
0x37: {  	[smem:$0x3FA1] =	sst s10  }
0x38: {  	s10 =	sld [smem:$0x3FA2]  }
0x39: {  	_ = 	snop;
	(pc) =	sbr.ind lr, $3  }
0x3a: {  	_ = 	snop  }
0x3b: {  	_ = 	snop  }
0x3c: {  	p2 =	seq.s32 s10, $0x1;
	s10 =	sld [smem:$0x3FA1]  }
0x3d: {  	_ =	shalt  }
0x3e: {  	_ =	shalt  }
0x3f: {  	_ =	shalt  }
0x40: {  	_ =	shalt  }
0x41: {  	_ =	shalt  }
0x42: {  	_ =	shalt  }
0x43: {  	_ =	shalt  }
0x44: {  	_ =	shalt  }
0x45: {  	_ =	shalt  }
0x46: {  	_ =	shalt  }
0x47: {  	_ =	shalt  }
0x48: {  	_ =	shalt  }
0x49: {  	_ =	shalt  }
0x4a: {  	_ =	shalt  }
0x4b: {  	_ =	shalt  }
0x4c: {  	_ =	shalt  }
0x4d: {  	_ =	shalt  }
0x4e: {  	_ =	shalt  }
0x4f: {  	_ =	shalt  }
0x50: {  	_ =	shalt  }
0x51: {  	_ =	shalt  }
0x52: {  	_ =	shalt  }
0x53: {  	_ =	shalt  }
0x54: {  	_ =	shalt  }
0x55: {  	_ =	shalt  }
0x56: {  	_ =	shalt  }
0x57: {  	_ =	shalt  }
0x58: {  	_ =	shalt  }
0x59: {  	_ =	shalt  }
0x5a: {  	_ =	shalt  }
0x5b: {  	_ =	shalt  }
0x5c: {  	_ =	shalt  }
0x5d: {  	_ =	shalt  }
0x5e: {  	_ =	shalt  }
0x5f: {  	_ =	shalt  }
0x60: {  	_ =	shalt  }
0x61: {  	_ =	shalt  }
0x62: {  	_ =	shalt  }
0x63: {  	_ =	shalt  }
0x64: {  	_ =	shalt  }
0x65: {  	_ =	shalt  }
0x66: {  	_ =	shalt  }
0x67: {  	_ =	shalt  }
0x68: {  	_ =	shalt  }
0x69: {  	_ =	shalt  }
0x6a: {  	_ =	shalt  }
0x6b: {  	_ =	shalt  }
0x6c: {  	_ =	shalt  }
0x6d: {  	_ =	shalt  }
0x6e: {  	_ =	shalt  }
0x6f: {  	_ =	shalt  }
0x70: {  	_ =	shalt  }
0x71: {  	_ =	shalt  }
0x72: {  	_ =	shalt  }
0x73: {  	_ =	shalt  }
0x74: {  	_ =	shalt  }
0x75: {  	_ =	shalt  }
0x76: {  	_ =	shalt  }
0x77: {  	_ =	shalt  }
0x78: {  	_ =	shalt  }
0x79: {  	_ =	shalt  }
0x7a: {  	_ =	shalt  }
0x7b: {  	_ =	shalt  }
0x7c: {  	_ =	shalt  }
0x7d: {  	_ =	shalt  }
0x7e: {  	_ =	shalt  }
0x7f: {  	_ =	shalt  }
0x80: {  	_ =	shalt  }
0x81: {  	_ =	shalt  }
0x82: {  	_ =	shalt  }
0x83: {  	_ =	shalt  }
0x84: {  	_ =	shalt  }
0x85: {  	_ =	shalt  }
0x86: {  	_ =	shalt  }
0x87: {  	_ =	shalt  }
.Lfunc_end0:
.L_simem_size_0:
called_computation_lowered:
.L_overlay_start_0:
0x88: {  	s2 =	sld [smem:$0x3FD9]  }
0x89: {  	s3 =	sld [smem:$0x3FFE];
	_ =	sdelay $0x1  }
0x8a: {  	s1 =	srdreg.scid  }
0x8b: {  	s0 =	sand.u32 $0x1, s1  }
0x8c: {  	s17 =	sshll.u32 s0, $0xA;
	s2 =	sadd.s32 s3, s2  }
0x8d: {  	s2 =	sadd.s32 s2, s17  }
0x8e: {  	[smem:$0x3FAD] =	sst s2  }
0x8f: {  	_ = 	snop  }
0x90: {  	s2 =	sld [smem:$0x3FD0];
	(tm) =	ssettm $0x1  }
0x91: {  	s18 =	sld [smem:$0x3FFB];
	_ =	sdelay $0x3  }
0x92: {  	_ =	strace s18  }
0x93: {  	s3 =	sld [smem:$0x3FFC];
	_ =	sdelay $0x3  }
0x94: {  	_ =	strace s3  }
0x95: {  	s3 =	sld [smem:$0x3FFD];
	_ =	sdelay $0x3  }
0x96: {  	_ =	strace s3  }
0x97: {  	_ =	strace $0x8FFFFFFF  }
0x98: {  	s19 =	sld [smem:$0x3FDB];
	_ =	sdelay $0x1  }
0x99: {  	s4 =	simm.s32 $_scs_section_size  }
0x9a: {  	s5 =	simm.s32 $_size__tile_overlayer_lowered;
	s6 =	simm.s32 $_tile_overlayer_lowered  }
0x9b: {  	s22 =	simm.s32 $0x1BFF;
	s21 =	sshll.u32 s6, $0x1;
	s3 =	sadd.s32 s4, s19  }
0x9c: {  	s7 =	simm.s32 $0x0;
	s20 =	sshll.u32 s5, $0x1;
	s5 =	sadd.s32 s21, s3  }
0x9d: {  	[timem:s7], [sflag:s22] =	dma.local [hbm:s5], s20  }
0x9e: {  	_ =	swait.ge [sflag:s22], s20  }
0x9f: {  	s4 =	ssub.s32 $0x0, s20;
	[sflag:s22] =	ssyncset.done $0x0  }
0xa0: {  	[sflag:s22] =	ssyncadd.s32 s4;
	_ =	sdelay $0x1  }
0xa1: {  	s23 =	simm.s32 $0x1B8B  }
0xa2: {  	_ =	swait.ge [sflag:s23], $0x1  }
0xa3: {  	[sflag:s23] =	ssyncset.done $0x0  }
0xa4: {  	s25 =	simm.s32 $0x1B8E;
	s24 =	sld [smem:$0x3FFE];
	[sflag:s23] =	ssyncadd.s32 $0xFFFFFFFF  }
0xa5: {  	s26 =	simm.s32 $execute0_lowered;
	[smem:$0x3FD2] =	sst s25  }
0xa6: {  	s5 =	sshll.u32 s26, $0x1;
	_ =	strace $0x80000046;
	[dreg:$0x1] =	wrdreg $0xFFFFFFFF  }
0xa7: {  	s28 =	simm.s32 $_size_execute0_lowered;
	s3 =	sadd.s32 s3, s5;
	[dreg:$0x0] =	wrdreg $0x0  }
0xa8: {  	s5 =	sshll.u32 s28, $0x1;
	[dreg:$0x2] =	wrdreg s3  }
0xa9: {  	[dreg:$0x3] =	wrdreg s5  }
0xaa: {  	[dreg:$0x4] =	wrdreg $0xC0  }
0xab: {  	_ =	task [dreg:s7], $0x5FFFF  }
0xac: {  	[dreg:$0x1] =	wrdreg $0xFFFFFFFF  }
0xad: {  	[dreg:$0x0] =	wrdreg $0x60  }
0xae: {  	[dreg:$0x2] =	wrdreg s24  }
0xaf: {  	[dreg:$0x3] =	wrdreg s2  }
0xb0: {  	[dreg:$0x4] =	wrdreg $0xA2800  }
0xb1: {  	[dreg:$0x5] =	wrdreg $0x11A800  }
0xb2: {  	[dreg:$0x6] =	wrdreg $0x192800  }
0xb3: {  	[dreg:$0x7] =	wrdreg $0x1BA800  }
0xb4: {  	[dreg:$0x8] =	wrdreg $0x9  }
0xb5: {  	_ =	task.clear_ibuf [dreg:s7], $0x9FFFF;
	_ =	strace $0x90000046  }
0xb6: {  	s29 =	simm.s32 $0x9;
	_ =	strace $0x80000048  }
0xb7: {  	_ =	swait.ge [sflag:s29], $0x1  }
0xb8: {  	[sflag:s29] =	ssyncadd.s32 $0xFFFFFFFF  }
0xb9: {  	_ =	strace $0x90000048  }
0xba: {  	_ =	sfence  }
0xbb: {  	s30 =	sld [smem:$0x0];
	_ =	sdelay $0x2  }
0xbc: {  	s31 =	sshll.u32 s1, $0xD;
	s1 =	sshrl.u32 s1, $0x2  }
0xbd: {  	s3 =	sand.u32 $0x4000, s31;
	s1 =	sadd.s32 s1, s30  }
0xbe: {  	s0 =	sor.u32 s3, s0;
	s1 =	sshll.u32 s1, $0x11  }
0xbf: {  	s0 =	sor.u32 s1, s0  }
0xc0: {  	s0 =	sadd.s32 $0x8F2B, s0  }
0xc1: {  	[sflag:s0] =	ssyncadd.remote.s32 $0x1  }
0xc2: {  	_ =	sfence.sel $0xFFFF  }
0xc3: {  	[dreg:$0x0] =	wrdreg $0xFFFFFFFF;
	(pc) =	sbr.abs _section_cstart, $3  }
0xc4: {  	[dreg:$0x1] =	wrdreg $0xFFFFFFFF  }
0xc5: {  	_ =	task.clear_ibuf [dreg:s7], $0x2FFFF;
	_ =	strace $0x9FFFFFFF  }
0xc6: {  	(tm) =	ssettm $0x7FFFFFFF  }
0xc7: {  	_ =	shalt  }
tec
execute0_lowered:
.L_overlay_start_1:
0x0: {  	(tag) =	ssettag $0x1  }
0x1: {  	s0 =	rddreg [dreg:$0x0]  }
0x2: {  	s1 =	rddreg [dreg:$0x1]  }
0x3: {  	s2 =	rddreg [dreg:$0x3]  }
0x4: {  	s4 =	rddreg [dreg:$0x4]  }
0x5: {  	s5 =	rddreg [dreg:$0x5];
	s3 =	srdreg.scid  }
0x6: {  	s16 =	stileid.u32;
	s6 =	simm.s32 $0x0;
	s28 =	simm.s32 $0x1  }
0x7: {  	s29 =	simm.s32 $0x7980;
	s30 =	simm.s32 $0x9280;
	[dreg:$0x8] =	wrdreg s1  }
0x8: {  	s31 =	simm.s32 $0x7A00;
	s1 =	rddreg [dreg:$0x2];
	s3 =	sand.u32 $0x1, s3  }
0x9: {  	s7 =	smul.u32 $0x280, s16;
	[smem:$0x7FF] =	sst s6;
	s9 =	sadd.s32 $0x5800, s0  }
0xa: {  	s11 =	sadd.s32 $0x8A00, s0;
	_ =	strace $0x80000047;
	[dreg:$0x7] =	wrdreg s9  }
0xb: {  	s12 =	sadd.s32 $0x8B000, s0;
	s14 =	sadd.s32 $0x5A000, s0;
	[dreg:$0x9] =	wrdreg s11  }
0xc: {  	s22 =	sshll.u32 s16, $0x8;
	s8 =	smul.u32 $0x2800, s3;
	[dreg:$0xa] =	wrdreg s12  }
0xd: {  	s24 =	sshll.u32 s16, $0xC;
	[dreg:$0xb] =	wrdreg s14;
	s11 =	smul.u32 $0x7800, s16  }
0xe: {  	s10 =	ssub.s32 $0x2, s3;
	s12 =	smul.u32 $0x2800, s16;
	s14 =	sshll.u32 s16, $0x1  }
0xf: {  	s23 =	sshll.u32 s3, $0x7;
	s15 =	sshrl.u32 s10, $0x1;
	s18 =	sor.u32 s14, s3  }
0x10: {  	s3 =	sshll.u32 s3, $0xB;
	s25 =	sor.u32 s23, s22;
	s22 =	simm.s32 $0x7880  }
0x11: {  	s23 =	simm.s32 $0x7900;
	s8 =	sadd.s32 s7, s8;
	s7 =	sadd.s32 $0x72800, s0  }
0x12: {  	s19 =	sadd.s32 s11, s1;
	s20 =	sadd.s32 s11, s2;
	s14 =	sadd.s32 s12, s5  }
0x13: {  	s21 =	ssub.s32 $0x326, s18;
	[dreg:$0x11] =	wrdreg s25;
	s26 =	sor.u32 s3, s24  }
0x14: {  	s24 =	simm.s32 $0x30;
	s25 =	simm.s32 $0x80;
	[dreg:$0x12] =	wrdreg s26  }
0x15: {  	s3 =	simm.s32 $0x2;
	s13 =	smul.u32 $0x6, s8;
	[dreg:$0xc] =	wrdreg s19  }
0x16: {  	s8 =	sshll.u32 s8, $0x1;
	s26 =	simm.s32 $0x7A80;
	[dreg:$0xd] =	wrdreg s20  }
0x17: {  	s9 =	sadd.s32 s13, s0;
	s0 =	sadd.s32 s8, s0;
	s8 =	ssub.s32 s10, s15  }
0x18: {  	s10 =	sadd.s32 s12, s4;
	s12 =	simm.s32 $0x4;
	s17 =	sadd.s32 $0x20E800, s9  }
0x19: {  	s9 =	sadd.s32 $0x22C800, s9;
	s13 =	sadd.s32 $0x24A800, s0;
	[dreg:$0xe] =	wrdreg s17  }
0x1a: {  	s15 =	sadd.s32 $0x254800, s0;
	s8 =	smax.u32 s8, $0x1;
	[dreg:$0xf] =	wrdreg s9  }
0x1b: {  	s0 =	sshrl.u32 s21, $0x5;
	s21 =	simm.s32 $0x7800;
	[dreg:$0x10] =	wrdreg s8  }
0x1c: {  	v0 =	vimm.f32 $0.0e+00;
	s17 =	ssub.s32 $0x0, s0;
	s0 =	simm.s32 $0x9A80;
	s9 =	simm.s32 $0x0  }
.LBB2_1:
0x1d: {  	[dreg:$0x13] =	wrdreg s9;
	s8 =	simm.s32 $0xC0;
	s9 =	simm.s32 $0x0  }
.LBB2_2:
0x1e: {  	p0 =	sne.s32 s8, $0x1DF40;
	[tilespmem:s9+$0x20] =	vst v0;
	s16 =	smov.u32 s8;
	s8 =	sadd.s32 $0xC0, s8  }
.Ltmp0:
0x1f: {  	[tilespmem:s9+$0x0] =	vst v0;
	(pc) =	sbr.rel @p0 .LBB2_2-.Ltmp0, $2  }
0x20: {  	[tilespmem:s9+$0x10] =	vst v0;
	_ =	sdelay $0x2  }
0x21: {  	s9 =	sshra.s32 s16, $0x2  }
0x22: {  	[tilespmem:s9+$0x20] =	vst v0  }
0x23: {  	[tilespmem:s9+$0x0] =	vst v0  }
0x24: {  	[tilespmem:s9+$0x10] =	vst v0;
	s8 =	simm.s32 $0x0  }
0x25: {  	[spmem:s19] =	stream.linear.scatter [tilespmem:s8], [sflag:$0x4], $0x7800, $0x38;
	[tilespmem:$0x1E280] =	vst v63  }
0x26: {  	_ =	swait.ge [sflag:s12], $0x7800  }
0x27: {  	[sflag:s12] =	ssyncset.done $0x0  }
0x28: {  	[sflag:s12] =	ssyncadd.s32 $0xFFFF8800  }
0x29: {  	[spmem:s20] =	stream.linear.scatter [tilespmem:s8], [sflag:$0x4], $0x7800, $0x38;
	[tilespmem:$0x1E280] =	vst v63  }
0x2a: {  	_ =	swait.ge [sflag:s12], $0x7800  }
0x2b: {  	[sflag:s12] =	ssyncset.done $0x0  }
0x2c: {  	s9 =	simm.s32 $0x40;
	s20 =	sadd.s32 $0x0, s10;
	[sflag:s12] =	ssyncadd.s32 $0xFFFF8800  }
0x2d: {  	[spmem:s20] =	stream.linear.scatter [tilespmem:s8], [sflag:$0x4], $0x10, $0x38;
	[tilespmem:$0x1E280] =	vst v63  }
.LBB2_4:
0x2e: {  	p0 =	sne.s32 s9, $0x9FC0  }
.Ltmp1:
0x2f: {  	_ = 	snop;
	(pc) =	sbr.rel @p0 .LBB2_4-.Ltmp1, $4  }
0x30: {  	_ = 	snop  }
0x31: {  	s16 =	sshra.s32 s9, $0x2;
	s9 =	sadd.s32 $0x40, s9  }
0x32: {  	s8 =	sadd.s32 $0x30, s8;
	s16 =	sadd.s32 s16, s10  }
0x33: {  	[spmem:s16] =	stream.linear.scatter [tilespmem:s8], [sflag:$0x4], $0x10, $0x38;
	[tilespmem:$0x1E280] =	vst v63  }
0x34: {  	_ =	swait.ge [sflag:s12], $0x2800  }
0x35: {  	[sflag:s12] =	ssyncset.done $0x0  }
0x36: {  	s8 =	simm.s32 $0x0;
	s9 =	sadd.s32 $0x0, s14;
	[sflag:s12] =	ssyncadd.s32 $0xFFFFD800  }
0x37: {  	[spmem:s9] =	stream.linear.scatter [tilespmem:s8], [sflag:$0x4], $0x10, $0x38;
	[tilespmem:$0x1E280] =	vst v63  }
0x38: {  	s9 =	simm.s32 $0x40  }
.LBB2_6:
0x39: {  	p0 =	sne.s32 s9, $0x9FC0  }
.Ltmp2:
0x3a: {  	_ = 	snop;
	(pc) =	sbr.rel @p0 .LBB2_6-.Ltmp2, $4  }
0x3b: {  	_ = 	snop  }
0x3c: {  	s16 =	sshra.s32 s9, $0x2;
	s9 =	sadd.s32 $0x40, s9  }
0x3d: {  	s8 =	sadd.s32 $0x30, s8;
	s16 =	sadd.s32 s16, s14  }
0x3e: {  	[spmem:s16] =	stream.linear.scatter [tilespmem:s8], [sflag:$0x4], $0x10, $0x38;
	[tilespmem:$0x1E280] =	vst v63  }
0x3f: {  	_ =	swait.ge [sflag:s12], $0x2800  }
0x40: {  	[sflag:s12] =	ssyncset.done $0x0  }
0x41: {  	p0 =	por $0x1, $0x1;
	[sflag:s12] =	ssyncadd.s32 $0xFFFFD800  }
0x42: {  	s8 =	simm.s32 @!p0 $0x3;
	[bflag:$0x0] =	sbarrier.arrive $0xFFFF  }
0x43: {  	_ =	swait.ge @!p0 [sflag:s8], $0x1800  }
0x44: {  	[sflag:s8] =	ssyncset.done @!p0 $0x0  }
0x45: {  	[sflag:s8] =	ssyncadd.s32 @!p0 $0xFFFFE800  }
0x46: {  	_ =	swait.ge @!p0 [sflag:s8], $0x1800  }
0x47: {  	[sflag:s8] =	ssyncset.done @!p0 $0x0  }
0x48: {  	[sflag:s8] =	ssyncadd.s32 @!p0 $0xFFFFE800  }
0x49: {  	_ =	swait.ge @!p0 [sflag:s8], $0x800  }
0x4a: {  	[sflag:s8] =	ssyncset.done @!p0 $0x0  }
0x4b: {  	[sflag:s8] =	ssyncadd.s32 @!p0 $0xFFFFF800  }
0x4c: {  	_ =	swait.ge @!p0 [sflag:s8], $0x800  }
0x4d: {  	s11 =	rddreg [dreg:$0x11]  }
0x4e: {  	s9 =	rddreg [dreg:$0x7];
	[sflag:s8] =	ssyncset.done @!p0 $0x0;
	s16 =	sshrl.u32 s11, $0x3  }
0x4f: {  	s18 =	rddreg [dreg:$0x8];
	[sflag:s8] =	ssyncadd.s32 @!p0 $0xFFFFF800;
	s9 =	sadd.s32 s9, s16  }
0x50: {  	[tilespmem:s21], [sflag:$0x1] =	stream.linear.gather [hbm4b:s9+s6], $0x80, $0x38;
	[tilespmem:$0x1E280] =	vst v63  }
0x51: {  	s12 =	rddreg [dreg:$0x9];
	s19 =	sadd.s32 s18, s16  }
0x52: {  	[tilespmem:s22], [sflag:$0x1] =	stream.linear.gather [hbm4b:s19+s6], $0x80, $0x38;
	[tilespmem:$0x1E280] =	vst v63  }
0x53: {  	s19 =	rddreg [dreg:$0x12]  }
0x54: {  	s20 =	rddreg [dreg:$0xa];
	s12 =	sadd.s32 s12, s16;
	s16 =	sand.u32 $0x1FFFF800, s19  }
0x55: {  	[tilespmem:s23], [sflag:$0x1] =	stream.linear.gather [hbm4b:s12+s6], $0x80, $0x38;
	[tilespmem:$0x1E280] =	vst v63  }
0x56: {  	s20 =	sadd.s32 s20, s16  }
0x57: {  	[tilespmem:s26], [sflag:$0x1] =	stream.strided.gather [hbm4b:s20+s24], $0x1800, s25, s24, $0x38;
	[tilespmem:$0x1E280] =	vst v63  }
0x58: {  	_ =	swait.ge [sflag:s28], $0x80  }
0x59: {  	[sflag:s28] =	ssyncset.done $0x0  }
0x5a: {  	[sflag:s28] =	ssyncadd.s32 $0xFFFFFF80  }
0x5b: {  	_ =	swait.ge [sflag:s28], $0x80  }
0x5c: {  	[sflag:s28] =	ssyncset.done $0x0  }
0x5d: {  	[sflag:s28] =	ssyncadd.s32 $0xFFFFFF80  }
0x5e: {  	_ =	swait.ge [sflag:s28], $0x80  }
0x5f: {  	[sflag:s28] =	ssyncset.done $0x0  }
0x60: {  	[sflag:s28] =	ssyncadd.s32 $0xFFFFFF80  }
0x61: {  	_ =	swait.ge [sflag:s28], $0x1800  }
0x62: {  	[sflag:s28] =	ssyncset.done $0x0  }
0x63: {  	[sflag:s28] =	ssyncadd.s32 $0xFFFFE800  }
0x64: {  	v1 =	vld [tilespmem:$0x7870]  }
0x65: {  	v2 =	vld [tilespmem:$0x7800]  }
0x66: {  	v6 =	vld [tilespmem:$0x7920]  }
0x67: {  	v7 =	vld [tilespmem:$0x7820]  }
0x68: {  	v8 =	vld [tilespmem:$0x78A0]  }
0x69: {  	v3 =	vld [tilespmem:$0x7890]  }
0x6a: {  	v4 =	vld [tilespmem:$0x7910]  }
0x6b: {  	v5 =	vld [tilespmem:$0x78F0]  }
0x6c: {  	v9 =	vld [tilespmem:$0x7810]  }
0x6d: {  	v10 =	vld [tilespmem:$0x7880]  }
0x6e: {  	v11 =	vld [tilespmem:$0x7970]  }
0x6f: {  	v12 =	vld [tilespmem:$0x7900]  }
0x70: {  	v14 =	vld [tilespmem:$0x7830];
	v1 =	vmul.u32 $0x5, v1;
	v13 =	vmul.u32 $0x5, v2;
	vm0 =	veq.s32 v4, $0x0  }
0x71: {  	v15 =	vld [tilespmem:$0x78B0];
	v4 =	vadd.s32 $0xFFFFFFFF, v4;
	v2 =	vmul.u32 $0x5, v5;
	v5 =	vmul.u32 $0x5, v3  }
0x72: {  	v10 =	vmul.u32 $0x5, v10;
	v3 =	vsel vm0, $0x4, v4;
	v4 =	vmul.u32 $0x5, v9;
	v9 =	vld [tilespmem:$0x7930]  }
0x73: {  	v17 =	vld [tilespmem:$0x78C0];
	vm1 =	veq.s32 v6, $0x0;
	v6 =	vadd.s32 $0xFFFFFFFF, v6;
	v8 =	vmul.u32 $0x5, v8  }
0x74: {  	vm0 =	veq.s32 v11, $0x0;
	v16 =	vadd.s32 v3, v5;
	v5 =	vadd.s32 $0xFFFFFFFF, v11;
	v11 =	vld [tilespmem:$0x7940]  }
0x75: {  	v19 =	vld [tilespmem:$0x7840];
	vm2 =	veq.s32 v12, $0x0;
	v18 =	vmul.u32 $0x5, v7;
	v6 =	vsel vm1, $0x4, v6  }
0x76: {  	p0 =	sne.s32 s17, $0xFFFFFFFF;
	v12 =	vadd.s32 $0xFFFFFFFF, v12;
	v20 =	vmul.u32 $0x5, v14;
	v7 =	vld [tilespmem:$0x78D0];
	v8 =	vadd.s32 v6, v8;
	[tilespmem:$0x7990] =	vst v16  }
.Ltmp3:
0x77: {  	[tilespmem:$0x79A0] =	vst v8;
	v8 =	vadd.s32 v6, v18;
	v6 =	vld [tilespmem:$0x7850];
	vm1 =	veq.s32 v9, $0x0;
	v14 =	vadd.s32 $0xFFFFFFFF, v9;
	(pc) =	sbr.rel @!p0 .LBB2_9-.Ltmp3, $4  }
0x78: {  	v15 =	vmul.u32 $0x5, v15;
	v12 =	vsel vm2, $0x4, v12;
	[tilespmem:$0x7A20] =	vst v8;
	v8 =	vld [tilespmem:$0x7960];
	v16 =	vsel vm1, $0x4, v14  }
0x79: {  	v9 =	vld [tilespmem:$0x7950];
	v14 =	vadd.s32 v12, v10;
	vm1 =	veq.s32 v11, $0x0;
	v10 =	vadd.s32 v16, v20  }
0x7a: {  	v11 =	vadd.s32 $0xFFFFFFFF, v11;
	v18 =	vadd.s32 v16, v15;
	v15 =	vadd.s32 v12, v13;
	v12 =	vld [tilespmem:$0x7860];
	[tilespmem:$0x7A30] =	vst v10  }
0x7b: {  	s8 =	simm.s32 $0xFFFFFFFF;
	s18 =	smov.u32 s11;
	s16 =	simm.s32 $0x0;
	v16 =	vmul.u32 $0x5, v17;
	v11 =	vsel vm1, $0x4, v11;
	v13 =	vmul.u32 $0x5, v19;
	v10 =	vld [tilespmem:$0x78E0];
	[tilespmem:$0x79B0] =	vst v18  }
.LBB2_8:
0x7c: {  	[tilespmem:$0x7980] =	vst v14  }
0x7d: {  	v5 =	vsel vm0, $0x4, v5;
	[tilespmem:$0x7A00] =	vst v15;
	v3 =	vadd.s32 v3, v4  }
0x7e: {  	v14 =	vadd.s32 v11, v16;
	v1 =	vadd.s32 v5, v1;
	[tilespmem:$0x7A10] =	vst v3  }
0x7f: {  	v11 =	vadd.s32 v11, v13;
	v2 =	vadd.s32 v5, v2;
	[tilespmem:$0x79C0] =	vst v14;
	vm1 =	veq.s32 v9, $0x0  }
0x80: {  	[tilespmem:$0x79F0] =	vst v2;
	v9 =	vadd.s32 $0xFFFFFFFF, v9;
	v7 =	vmul.u32 $0x5, v7;
	v5 =	vadd.s32 $0xFFFFFFFF, v8  }
0x81: {  	[tilespmem:$0x7A70] =	vst v1;
	vm0 =	veq.s32 v8, $0x0;
	v2 =	vmul.u32 $0x5, v10;
	v9 =	vsel vm1, $0x4, v9  }
0x82: {  	[tilespmem:$0x7A40] =	vst v11;
	v3 =	vmul.u32 $0x5, v12;
	v5 =	vsel vm0, $0x4, v5;
	v4 =	vadd.s32 v9, v7  }
0x83: {  	v6 =	vmul.u32 $0x5, v6;
	v1 =	vadd.s32 v5, v2;
	[tilespmem:$0x79D0] =	vst v4  }
0x84: {  	v2 =	vadd.s32 v5, v3;
	[tilespmem:$0x79E0] =	vst v1  }
0x85: {  	v3 =	vadd.s32 v9, v6;
	[tilespmem:$0x7A60] =	vst v2  }
0x86: {  	s11 =	rddreg [dreg:$0xb];
	[tilespmem:$0x7A50] =	vst v3  }
0x87: {  	[tilespmem:s30], [sflag:$0x2] =	stream.indirect.gather [hbm4b:s11+s25], $0x10, s29, s25, $0xb8;
	[tilespmem:$0x1E280] =	vst v63  }
0x88: {  	_ = 	snop  }
0x89: {  	[tilespmem:s0], [sflag:$0x2] =	stream.indirect.gather [hbm4b:s7+s25], $0x10, s31, s25, $0xb8;
	[tilespmem:$0x1E280] =	vst v63  }
0x8a: {  	_ =	swait.ge [sflag:s3], $0x800  }
0x8b: {  	[sflag:s3] =	ssyncset.done $0x0  }
0x8c: {  	[sflag:s3] =	ssyncadd.s32 $0xFFFFF800  }
0x8d: {  	_ =	swait.ge [sflag:s3], $0x800  }
0x8e: {  	[sflag:s3] =	ssyncset.done $0x0  }
0x8f: {  	[sflag:s3] =	ssyncadd.s32 $0xFFFFF800  }
0x90: {  	[spmem:s1] =	stream.indirect.scatter.add.f32 [tilespmem:s26], [sflag:$0x3], $0x30, s21, s25, $0xb8;
	[tilespmem:$0x1E280] =	vst v63  }
0x91: {  	s9 =	smov.u32 s8  }
0x92: {  	[spmem:s2] =	stream.indirect.scatter.add.f32 [tilespmem:s26], [sflag:$0x3], $0x30, s22, s25, $0xb8;
	[tilespmem:$0x1E280] =	vst v63  }
0x93: {  	p1 =	seq.s32 s9, $0x0  }
0x94: {  	[spmem:s4] =	stream.indirect.scatter.add.f32 [tilespmem:s30], [sflag:$0x3], $0x10, s21, s25, $0xb8;
	[tilespmem:$0x1E280] =	vst v63  }
0x95: {  	s9 =	simm.s32 @!p1 $0x3  }
0x96: {  	[spmem:s5] =	stream.indirect.scatter.add.f32 [tilespmem:s0], [sflag:$0x3], $0x10, s22, s25, $0xb8;
	[tilespmem:$0x1E280] =	vst v63  }
0x97: {  	_ =	swait.ge @!p1 [sflag:s9], $0x1800  }
0x98: {  	[sflag:s9] =	ssyncset.done @!p1 $0x0  }
0x99: {  	[sflag:s9] =	ssyncadd.s32 @!p1 $0xFFFFE800  }
0x9a: {  	_ =	swait.ge @!p1 [sflag:s9], $0x1800  }
0x9b: {  	[sflag:s9] =	ssyncset.done @!p1 $0x0  }
0x9c: {  	[sflag:s9] =	ssyncadd.s32 @!p1 $0xFFFFE800  }
0x9d: {  	_ =	swait.ge @!p1 [sflag:s9], $0x800  }
0x9e: {  	[sflag:s9] =	ssyncset.done @!p1 $0x0  }
0x9f: {  	[sflag:s9] =	ssyncadd.s32 @!p1 $0xFFFFF800  }
0xa0: {  	s18 =	sadd.s32 $0x1000, s18;
	_ =	swait.ge @!p1 [sflag:s9], $0x800  }
0xa1: {  	s12 =	sshrl.u32 s18, $0x3;
	s11 =	rddreg [dreg:$0x7];
	[sflag:s9] =	ssyncset.done @!p1 $0x0  }
0xa2: {  	s20 =	rddreg [dreg:$0x8];
	[sflag:s9] =	ssyncadd.s32 @!p1 $0xFFFFF800;
	s9 =	sadd.s32 s11, s12  }
0xa3: {  	[tilespmem:s21], [sflag:$0x1] =	stream.linear.gather [hbm4b:s9+s6], $0x80, $0x38;
	[tilespmem:$0x1E280] =	vst v63  }
0xa4: {  	s19 =	sadd.s32 $0x10000, s19;
	s11 =	rddreg [dreg:$0x9];
	s9 =	sadd.s32 s20, s12  }
0xa5: {  	[tilespmem:s22], [sflag:$0x1] =	stream.linear.gather [hbm4b:s9+s6], $0x80, $0x38;
	[tilespmem:$0x1E280] =	vst v63  }
0xa6: {  	s20 =	rddreg [dreg:$0xa];
	s11 =	sadd.s32 s11, s12;
	s12 =	sand.u32 $0x1FFFF800, s19  }
0xa7: {  	[tilespmem:s23], [sflag:$0x1] =	stream.linear.gather [hbm4b:s11+s6], $0x80, $0x38;
	[tilespmem:$0x1E280] =	vst v63  }
0xa8: {  	s20 =	sadd.s32 s20, s12  }
0xa9: {  	[tilespmem:s26], [sflag:$0x1] =	stream.strided.gather [hbm4b:s20+s24], $0x1800, s25, s24, $0x38;
	[tilespmem:$0x1E280] =	vst v63  }
0xaa: {  	_ =	swait.ge [sflag:s28], $0x80  }
0xab: {  	[sflag:s28] =	ssyncset.done $0x0  }
0xac: {  	[sflag:s28] =	ssyncadd.s32 $0xFFFFFF80  }
0xad: {  	_ =	swait.ge [sflag:s28], $0x80  }
0xae: {  	[sflag:s28] =	ssyncset.done $0x0  }
0xaf: {  	[sflag:s28] =	ssyncadd.s32 $0xFFFFFF80  }
0xb0: {  	_ =	swait.ge [sflag:s28], $0x80  }
0xb1: {  	[sflag:s28] =	ssyncset.done $0x0  }
0xb2: {  	[sflag:s28] =	ssyncadd.s32 $0xFFFFFF80  }
0xb3: {  	_ =	swait.ge [sflag:s28], $0x1800  }
0xb4: {  	[sflag:s28] =	ssyncset.done $0x0  }
0xb5: {  	[sflag:s28] =	ssyncadd.s32 $0xFFFFE800  }
0xb6: {  	v1 =	vld [tilespmem:$0x7870]  }
0xb7: {  	v2 =	vld [tilespmem:$0x7800]  }
0xb8: {  	v6 =	vld [tilespmem:$0x7920]  }
0xb9: {  	v7 =	vld [tilespmem:$0x7820]  }
0xba: {  	v8 =	vld [tilespmem:$0x78A0]  }
0xbb: {  	v4 =	vld [tilespmem:$0x7890]  }
0xbc: {  	v3 =	vld [tilespmem:$0x7910]  }
0xbd: {  	v5 =	vld [tilespmem:$0x78F0]  }
0xbe: {  	v9 =	vld [tilespmem:$0x7810]  }
0xbf: {  	v10 =	vld [tilespmem:$0x7880]  }
0xc0: {  	v12 =	vld [tilespmem:$0x7970]  }
0xc1: {  	v13 =	vld [tilespmem:$0x7900]  }
0xc2: {  	v14 =	vld [tilespmem:$0x7830];
	v1 =	vmul.u32 $0x5, v1;
	v11 =	vmul.u32 $0x5, v2;
	vm0 =	veq.s32 v3, $0x0  }
0xc3: {  	v15 =	vld [tilespmem:$0x78B0];
	v3 =	vadd.s32 $0xFFFFFFFF, v3;
	v2 =	vmul.u32 $0x5, v5;
	v5 =	vmul.u32 $0x5, v4  }
0xc4: {  	v4 =	vmul.u32 $0x5, v9;
	v10 =	vmul.u32 $0x5, v10;
	v9 =	vld [tilespmem:$0x7930];
	vm1 =	veq.s32 v6, $0x0  }
0xc5: {  	v17 =	vld [tilespmem:$0x78C0];
	v6 =	vadd.s32 $0xFFFFFFFF, v6;
	v8 =	vmul.u32 $0x5, v8;
	v3 =	vsel vm0, $0x4, v3  }
0xc6: {  	vm0 =	veq.s32 v12, $0x0;
	v16 =	vadd.s32 v3, v5;
	v5 =	vadd.s32 $0xFFFFFFFF, v12;
	v12 =	vld [tilespmem:$0x7940]  }
0xc7: {  	s8 =	sadd.s32 $0xFFFFFFFF, s8;
	v18 =	vld [tilespmem:$0x7840];
	vm2 =	veq.s32 v13, $0x0;
	v13 =	vadd.s32 $0xFFFFFFFF, v13;
	v19 =	vmul.u32 $0x5, v14  }
0xc8: {  	p0 =	sne.s32 s17, s8;
	v15 =	vmul.u32 $0x5, v15;
	v6 =	vsel vm1, $0x4, v6;
	[tilespmem:$0x7990] =	vst v16;
	v16 =	vmul.u32 $0x5, v7;
	v7 =	vld [tilespmem:$0x78D0]  }
.Ltmp4:
0xc9: {  	v8 =	vadd.s32 v6, v8;
	vm1 =	veq.s32 v9, $0x0;
	v14 =	vadd.s32 $0xFFFFFFFF, v9;
	v9 =	vld [tilespmem:$0x7950];
	(pc) =	sbr.rel @p0 .LBB2_8-.Ltmp4, $4  }
0xca: {  	v13 =	vsel vm2, $0x4, v13;
	[tilespmem:$0x79A0] =	vst v8;
	v8 =	vadd.s32 v6, v16;
	v6 =	vld [tilespmem:$0x7850];
	v16 =	vsel vm1, $0x4, v14  }
0xcb: {  	v14 =	vadd.s32 v13, v10;
	[tilespmem:$0x7A20] =	vst v8;
	v8 =	vld [tilespmem:$0x7960];
	v10 =	vadd.s32 v16, v19;
	vm1 =	veq.s32 v12, $0x0  }
0xcc: {  	v19 =	vadd.s32 v16, v15;
	v12 =	vadd.s32 $0xFFFFFFFF, v12;
	v16 =	vmul.u32 $0x5, v17;
	[tilespmem:$0x7A30] =	vst v10;
	v10 =	vld [tilespmem:$0x78E0]  }
0xcd: {  	v15 =	vadd.s32 v13, v11;
	v13 =	vmul.u32 $0x5, v18;
	[tilespmem:$0x79B0] =	vst v19;
	v11 =	vsel vm1, $0x4, v12;
	v12 =	vld [tilespmem:$0x7860]  }
.LBB2_9:
0xce: {  	[tilespmem:$0x7980] =	vst v14  }
0xcf: {  	v5 =	vsel vm0, $0x4, v5;
	v7 =	vmul.u32 $0x5, v7;
	[tilespmem:$0x7A00] =	vst v15;
	v3 =	vadd.s32 v3, v4  }
0xd0: {  	v59 =	vadd.s32 v11, v16;
	v2 =	vadd.s32 v5, v2;
	v1 =	vadd.s32 v5, v1;
	[tilespmem:$0x7A10] =	vst v3  }
0xd1: {  	vm1 =	veq.s32 v9, $0x0;
	v60 =	vadd.s32 $0xFFFFFFFF, v9;
	[tilespmem:$0x79F0] =	vst v2;
	v2 =	vadd.s32 $0xFFFFFFFF, v8  }
0xd2: {  	[tilespmem:$0x79C0] =	vst v59;
	vm15 =	veq.s32 v8, $0x0;
	v61 =	vsel vm1, $0x4, v60;
	v3 =	vmul.u32 $0x5, v10  }
0xd3: {  	[tilespmem:$0x7A70] =	vst v1;
	v2 =	vsel vm15, $0x4, v2;
	v62 =	vadd.s32 v61, v7;
	v63 =	vmul.u32 $0x5, v12  }
0xd4: {  	[tilespmem:$0x79D0] =	vst v62;
	v1 =	vadd.s32 v2, v3  }
0xd5: {  	v3 =	vmul.u32 $0x5, v6;
	v2 =	vadd.s32 v2, v63;
	[tilespmem:$0x79E0] =	vst v1  }
0xd6: {  	v1 =	vadd.s32 v11, v13;
	[tilespmem:$0x7A60] =	vst v2  }
0xd7: {  	v2 =	vadd.s32 v61, v3;
	[tilespmem:$0x7A40] =	vst v1  }
0xd8: {  	s8 =	rddreg [dreg:$0xb];
	[tilespmem:$0x7A50] =	vst v2  }
0xd9: {  	[tilespmem:s30], [sflag:$0x2] =	stream.indirect.gather [hbm4b:s8+s25], $0x10, s29, s25, $0xb8;
	[tilespmem:$0x1E280] =	vst v63  }
0xda: {  	_ = 	snop  }
0xdb: {  	[tilespmem:s0], [sflag:$0x2] =	stream.indirect.gather [hbm4b:s7+s25], $0x10, s31, s25, $0xb8;
	[tilespmem:$0x1E280] =	vst v63  }
0xdc: {  	_ =	swait.ge [sflag:s3], $0x800  }
0xdd: {  	[sflag:s3] =	ssyncset.done $0x0  }
0xde: {  	[sflag:s3] =	ssyncadd.s32 $0xFFFFF800  }
0xdf: {  	_ =	swait.ge [sflag:s3], $0x800  }
0xe0: {  	[sflag:s3] =	ssyncset.done $0x0  }
0xe1: {  	[sflag:s3] =	ssyncadd.s32 $0xFFFFF800  }
0xe2: {  	[spmem:s1] =	stream.indirect.scatter.add.f32 [tilespmem:s26], [sflag:$0x3], $0x30, s21, s25, $0xb8;
	[tilespmem:$0x1E280] =	vst v63  }
0xe3: {  	_ = 	snop  }
0xe4: {  	[spmem:s2] =	stream.indirect.scatter.add.f32 [tilespmem:s26], [sflag:$0x3], $0x30, s22, s25, $0xb8;
	[tilespmem:$0x1E280] =	vst v63  }
0xe5: {  	_ = 	snop  }
0xe6: {  	[spmem:s4] =	stream.indirect.scatter.add.f32 [tilespmem:s30], [sflag:$0x3], $0x10, s21, s25, $0xb8;
	[tilespmem:$0x1E280] =	vst v63  }
0xe7: {  	s20 =	simm.s32 $0x3  }
0xe8: {  	[spmem:s5] =	stream.indirect.scatter.add.f32 [tilespmem:s0], [sflag:$0x3], $0x10, s22, s25, $0xb8;
	[tilespmem:$0x1E280] =	vst v63  }
0xe9: {  	_ =	swait.ge [sflag:s20], $0x1800  }
0xea: {  	[sflag:s20] =	ssyncset.done $0x0  }
0xeb: {  	[sflag:s20] =	ssyncadd.s32 $0xFFFFE800  }
0xec: {  	_ =	swait.ge [sflag:s20], $0x1800  }
0xed: {  	[sflag:s20] =	ssyncset.done $0x0  }
0xee: {  	[sflag:s20] =	ssyncadd.s32 $0xFFFFE800  }
0xef: {  	_ =	swait.ge [sflag:s20], $0x800  }
0xf0: {  	[sflag:s20] =	ssyncset.done $0x0  }
0xf1: {  	[sflag:s20] =	ssyncadd.s32 $0xFFFFF800  }
0xf2: {  	_ =	swait.ge [sflag:s20], $0x800  }
0xf3: {  	[sflag:s20] =	ssyncset.done $0x0  }
0xf4: {  	[sflag:s20] =	ssyncadd.s32 $0xFFFFF800  }
0xf5: {  	[bflag:$0x0] =	sbarrier.arrive $0xFFFF  }
0xf6: {  	s12 =	simm.s32 $0x4;
	s19 =	rddreg [dreg:$0xc]  }
0xf7: {  	[tilespmem:s16], [sflag:$0x4] =	stream.linear.gather [spmem:s19], $0x7800, $0x38;
	[tilespmem:$0x1E280] =	vst v63  }
0xf8: {  	_ =	swait.ge [sflag:s12], $0x7800  }
0xf9: {  	[sflag:s12] =	ssyncset.done $0x0  }
0xfa: {  	s9 =	rddreg [dreg:$0xe];
	[sflag:s12] =	ssyncadd.s32 $0xFFFF8800  }
0xfb: {  	[hbm4b:s9+s16] =	stream.linear.scatter [tilespmem:s16], [sflag:$0x4], $0x7800, $0x38;
	[tilespmem:$0x1E280] =	vst v63  }
0xfc: {  	_ =	swait.ge [sflag:s12], $0x7800  }
0xfd: {  	[sflag:s12] =	ssyncset.done $0x0  }
0xfe: {  	s20 =	rddreg [dreg:$0xd];
	[sflag:s12] =	ssyncadd.s32 $0xFFFF8800  }
0xff: {  	[tilespmem:s16], [sflag:$0x4] =	stream.linear.gather [spmem:s20], $0x7800, $0x38;
	[tilespmem:$0x1E280] =	vst v63  }
0x100: {  	_ =	swait.ge [sflag:s12], $0x7800  }
0x101: {  	[sflag:s12] =	ssyncset.done $0x0  }
0x102: {  	s11 =	rddreg [dreg:$0xf];
	[sflag:s12] =	ssyncadd.s32 $0xFFFF8800  }
0x103: {  	[hbm4b:s11+s16] =	stream.linear.scatter [tilespmem:s16], [sflag:$0x4], $0x7800, $0x38;
	[tilespmem:$0x1E280] =	vst v63  }
0x104: {  	_ =	swait.ge [sflag:s12], $0x7800  }
0x105: {  	[sflag:s12] =	ssyncset.done $0x0  }
0x106: {  	s18 =	sadd.s32 $0x0, s10;
	s8 =	simm.s32 $0x40;
	[sflag:s12] =	ssyncadd.s32 $0xFFFF8800  }
0x107: {  	[tilespmem:s16], [sflag:$0x4] =	stream.linear.gather [spmem:s18], $0x10, $0x38;
	[tilespmem:$0x1E280] =	vst v63  }
.LBB2_10:
0x108: {  	p0 =	sne.s32 s8, $0x9FC0  }
.Ltmp5:
0x109: {  	_ = 	snop;
	(pc) =	sbr.rel @p0 .LBB2_10-.Ltmp5, $4  }
0x10a: {  	_ = 	snop  }
0x10b: {  	s9 =	sshra.s32 s8, $0x2;
	s8 =	sadd.s32 $0x40, s8  }
0x10c: {  	s16 =	sadd.s32 $0x30, s16;
	s9 =	sadd.s32 s9, s10  }
0x10d: {  	[tilespmem:s16], [sflag:$0x4] =	stream.linear.gather [spmem:s9], $0x10, $0x38;
	[tilespmem:$0x1E280] =	vst v63  }
0x10e: {  	_ =	swait.ge [sflag:s12], $0x2800  }
0x10f: {  	s8 =	simm.s32 $0x0;
	s9 =	simm.s32 $0x2;
	[sflag:s12] =	ssyncset.done $0x0  }
0x110: {  	s18 =	sadd.s32 $0x0, s13;
	s16 =	simm.s32 $0x30;
	[sflag:s12] =	ssyncadd.s32 $0xFFFFD800  }
.LBB2_12:
0x111: {  	[hbm4b:s18+s6] =	stream.linear.scatter [tilespmem:s8], [sflag:$0x4], $0x10, $0x38;
	[tilespmem:$0x1E280] =	vst v63  }
0x112: {  	s11 =	smov.u32 s9;
	s8 =	smov.u32 s16;
	p0 =	sne.s32 s9, $0x4FE  }
.Ltmp6:
0x113: {  	s9 =	sadd.s32 $0x2, s9;
	(pc) =	sbr.rel @p0 .LBB2_12-.Ltmp6, $2  }
0x114: {  	_ =	sdelay $0x2  }
0x115: {  	s16 =	sadd.s32 $0x30, s16;
	s18 =	sadd.s32 s11, s13  }
0x116: {  	[hbm4b:s18+s6] =	stream.linear.scatter [tilespmem:s8], [sflag:$0x4], $0x10, $0x38;
	[tilespmem:$0x1E280] =	vst v63  }
0x117: {  	_ =	swait.ge [sflag:s12], $0x2800  }
0x118: {  	[sflag:s12] =	ssyncset.done $0x0  }
0x119: {  	s8 =	simm.s32 $0x0;
	s9 =	sadd.s32 $0x0, s14;
	[sflag:s12] =	ssyncadd.s32 $0xFFFFD800  }
0x11a: {  	[tilespmem:s8], [sflag:$0x4] =	stream.linear.gather [spmem:s9], $0x10, $0x38;
	[tilespmem:$0x1E280] =	vst v63  }
0x11b: {  	s9 =	simm.s32 $0x40  }
.LBB2_14:
0x11c: {  	p0 =	sne.s32 s9, $0x9FC0  }
.Ltmp7:
0x11d: {  	_ = 	snop;
	(pc) =	sbr.rel @p0 .LBB2_14-.Ltmp7, $4  }
0x11e: {  	_ = 	snop  }
0x11f: {  	s11 =	sshra.s32 s9, $0x2;
	s9 =	sadd.s32 $0x40, s9  }
0x120: {  	s8 =	sadd.s32 $0x30, s8;
	s11 =	sadd.s32 s11, s14  }
0x121: {  	[tilespmem:s8], [sflag:$0x4] =	stream.linear.gather [spmem:s11], $0x10, $0x38;
	[tilespmem:$0x1E280] =	vst v63  }
0x122: {  	_ =	swait.ge [sflag:s12], $0x2800  }
0x123: {  	s8 =	simm.s32 $0x0;
	s9 =	simm.s32 $0x2;
	[sflag:s12] =	ssyncset.done $0x0  }
0x124: {  	s18 =	sadd.s32 $0x0, s15;
	s16 =	simm.s32 $0x30;
	[sflag:s12] =	ssyncadd.s32 $0xFFFFD800  }
.LBB2_16:
0x125: {  	[hbm4b:s18+s6] =	stream.linear.scatter [tilespmem:s8], [sflag:$0x4], $0x10, $0x38;
	[tilespmem:$0x1E280] =	vst v63  }
0x126: {  	s11 =	smov.u32 s9;
	s8 =	smov.u32 s16;
	p0 =	sne.s32 s9, $0x4FE  }
.Ltmp8:
0x127: {  	s9 =	sadd.s32 $0x2, s9;
	(pc) =	sbr.rel @p0 .LBB2_16-.Ltmp8, $2  }
0x128: {  	_ =	sdelay $0x2  }
0x129: {  	s16 =	sadd.s32 $0x30, s16;
	s18 =	sadd.s32 s11, s15  }
0x12a: {  	[hbm4b:s18+s6] =	stream.linear.scatter [tilespmem:s8], [sflag:$0x4], $0x10, $0x38;
	[tilespmem:$0x1E280] =	vst v63  }
0x12b: {  	_ =	swait.ge [sflag:s12], $0x2800  }
0x12c: {  	s9 =	rddreg [dreg:$0x13]  }
0x12d: {  	s18 =	rddreg [dreg:$0x10];
	s9 =	sadd.s32 $0x1, s9  }
0x12e: {  	p0 =	sne.s32 s9, s18  }
.Ltmp9:
0x12f: {  	_ = 	snop;
	(pc) =	sbr.rel @p0 .LBB2_1-.Ltmp9, $3  }
0x130: {  	_ =	sdelay $0x1  }
0x131: {  	[sflag:s12] =	ssyncset.done $0x0  }
0x132: {  	[sflag:s12] =	ssyncadd.s32 $0xFFFFD800  }
0x133: {  	_ =	sfence.sel $0x180000  }
0x134: {  	[bflag:$0x0] =	sbarrier.arrive $0xFFFF  }
0x135: {  	_ =	strace $0x90000047  }
0x136: {  	s0 =	stileid.u32;
	[bflag:$0x2] =	sbarrier.arrive $0xFFFF  }
0x137: {  	p0 =	sne.s32 s0, $0x0;
	s0 =	rddreg [dreg:$0x6]  }
0x138: {  	s0 =	sadd.s32 @!p0 $0x100000, s0  }
0x139: {  	[sflag:s0] =	ssyncadd.tile.s32 @!p0 $0x1;
	_ =	shalt  }
.Lfunc_end2:
_tile_overlayer_lowered:
.L_overlay_start_2:
0x13a: {  	(tag) =	ssettag $0x2  }
0x13b: {  	s0 =	rddreg [dreg:$0x0];
	s2 =	stileid.u32  }
0x13c: {  	s1 =	rddreg [dreg:$0x1];
	p0 =	sne.s32 s2, $0x0  }
0x13d: {  	s3 =	rddreg [dreg:$0x2];
	[bflag:$0x3] =	sbarrier.arrive $0xFFFF;
	s2 =	simm.s32 @!p0 $0x1C04  }
0x13e: {  	[timem:s3], [sflag:s2] =	dma.local @!p0 [hbm:s0], s1  }
0x13f: {  	s0 =	simm.s32 @!p0 $0x4  }
0x140: {  	_ =	swait.ge @!p0 [sflag:s0], s1  }
0x141: {  	s1 =	ssub.s32 @!p0 $0x0, s1;
	[sflag:s0] =	ssyncset.done @!p0 $0x0  }
0x142: {  	[sflag:s0] =	ssyncadd.s32 @!p0 s1  }
0x143: {  	[bflag:$0x3] =	sbarrier.arrive $0xFFFF  }
0x144: {  	_ =	shalt  }

// kernel: kernel.13.cloned.1.call-start
scs
__scs_entry_jumppad:
0x0: {  	(pc) =	sbr.rel $0x88, $3  }
0x1: {  	(tag) =	ssettag $0x0;
	lr =	simm.s32 $0x1  }
0x2: {  	[smem:$0x3F86] =	sst lr;
	_ =	strace $0xD0000000  }
0x3: {  	_ = 	snop  }
0x4: {  	_ = 	snop  }
0x5: {  	_ = 	snop  }
0x6: {  	_ = 	snop  }
0x7: {  	_ = 	snop  }
__scs_overlays_trampoline_lowered:
0x8: {  	[smem:$0x3F95] =	sst s0  }
0x9: {  	[smem:$0x3F96] =	sst s1  }
0xa: {  	[smem:$0x3F97] =	sst s2  }
0xb: {  	[smem:$0x3F98] =	sst s3  }
0xc: {  	[smem:$0x3F99] =	sst s4  }
0xd: {  	[smem:$0x3F9A] =	sst s5  }
0xe: {  	[smem:$0x3F9B] =	sst s6  }
0xf: {  	[smem:$0x3F9C] =	sst s7  }
0x10: {  	[smem:$0x3F9D] =	sst s8  }
0x11: {  	[smem:$0x3F9E] =	sst s9;
	s0 =	simm.s32 @!p0 $0x0  }
0x12: {  	s1 =	sld [smem:$0x3F84];
	s0 =	simm.s32 @p0 $0x1  }
0x13: {  	[smem:$0x3F9F] =	sst s0;
	s0 =	simm.s32 @!p1 $0x0  }
0x14: {  	s2 =	sld [smem:$0x3F83];
	s0 =	simm.s32 @p1 $0x1  }
0x15: {  	[smem:$0x3FA0] =	sst s0;
	s0 =	simm.s32 @!p2 $0x0  }
0x16: {  	s3 =	sld [smem:$0x3FDB];
	s0 =	simm.s32 @p2 $0x1  }
0x17: {  	s4 =	simm.s32 $0x1BF5;
	[smem:$0x3FA2] =	sst s0  }
0x18: {  	s0 =	sld [smem:$0x3F85];
	_ =	swait.ge [sflag:s4], $0x0  }
0x19: {  	s7 =	sld [smem:$0x3F86]  }
0x1a: {  	s8 =	sadd.s32 $0xFFFFE003, lr  }
0x1b: {  	s9 =	sadd.s32 $0xFFFFFEF7, lr;
	s5 =	simm.s32 $0xFFFFFFFF;
	p2 =	slt.u32 s8, $0xFFFFF086  }
0x1c: {  	p1 =	slt.u32 s9, $0xF7A;
	s5 =	simm.s32 @!p2 $0x0  }
0x1d: {  	s5 =	simm.s32 @p1 $0x1;
	p0 =	seq.s32 s7, s2  }
0x1e: {  	s7 =	smul.u32 @!p0 $0xF7A, s2;
	p2 =	seq.s32 @!p0 s5, $0x0  }
0x1f: {  	s9 =	smul.u32 $0xF7A, s1;
	s8 =	simm.s32 @!p0 $0x1BF5;
	p2 =	por !p2, p0  }
0x20: {  	[sflag:s8] =	ssyncset.s32 @!p0 $0xFFFFF086;
	s6 =	sadd.s32 @!p0 s3, s7;
	s7 =	simm.s32 @!p0 $0x108  }
0x21: {  	s3 =	sadd.s32 s3, s9;
	s6 =	sadd.s32 @!p0 $0x88, s6;
	s7 =	simm.s32 @p2 $0x1082  }
0x22: {  	[simem:s7], [sflag:s8] =	dma.local @!p0 [hbm:s6], $0xF7A  }
0x23: {  	s9 =	sor.u32 $0xD0000000, s2;
	s6 =	simm.s32 $0x108;
	_ =	swait.ge @!p0 [sflag:s8], $0x0  }
0x24: {  	s3 =	sadd.s32 $0x88, s3;
	s6 =	simm.s32 @!p1 $0x1082;
	[sflag:s4] =	ssyncset.s32 $0xFFFFF086  }
0x25: {  	[simem:s6], [sflag:s4] =	dma.local [hbm:s3], $0xF7A  }
0x26: {  	[smem:$0x3F86] =	sst s1;
	(tag) =	ssettag s2;
	_ =	strace s9  }
0x27: {  	s1 =	sld [smem:$0x3F96]  }
0x28: {  	s2 =	sld [smem:$0x3F97]  }
0x29: {  	s4 =	sld [smem:$0x3F99]  }
0x2a: {  	p0 =	seq.s32 s5, $0x0;
	s5 =	sld [smem:$0x3F9A]  }
0x2b: {  	s6 =	sld [smem:$0x3F9B]  }
0x2c: {  	s7 =	sld [smem:$0x3F9C]  }
0x2d: {  	s3 =	simm.s32 $0x108;
	s8 =	sld [smem:$0x3F9D]  }
0x2e: {  	s3 =	simm.s32 @!p0 $0x1082;
	s9 =	sld [smem:$0x3F9E]  }
0x2f: {  	lr =	sadd.s32 s0, s3;
	s0 =	sld [smem:$0x3F95]  }
0x30: {  	s3 =	sld [smem:$0x3F98]  }
0x31: {  	[smem:$0x3FA1] =	sst s10  }
0x32: {  	s10 =	sld [smem:$0x3F9F];
	_ =	sdelay $0x3  }
0x33: {  	p0 =	seq.s32 s10, $0x1;
	s10 =	sld [smem:$0x3FA1];
	_ =	sdelay $0x3  }
0x34: {  	[smem:$0x3FA1] =	sst s10  }
0x35: {  	s10 =	sld [smem:$0x3FA0];
	_ =	sdelay $0x3  }
0x36: {  	p1 =	seq.s32 s10, $0x1;
	s10 =	sld [smem:$0x3FA1];
	_ =	sdelay $0x3  }
0x37: {  	[smem:$0x3FA1] =	sst s10  }
0x38: {  	s10 =	sld [smem:$0x3FA2]  }
0x39: {  	_ = 	snop;
	(pc) =	sbr.ind lr, $3  }
0x3a: {  	_ = 	snop  }
0x3b: {  	_ = 	snop  }
0x3c: {  	p2 =	seq.s32 s10, $0x1;
	s10 =	sld [smem:$0x3FA1]  }
0x3d: {  	_ =	shalt  }
0x3e: {  	_ =	shalt  }
0x3f: {  	_ =	shalt  }
0x40: {  	_ =	shalt  }
0x41: {  	_ =	shalt  }
0x42: {  	_ =	shalt  }
0x43: {  	_ =	shalt  }
0x44: {  	_ =	shalt  }
0x45: {  	_ =	shalt  }
0x46: {  	_ =	shalt  }
0x47: {  	_ =	shalt  }
0x48: {  	_ =	shalt  }
0x49: {  	_ =	shalt  }
0x4a: {  	_ =	shalt  }
0x4b: {  	_ =	shalt  }
0x4c: {  	_ =	shalt  }
0x4d: {  	_ =	shalt  }
0x4e: {  	_ =	shalt  }
0x4f: {  	_ =	shalt  }
0x50: {  	_ =	shalt  }
0x51: {  	_ =	shalt  }
0x52: {  	_ =	shalt  }
0x53: {  	_ =	shalt  }
0x54: {  	_ =	shalt  }
0x55: {  	_ =	shalt  }
0x56: {  	_ =	shalt  }
0x57: {  	_ =	shalt  }
0x58: {  	_ =	shalt  }
0x59: {  	_ =	shalt  }
0x5a: {  	_ =	shalt  }
0x5b: {  	_ =	shalt  }
0x5c: {  	_ =	shalt  }
0x5d: {  	_ =	shalt  }
0x5e: {  	_ =	shalt  }
0x5f: {  	_ =	shalt  }
0x60: {  	_ =	shalt  }
0x61: {  	_ =	shalt  }
0x62: {  	_ =	shalt  }
0x63: {  	_ =	shalt  }
0x64: {  	_ =	shalt  }
0x65: {  	_ =	shalt  }
0x66: {  	_ =	shalt  }
0x67: {  	_ =	shalt  }
0x68: {  	_ =	shalt  }
0x69: {  	_ =	shalt  }
0x6a: {  	_ =	shalt  }
0x6b: {  	_ =	shalt  }
0x6c: {  	_ =	shalt  }
0x6d: {  	_ =	shalt  }
0x6e: {  	_ =	shalt  }
0x6f: {  	_ =	shalt  }
0x70: {  	_ =	shalt  }
0x71: {  	_ =	shalt  }
0x72: {  	_ =	shalt  }
0x73: {  	_ =	shalt  }
0x74: {  	_ =	shalt  }
0x75: {  	_ =	shalt  }
0x76: {  	_ =	shalt  }
0x77: {  	_ =	shalt  }
0x78: {  	_ =	shalt  }
0x79: {  	_ =	shalt  }
0x7a: {  	_ =	shalt  }
0x7b: {  	_ =	shalt  }
0x7c: {  	_ =	shalt  }
0x7d: {  	_ =	shalt  }
0x7e: {  	_ =	shalt  }
0x7f: {  	_ =	shalt  }
0x80: {  	_ =	shalt  }
0x81: {  	_ =	shalt  }
0x82: {  	_ =	shalt  }
0x83: {  	_ =	shalt  }
0x84: {  	_ =	shalt  }
0x85: {  	_ =	shalt  }
0x86: {  	_ =	shalt  }
0x87: {  	_ =	shalt  }
.Lfunc_end0:
.L_simem_size_0:
called_computation.1_lowered:
.L_overlay_start_0:
0x88: {  	s2 =	sld [smem:$0x3FD9]  }
0x89: {  	s3 =	sld [smem:$0x3FFE];
	_ =	sdelay $0x1  }
0x8a: {  	s1 =	srdreg.scid  }
0x8b: {  	s0 =	sand.u32 $0x1, s1  }
0x8c: {  	s17 =	sshll.u32 s0, $0xA;
	s2 =	sadd.s32 s3, s2  }
0x8d: {  	s2 =	sadd.s32 s2, s17  }
0x8e: {  	[smem:$0x3FAD] =	sst s2  }
0x8f: {  	_ = 	snop  }
0x90: {  	(tm) =	ssettm $0x1  }
0x91: {  	s18 =	sld [smem:$0x3FFB];
	_ =	sdelay $0x3  }
0x92: {  	_ =	strace s18  }
0x93: {  	s2 =	sld [smem:$0x3FFC];
	_ =	sdelay $0x3  }
0x94: {  	_ =	strace s2  }
0x95: {  	s2 =	sld [smem:$0x3FFD];
	_ =	sdelay $0x3  }
0x96: {  	_ =	strace s2  }
0x97: {  	_ =	strace $0x8FFFFFFF  }
0x98: {  	s19 =	sld [smem:$0x3FDB];
	_ =	sdelay $0x1  }
0x99: {  	s20 =	simm.s32 $_scs_section_size  }
0x9a: {  	s4 =	simm.s32 $_size__tile_overlayer_lowered;
	s5 =	simm.s32 $_tile_overlayer_lowered  }
0x9b: {  	s6 =	simm.s32 $0x1BFF;
	s21 =	sshll.u32 s5, $0x1;
	s3 =	sadd.s32 s20, s19  }
0x9c: {  	s22 =	simm.s32 $0x0;
	s4 =	sshll.u32 s4, $0x1;
	s5 =	sadd.s32 s21, s3  }
0x9d: {  	[timem:s22], [sflag:s6] =	dma.local [hbm:s5], s4  }
0x9e: {  	_ =	swait.ge [sflag:s6], s4  }
0x9f: {  	s4 =	ssub.s32 $0x0, s4;
	[sflag:s6] =	ssyncset.done $0x0  }
0xa0: {  	[sflag:s6] =	ssyncadd.s32 s4;
	_ =	sdelay $0x1  }
0xa1: {  	s23 =	simm.s32 $0x1B8B  }
0xa2: {  	_ =	swait.ge [sflag:s23], $0x1  }
0xa3: {  	[sflag:s23] =	ssyncset.done $0x0  }
0xa4: {  	[sflag:s23] =	ssyncadd.s32 $0xFFFFFFFF  }
0xa5: {  	s4 =	sld [smem:$0x0]  }
0xa6: {  	s5 =	sand.u32 $0xFFFFFFFE, s1  }
0xa7: {  	p0 =	sne.s32 s1, s5  }
0xa8: {  	s5 =	sshll.u32 @p0 s5, $0xE  }
0xa9: {  	s5 =	sadd.s32 @p0 $0x11B8D, s5;
	s6 =	sshll.u32 @p0 s4, $0x11  }
0xaa: {  	s5 =	sor.u32 @p0 s6, s5  }
0xab: {  	[sflag:s5] =	ssyncadd.remote.s32 @p0 $0x1;
	_ =	sdelay $0x1  }
0xac: {  	s5 =	simm.s32 @p0 $0x1B8D  }
0xad: {  	_ =	swait.eq @p0 [sflag:s5], $0x1  }
0xae: {  	[sflag:s5] =	ssyncadd.s32 @p0 $0xFFFFFFFF  }
0xaf: {  	s6 =	sshll.u32 @!p0 s1, $0xE  }
0xb0: {  	s6 =	sor.u32 @!p0 $0x4000, s6;
	s5 =	simm.s32 @!p0 $0x1B8D  }
0xb1: {  	s4 =	sshll.u32 @!p0 s4, $0x11;
	s6 =	sadd.s32 @!p0 $0x11B8D, s6;
	_ =	swait.eq @!p0 [sflag:s5], $0x1  }
0xb2: {  	s4 =	sor.u32 @!p0 s4, s6;
	[sflag:s5] =	ssyncadd.s32 @!p0 $0xFFFFFFFF  }
0xb3: {  	s25 =	simm.s32 $0x1B8E;
	s24 =	sld [smem:$0x3FFE];
	[sflag:s4] =	ssyncadd.remote.s32 @!p0 $0x1  }
0xb4: {  	s26 =	simm.s32 $execute0_lowered;
	[smem:$0x3FD2] =	sst s25  }
0xb5: {  	s5 =	sshll.u32 s26, $0x1;
	_ =	strace $0x80000049;
	[dreg:$0x1] =	wrdreg $0xFFFFFFFF  }
0xb6: {  	s28 =	simm.s32 $_size_execute0_lowered;
	s3 =	sadd.s32 s3, s5;
	[dreg:$0x0] =	wrdreg $0x0  }
0xb7: {  	s5 =	sshll.u32 s28, $0x1;
	[dreg:$0x2] =	wrdreg s3  }
0xb8: {  	[dreg:$0x3] =	wrdreg s5  }
0xb9: {  	[dreg:$0x4] =	wrdreg $0xC0  }
0xba: {  	_ =	task [dreg:s22], $0x5FFFF  }
0xbb: {  	[dreg:$0x1] =	wrdreg $0xFFFFFFFF  }
0xbc: {  	[dreg:$0x0] =	wrdreg $0x60  }
0xbd: {  	[dreg:$0x2] =	wrdreg s24  }
0xbe: {  	[dreg:$0x3] =	wrdreg $0xA2800  }
0xbf: {  	[dreg:$0x4] =	wrdreg $0x11A800  }
0xc0: {  	[dreg:$0x5] =	wrdreg $0x192800  }
0xc1: {  	[dreg:$0x6] =	wrdreg $0x1BA800  }
0xc2: {  	[dreg:$0x7] =	wrdreg $0xA  }
0xc3: {  	_ =	task.clear_ibuf [dreg:s22], $0x8FFFF;
	_ =	strace $0x90000049  }
0xc4: {  	s29 =	simm.s32 $0xA;
	_ =	strace $0x8000004B  }
0xc5: {  	_ =	swait.ge [sflag:s29], $0x1  }
0xc6: {  	[sflag:s29] =	ssyncadd.s32 $0xFFFFFFFF  }
0xc7: {  	_ =	strace $0x9000004B  }
0xc8: {  	_ =	sfence  }
0xc9: {  	s30 =	sld [smem:$0x0];
	_ =	sdelay $0x2  }
0xca: {  	s31 =	sshll.u32 s1, $0xD;
	s1 =	sshrl.u32 s1, $0x2  }
0xcb: {  	s4 =	sand.u32 $0x4000, s31;
	s1 =	sadd.s32 s1, s30  }
0xcc: {  	s0 =	sor.u32 s4, s0;
	s1 =	sshll.u32 s1, $0x11  }
0xcd: {  	s0 =	sor.u32 s1, s0  }
0xce: {  	s0 =	sadd.s32 $0x8F2B, s0  }
0xcf: {  	[sflag:s0] =	ssyncadd.remote.s32 $0x1  }
0xd0: {  	_ =	sfence.sel $0xFFFF  }
0xd1: {  	[dreg:$0x0] =	wrdreg $0xFFFFFFFF;
	(pc) =	sbr.abs _section_cstart, $3  }
0xd2: {  	[dreg:$0x1] =	wrdreg $0xFFFFFFFF  }
0xd3: {  	_ =	task.clear_ibuf [dreg:s22], $0x2FFFF;
	_ =	strace $0x9FFFFFFF  }
0xd4: {  	(tm) =	ssettm $0x7FFFFFFF  }
0xd5: {  	_ =	shalt  }
tec
execute0_lowered:
.L_overlay_start_1:
0x0: {  	(tag) =	ssettag $0x1  }
0x1: {  	s0 =	rddreg [dreg:$0x0]  }
0x2: {  	s1 =	rddreg [dreg:$0x1]  }
0x3: {  	s2 =	rddreg [dreg:$0x2]  }
0x4: {  	s3 =	rddreg [dreg:$0x3]  }
0x5: {  	s4 =	rddreg [dreg:$0x4];
	s6 =	simm.s32 $0x0  }
0x6: {  	s5 =	srdreg.scid;
	s16 =	stileid.u32;
	s28 =	simm.s32 $0x1  }
0x7: {  	s29 =	simm.s32 $0x7980;
	s30 =	simm.s32 $0x9280;
	s31 =	simm.s32 $0x7A00  }
0x8: {  	[smem:$0x7FF] =	sst s6;
	s5 =	sand.u32 $0x1, s5;
	s8 =	sadd.s32 $0x357E00, s0  }
0x9: {  	s26 =	sadd.s32 $0x359C00, s0;
	_ =	strace $0x8000004A;
	[dreg:$0x6] =	wrdreg s8  }
0xa: {  	s7 =	smul.u32 $0x280, s16;
	s10 =	sadd.s32 $0x25E800, s0;
	[dreg:$0x7] =	wrdreg s26  }
0xb: {  	s11 =	sadd.s32 $0x260600, s0;
	s13 =	sadd.s32 $0x5A000, s0;
	[dreg:$0x8] =	wrdreg s10  }
0xc: {  	s22 =	sshll.u32 s16, $0x8;
	s24 =	sshll.u32 s16, $0xC;
	[dreg:$0x9] =	wrdreg s11  }
0xd: {  	s9 =	smul.u32 $0x2800, s5;
	[dreg:$0xa] =	wrdreg s13;
	s10 =	ssub.s32 $0x2, s5  }
0xe: {  	s11 =	smul.u32 $0x7800, s16;
	s23 =	sshll.u32 s5, $0x7;
	s14 =	sshrl.u32 s10, $0x1  }
0xf: {  	s25 =	sor.u32 s23, s22;
	s22 =	simm.s32 $0x7880;
	s23 =	simm.s32 $0x7900  }
0x10: {  	s9 =	sadd.s32 s7, s9;
	s7 =	sadd.s32 $0x72800, s0;
	s19 =	sadd.s32 s11, s1  }
0x11: {  	s20 =	sadd.s32 s11, s2;
	[dreg:$0x10] =	wrdreg s25;
	s12 =	smul.u32 $0x6, s9  }
0x12: {  	s25 =	simm.s32 $0x80;
	s9 =	sshll.u32 s9, $0x1;
	[dreg:$0xb] =	wrdreg s19  }
0x13: {  	[dreg:$0xc] =	wrdreg s20;
	s8 =	sadd.s32 s12, s0;
	s0 =	sadd.s32 s9, s0  }
0x14: {  	s12 =	smul.u32 $0x2800, s16;
	s9 =	ssub.s32 s10, s14;
	s15 =	sadd.s32 $0x35BA00, s8  }
0x15: {  	s14 =	sshll.u32 s16, $0x1;
	s8 =	sadd.s32 $0x379A00, s8;
	s13 =	sadd.s32 $0x397A00, s0  }
0x16: {  	s17 =	sor.u32 s14, s5;
	s21 =	smax.u32 s9, $0x1;
	s5 =	sshll.u32 s5, $0xB  }
0x17: {  	s9 =	simm.s32 $0x0;
	s10 =	sadd.s32 s12, s3;
	[dreg:$0xd] =	wrdreg s15  }
0x18: {  	[dreg:$0xe] =	wrdreg s8;
	s14 =	sadd.s32 s12, s4;
	s15 =	sadd.s32 $0x3A1A00, s0  }
0x19: {  	s18 =	ssub.s32 $0x1FA, s17;
	[dreg:$0xf] =	wrdreg s21;
	s26 =	sor.u32 s5, s24  }
0x1a: {  	s12 =	simm.s32 $0x4;
	s21 =	simm.s32 $0x7800;
	s24 =	simm.s32 $0x30  }
0x1b: {  	s5 =	simm.s32 $0x2;
	s0 =	sshrl.u32 s18, $0x5;
	[dreg:$0x11] =	wrdreg s26  }
0x1c: {  	v0 =	vimm.f32 $0.0e+00;
	s26 =	simm.s32 $0x7A80;
	s17 =	ssub.s32 $0x0, s0;
	s0 =	simm.s32 $0x9A80  }
.LBB2_1:
0x1d: {  	[dreg:$0x12] =	wrdreg s9;
	s8 =	simm.s32 $0xC0;
	s9 =	simm.s32 $0x0  }
.LBB2_2:
0x1e: {  	p0 =	sne.s32 s8, $0x1DF40;
	[tilespmem:s9+$0x20] =	vst v0;
	s16 =	smov.u32 s8;
	s8 =	sadd.s32 $0xC0, s8  }
.Ltmp0:
0x1f: {  	[tilespmem:s9+$0x0] =	vst v0;
	(pc) =	sbr.rel @p0 .LBB2_2-.Ltmp0, $2  }
0x20: {  	[tilespmem:s9+$0x10] =	vst v0;
	_ =	sdelay $0x2  }
0x21: {  	s9 =	sshra.s32 s16, $0x2  }
0x22: {  	[tilespmem:s9+$0x20] =	vst v0  }
0x23: {  	[tilespmem:s9+$0x0] =	vst v0  }
0x24: {  	[tilespmem:s9+$0x10] =	vst v0;
	s8 =	simm.s32 $0x0  }
0x25: {  	[spmem:s19] =	stream.linear.scatter [tilespmem:s8], [sflag:$0x4], $0x7800, $0x38;
	[tilespmem:$0x1E280] =	vst v63  }
0x26: {  	_ =	swait.ge [sflag:s12], $0x7800  }
0x27: {  	[sflag:s12] =	ssyncset.done $0x0  }
0x28: {  	[sflag:s12] =	ssyncadd.s32 $0xFFFF8800  }
0x29: {  	[spmem:s20] =	stream.linear.scatter [tilespmem:s8], [sflag:$0x4], $0x7800, $0x38;
	[tilespmem:$0x1E280] =	vst v63  }
0x2a: {  	_ =	swait.ge [sflag:s12], $0x7800  }
0x2b: {  	[sflag:s12] =	ssyncset.done $0x0  }
0x2c: {  	s9 =	simm.s32 $0x40;
	s20 =	sadd.s32 $0x0, s10;
	[sflag:s12] =	ssyncadd.s32 $0xFFFF8800  }
0x2d: {  	[spmem:s20] =	stream.linear.scatter [tilespmem:s8], [sflag:$0x4], $0x10, $0x38;
	[tilespmem:$0x1E280] =	vst v63  }
.LBB2_4:
0x2e: {  	p0 =	sne.s32 s9, $0x9FC0  }
.Ltmp1:
0x2f: {  	_ = 	snop;
	(pc) =	sbr.rel @p0 .LBB2_4-.Ltmp1, $4  }
0x30: {  	_ = 	snop  }
0x31: {  	s16 =	sshra.s32 s9, $0x2;
	s9 =	sadd.s32 $0x40, s9  }
0x32: {  	s8 =	sadd.s32 $0x30, s8;
	s16 =	sadd.s32 s16, s10  }
0x33: {  	[spmem:s16] =	stream.linear.scatter [tilespmem:s8], [sflag:$0x4], $0x10, $0x38;
	[tilespmem:$0x1E280] =	vst v63  }
0x34: {  	_ =	swait.ge [sflag:s12], $0x2800  }
0x35: {  	[sflag:s12] =	ssyncset.done $0x0  }
0x36: {  	s8 =	simm.s32 $0x0;
	s9 =	sadd.s32 $0x0, s14;
	[sflag:s12] =	ssyncadd.s32 $0xFFFFD800  }
0x37: {  	[spmem:s9] =	stream.linear.scatter [tilespmem:s8], [sflag:$0x4], $0x10, $0x38;
	[tilespmem:$0x1E280] =	vst v63  }
0x38: {  	s9 =	simm.s32 $0x40  }
.LBB2_6:
0x39: {  	p0 =	sne.s32 s9, $0x9FC0  }
.Ltmp2:
0x3a: {  	_ = 	snop;
	(pc) =	sbr.rel @p0 .LBB2_6-.Ltmp2, $4  }
0x3b: {  	_ = 	snop  }
0x3c: {  	s16 =	sshra.s32 s9, $0x2;
	s9 =	sadd.s32 $0x40, s9  }
0x3d: {  	s8 =	sadd.s32 $0x30, s8;
	s16 =	sadd.s32 s16, s14  }
0x3e: {  	[spmem:s16] =	stream.linear.scatter [tilespmem:s8], [sflag:$0x4], $0x10, $0x38;
	[tilespmem:$0x1E280] =	vst v63  }
0x3f: {  	_ =	swait.ge [sflag:s12], $0x2800  }
0x40: {  	[sflag:s12] =	ssyncset.done $0x0  }
0x41: {  	p0 =	por $0x1, $0x1;
	[sflag:s12] =	ssyncadd.s32 $0xFFFFD800  }
0x42: {  	s8 =	simm.s32 @!p0 $0x3;
	[bflag:$0x0] =	sbarrier.arrive $0xFFFF  }
0x43: {  	_ =	swait.ge @!p0 [sflag:s8], $0x1800  }
0x44: {  	[sflag:s8] =	ssyncset.done @!p0 $0x0  }
0x45: {  	[sflag:s8] =	ssyncadd.s32 @!p0 $0xFFFFE800  }
0x46: {  	_ =	swait.ge @!p0 [sflag:s8], $0x1800  }
0x47: {  	[sflag:s8] =	ssyncset.done @!p0 $0x0  }
0x48: {  	[sflag:s8] =	ssyncadd.s32 @!p0 $0xFFFFE800  }
0x49: {  	_ =	swait.ge @!p0 [sflag:s8], $0x800  }
0x4a: {  	[sflag:s8] =	ssyncset.done @!p0 $0x0  }
0x4b: {  	[sflag:s8] =	ssyncadd.s32 @!p0 $0xFFFFF800  }
0x4c: {  	_ =	swait.ge @!p0 [sflag:s8], $0x800  }
0x4d: {  	s11 =	rddreg [dreg:$0x10]  }
0x4e: {  	s9 =	rddreg [dreg:$0x6];
	[sflag:s8] =	ssyncset.done @!p0 $0x0;
	s16 =	sshrl.u32 s11, $0x3  }
0x4f: {  	s18 =	rddreg [dreg:$0x7];
	[sflag:s8] =	ssyncadd.s32 @!p0 $0xFFFFF800;
	s9 =	sadd.s32 s9, s16  }
0x50: {  	[tilespmem:s21], [sflag:$0x1] =	stream.linear.gather [hbm4b:s9+s6], $0x80, $0x38;
	[tilespmem:$0x1E280] =	vst v63  }
0x51: {  	s12 =	rddreg [dreg:$0x8];
	s19 =	sadd.s32 s18, s16  }
0x52: {  	[tilespmem:s22], [sflag:$0x1] =	stream.linear.gather [hbm4b:s19+s6], $0x80, $0x38;
	[tilespmem:$0x1E280] =	vst v63  }
0x53: {  	s19 =	rddreg [dreg:$0x11]  }
0x54: {  	s20 =	rddreg [dreg:$0x9];
	s12 =	sadd.s32 s12, s16;
	s16 =	sand.u32 $0x1FFFF800, s19  }
0x55: {  	[tilespmem:s23], [sflag:$0x1] =	stream.linear.gather [hbm4b:s12+s6], $0x80, $0x38;
	[tilespmem:$0x1E280] =	vst v63  }
0x56: {  	s20 =	sadd.s32 s20, s16  }
0x57: {  	[tilespmem:s26], [sflag:$0x1] =	stream.strided.gather [hbm4b:s20+s24], $0x1800, s25, s24, $0x38;
	[tilespmem:$0x1E280] =	vst v63  }
0x58: {  	_ =	swait.ge [sflag:s28], $0x80  }
0x59: {  	[sflag:s28] =	ssyncset.done $0x0  }
0x5a: {  	[sflag:s28] =	ssyncadd.s32 $0xFFFFFF80  }
0x5b: {  	_ =	swait.ge [sflag:s28], $0x80  }
0x5c: {  	[sflag:s28] =	ssyncset.done $0x0  }
0x5d: {  	[sflag:s28] =	ssyncadd.s32 $0xFFFFFF80  }
0x5e: {  	_ =	swait.ge [sflag:s28], $0x80  }
0x5f: {  	[sflag:s28] =	ssyncset.done $0x0  }
0x60: {  	[sflag:s28] =	ssyncadd.s32 $0xFFFFFF80  }
0x61: {  	_ =	swait.ge [sflag:s28], $0x1800  }
0x62: {  	[sflag:s28] =	ssyncset.done $0x0  }
0x63: {  	[sflag:s28] =	ssyncadd.s32 $0xFFFFE800  }
0x64: {  	v1 =	vld [tilespmem:$0x7870]  }
0x65: {  	v2 =	vld [tilespmem:$0x7800]  }
0x66: {  	v6 =	vld [tilespmem:$0x7920]  }
0x67: {  	v7 =	vld [tilespmem:$0x7820]  }
0x68: {  	v8 =	vld [tilespmem:$0x78A0]  }
0x69: {  	v3 =	vld [tilespmem:$0x7890]  }
0x6a: {  	v4 =	vld [tilespmem:$0x7910]  }
0x6b: {  	v5 =	vld [tilespmem:$0x78F0]  }
0x6c: {  	v9 =	vld [tilespmem:$0x7810]  }
0x6d: {  	v10 =	vld [tilespmem:$0x7880]  }
0x6e: {  	v11 =	vld [tilespmem:$0x7970]  }
0x6f: {  	v12 =	vld [tilespmem:$0x7900]  }
0x70: {  	v14 =	vld [tilespmem:$0x7830];
	v1 =	vmul.u32 $0x5, v1;
	v13 =	vmul.u32 $0x5, v2;
	vm0 =	veq.s32 v4, $0x0  }
0x71: {  	v15 =	vld [tilespmem:$0x78B0];
	v4 =	vadd.s32 $0xFFFFFFFF, v4;
	v2 =	vmul.u32 $0x5, v5;
	v5 =	vmul.u32 $0x5, v3  }
0x72: {  	v10 =	vmul.u32 $0x5, v10;
	v3 =	vsel vm0, $0x4, v4;
	v4 =	vmul.u32 $0x5, v9;
	v9 =	vld [tilespmem:$0x7930]  }
0x73: {  	v17 =	vld [tilespmem:$0x78C0];
	vm1 =	veq.s32 v6, $0x0;
	v6 =	vadd.s32 $0xFFFFFFFF, v6;
	v8 =	vmul.u32 $0x5, v8  }
0x74: {  	vm0 =	veq.s32 v11, $0x0;
	v16 =	vadd.s32 v3, v5;
	v5 =	vadd.s32 $0xFFFFFFFF, v11;
	v11 =	vld [tilespmem:$0x7940]  }
0x75: {  	v19 =	vld [tilespmem:$0x7840];
	vm2 =	veq.s32 v12, $0x0;
	v18 =	vmul.u32 $0x5, v7;
	v6 =	vsel vm1, $0x4, v6  }
0x76: {  	p0 =	sne.s32 s17, $0xFFFFFFFF;
	v12 =	vadd.s32 $0xFFFFFFFF, v12;
	v20 =	vmul.u32 $0x5, v14;
	v7 =	vld [tilespmem:$0x78D0];
	v8 =	vadd.s32 v6, v8;
	[tilespmem:$0x7990] =	vst v16  }
.Ltmp3:
0x77: {  	[tilespmem:$0x79A0] =	vst v8;
	v8 =	vadd.s32 v6, v18;
	v6 =	vld [tilespmem:$0x7850];
	vm1 =	veq.s32 v9, $0x0;
	v14 =	vadd.s32 $0xFFFFFFFF, v9;
	(pc) =	sbr.rel @!p0 .LBB2_9-.Ltmp3, $4  }
0x78: {  	v15 =	vmul.u32 $0x5, v15;
	v12 =	vsel vm2, $0x4, v12;
	[tilespmem:$0x7A20] =	vst v8;
	v8 =	vld [tilespmem:$0x7960];
	v16 =	vsel vm1, $0x4, v14  }
0x79: {  	v9 =	vld [tilespmem:$0x7950];
	v14 =	vadd.s32 v12, v10;
	vm1 =	veq.s32 v11, $0x0;
	v10 =	vadd.s32 v16, v20  }
0x7a: {  	v11 =	vadd.s32 $0xFFFFFFFF, v11;
	v18 =	vadd.s32 v16, v15;
	v15 =	vadd.s32 v12, v13;
	v12 =	vld [tilespmem:$0x7860];
	[tilespmem:$0x7A30] =	vst v10  }
0x7b: {  	s8 =	simm.s32 $0xFFFFFFFF;
	s18 =	smov.u32 s11;
	s16 =	simm.s32 $0x0;
	v16 =	vmul.u32 $0x5, v17;
	v11 =	vsel vm1, $0x4, v11;
	v13 =	vmul.u32 $0x5, v19;
	v10 =	vld [tilespmem:$0x78E0];
	[tilespmem:$0x79B0] =	vst v18  }
.LBB2_8:
0x7c: {  	[tilespmem:$0x7980] =	vst v14  }
0x7d: {  	v5 =	vsel vm0, $0x4, v5;
	[tilespmem:$0x7A00] =	vst v15;
	v3 =	vadd.s32 v3, v4  }
0x7e: {  	v14 =	vadd.s32 v11, v16;
	v1 =	vadd.s32 v5, v1;
	[tilespmem:$0x7A10] =	vst v3  }
0x7f: {  	v11 =	vadd.s32 v11, v13;
	v2 =	vadd.s32 v5, v2;
	[tilespmem:$0x79C0] =	vst v14;
	vm1 =	veq.s32 v9, $0x0  }
0x80: {  	[tilespmem:$0x79F0] =	vst v2;
	v9 =	vadd.s32 $0xFFFFFFFF, v9;
	v7 =	vmul.u32 $0x5, v7;
	v5 =	vadd.s32 $0xFFFFFFFF, v8  }
0x81: {  	[tilespmem:$0x7A70] =	vst v1;
	vm0 =	veq.s32 v8, $0x0;
	v2 =	vmul.u32 $0x5, v10;
	v9 =	vsel vm1, $0x4, v9  }
0x82: {  	[tilespmem:$0x7A40] =	vst v11;
	v3 =	vmul.u32 $0x5, v12;
	v5 =	vsel vm0, $0x4, v5;
	v4 =	vadd.s32 v9, v7  }
0x83: {  	v6 =	vmul.u32 $0x5, v6;
	v1 =	vadd.s32 v5, v2;
	[tilespmem:$0x79D0] =	vst v4  }
0x84: {  	v2 =	vadd.s32 v5, v3;
	[tilespmem:$0x79E0] =	vst v1  }
0x85: {  	v3 =	vadd.s32 v9, v6;
	[tilespmem:$0x7A60] =	vst v2  }
0x86: {  	s11 =	rddreg [dreg:$0xa];
	[tilespmem:$0x7A50] =	vst v3  }
0x87: {  	[tilespmem:s30], [sflag:$0x2] =	stream.indirect.gather [hbm4b:s11+s25], $0x10, s29, s25, $0xb8;
	[tilespmem:$0x1E280] =	vst v63  }
0x88: {  	_ = 	snop  }
0x89: {  	[tilespmem:s0], [sflag:$0x2] =	stream.indirect.gather [hbm4b:s7+s25], $0x10, s31, s25, $0xb8;
	[tilespmem:$0x1E280] =	vst v63  }
0x8a: {  	_ =	swait.ge [sflag:s5], $0x800  }
0x8b: {  	[sflag:s5] =	ssyncset.done $0x0  }
0x8c: {  	[sflag:s5] =	ssyncadd.s32 $0xFFFFF800  }
0x8d: {  	_ =	swait.ge [sflag:s5], $0x800  }
0x8e: {  	[sflag:s5] =	ssyncset.done $0x0  }
0x8f: {  	[sflag:s5] =	ssyncadd.s32 $0xFFFFF800  }
0x90: {  	[spmem:s1] =	stream.indirect.scatter.add.f32 [tilespmem:s26], [sflag:$0x3], $0x30, s21, s25, $0xb8;
	[tilespmem:$0x1E280] =	vst v63  }
0x91: {  	s9 =	smov.u32 s8  }
0x92: {  	[spmem:s2] =	stream.indirect.scatter.add.f32 [tilespmem:s26], [sflag:$0x3], $0x30, s22, s25, $0xb8;
	[tilespmem:$0x1E280] =	vst v63  }
0x93: {  	p1 =	seq.s32 s9, $0x0  }
0x94: {  	[spmem:s3] =	stream.indirect.scatter.add.f32 [tilespmem:s30], [sflag:$0x3], $0x10, s21, s25, $0xb8;
	[tilespmem:$0x1E280] =	vst v63  }
0x95: {  	s9 =	simm.s32 @!p1 $0x3  }
0x96: {  	[spmem:s4] =	stream.indirect.scatter.add.f32 [tilespmem:s0], [sflag:$0x3], $0x10, s22, s25, $0xb8;
	[tilespmem:$0x1E280] =	vst v63  }
0x97: {  	_ =	swait.ge @!p1 [sflag:s9], $0x1800  }
0x98: {  	[sflag:s9] =	ssyncset.done @!p1 $0x0  }
0x99: {  	[sflag:s9] =	ssyncadd.s32 @!p1 $0xFFFFE800  }
0x9a: {  	_ =	swait.ge @!p1 [sflag:s9], $0x1800  }
0x9b: {  	[sflag:s9] =	ssyncset.done @!p1 $0x0  }
0x9c: {  	[sflag:s9] =	ssyncadd.s32 @!p1 $0xFFFFE800  }
0x9d: {  	_ =	swait.ge @!p1 [sflag:s9], $0x800  }
0x9e: {  	[sflag:s9] =	ssyncset.done @!p1 $0x0  }
0x9f: {  	[sflag:s9] =	ssyncadd.s32 @!p1 $0xFFFFF800  }
0xa0: {  	s18 =	sadd.s32 $0x1000, s18;
	_ =	swait.ge @!p1 [sflag:s9], $0x800  }
0xa1: {  	s12 =	sshrl.u32 s18, $0x3;
	s11 =	rddreg [dreg:$0x6];
	[sflag:s9] =	ssyncset.done @!p1 $0x0  }
0xa2: {  	s20 =	rddreg [dreg:$0x7];
	[sflag:s9] =	ssyncadd.s32 @!p1 $0xFFFFF800;
	s9 =	sadd.s32 s11, s12  }
0xa3: {  	[tilespmem:s21], [sflag:$0x1] =	stream.linear.gather [hbm4b:s9+s6], $0x80, $0x38;
	[tilespmem:$0x1E280] =	vst v63  }
0xa4: {  	s19 =	sadd.s32 $0x10000, s19;
	s11 =	rddreg [dreg:$0x8];
	s9 =	sadd.s32 s20, s12  }
0xa5: {  	[tilespmem:s22], [sflag:$0x1] =	stream.linear.gather [hbm4b:s9+s6], $0x80, $0x38;
	[tilespmem:$0x1E280] =	vst v63  }
0xa6: {  	s20 =	rddreg [dreg:$0x9];
	s11 =	sadd.s32 s11, s12;
	s12 =	sand.u32 $0x1FFFF800, s19  }
0xa7: {  	[tilespmem:s23], [sflag:$0x1] =	stream.linear.gather [hbm4b:s11+s6], $0x80, $0x38;
	[tilespmem:$0x1E280] =	vst v63  }
0xa8: {  	s20 =	sadd.s32 s20, s12  }
0xa9: {  	[tilespmem:s26], [sflag:$0x1] =	stream.strided.gather [hbm4b:s20+s24], $0x1800, s25, s24, $0x38;
	[tilespmem:$0x1E280] =	vst v63  }
0xaa: {  	_ =	swait.ge [sflag:s28], $0x80  }
0xab: {  	[sflag:s28] =	ssyncset.done $0x0  }
0xac: {  	[sflag:s28] =	ssyncadd.s32 $0xFFFFFF80  }
0xad: {  	_ =	swait.ge [sflag:s28], $0x80  }
0xae: {  	[sflag:s28] =	ssyncset.done $0x0  }
0xaf: {  	[sflag:s28] =	ssyncadd.s32 $0xFFFFFF80  }
0xb0: {  	_ =	swait.ge [sflag:s28], $0x80  }
0xb1: {  	[sflag:s28] =	ssyncset.done $0x0  }
0xb2: {  	[sflag:s28] =	ssyncadd.s32 $0xFFFFFF80  }
0xb3: {  	_ =	swait.ge [sflag:s28], $0x1800  }
0xb4: {  	[sflag:s28] =	ssyncset.done $0x0  }
0xb5: {  	[sflag:s28] =	ssyncadd.s32 $0xFFFFE800  }
0xb6: {  	v1 =	vld [tilespmem:$0x7870]  }
0xb7: {  	v2 =	vld [tilespmem:$0x7800]  }
0xb8: {  	v6 =	vld [tilespmem:$0x7920]  }
0xb9: {  	v7 =	vld [tilespmem:$0x7820]  }
0xba: {  	v8 =	vld [tilespmem:$0x78A0]  }
0xbb: {  	v4 =	vld [tilespmem:$0x7890]  }
0xbc: {  	v3 =	vld [tilespmem:$0x7910]  }
0xbd: {  	v5 =	vld [tilespmem:$0x78F0]  }
0xbe: {  	v9 =	vld [tilespmem:$0x7810]  }
0xbf: {  	v10 =	vld [tilespmem:$0x7880]  }
0xc0: {  	v12 =	vld [tilespmem:$0x7970]  }
0xc1: {  	v13 =	vld [tilespmem:$0x7900]  }
0xc2: {  	v14 =	vld [tilespmem:$0x7830];
	v1 =	vmul.u32 $0x5, v1;
	v11 =	vmul.u32 $0x5, v2;
	vm0 =	veq.s32 v3, $0x0  }
0xc3: {  	v15 =	vld [tilespmem:$0x78B0];
	v3 =	vadd.s32 $0xFFFFFFFF, v3;
	v2 =	vmul.u32 $0x5, v5;
	v5 =	vmul.u32 $0x5, v4  }
0xc4: {  	v4 =	vmul.u32 $0x5, v9;
	v10 =	vmul.u32 $0x5, v10;
	v9 =	vld [tilespmem:$0x7930];
	vm1 =	veq.s32 v6, $0x0  }
0xc5: {  	v17 =	vld [tilespmem:$0x78C0];
	v6 =	vadd.s32 $0xFFFFFFFF, v6;
	v8 =	vmul.u32 $0x5, v8;
	v3 =	vsel vm0, $0x4, v3  }
0xc6: {  	vm0 =	veq.s32 v12, $0x0;
	v16 =	vadd.s32 v3, v5;
	v5 =	vadd.s32 $0xFFFFFFFF, v12;
	v12 =	vld [tilespmem:$0x7940]  }
0xc7: {  	s8 =	sadd.s32 $0xFFFFFFFF, s8;
	v18 =	vld [tilespmem:$0x7840];
	vm2 =	veq.s32 v13, $0x0;
	v13 =	vadd.s32 $0xFFFFFFFF, v13;
	v19 =	vmul.u32 $0x5, v14  }
0xc8: {  	p0 =	sne.s32 s17, s8;
	v15 =	vmul.u32 $0x5, v15;
	v6 =	vsel vm1, $0x4, v6;
	[tilespmem:$0x7990] =	vst v16;
	v16 =	vmul.u32 $0x5, v7;
	v7 =	vld [tilespmem:$0x78D0]  }
.Ltmp4:
0xc9: {  	v8 =	vadd.s32 v6, v8;
	vm1 =	veq.s32 v9, $0x0;
	v14 =	vadd.s32 $0xFFFFFFFF, v9;
	v9 =	vld [tilespmem:$0x7950];
	(pc) =	sbr.rel @p0 .LBB2_8-.Ltmp4, $4  }
0xca: {  	v13 =	vsel vm2, $0x4, v13;
	[tilespmem:$0x79A0] =	vst v8;
	v8 =	vadd.s32 v6, v16;
	v6 =	vld [tilespmem:$0x7850];
	v16 =	vsel vm1, $0x4, v14  }
0xcb: {  	v14 =	vadd.s32 v13, v10;
	[tilespmem:$0x7A20] =	vst v8;
	v8 =	vld [tilespmem:$0x7960];
	v10 =	vadd.s32 v16, v19;
	vm1 =	veq.s32 v12, $0x0  }
0xcc: {  	v19 =	vadd.s32 v16, v15;
	v12 =	vadd.s32 $0xFFFFFFFF, v12;
	v16 =	vmul.u32 $0x5, v17;
	[tilespmem:$0x7A30] =	vst v10;
	v10 =	vld [tilespmem:$0x78E0]  }
0xcd: {  	v15 =	vadd.s32 v13, v11;
	v13 =	vmul.u32 $0x5, v18;
	[tilespmem:$0x79B0] =	vst v19;
	v11 =	vsel vm1, $0x4, v12;
	v12 =	vld [tilespmem:$0x7860]  }
.LBB2_9:
0xce: {  	[tilespmem:$0x7980] =	vst v14  }
0xcf: {  	v5 =	vsel vm0, $0x4, v5;
	v7 =	vmul.u32 $0x5, v7;
	[tilespmem:$0x7A00] =	vst v15;
	v3 =	vadd.s32 v3, v4  }
0xd0: {  	v59 =	vadd.s32 v11, v16;
	v2 =	vadd.s32 v5, v2;
	v1 =	vadd.s32 v5, v1;
	[tilespmem:$0x7A10] =	vst v3  }
0xd1: {  	vm1 =	veq.s32 v9, $0x0;
	v60 =	vadd.s32 $0xFFFFFFFF, v9;
	[tilespmem:$0x79F0] =	vst v2;
	v2 =	vadd.s32 $0xFFFFFFFF, v8  }
0xd2: {  	[tilespmem:$0x79C0] =	vst v59;
	vm15 =	veq.s32 v8, $0x0;
	v61 =	vsel vm1, $0x4, v60;
	v3 =	vmul.u32 $0x5, v10  }
0xd3: {  	[tilespmem:$0x7A70] =	vst v1;
	v2 =	vsel vm15, $0x4, v2;
	v62 =	vadd.s32 v61, v7;
	v63 =	vmul.u32 $0x5, v12  }
0xd4: {  	[tilespmem:$0x79D0] =	vst v62;
	v1 =	vadd.s32 v2, v3  }
0xd5: {  	v3 =	vmul.u32 $0x5, v6;
	v2 =	vadd.s32 v2, v63;
	[tilespmem:$0x79E0] =	vst v1  }
0xd6: {  	v1 =	vadd.s32 v11, v13;
	[tilespmem:$0x7A60] =	vst v2  }
0xd7: {  	v2 =	vadd.s32 v61, v3;
	[tilespmem:$0x7A40] =	vst v1  }
0xd8: {  	s8 =	rddreg [dreg:$0xa];
	[tilespmem:$0x7A50] =	vst v2  }
0xd9: {  	[tilespmem:s30], [sflag:$0x2] =	stream.indirect.gather [hbm4b:s8+s25], $0x10, s29, s25, $0xb8;
	[tilespmem:$0x1E280] =	vst v63  }
0xda: {  	_ = 	snop  }
0xdb: {  	[tilespmem:s0], [sflag:$0x2] =	stream.indirect.gather [hbm4b:s7+s25], $0x10, s31, s25, $0xb8;
	[tilespmem:$0x1E280] =	vst v63  }
0xdc: {  	_ =	swait.ge [sflag:s5], $0x800  }
0xdd: {  	[sflag:s5] =	ssyncset.done $0x0  }
0xde: {  	[sflag:s5] =	ssyncadd.s32 $0xFFFFF800  }
0xdf: {  	_ =	swait.ge [sflag:s5], $0x800  }
0xe0: {  	[sflag:s5] =	ssyncset.done $0x0  }
0xe1: {  	[sflag:s5] =	ssyncadd.s32 $0xFFFFF800  }
0xe2: {  	[spmem:s1] =	stream.indirect.scatter.add.f32 [tilespmem:s26], [sflag:$0x3], $0x30, s21, s25, $0xb8;
	[tilespmem:$0x1E280] =	vst v63  }
0xe3: {  	_ = 	snop  }
0xe4: {  	[spmem:s2] =	stream.indirect.scatter.add.f32 [tilespmem:s26], [sflag:$0x3], $0x30, s22, s25, $0xb8;
	[tilespmem:$0x1E280] =	vst v63  }
0xe5: {  	_ = 	snop  }
0xe6: {  	[spmem:s3] =	stream.indirect.scatter.add.f32 [tilespmem:s30], [sflag:$0x3], $0x10, s21, s25, $0xb8;
	[tilespmem:$0x1E280] =	vst v63  }
0xe7: {  	s20 =	simm.s32 $0x3  }
0xe8: {  	[spmem:s4] =	stream.indirect.scatter.add.f32 [tilespmem:s0], [sflag:$0x3], $0x10, s22, s25, $0xb8;
	[tilespmem:$0x1E280] =	vst v63  }
0xe9: {  	_ =	swait.ge [sflag:s20], $0x1800  }
0xea: {  	[sflag:s20] =	ssyncset.done $0x0  }
0xeb: {  	[sflag:s20] =	ssyncadd.s32 $0xFFFFE800  }
0xec: {  	_ =	swait.ge [sflag:s20], $0x1800  }
0xed: {  	[sflag:s20] =	ssyncset.done $0x0  }
0xee: {  	[sflag:s20] =	ssyncadd.s32 $0xFFFFE800  }
0xef: {  	_ =	swait.ge [sflag:s20], $0x800  }
0xf0: {  	[sflag:s20] =	ssyncset.done $0x0  }
0xf1: {  	[sflag:s20] =	ssyncadd.s32 $0xFFFFF800  }
0xf2: {  	_ =	swait.ge [sflag:s20], $0x800  }
0xf3: {  	[sflag:s20] =	ssyncset.done $0x0  }
0xf4: {  	[sflag:s20] =	ssyncadd.s32 $0xFFFFF800  }
0xf5: {  	[bflag:$0x0] =	sbarrier.arrive $0xFFFF  }
0xf6: {  	s12 =	simm.s32 $0x4;
	s19 =	rddreg [dreg:$0xb]  }
0xf7: {  	[tilespmem:s16], [sflag:$0x4] =	stream.linear.gather [spmem:s19], $0x7800, $0x38;
	[tilespmem:$0x1E280] =	vst v63  }
0xf8: {  	_ =	swait.ge [sflag:s12], $0x7800  }
0xf9: {  	[sflag:s12] =	ssyncset.done $0x0  }
0xfa: {  	s9 =	rddreg [dreg:$0xd];
	[sflag:s12] =	ssyncadd.s32 $0xFFFF8800  }
0xfb: {  	[hbm4b:s9+s16] =	stream.linear.scatter [tilespmem:s16], [sflag:$0x4], $0x7800, $0x38;
	[tilespmem:$0x1E280] =	vst v63  }
0xfc: {  	_ =	swait.ge [sflag:s12], $0x7800  }
0xfd: {  	[sflag:s12] =	ssyncset.done $0x0  }
0xfe: {  	s20 =	rddreg [dreg:$0xc];
	[sflag:s12] =	ssyncadd.s32 $0xFFFF8800  }
0xff: {  	[tilespmem:s16], [sflag:$0x4] =	stream.linear.gather [spmem:s20], $0x7800, $0x38;
	[tilespmem:$0x1E280] =	vst v63  }
0x100: {  	_ =	swait.ge [sflag:s12], $0x7800  }
0x101: {  	[sflag:s12] =	ssyncset.done $0x0  }
0x102: {  	s11 =	rddreg [dreg:$0xe];
	[sflag:s12] =	ssyncadd.s32 $0xFFFF8800  }
0x103: {  	[hbm4b:s11+s16] =	stream.linear.scatter [tilespmem:s16], [sflag:$0x4], $0x7800, $0x38;
	[tilespmem:$0x1E280] =	vst v63  }
0x104: {  	_ =	swait.ge [sflag:s12], $0x7800  }
0x105: {  	[sflag:s12] =	ssyncset.done $0x0  }
0x106: {  	s18 =	sadd.s32 $0x0, s10;
	s8 =	simm.s32 $0x40;
	[sflag:s12] =	ssyncadd.s32 $0xFFFF8800  }
0x107: {  	[tilespmem:s16], [sflag:$0x4] =	stream.linear.gather [spmem:s18], $0x10, $0x38;
	[tilespmem:$0x1E280] =	vst v63  }
.LBB2_10:
0x108: {  	p0 =	sne.s32 s8, $0x9FC0  }
.Ltmp5:
0x109: {  	_ = 	snop;
	(pc) =	sbr.rel @p0 .LBB2_10-.Ltmp5, $4  }
0x10a: {  	_ = 	snop  }
0x10b: {  	s9 =	sshra.s32 s8, $0x2;
	s8 =	sadd.s32 $0x40, s8  }
0x10c: {  	s16 =	sadd.s32 $0x30, s16;
	s9 =	sadd.s32 s9, s10  }
0x10d: {  	[tilespmem:s16], [sflag:$0x4] =	stream.linear.gather [spmem:s9], $0x10, $0x38;
	[tilespmem:$0x1E280] =	vst v63  }
0x10e: {  	_ =	swait.ge [sflag:s12], $0x2800  }
0x10f: {  	s8 =	simm.s32 $0x0;
	s9 =	simm.s32 $0x2;
	[sflag:s12] =	ssyncset.done $0x0  }
0x110: {  	s18 =	sadd.s32 $0x0, s13;
	s16 =	simm.s32 $0x30;
	[sflag:s12] =	ssyncadd.s32 $0xFFFFD800  }
.LBB2_12:
0x111: {  	[hbm4b:s18+s6] =	stream.linear.scatter [tilespmem:s8], [sflag:$0x4], $0x10, $0x38;
	[tilespmem:$0x1E280] =	vst v63  }
0x112: {  	s11 =	smov.u32 s9;
	s8 =	smov.u32 s16;
	p0 =	sne.s32 s9, $0x4FE  }
.Ltmp6:
0x113: {  	s9 =	sadd.s32 $0x2, s9;
	(pc) =	sbr.rel @p0 .LBB2_12-.Ltmp6, $2  }
0x114: {  	_ =	sdelay $0x2  }
0x115: {  	s16 =	sadd.s32 $0x30, s16;
	s18 =	sadd.s32 s11, s13  }
0x116: {  	[hbm4b:s18+s6] =	stream.linear.scatter [tilespmem:s8], [sflag:$0x4], $0x10, $0x38;
	[tilespmem:$0x1E280] =	vst v63  }
0x117: {  	_ =	swait.ge [sflag:s12], $0x2800  }
0x118: {  	[sflag:s12] =	ssyncset.done $0x0  }
0x119: {  	s8 =	simm.s32 $0x0;
	s9 =	sadd.s32 $0x0, s14;
	[sflag:s12] =	ssyncadd.s32 $0xFFFFD800  }
0x11a: {  	[tilespmem:s8], [sflag:$0x4] =	stream.linear.gather [spmem:s9], $0x10, $0x38;
	[tilespmem:$0x1E280] =	vst v63  }
0x11b: {  	s9 =	simm.s32 $0x40  }
.LBB2_14:
0x11c: {  	p0 =	sne.s32 s9, $0x9FC0  }
.Ltmp7:
0x11d: {  	_ = 	snop;
	(pc) =	sbr.rel @p0 .LBB2_14-.Ltmp7, $4  }
0x11e: {  	_ = 	snop  }
0x11f: {  	s11 =	sshra.s32 s9, $0x2;
	s9 =	sadd.s32 $0x40, s9  }
0x120: {  	s8 =	sadd.s32 $0x30, s8;
	s11 =	sadd.s32 s11, s14  }
0x121: {  	[tilespmem:s8], [sflag:$0x4] =	stream.linear.gather [spmem:s11], $0x10, $0x38;
	[tilespmem:$0x1E280] =	vst v63  }
0x122: {  	_ =	swait.ge [sflag:s12], $0x2800  }
0x123: {  	s8 =	simm.s32 $0x0;
	s9 =	simm.s32 $0x2;
	[sflag:s12] =	ssyncset.done $0x0  }
0x124: {  	s18 =	sadd.s32 $0x0, s15;
	s16 =	simm.s32 $0x30;
	[sflag:s12] =	ssyncadd.s32 $0xFFFFD800  }
.LBB2_16:
0x125: {  	[hbm4b:s18+s6] =	stream.linear.scatter [tilespmem:s8], [sflag:$0x4], $0x10, $0x38;
	[tilespmem:$0x1E280] =	vst v63  }
0x126: {  	s11 =	smov.u32 s9;
	s8 =	smov.u32 s16;
	p0 =	sne.s32 s9, $0x4FE  }
.Ltmp8:
0x127: {  	s9 =	sadd.s32 $0x2, s9;
	(pc) =	sbr.rel @p0 .LBB2_16-.Ltmp8, $2  }
0x128: {  	_ =	sdelay $0x2  }
0x129: {  	s16 =	sadd.s32 $0x30, s16;
	s18 =	sadd.s32 s11, s15  }
0x12a: {  	[hbm4b:s18+s6] =	stream.linear.scatter [tilespmem:s8], [sflag:$0x4], $0x10, $0x38;
	[tilespmem:$0x1E280] =	vst v63  }
0x12b: {  	_ =	swait.ge [sflag:s12], $0x2800  }
0x12c: {  	s9 =	rddreg [dreg:$0x12]  }
0x12d: {  	s18 =	rddreg [dreg:$0xf];
	s9 =	sadd.s32 $0x1, s9  }
0x12e: {  	p0 =	sne.s32 s9, s18  }
.Ltmp9:
0x12f: {  	_ = 	snop;
	(pc) =	sbr.rel @p0 .LBB2_1-.Ltmp9, $3  }
0x130: {  	_ =	sdelay $0x1  }
0x131: {  	[sflag:s12] =	ssyncset.done $0x0  }
0x132: {  	[sflag:s12] =	ssyncadd.s32 $0xFFFFD800  }
0x133: {  	_ =	sfence.sel $0x180000  }
0x134: {  	[bflag:$0x0] =	sbarrier.arrive $0xFFFF  }
0x135: {  	_ =	strace $0x9000004A  }
0x136: {  	s0 =	stileid.u32;
	[bflag:$0x2] =	sbarrier.arrive $0xFFFF  }
0x137: {  	p0 =	sne.s32 s0, $0x0;
	s0 =	rddreg [dreg:$0x5]  }
0x138: {  	s0 =	sadd.s32 @!p0 $0x100000, s0  }
0x139: {  	[sflag:s0] =	ssyncadd.tile.s32 @!p0 $0x1;
	_ =	shalt  }
.Lfunc_end2:
_tile_overlayer_lowered:
.L_overlay_start_2:
0x13a: {  	(tag) =	ssettag $0x2  }
0x13b: {  	s0 =	rddreg [dreg:$0x0];
	s2 =	stileid.u32  }
0x13c: {  	s1 =	rddreg [dreg:$0x1];
	p0 =	sne.s32 s2, $0x0  }
0x13d: {  	s3 =	rddreg [dreg:$0x2];
	[bflag:$0x3] =	sbarrier.arrive $0xFFFF;
	s2 =	simm.s32 @!p0 $0x1C04  }
0x13e: {  	[timem:s3], [sflag:s2] =	dma.local @!p0 [hbm:s0], s1  }
0x13f: {  	s0 =	simm.s32 @!p0 $0x4  }
0x140: {  	_ =	swait.ge @!p0 [sflag:s0], s1  }
0x141: {  	s1 =	ssub.s32 @!p0 $0x0, s1;
	[sflag:s0] =	ssyncset.done @!p0 $0x0  }
0x142: {  	[sflag:s0] =	ssyncadd.s32 @!p0 s1  }
0x143: {  	[bflag:$0x3] =	sbarrier.arrive $0xFFFF  }
0x144: {  	_ =	shalt  }

// kernel: kernel.16.cloned.1.call-start
scs
__scs_entry_jumppad:
0x0: {  	(pc) =	sbr.rel $0x88, $3  }
0x1: {  	(tag) =	ssettag $0x0;
	lr =	simm.s32 $0x1  }
0x2: {  	[smem:$0x3F86] =	sst lr;
	_ =	strace $0xD0000000  }
0x3: {  	_ = 	snop  }
0x4: {  	_ = 	snop  }
0x5: {  	_ = 	snop  }
0x6: {  	_ = 	snop  }
0x7: {  	_ = 	snop  }
__scs_overlays_trampoline_lowered:
0x8: {  	[smem:$0x3F95] =	sst s0  }
0x9: {  	[smem:$0x3F96] =	sst s1  }
0xa: {  	[smem:$0x3F97] =	sst s2  }
0xb: {  	[smem:$0x3F98] =	sst s3  }
0xc: {  	[smem:$0x3F99] =	sst s4  }
0xd: {  	[smem:$0x3F9A] =	sst s5  }
0xe: {  	[smem:$0x3F9B] =	sst s6  }
0xf: {  	[smem:$0x3F9C] =	sst s7  }
0x10: {  	[smem:$0x3F9D] =	sst s8  }
0x11: {  	[smem:$0x3F9E] =	sst s9;
	s0 =	simm.s32 @!p0 $0x0  }
0x12: {  	s1 =	sld [smem:$0x3F84];
	s0 =	simm.s32 @p0 $0x1  }
0x13: {  	[smem:$0x3F9F] =	sst s0;
	s0 =	simm.s32 @!p1 $0x0  }
0x14: {  	s2 =	sld [smem:$0x3F83];
	s0 =	simm.s32 @p1 $0x1  }
0x15: {  	[smem:$0x3FA0] =	sst s0;
	s0 =	simm.s32 @!p2 $0x0  }
0x16: {  	s3 =	sld [smem:$0x3FDB];
	s0 =	simm.s32 @p2 $0x1  }
0x17: {  	s4 =	simm.s32 $0x1BF5;
	[smem:$0x3FA2] =	sst s0  }
0x18: {  	s0 =	sld [smem:$0x3F85];
	_ =	swait.ge [sflag:s4], $0x0  }
0x19: {  	s7 =	sld [smem:$0x3F86]  }
0x1a: {  	s8 =	sadd.s32 $0xFFFFE003, lr  }
0x1b: {  	s9 =	sadd.s32 $0xFFFFFEF7, lr;
	s5 =	simm.s32 $0xFFFFFFFF;
	p2 =	slt.u32 s8, $0xFFFFF086  }
0x1c: {  	p1 =	slt.u32 s9, $0xF7A;
	s5 =	simm.s32 @!p2 $0x0  }
0x1d: {  	s5 =	simm.s32 @p1 $0x1;
	p0 =	seq.s32 s7, s2  }
0x1e: {  	s7 =	smul.u32 @!p0 $0xF7A, s2;
	p2 =	seq.s32 @!p0 s5, $0x0  }
0x1f: {  	s9 =	smul.u32 $0xF7A, s1;
	s8 =	simm.s32 @!p0 $0x1BF5;
	p2 =	por !p2, p0  }
0x20: {  	[sflag:s8] =	ssyncset.s32 @!p0 $0xFFFFF086;
	s6 =	sadd.s32 @!p0 s3, s7;
	s7 =	simm.s32 @!p0 $0x108  }
0x21: {  	s3 =	sadd.s32 s3, s9;
	s6 =	sadd.s32 @!p0 $0x88, s6;
	s7 =	simm.s32 @p2 $0x1082  }
0x22: {  	[simem:s7], [sflag:s8] =	dma.local @!p0 [hbm:s6], $0xF7A  }
0x23: {  	s9 =	sor.u32 $0xD0000000, s2;
	s6 =	simm.s32 $0x108;
	_ =	swait.ge @!p0 [sflag:s8], $0x0  }
0x24: {  	s3 =	sadd.s32 $0x88, s3;
	s6 =	simm.s32 @!p1 $0x1082;
	[sflag:s4] =	ssyncset.s32 $0xFFFFF086  }
0x25: {  	[simem:s6], [sflag:s4] =	dma.local [hbm:s3], $0xF7A  }
0x26: {  	[smem:$0x3F86] =	sst s1;
	(tag) =	ssettag s2;
	_ =	strace s9  }
0x27: {  	s1 =	sld [smem:$0x3F96]  }
0x28: {  	s2 =	sld [smem:$0x3F97]  }
0x29: {  	s4 =	sld [smem:$0x3F99]  }
0x2a: {  	p0 =	seq.s32 s5, $0x0;
	s5 =	sld [smem:$0x3F9A]  }
0x2b: {  	s6 =	sld [smem:$0x3F9B]  }
0x2c: {  	s7 =	sld [smem:$0x3F9C]  }
0x2d: {  	s3 =	simm.s32 $0x108;
	s8 =	sld [smem:$0x3F9D]  }
0x2e: {  	s3 =	simm.s32 @!p0 $0x1082;
	s9 =	sld [smem:$0x3F9E]  }
0x2f: {  	lr =	sadd.s32 s0, s3;
	s0 =	sld [smem:$0x3F95]  }
0x30: {  	s3 =	sld [smem:$0x3F98]  }
0x31: {  	[smem:$0x3FA1] =	sst s10  }
0x32: {  	s10 =	sld [smem:$0x3F9F];
	_ =	sdelay $0x3  }
0x33: {  	p0 =	seq.s32 s10, $0x1;
	s10 =	sld [smem:$0x3FA1];
	_ =	sdelay $0x3  }
0x34: {  	[smem:$0x3FA1] =	sst s10  }
0x35: {  	s10 =	sld [smem:$0x3FA0];
	_ =	sdelay $0x3  }
0x36: {  	p1 =	seq.s32 s10, $0x1;
	s10 =	sld [smem:$0x3FA1];
	_ =	sdelay $0x3  }
0x37: {  	[smem:$0x3FA1] =	sst s10  }
0x38: {  	s10 =	sld [smem:$0x3FA2]  }
0x39: {  	_ = 	snop;
	(pc) =	sbr.ind lr, $3  }
0x3a: {  	_ = 	snop  }
0x3b: {  	_ = 	snop  }
0x3c: {  	p2 =	seq.s32 s10, $0x1;
	s10 =	sld [smem:$0x3FA1]  }
0x3d: {  	_ =	shalt  }
0x3e: {  	_ =	shalt  }
0x3f: {  	_ =	shalt  }
0x40: {  	_ =	shalt  }
0x41: {  	_ =	shalt  }
0x42: {  	_ =	shalt  }
0x43: {  	_ =	shalt  }
0x44: {  	_ =	shalt  }
0x45: {  	_ =	shalt  }
0x46: {  	_ =	shalt  }
0x47: {  	_ =	shalt  }
0x48: {  	_ =	shalt  }
0x49: {  	_ =	shalt  }
0x4a: {  	_ =	shalt  }
0x4b: {  	_ =	shalt  }
0x4c: {  	_ =	shalt  }
0x4d: {  	_ =	shalt  }
0x4e: {  	_ =	shalt  }
0x4f: {  	_ =	shalt  }
0x50: {  	_ =	shalt  }
0x51: {  	_ =	shalt  }
0x52: {  	_ =	shalt  }
0x53: {  	_ =	shalt  }
0x54: {  	_ =	shalt  }
0x55: {  	_ =	shalt  }
0x56: {  	_ =	shalt  }
0x57: {  	_ =	shalt  }
0x58: {  	_ =	shalt  }
0x59: {  	_ =	shalt  }
0x5a: {  	_ =	shalt  }
0x5b: {  	_ =	shalt  }
0x5c: {  	_ =	shalt  }
0x5d: {  	_ =	shalt  }
0x5e: {  	_ =	shalt  }
0x5f: {  	_ =	shalt  }
0x60: {  	_ =	shalt  }
0x61: {  	_ =	shalt  }
0x62: {  	_ =	shalt  }
0x63: {  	_ =	shalt  }
0x64: {  	_ =	shalt  }
0x65: {  	_ =	shalt  }
0x66: {  	_ =	shalt  }
0x67: {  	_ =	shalt  }
0x68: {  	_ =	shalt  }
0x69: {  	_ =	shalt  }
0x6a: {  	_ =	shalt  }
0x6b: {  	_ =	shalt  }
0x6c: {  	_ =	shalt  }
0x6d: {  	_ =	shalt  }
0x6e: {  	_ =	shalt  }
0x6f: {  	_ =	shalt  }
0x70: {  	_ =	shalt  }
0x71: {  	_ =	shalt  }
0x72: {  	_ =	shalt  }
0x73: {  	_ =	shalt  }
0x74: {  	_ =	shalt  }
0x75: {  	_ =	shalt  }
0x76: {  	_ =	shalt  }
0x77: {  	_ =	shalt  }
0x78: {  	_ =	shalt  }
0x79: {  	_ =	shalt  }
0x7a: {  	_ =	shalt  }
0x7b: {  	_ =	shalt  }
0x7c: {  	_ =	shalt  }
0x7d: {  	_ =	shalt  }
0x7e: {  	_ =	shalt  }
0x7f: {  	_ =	shalt  }
0x80: {  	_ =	shalt  }
0x81: {  	_ =	shalt  }
0x82: {  	_ =	shalt  }
0x83: {  	_ =	shalt  }
0x84: {  	_ =	shalt  }
0x85: {  	_ =	shalt  }
0x86: {  	_ =	shalt  }
0x87: {  	_ =	shalt  }
.Lfunc_end0:
.L_simem_size_0:
called_computation.2_lowered:
.L_overlay_start_0:
0x88: {  	s2 =	sld [smem:$0x3FD9]  }
0x89: {  	s3 =	sld [smem:$0x3FFE];
	_ =	sdelay $0x1  }
0x8a: {  	s1 =	srdreg.scid  }
0x8b: {  	s0 =	sand.u32 $0x1, s1  }
0x8c: {  	s16 =	sshll.u32 s0, $0xA;
	s2 =	sadd.s32 s3, s2  }
0x8d: {  	s2 =	sadd.s32 s2, s16  }
0x8e: {  	[smem:$0x3FAD] =	sst s2  }
0x8f: {  	_ = 	snop  }
0x90: {  	(tm) =	ssettm $0x1  }
0x91: {  	s17 =	sld [smem:$0x3FFB];
	_ =	sdelay $0x3  }
0x92: {  	_ =	strace s17  }
0x93: {  	s2 =	sld [smem:$0x3FFC];
	_ =	sdelay $0x3  }
0x94: {  	_ =	strace s2  }
0x95: {  	s2 =	sld [smem:$0x3FFD];
	_ =	sdelay $0x3  }
0x96: {  	_ =	strace s2  }
0x97: {  	_ =	strace $0x8FFFFFFF  }
0x98: {  	s18 =	sld [smem:$0x3FDB];
	_ =	sdelay $0x1  }
0x99: {  	s19 =	simm.s32 $_scs_section_size  }
0x9a: {  	s4 =	simm.s32 $_size__tile_overlayer_lowered;
	s5 =	simm.s32 $_tile_overlayer_lowered  }
0x9b: {  	s22 =	simm.s32 $0x1BFF;
	s21 =	sshll.u32 s5, $0x1;
	s2 =	sadd.s32 s19, s18  }
0x9c: {  	s6 =	simm.s32 $0x0;
	s20 =	sshll.u32 s4, $0x1;
	s4 =	sadd.s32 s21, s2  }
0x9d: {  	[timem:s6], [sflag:s22] =	dma.local [hbm:s4], s20  }
0x9e: {  	_ =	swait.ge [sflag:s22], s20  }
0x9f: {  	s3 =	ssub.s32 $0x0, s20;
	[sflag:s22] =	ssyncset.done $0x0  }
0xa0: {  	[sflag:s22] =	ssyncadd.s32 s3;
	_ =	sdelay $0x1  }
0xa1: {  	s23 =	simm.s32 $0x1B8B  }
0xa2: {  	_ =	swait.ge [sflag:s23], $0x1  }
0xa3: {  	[sflag:s23] =	ssyncset.done $0x0  }
0xa4: {  	s25 =	simm.s32 $0x1B8E;
	s24 =	sld [smem:$0x3FFE];
	[sflag:s23] =	ssyncadd.s32 $0xFFFFFFFF  }
0xa5: {  	s26 =	simm.s32 $execute0_lowered;
	[smem:$0x3FD2] =	sst s25  }
0xa6: {  	s4 =	sshll.u32 s26, $0x1;
	_ =	strace $0x8000004C;
	[dreg:$0x1] =	wrdreg $0xFFFFFFFF  }
0xa7: {  	s28 =	simm.s32 $_size_execute0_lowered;
	s2 =	sadd.s32 s2, s4;
	[dreg:$0x0] =	wrdreg $0x0  }
0xa8: {  	s4 =	sshll.u32 s28, $0x1;
	[dreg:$0x2] =	wrdreg s2  }
0xa9: {  	[dreg:$0x3] =	wrdreg s4  }
0xaa: {  	[dreg:$0x4] =	wrdreg $0xC0  }
0xab: {  	_ =	task [dreg:s6], $0x5FFFF  }
0xac: {  	[dreg:$0x1] =	wrdreg $0xFFFFFFFF  }
0xad: {  	[dreg:$0x0] =	wrdreg $0x60  }
0xae: {  	[dreg:$0x2] =	wrdreg s24  }
0xaf: {  	[dreg:$0x3] =	wrdreg $0x9  }
0xb0: {  	_ =	task.clear_ibuf [dreg:s6], $0x4FFFF;
	_ =	strace $0x9000004C  }
0xb1: {  	s29 =	simm.s32 $0x9;
	_ =	strace $0x8000004E  }
0xb2: {  	_ =	swait.ge [sflag:s29], $0x1  }
0xb3: {  	[sflag:s29] =	ssyncadd.s32 $0xFFFFFFFF  }
0xb4: {  	_ =	strace $0x9000004E  }
0xb5: {  	_ =	sfence  }
0xb6: {  	s30 =	sld [smem:$0x0];
	_ =	sdelay $0x2  }
0xb7: {  	s31 =	sshll.u32 s1, $0xD;
	s1 =	sshrl.u32 s1, $0x2  }
0xb8: {  	s3 =	sand.u32 $0x4000, s31;
	s1 =	sadd.s32 s1, s30  }
0xb9: {  	s0 =	sor.u32 s3, s0;
	s1 =	sshll.u32 s1, $0x11  }
0xba: {  	s0 =	sor.u32 s1, s0  }
0xbb: {  	s0 =	sadd.s32 $0x8F2B, s0  }
0xbc: {  	[sflag:s0] =	ssyncadd.remote.s32 $0x1  }
0xbd: {  	_ =	sfence.sel $0xFFFF  }
0xbe: {  	[dreg:$0x0] =	wrdreg $0xFFFFFFFF;
	(pc) =	sbr.abs _section_cstart, $3  }
0xbf: {  	[dreg:$0x1] =	wrdreg $0xFFFFFFFF  }
0xc0: {  	_ =	task.clear_ibuf [dreg:s6], $0x2FFFF;
	_ =	strace $0x9FFFFFFF  }
0xc1: {  	(tm) =	ssettm $0x7FFFFFFF  }
tec
execute0_lowered:
.L_overlay_start_1:
0x0: {  	(tag) =	ssettag $0x1  }
0x1: {  	s8 =	rddreg [dreg:$0x0]  }
0x2: {  	s0 =	rddreg [dreg:$0x1]  }
0x3: {  	s1 =	simm.s32 $0x0;
	s6 =	srdreg.scid;
	s2 =	stileid.u32  }
0x4: {  	s18 =	simm.s32 $0x1;
	s19 =	simm.s32 $0x100;
	s20 =	simm.s32 $0x900  }
0x5: {  	s21 =	simm.s32 $0x2;
	s22 =	simm.s32 $0x3;
	s23 =	simm.s32 $0x0  }
0x6: {  	[smem:$0x7FF] =	sst s1;
	s3 =	sadd.s32 $0x5800, s8;
	s4 =	sadd.s32 $0xA800, s8  }
0x7: {  	s5 =	sadd.s32 $0x352E00, s8;
	s12 =	sand.u32 $0x1, s6;
	s6 =	sadd.s32 $0x34DE00, s8  }
0x8: {  	s10 =	sshll.u32 s2, $0x1;
	s7 =	sadd.s32 $0xF800, s8;
	s8 =	sadd.s32 $0x5DA00, s8  }
0x9: {  	s15 =	sshll.u32 s2, $0x8;
	_ =	strace $0x8000004D;
	s9 =	ssub.s32 $0x2, s12  }
0xa: {  	s13 =	sor.u32 s12, s10;
	s16 =	sshll.u32 s12, $0x7;
	s11 =	sshrl.u32 s9, $0x1  }
0xb: {  	s30 =	sshll.u32 s13, $0x4;
	s14 =	sshll.u32 s13, $0x8;
	s17 =	ssub.s32 $0x501, s13  }
0xc: {  	s15 =	sor.u32 s16, s15;
	s9 =	ssub.s32 s9, s11;
	s10 =	sadd.s32 s5, s30  }
0xd: {  	s11 =	sadd.s32 s6, s30;
	s12 =	sadd.s32 s7, s14;
	s13 =	sadd.s32 s8, s14  }
0xe: {  	s31 =	sshrl.u32 s17, $0x5;
	s14 =	sor.u32 $0x1000, s15;
	s17 =	simm.s32 $0x80  }
0xf: {  	s9 =	smax.u32 s9, $0x1;
	s15 =	ssub.s32 $0x1, s31;
	s16 =	sshll.u32 s14, $0x1  }
.LBB2_1:
0x10: {  	[tilespmem:s1], [sflag:$0x1] =	stream.linear.gather [hbm4b:s10+s1], $0x80, $0x38;
	[tilespmem:$0x1100] =	vst v63  }
0x11: {  	_ = 	snop  }
0x12: {  	[tilespmem:s17], [sflag:$0x1] =	stream.linear.gather [hbm4b:s11+s1], $0x80, $0x38;
	[tilespmem:$0x1100] =	vst v63  }
0x13: {  	_ =	swait.ge [sflag:s18], $0x80  }
0x14: {  	[sflag:s18] =	ssyncset.done $0x0  }
0x15: {  	[sflag:s18] =	ssyncadd.s32 $0xFFFFFF80  }
0x16: {  	_ =	swait.ge [sflag:s18], $0x80  }
0x17: {  	[sflag:s18] =	ssyncset.done $0x0  }
0x18: {  	[sflag:s18] =	ssyncadd.s32 $0xFFFFFF80  }
0x19: {  	[tilespmem:s19], [sflag:$0x2] =	stream.indirect.gather [hbm4b:s3+s17], $0x10, s1, s17, $0xb8;
	[tilespmem:$0x1100] =	vst v63  }
0x1a: {  	_ = 	snop  }
0x1b: {  	[tilespmem:s20], [sflag:$0x2] =	stream.indirect.gather [hbm4b:s4+s17], $0x10, s17, s17, $0xb8;
	[tilespmem:$0x1100] =	vst v63  }
0x1c: {  	_ =	swait.ge [sflag:s21], $0x800  }
0x1d: {  	[sflag:s21] =	ssyncset.done $0x0  }
0x1e: {  	[sflag:s21] =	ssyncadd.s32 $0xFFFFF800  }
0x1f: {  	_ =	swait.ge [sflag:s21], $0x800  }
0x20: {  	[sflag:s21] =	ssyncset.done $0x0  }
0x21: {  	[sflag:s21] =	ssyncadd.s32 $0xFFFFF800  }
0x22: {  	[hbm4b:s12+s1] =	stream.linear.scatter [tilespmem:s19], [sflag:$0x3], $0x800, $0x38;
	[tilespmem:$0x1100] =	vst v63  }
0x23: {  	_ = 	snop  }
0x24: {  	[hbm4b:s13+s1] =	stream.linear.scatter [tilespmem:s20], [sflag:$0x3], $0x800, $0x38;
	[tilespmem:$0x1100] =	vst v63  }
0x25: {  	_ =	swait.ge [sflag:s22], $0x800  }
0x26: {  	[sflag:s22] =	ssyncset.done $0x0  }
0x27: {  	[sflag:s22] =	ssyncadd.s32 $0xFFFFF800  }
0x28: {  	_ =	swait.ge [sflag:s22], $0x800  }
0x29: {  	s24 =	sshrl.u32 s14, $0x3;
	[sflag:s22] =	ssyncset.done $0x0  }
0x2a: {  	s25 =	sadd.s32 s5, s24;
	[sflag:s22] =	ssyncadd.s32 $0xFFFFF800  }
0x2b: {  	[tilespmem:s1], [sflag:$0x1] =	stream.linear.gather [hbm4b:s25+s1], $0x80, $0x38;
	[tilespmem:$0x1100] =	vst v63  }
0x2c: {  	s24 =	sadd.s32 s6, s24  }
0x2d: {  	[tilespmem:s17], [sflag:$0x1] =	stream.linear.gather [hbm4b:s24+s1], $0x80, $0x38;
	[tilespmem:$0x1100] =	vst v63  }
0x2e: {  	_ =	swait.ge [sflag:s18], $0x80  }
0x2f: {  	[sflag:s18] =	ssyncset.done $0x0  }
0x30: {  	[sflag:s18] =	ssyncadd.s32 $0xFFFFFF80  }
0x31: {  	_ =	swait.ge [sflag:s18], $0x80  }
0x32: {  	[sflag:s18] =	ssyncset.done $0x0  }
0x33: {  	[sflag:s18] =	ssyncadd.s32 $0xFFFFFF80  }
0x34: {  	[tilespmem:s19], [sflag:$0x2] =	stream.indirect.gather [hbm4b:s3+s17], $0x10, s1, s17, $0xb8;
	[tilespmem:$0x1100] =	vst v63  }
0x35: {  	_ = 	snop  }
0x36: {  	[tilespmem:s20], [sflag:$0x2] =	stream.indirect.gather [hbm4b:s4+s17], $0x10, s17, s17, $0xb8;
	[tilespmem:$0x1100] =	vst v63  }
0x37: {  	_ =	swait.ge [sflag:s21], $0x800  }
0x38: {  	s24 =	sadd.s32 $0x1, s15;
	[sflag:s21] =	ssyncset.done $0x0  }
0x39: {  	p0 =	seq.s32 s24, $0x0;
	[sflag:s21] =	ssyncadd.s32 $0xFFFFF800  }
.Ltmp0:
0x3a: {  	_ =	swait.ge [sflag:s21], $0x800;
	(pc) =	sbr.rel @p0 .LBB2_3-.Ltmp0, $4  }
0x3b: {  	s31 =	sand.u32 $0x1FFFFF00, s16;
	[sflag:s21] =	ssyncset.done $0x0  }
0x3c: {  	s26 =	sadd.s32 s7, s31;
	[sflag:s21] =	ssyncadd.s32 $0xFFFFF800  }
0x3d: {  	[hbm4b:s26+s1] =	stream.linear.scatter [tilespmem:s19], [sflag:$0x3], $0x800, $0x38;
	[tilespmem:$0x1100] =	vst v63  }
0x3e: {  	s28 =	sadd.s32 s8, s31;
	s25 =	sadd.s32 $0x1000, s14;
	s26 =	sadd.s32 $0x2000, s16  }
.LBB2_2:
0x3f: {  	[hbm4b:s28+s1] =	stream.linear.scatter [tilespmem:s20], [sflag:$0x3], $0x800, $0x38;
	[tilespmem:$0x1100] =	vst v63  }
0x40: {  	s24 =	sadd.s32 $0x1, s24;
	_ =	swait.ge [sflag:s22], $0x800  }
0x41: {  	p0 =	seq.s32 s24, $0x0;
	[sflag:s22] =	ssyncset.done $0x0  }
0x42: {  	[sflag:s22] =	ssyncadd.s32 $0xFFFFF800  }
0x43: {  	_ =	swait.ge [sflag:s22], $0x800  }
0x44: {  	s28 =	sshrl.u32 s25, $0x3;
	[sflag:s22] =	ssyncset.done $0x0  }
0x45: {  	s29 =	sadd.s32 s5, s28;
	[sflag:s22] =	ssyncadd.s32 $0xFFFFF800  }
0x46: {  	[tilespmem:s1], [sflag:$0x1] =	stream.linear.gather [hbm4b:s29+s1], $0x80, $0x38;
	[tilespmem:$0x1100] =	vst v63  }
0x47: {  	s28 =	sadd.s32 s6, s28  }
0x48: {  	[tilespmem:s17], [sflag:$0x1] =	stream.linear.gather [hbm4b:s28+s1], $0x80, $0x38;
	[tilespmem:$0x1100] =	vst v63  }
0x49: {  	_ =	swait.ge [sflag:s18], $0x80  }
0x4a: {  	[sflag:s18] =	ssyncset.done $0x0  }
0x4b: {  	[sflag:s18] =	ssyncadd.s32 $0xFFFFFF80  }
0x4c: {  	_ =	swait.ge [sflag:s18], $0x80  }
0x4d: {  	[sflag:s18] =	ssyncset.done $0x0  }
0x4e: {  	[sflag:s18] =	ssyncadd.s32 $0xFFFFFF80  }
0x4f: {  	[tilespmem:s19], [sflag:$0x2] =	stream.indirect.gather [hbm4b:s3+s17], $0x10, s1, s17, $0xb8;
	[tilespmem:$0x1100] =	vst v63  }
0x50: {  	_ = 	snop  }
0x51: {  	[tilespmem:s20], [sflag:$0x2] =	stream.indirect.gather [hbm4b:s4+s17], $0x10, s17, s17, $0xb8;
	[tilespmem:$0x1100] =	vst v63  }
0x52: {  	_ =	swait.ge [sflag:s21], $0x800  }
0x53: {  	[sflag:s21] =	ssyncset.done $0x0  }
0x54: {  	[sflag:s21] =	ssyncadd.s32 $0xFFFFF800  }
.Ltmp1:
0x55: {  	_ =	swait.ge [sflag:s21], $0x800;
	(pc) =	sbr.rel @!p0 .LBB2_2-.Ltmp1, $4  }
0x56: {  	s28 =	sand.u32 $0x1FFFFF00, s26;
	[sflag:s21] =	ssyncset.done $0x0  }
0x57: {  	s29 =	sadd.s32 s7, s28;
	[sflag:s21] =	ssyncadd.s32 $0xFFFFF800  }
0x58: {  	[hbm4b:s29+s1] =	stream.linear.scatter [tilespmem:s19], [sflag:$0x3], $0x800, $0x38;
	[tilespmem:$0x1100] =	vst v63  }
0x59: {  	s25 =	sadd.s32 $0x1000, s25;
	s26 =	sadd.s32 $0x2000, s26;
	s28 =	sadd.s32 s8, s28  }
.LBB2_3:
0x5a: {  	[hbm4b:s28+s1] =	stream.linear.scatter [tilespmem:s20], [sflag:$0x3], $0x800, $0x38;
	[tilespmem:$0x1100] =	vst v63  }
0x5b: {  	s23 =	sadd.s32 $0x1, s23  }
0x5c: {  	_ =	swait.ge [sflag:s22], $0x800;
	p0 =	sne.s32 s23, s9  }
.Ltmp2:
0x5d: {  	[sflag:s22] =	ssyncset.done $0x0;
	(pc) =	sbr.rel @p0 .LBB2_1-.Ltmp2, $4  }
0x5e: {  	[sflag:s22] =	ssyncadd.s32 $0xFFFFF800  }
0x5f: {  	_ =	swait.ge [sflag:s22], $0x800  }
0x60: {  	[sflag:s22] =	ssyncset.done $0x0  }
0x61: {  	[sflag:s22] =	ssyncadd.s32 $0xFFFFF800  }
0x62: {  	_ =	sfence.sel $0x180000  }
0x63: {  	[bflag:$0x0] =	sbarrier.arrive $0xFFFF  }
0x64: {  	p0 =	sne.s32 s2, $0x0;
	_ =	strace $0x9000004D  }
0x65: {  	s0 =	sadd.s32 @!p0 $0x100000, s0;
	[bflag:$0x2] =	sbarrier.arrive $0xFFFF  }
0x66: {  	[sflag:s0] =	ssyncadd.tile.s32 @!p0 $0x1;
	_ =	shalt  }
.Lfunc_end2:
_tile_overlayer_lowered:
.L_overlay_start_2:
0x67: {  	(tag) =	ssettag $0x2  }
0x68: {  	s0 =	rddreg [dreg:$0x0];
	s2 =	stileid.u32  }
0x69: {  	s1 =	rddreg [dreg:$0x1];
	p0 =	sne.s32 s2, $0x0  }
0x6a: {  	s3 =	rddreg [dreg:$0x2];
	[bflag:$0x3] =	sbarrier.arrive $0xFFFF;
	s2 =	simm.s32 @!p0 $0x1C04  }
0x6b: {  	[timem:s3], [sflag:s2] =	dma.local @!p0 [hbm:s0], s1  }
0x6c: {  	s0 =	simm.s32 @!p0 $0x4  }
0x6d: {  	_ =	swait.ge @!p0 [sflag:s0], s1  }
0x6e: {  	s1 =	ssub.s32 @!p0 $0x0, s1;
	[sflag:s0] =	ssyncset.done @!p0 $0x0  }
0x6f: {  	[sflag:s0] =	ssyncadd.s32 @!p0 s1  }
0x70: {  	[bflag:$0x3] =	sbarrier.arrive $0xFFFF  }
0x71: {  	_ =	shalt  }

</sc_bundles>
